<compile_context>
chip_gen: v7x
topology: tpu7x:2x2x1
jax: 0.10.2.dev20260603
libtpu: 0.0.44.dev20260713+nightly
codegen_flags: <defaults>
</compile_context>

<pallas_src>
import functools

import jax
import jax.numpy as jnp
from jax import lax
from jax.experimental import pallas as pl
from jax.experimental.pallas import tpu as pltpu
from jax.experimental.pallas import tpu_sc as plsc

BETA_ = 0.05
KNN_ = 6
NEG_ = -1e30
LOG2E_ = 1.4426950408889634
LN2_ = 0.6931471805599453


def _oem(a, b):
    n, m = len(a), len(b)
    if n == 0:
        return list(b)
    if m == 0:
        return list(a)
    if n == 1 and m == 1:
        return [('max', a[0], b[0]), ('min', a[0], b[0])]
    e = _oem(a[0::2], b[0::2])
    o = _oem(a[1::2], b[1::2])
    z = [e[0]]
    i = 1
    while i < len(e) and i - 1 < len(o):
        z.append(('max', o[i - 1], e[i]))
        z.append(('min', o[i - 1], e[i]))
        i += 1
    z.extend(e[i:])
    z.extend(o[i - 1:])
    return z


def _sortnet(vals):
    if len(vals) == 1:
        return list(vals)
    h = len(vals) // 2
    return _oem(_sortnet(vals[:h]), _sortnet(vals[h:]))


def _emit(node, memo):
    if not isinstance(node, tuple):
        return node
    key = id(node)
    if key not in memo:
        op, x, y = node
        vx = _emit(x, memo)
        vy = _emit(y, memo)
        memo[key] = jnp.maximum(vx, vy) if op == 'max' else jnp.minimum(vx, vy)
    return memo[key]


def _top6_update(t6, grp):
    merged = _oem(t6, _sortnet(grp))[:KNN_]
    memo = {}
    return [_emit(nd, memo) for nd in merged]


def _body(x_ref, em_ref, tvp_ref, out_ref, sl_ref, t6_ref,
          *, B, C, Bt, Ct, nT):
    j = pl.program_id(0)
    b = pl.program_id(1)
    bs = pl.ds(b * Bt, Bt)

    @pl.when(j == 0)
    def _init():
        sl_ref[bs, :] = jnp.zeros((Bt, 128), jnp.float32)
        for i in range(KNN_):
            t6_ref[i, bs, :] = jnp.full((Bt, 128), -3e38, jnp.float32)

    x = x_ref[bs, :]

    def _sweep(masked):
        pad = (j * Ct + lax.broadcasted_iota(jnp.int32, (1, Ct), 1)) >= C
        t6 = [t6_ref[i, bs, :] for i in range(KNN_)]
        p = sl_ref[bs, :]
        mn = jnp.max(t6[0], axis=1, keepdims=True)
        nchunk = Ct // 128
        for c0 in range(0, nchunk, 8):
            emg = em_ref[pl.ds(c0 * 128, 1024), :]
            rawg = lax.dot_general(x, emg, (((1,), (1,)), ((), ())),
                                   preferred_element_type=jnp.float32)
            grp = [rawg[:, k * 128:(k + 1) * 128] for k in range(8)]
            if masked:
                grp = [jnp.where(pad[:, (c0 + k) * 128:(c0 + k + 1) * 128],
                                 NEG_, g) for k, g in enumerate(grp)]
            t6 = _top6_update(t6, grp)
            mo = mn
            mn = jnp.max(t6[0], axis=1, keepdims=True)
            scale = jnp.exp2(jnp.minimum(mo - mn, 0.0))
            acc = jnp.exp2(grp[0] - mn)
            for k in range(1, 8):
                acc = acc + jnp.exp2(grp[k] - mn)
            p = p * scale + acc
        for i in range(KNN_):
            t6_ref[i, bs, :] = t6[i]
        sl_ref[bs, :] = p
        return t6, p, mn

    @pl.when(j < nT - 1)
    def _main_tiles():
        _sweep(masked=False)

    @pl.when(j == nT - 1)
    def _epilogue():
        t6, p, mn = _sweep(masked=True)
        srow = jnp.sum(p, axis=1, keepdims=True)
        lse = jnp.log(srow) + mn * LN2_
        xx = jnp.concatenate(t6, axis=1)
        s6 = jnp.zeros((Bt, 1), jnp.float32)
        m = None
        for i in range(KNN_):
            m = jnp.max(xx, axis=1, keepdims=True)
            s6 = s6 + m
            if i < KNN_ - 1:
                xx = jnp.where(xx == m, NEG_, xx)
        v6 = m
        tv = jnp.sum(tvp_ref[...], axis=1, keepdims=True)
        in6 = (tv >= v6).astype(jnp.float32)
        w = 2.0 - in6 * (1.0 / KNN_)
        loss = lse * w - LN2_ * ((s6 - tv * in6) * (1.0 / KNN_) + tv)
        part = jnp.sum(loss, axis=0, keepdims=True) * (1.0 / B)
        prev = jnp.where(b == 0, jnp.zeros((1, 1), jnp.float32), out_ref[...])
        out_ref[...] = prev + part


def _make_call(B, F, C, Bt, Ct):
    nT = (C + Ct - 1) // Ct
    nB = B // Bt
    return pl.pallas_call(
        functools.partial(_body, B=B, C=C, Bt=Bt, Ct=Ct, nT=nT),
        grid=(nT, nB),
        in_specs=[
            pl.BlockSpec((B, F), lambda j, b: (0, 0)),
            pl.BlockSpec((Ct, F), lambda j, b: (j, 0)),
            pl.BlockSpec((Bt, 16), lambda j, b: (b, 0)),
        ],
        out_specs=pl.BlockSpec((1, 1), lambda j, b: (0, 0)),
        out_shape=jax.ShapeDtypeStruct((1, 1), jnp.float32),
        scratch_shapes=[
            pltpu.VMEM((B, 128), jnp.float32),
            pltpu.VMEM((KNN_, B, 128), jnp.float32),
        ],
    )


def _make_sc_tv(B, F):
    info = plsc.get_sparse_core_info()
    nc, ns = info.num_cores, info.num_subcores
    nw = nc * ns
    bpw = B // nw
    mesh = plsc.VectorSubcoreMesh(core_axis_name="c", subcore_axis_name="s")

    @functools.partial(
        pl.kernel, mesh=mesh,
        out_type=jax.ShapeDtypeStruct((B, 16), jnp.float32),
        scratch_types=[
            pltpu.VMEM((bpw,), jnp.int32),
            pltpu.VMEM((bpw, F), jnp.float32),
            pltpu.VMEM((bpw, F), jnp.float32),
            pltpu.VMEM((bpw, 16), jnp.float32),
            pltpu.SemaphoreType.DMA,
        ],
    )
    def k(x_hbm, t_hbm, em_hbm, out_hbm, idx_v, rows_v, x_v, tv_v, sem):
        wid = lax.axis_index("s") * nc + lax.axis_index("c")
        base = wid * bpw
        pltpu.sync_copy(t_hbm.at[pl.ds(base, bpw)], idx_v)
        pltpu.async_copy(em_hbm.at[idx_v], rows_v, sem).wait()
        pltpu.sync_copy(x_hbm.at[pl.ds(base, bpw)], x_v)
        for r in range(bpw):
            acc = rows_v[r, 0:16] * x_v[r, 0:16]
            for cc in range(1, F // 16):
                acc = acc + (rows_v[r, cc * 16:(cc + 1) * 16]
                             * x_v[r, cc * 16:(cc + 1) * 16])
            tv_v[r, :] = acc
        pltpu.sync_copy(tv_v, out_hbm.at[pl.ds(base, bpw)])

    return k


def kernel(inputs, targets, em, epoch):
    B, F = inputs.shape
    C = em.shape[0]
    Bt = min(B, 1024)
    Ct = 4096
    x = inputs * (LOG2E_ / BETA_)
    tvp = _make_sc_tv(B, F)(x, targets, em)
    out = _make_call(B, F, C, Bt, Ct)(x, em, tvp)
    return out[0, 0]

# --- scband reference (transcript-rebuilt; emitter-appended) ---
"""Pipeline reference for scband-inv-net-34909494182122 (READ-ONLY COPY).

The authoritative reference and input builder live on the scoring server;
editing this copy changes nothing except your own understanding.
"""

import jax, jax.numpy as jnp
import numpy as np

BATCH = 1024
NUM_FEATURES = 128
NUM_CLASSES = 100000
BETA = 0.05
KNN = 6
EPOCH = 10


def setup_inputs(seed: int = 0) -> dict:
    key = jax.random.key(seed)
    k1, k2, k3 = jax.random.split(key, 3)
    inputs = jax.random.normal(k1, (BATCH, NUM_FEATURES), dtype=jnp.float32)
    targets = jax.random.randint(k2, (BATCH,), 0, NUM_CLASSES, dtype=jnp.int32)
    # learned parameter: exemplar memory table (row-normalized, as maintained by the update rule)
    em = jax.random.normal(k3, (NUM_CLASSES, NUM_FEATURES), dtype=jnp.float32)
    em = em / (jnp.linalg.norm(em, axis=1, keepdims=True) + 1e-12)
    return {"inputs": inputs, "targets": targets, "em": em, "epoch": EPOCH}


def _smooth_hot(det_logits, targets, k):
    # torch: sort descending, scatter uniform softmax weights at top-k cols, then set 1.0 at target col
    B = det_logits.shape[0]
    _, topk_idx = jax.lax.top_k(det_logits, k)  # [B, k] indices of k largest (descending)
    weights = jax.nn.softmax(jnp.ones((B, k), dtype=det_logits.dtype), axis=1)  # uniform 1/k
    onehot = jnp.zeros_like(det_logits)
    rows = jnp.arange(B)
    onehot = onehot.at[rows[:, None], topk_idx].set(weights)  # scatter-overwrite
    onehot = onehot.at[rows, targets].set(1.0)  # scatter-overwrite target=1
    return onehot


def reference(inputs, targets, em, epoch):
    # ExemplarMemoryFunction.forward: logits = inputs @ em.T (em update is an in-place side
    # effect that does not affect this forward's returned loss; logits use pre-update em)
    outputs = inputs @ em.T
    outputs = outputs / BETA
    # knn > 0 and epoch > 4 -> smooth_loss path
    det = jax.lax.stop_gradient(outputs)  # torch: inputs.detach().clone()
    targets_onehot = _smooth_hot(det, targets, KNN)
    logp = jax.nn.log_softmax(outputs, axis=1)
    loss = jnp.sum(-(targets_onehot * logp), axis=1)
    loss = jnp.mean(loss, axis=0)
    return loss

if __name__ == "__main__":
    import jax
    _d = setup_inputs()
    print(jax.jit(kernel)(*tuple(_d.values())))

</pallas_src>

<mosaic_0001>
#map = affine_map<(d0, d1) -> (0, 0)>
#map1 = affine_map<(d0, d1) -> (0)>
module attributes {stable_mosaic.version = 14 : i64} {
  func.func @k(%arg0: i32, %arg1: i32, %arg2: memref<1024x128xf32, #tpu.memory_space<hbm>>, %arg3: memref<1024xi32, #tpu.memory_space<hbm>>, %arg4: memref<100000x128xf32, #tpu.memory_space<hbm>>, %arg5: memref<1024x16xf32, #tpu.memory_space<hbm>>, %arg6: memref<32xi32, #tpu.memory_space<vmem>>, %arg7: memref<32x128xf32, #tpu.memory_space<vmem>>, %arg8: memref<32x128xf32, #tpu.memory_space<vmem>>, %arg9: memref<32x16xf32, #tpu.memory_space<vmem>>, %arg10: memref<!tpu.dma_semaphore, #tpu.memory_space<semaphore_mem>>) attributes {dimension_semantics = [#tpu.dimension_semantics<core_parallel>, #tpu.dimension_semantics<subcore_parallel>], iteration_bounds = array<i64: 2, 16>, scalar_prefetch = 0 : i64, scratch_operands = 5 : i64, tpu.core_type = #tpu.core_type<sc_vector_subcore>, window_params = [{transform_indices = #map}, {transform_indices = #map1}, {transform_indices = #map}, {transform_indices = #map}]} {
    %mul3A = arith.constant 2 : i32
    %mul3A_0 = arith.muli %arg1, %mul3A : i32
    %add3A = arith.addi %mul3A_0, %arg0 : i32
    %mul3A_1 = arith.constant 32 : i32
    %mul3A_2 = arith.muli %add3A, %mul3A_1 : i32
    "tpu.region"() ({
      %run_scoped3A = tpu.sem_alloc : memref<!tpu.dma_semaphore, #tpu.memory_space<semaphore_mem>>
      %dma_start3A_3237 = tpu.memref_slice %arg3[%mul3A_2] : memref<1024xi32, #tpu.memory_space<hbm>> -> memref<32xi32, #tpu.memory_space<hbm>>
      %dma_start3A_3238 = tpu.memref_slice %arg3[%mul3A_2] : memref<1024xi32, #tpu.memory_space<hbm>> -> memref<32xi32, #tpu.memory_space<hbm>>
      tpu.enqueue_dma source(%dma_start3A_3238 : memref<32xi32, #tpu.memory_space<hbm>>) target(%arg6 : memref<32xi32, #tpu.memory_space<vmem>>) target_semaphore(%run_scoped3A : memref<!tpu.dma_semaphore, #tpu.memory_space<semaphore_mem>>)
      %dma_wait3A_3239 = tpu.memref_slice %arg3[%mul3A_2] : memref<1024xi32, #tpu.memory_space<hbm>> -> memref<32xi32, #tpu.memory_space<hbm>>
      %dma_wait3A_3240 = tpu.memref_slice %arg3[%mul3A_2] : memref<1024xi32, #tpu.memory_space<hbm>> -> memref<32xi32, #tpu.memory_space<hbm>>
      tpu.wait_dma2 semaphore(%run_scoped3A : memref<!tpu.dma_semaphore, #tpu.memory_space<semaphore_mem>>) src(%dma_wait3A_3240 : memref<32xi32, #tpu.memory_space<hbm>>) dst(%arg6 : memref<32xi32, #tpu.memory_space<vmem>>)
      tpu.yield
    }) : () -> ()
    %dma_start3A = arith.constant 0 : i32
    %dma_start3A_3 = arith.constant 0 : i32
    %dma_start3A_4 = tpu.memref_slice %arg4[%dma_start3A, %dma_start3A_3] : memref<100000x128xf32, #tpu.memory_space<hbm>> -> memref<100000x128xf32, #tpu.memory_space<hbm>>
    tpu.enqueue_indirect_dma source(%dma_start3A_4 : memref<100000x128xf32, #tpu.memory_space<hbm>>) target(%arg7 : memref<32x128xf32, #tpu.memory_space<vmem>>) offsets(%arg6 : memref<32xi32, #tpu.memory_space<vmem>>) semaphore(%arg10 : memref<!tpu.dma_semaphore, #tpu.memory_space<semaphore_mem>>)
    %dma_wait3A = arith.constant 0 : i32
    %dma_wait3A_5 = arith.constant 0 : i32
    %dma_wait3A_6 = tpu.memref_slice %arg4[%dma_wait3A, %dma_wait3A_5] : memref<100000x128xf32, #tpu.memory_space<hbm>> -> memref<100000x128xf32, #tpu.memory_space<hbm>>
    tpu.wait_indirect_dma semaphore(%arg10 : memref<!tpu.dma_semaphore, #tpu.memory_space<semaphore_mem>>) src(%dma_wait3A_6 : memref<100000x128xf32, #tpu.memory_space<hbm>>) dst(%arg7 : memref<32x128xf32, #tpu.memory_space<vmem>>)
    "tpu.region"() ({
      %run_scoped3A = tpu.sem_alloc : memref<!tpu.dma_semaphore, #tpu.memory_space<semaphore_mem>>
      %dma_start3A_3237 = arith.constant 0 : i32
      %dma_start3A_3238 = tpu.memref_slice %arg2[%mul3A_2, %dma_start3A_3237] : memref<1024x128xf32, #tpu.memory_space<hbm>> -> memref<32x128xf32, #tpu.memory_space<hbm>>
      %dma_start3A_3239 = arith.constant 0 : i32
      %dma_start3A_3240 = tpu.memref_slice %arg2[%mul3A_2, %dma_start3A_3239] : memref<1024x128xf32, #tpu.memory_space<hbm>> -> memref<32x128xf32, #tpu.memory_space<hbm>>
      tpu.enqueue_dma source(%dma_start3A_3240 : memref<32x128xf32, #tpu.memory_space<hbm>>) target(%arg8 : memref<32x128xf32, #tpu.memory_space<vmem>>) target_semaphore(%run_scoped3A : memref<!tpu.dma_semaphore, #tpu.memory_space<semaphore_mem>>)
      %dma_wait3A_3241 = arith.constant 0 : i32
      %dma_wait3A_3242 = tpu.memref_slice %arg2[%mul3A_2, %dma_wait3A_3241] : memref<1024x128xf32, #tpu.memory_space<hbm>> -> memref<32x128xf32, #tpu.memory_space<hbm>>
      %dma_wait3A_3243 = arith.constant 0 : i32
      %dma_wait3A_3244 = tpu.memref_slice %arg2[%mul3A_2, %dma_wait3A_3243] : memref<1024x128xf32, #tpu.memory_space<hbm>> -> memref<32x128xf32, #tpu.memory_space<hbm>>
      tpu.wait_dma2 semaphore(%run_scoped3A : memref<!tpu.dma_semaphore, #tpu.memory_space<semaphore_mem>>) src(%dma_wait3A_3244 : memref<32x128xf32, #tpu.memory_space<hbm>>) dst(%arg8 : memref<32x128xf32, #tpu.memory_space<vmem>>)
      tpu.yield
    }) : () -> ()
    %get3A = arith.constant 0 : i32
    %get3A_7 = arith.index_cast %get3A : i32 to index
    %get3A_8 = arith.constant 0 : index
    %get3A_9 = tpu.vector_load %arg7[%get3A_7, %get3A_8] {strides = array<i32>} : memref<32x128xf32, #tpu.memory_space<vmem>>, vector<1x16xf32>,
    %get3A_10 = vector.shape_cast %get3A_9 : vector<1x16xf32> to vector<16xf32>
    %get3A_11 = arith.constant 0 : i32
    %get3A_12 = arith.index_cast %get3A_11 : i32 to index
    %get3A_13 = arith.constant 0 : index
    %get3A_14 = tpu.vector_load %arg8[%get3A_12, %get3A_13] {strides = array<i32>} : memref<32x128xf32, #tpu.memory_space<vmem>>, vector<1x16xf32>,
    %get3A_15 = vector.shape_cast %get3A_14 : vector<1x16xf32> to vector<16xf32>
    %mul3A_16 = arith.mulf %get3A_10, %get3A_15 : vector<16xf32>
    %get3A_17 = arith.constant 0 : i32
    %get3A_18 = arith.index_cast %get3A_17 : i32 to index
    %get3A_19 = arith.constant 16 : index
    %get3A_20 = tpu.vector_load %arg7[%get3A_18, %get3A_19] {strides = array<i32>} : memref<32x128xf32, #tpu.memory_space<vmem>>, vector<1x16xf32>,
    %get3A_21 = vector.shape_cast %get3A_20 : vector<1x16xf32> to vector<16xf32>
    %get3A_22 = arith.constant 0 : i32
    %get3A_23 = arith.index_cast %get3A_22 : i32 to index
    %get3A_24 = arith.constant 16 : index
    %get3A_25 = tpu.vector_load %arg8[%get3A_23, %get3A_24] {strides = array<i32>} : memref<32x128xf32, #tpu.memory_space<vmem>>, vector<1x16xf32>,
    %get3A_26 = vector.shape_cast %get3A_25 : vector<1x16xf32> to vector<16xf32>
    %mul3A_27 = arith.mulf %get3A_21, %get3A_26 : vector<16xf32>
    %add3A_28 = arith.addf %mul3A_16, %mul3A_27 : vector<16xf32>
    %get3A_29 = arith.constant 0 : i32
    %get3A_30 = arith.index_cast %get3A_29 : i32 to index
    %get3A_31 = arith.constant 32 : index
    %get3A_32 = tpu.vector_load %arg7[%get3A_30, %get3A_31] {strides = array<i32>} : memref<32x128xf32, #tpu.memory_space<vmem>>, vector<1x16xf32>,
    %get3A_33 = vector.shape_cast %get3A_32 : vector<1x16xf32> to vector<16xf32>
    %get3A_34 = arith.constant 0 : i32
    %get3A_35 = arith.index_cast %get3A_34 : i32 to index
    %get3A_36 = arith.constant 32 : index
    %get3A_37 = tpu.vector_load %arg8[%get3A_35, %get3A_36] {strides = array<i32>} : memref<32x128xf32, #tpu.memory_space<vmem>>, vector<1x16xf32>,
    %get3A_38 = vector.shape_cast %get3A_37 : vector<1x16xf32> to vector<16xf32>
    %mul3A_39 = arith.mulf %get3A_33, %get3A_38 : vector<16xf32>
    %add3A_40 = arith.addf %add3A_28, %mul3A_39 : vector<16xf32>
    %get3A_41 = arith.constant 0 : i32
    %get3A_42 = arith.index_cast %get3A_41 : i32 to index
    %get3A_43 = arith.constant 48 : index
    %get3A_44 = tpu.vector_load %arg7[%get3A_42, %get3A_43] {strides = array<i32>} : memref<32x128xf32, #tpu.memory_space<vmem>>, vector<1x16xf32>,
    %get3A_45 = vector.shape_cast %get3A_44 : vector<1x16xf32> to vector<16xf32>
    %get3A_46 = arith.constant 0 : i32
    %get3A_47 = arith.index_cast %get3A_46 : i32 to index
    %get3A_48 = arith.constant 48 : index
    %get3A_49 = tpu.vector_load %arg8[%get3A_47, %get3A_48] {strides = array<i32>} : memref<32x128xf32, #tpu.memory_space<vmem>>, vector<1x16xf32>,
    %get3A_50 = vector.shape_cast %get3A_49 : vector<1x16xf32> to vector<16xf32>
    %mul3A_51 = arith.mulf %get3A_45, %get3A_50 : vector<16xf32>
    %add3A_52 = arith.addf %add3A_40, %mul3A_51 : vector<16xf32>
    %get3A_53 = arith.constant 0 : i32
    %get3A_54 = arith.index_cast %get3A_53 : i32 to index
    %get3A_55 = arith.constant 64 : index
    %get3A_56 = tpu.vector_load %arg7[%get3A_54, %get3A_55] {strides = array<i32>} : memref<32x128xf32, #tpu.memory_space<vmem>>, vector<1x16xf32>,
    %get3A_57 = vector.shape_cast %get3A_56 : vector<1x16xf32> to vector<16xf32>
    %get3A_58 = arith.constant 0 : i32
    %get3A_59 = arith.index_cast %get3A_58 : i32 to index
    %get3A_60 = arith.constant 64 : index
    %get3A_61 = tpu.vector_load %arg8[%get3A_59, %get3A_60] {strides = array<i32>} : memref<32x128xf32, #tpu.memory_space<vmem>>, vector<1x16xf32>,
    %get3A_62 = vector.shape_cast %get3A_61 : vector<1x16xf32> to vector<16xf32>
    %mul3A_63 = arith.mulf %get3A_57, %get3A_62 : vector<16xf32>
    %add3A_64 = arith.addf %add3A_52, %mul3A_63 : vector<16xf32>
    %get3A_65 = arith.constant 0 : i32
    %get3A_66 = arith.index_cast %get3A_65 : i32 to index
    %get3A_67 = arith.constant 80 : index
    %get3A_68 = tpu.vector_load %arg7[%get3A_66, %get3A_67] {strides = array<i32>} : memref<32x128xf32, #tpu.memory_space<vmem>>, vector<1x16xf32>,
    %get3A_69 = vector.shape_cast %get3A_68 : vector<1x16xf32> to vector<16xf32>
    %get3A_70 = arith.constant 0 : i32
    %get3A_71 = arith.index_cast %get3A_70 : i32 to index
    %get3A_72 = arith.constant 80 : index
    %get3A_73 = tpu.vector_load %arg8[%get3A_71, %get3A_72] {strides = array<i32>} : memref<32x128xf32, #tpu.memory_space<vmem>>, vector<1x16xf32>,
    %get3A_74 = vector.shape_cast %get3A_73 : vector<1x16xf32> to vector<16xf32>
    %mul3A_75 = arith.mulf %get3A_69, %get3A_74 : vector<16xf32>
    %add3A_76 = arith.addf %add3A_64, %mul3A_75 : vector<16xf32>
    %get3A_77 = arith.constant 0 : i32
    %get3A_78 = arith.index_cast %get3A_77 : i32 to index
    %get3A_79 = arith.constant 96 : index
    %get3A_80 = tpu.vector_load %arg7[%get3A_78, %get3A_79] {strides = array<i32>} : memref<32x128xf32, #tpu.memory_space<vmem>>, vector<1x16xf32>,
    %get3A_81 = vector.shape_cast %get3A_80 : vector<1x16xf32> to vector<16xf32>
    %get3A_82 = arith.constant 0 : i32
    %get3A_83 = arith.index_cast %get3A_82 : i32 to index
    %get3A_84 = arith.constant 96 : index
    %get3A_85 = tpu.vector_load %arg8[%get3A_83, %get3A_84] {strides = array<i32>} : memref<32x128xf32, #tpu.memory_space<vmem>>, vector<1x16xf32>,
    %get3A_86 = vector.shape_cast %get3A_85 : vector<1x16xf32> to vector<16xf32>
    %mul3A_87 = arith.mulf %get3A_81, %get3A_86 : vector<16xf32>
    %add3A_88 = arith.addf %add3A_76, %mul3A_87 : vector<16xf32>
    %get3A_89 = arith.constant 0 : i32
    %get3A_90 = arith.index_cast %get3A_89 : i32 to index
    %get3A_91 = arith.constant 112 : index
    %get3A_92 = tpu.vector_load %arg7[%get3A_90, %get3A_91] {strides = array<i32>} : memref<32x128xf32, #tpu.memory_space<vmem>>, vector<1x16xf32>,
    %get3A_93 = vector.shape_cast %get3A_92 : vector<1x16xf32> to vector<16xf32>
    %get3A_94 = arith.constant 0 : i32
    %get3A_95 = arith.index_cast %get3A_94 : i32 to index
    %get3A_96 = arith.constant 112 : index
    %get3A_97 = tpu.vector_load %arg8[%get3A_95, %get3A_96] {strides = array<i32>} : memref<32x128xf32, #tpu.memory_space<vmem>>, vector<1x16xf32>,
    %get3A_98 = vector.shape_cast %get3A_97 : vector<1x16xf32> to vector<16xf32>
    %mul3A_99 = arith.mulf %get3A_93, %get3A_98 : vector<16xf32>
    %add3A_100 = arith.addf %add3A_88, %mul3A_99 : vector<16xf32>
    %swap3A = arith.constant 0 : i32
    %swap3A_101 = arith.index_cast %swap3A : i32 to index
    %swap3A_102 = arith.constant 0 : index
    %swap3A_103 = tpu.vector_load %arg9[%swap3A_101, %swap3A_102] {strides = array<i32>} : memref<32x16xf32, #tpu.memory_space<vmem>>, vector<1x16xf32>,
    %swap3A_104 = vector.shape_cast %swap3A_103 : vector<1x16xf32> to vector<16xf32>
    %swap3A_105 = vector.shape_cast %add3A_100 : vector<16xf32> to vector<1x16xf32>
    tpu.vector_store %arg9[%swap3A_101, %swap3A_102], %swap3A_105 {strides = array<i32>} : memref<32x16xf32, #tpu.memory_space<vmem>>, vector<1x16xf32>,
    %get3A_106 = arith.constant 1 : i32
    %get3A_107 = arith.index_cast %get3A_106 : i32 to index
    %get3A_108 = arith.constant 0 : index
    %get3A_109 = tpu.vector_load %arg7[%get3A_107, %get3A_108] {strides = array<i32>} : memref<32x128xf32, #tpu.memory_space<vmem>>, vector<1x16xf32>,
    %get3A_110 = vector.shape_cast %get3A_109 : vector<1x16xf32> to vector<16xf32>
    %get3A_111 = arith.constant 1 : i32
    %get3A_112 = arith.index_cast %get3A_111 : i32 to index
    %get3A_113 = arith.constant 0 : index
    %get3A_114 = tpu.vector_load %arg8[%get3A_112, %get3A_113] {strides = array<i32>} : memref<32x128xf32, #tpu.memory_space<vmem>>, vector<1x16xf32>,
    %get3A_115 = vector.shape_cast %get3A_114 : vector<1x16xf32> to vector<16xf32>
    %mul3A_116 = arith.mulf %get3A_110, %get3A_115 : vector<16xf32>
    %get3A_117 = arith.constant 1 : i32
    %get3A_118 = arith.index_cast %get3A_117 : i32 to index
    %get3A_119 = arith.constant 16 : index
    %get3A_120 = tpu.vector_load %arg7[%get3A_118, %get3A_119] {strides = array<i32>} : memref<32x128xf32, #tpu.memory_space<vmem>>, vector<1x16xf32>,
    %get3A_121 = vector.shape_cast %get3A_120 : vector<1x16xf32> to vector<16xf32>
    %get3A_122 = arith.constant 1 : i32
    %get3A_123 = arith.index_cast %get3A_122 : i32 to index
    %get3A_124 = arith.constant 16 : index
    %get3A_125 = tpu.vector_load %arg8[%get3A_123, %get3A_124] {strides = array<i32>} : memref<32x128xf32, #tpu.memory_space<vmem>>, vector<1x16xf32>,
    %get3A_126 = vector.shape_cast %get3A_125 : vector<1x16xf32> to vector<16xf32>
    %mul3A_127 = arith.mulf %get3A_121, %get3A_126 : vector<16xf32>
    %add3A_128 = arith.addf %mul3A_116, %mul3A_127 : vector<16xf32>
    %get3A_129 = arith.constant 1 : i32
    %get3A_130 = arith.index_cast %get3A_129 : i32 to index
    %get3A_131 = arith.constant 32 : index
    %get3A_132 = tpu.vector_load %arg7[%get3A_130, %get3A_131] {strides = array<i32>} : memref<32x128xf32, #tpu.memory_space<vmem>>, vector<1x16xf32>,
    %get3A_133 = vector.shape_cast %get3A_132 : vector<1x16xf32> to vector<16xf32>
    %get3A_134 = arith.constant 1 : i32
    %get3A_135 = arith.index_cast %get3A_134 : i32 to index
    %get3A_136 = arith.constant 32 : index
    %get3A_137 = tpu.vector_load %arg8[%get3A_135, %get3A_136] {strides = array<i32>} : memref<32x128xf32, #tpu.memory_space<vmem>>, vector<1x16xf32>,
    %get3A_138 = vector.shape_cast %get3A_137 : vector<1x16xf32> to vector<16xf32>
    %mul3A_139 = arith.mulf %get3A_133, %get3A_138 : vector<16xf32>
    %add3A_140 = arith.addf %add3A_128, %mul3A_139 : vector<16xf32>
    %get3A_141 = arith.constant 1 : i32
    %get3A_142 = arith.index_cast %get3A_141 : i32 to index
    %get3A_143 = arith.constant 48 : index
    %get3A_144 = tpu.vector_load %arg7[%get3A_142, %get3A_143] {strides = array<i32>} : memref<32x128xf32, #tpu.memory_space<vmem>>, vector<1x16xf32>,
    %get3A_145 = vector.shape_cast %get3A_144 : vector<1x16xf32> to vector<16xf32>
    %get3A_146 = arith.constant 1 : i32
    %get3A_147 = arith.index_cast %get3A_146 : i32 to index
    %get3A_148 = arith.constant 48 : index
    %get3A_149 = tpu.vector_load %arg8[%get3A_147, %get3A_148] {strides = array<i32>} : memref<32x128xf32, #tpu.memory_space<vmem>>, vector<1x16xf32>,
    %get3A_150 = vector.shape_cast %get3A_149 : vector<1x16xf32> to vector<16xf32>
    %mul3A_151 = arith.mulf %get3A_145, %get3A_150 : vector<16xf32>
    %add3A_152 = arith.addf %add3A_140, %mul3A_151 : vector<16xf32>
    %get3A_153 = arith.constant 1 : i32
    %get3A_154 = arith.index_cast %get3A_153 : i32 to index
    %get3A_155 = arith.constant 64 : index
    %get3A_156 = tpu.vector_load %arg7[%get3A_154, %get3A_155] {strides = array<i32>} : memref<32x128xf32, #tpu.memory_space<vmem>>, vector<1x16xf32>,
    %get3A_157 = vector.shape_cast %get3A_156 : vector<1x16xf32> to vector<16xf32>
    %get3A_158 = arith.constant 1 : i32
    %get3A_159 = arith.index_cast %get3A_158 : i32 to index
    %get3A_160 = arith.constant 64 : index
    %get3A_161 = tpu.vector_load %arg8[%get3A_159, %get3A_160] {strides = array<i32>} : memref<32x128xf32, #tpu.memory_space<vmem>>, vector<1x16xf32>,
    %get3A_162 = vector.shape_cast %get3A_161 : vector<1x16xf32> to vector<16xf32>
    %mul3A_163 = arith.mulf %get3A_157, %get3A_162 : vector<16xf32>
    %add3A_164 = arith.addf %add3A_152, %mul3A_163 : vector<16xf32>
    %get3A_165 = arith.constant 1 : i32
    %get3A_166 = arith.index_cast %get3A_165 : i32 to index
    %get3A_167 = arith.constant 80 : index
    %get3A_168 = tpu.vector_load %arg7[%get3A_166, %get3A_167] {strides = array<i32>} : memref<32x128xf32, #tpu.memory_space<vmem>>, vector<1x16xf32>,
    %get3A_169 = vector.shape_cast %get3A_168 : vector<1x16xf32> to vector<16xf32>
    %get3A_170 = arith.constant 1 : i32
    %get3A_171 = arith.index_cast %get3A_170 : i32 to index
    %get3A_172 = arith.constant 80 : index
    %get3A_173 = tpu.vector_load %arg8[%get3A_171, %get3A_172] {strides = array<i32>} : memref<32x128xf32, #tpu.memory_space<vmem>>, vector<1x16xf32>,
    %get3A_174 = vector.shape_cast %get3A_173 : vector<1x16xf32> to vector<16xf32>
    %mul3A_175 = arith.mulf %get3A_169, %get3A_174 : vector<16xf32>
    %add3A_176 = arith.addf %add3A_164, %mul3A_175 : vector<16xf32>
    %get3A_177 = arith.constant 1 : i32
    %get3A_178 = arith.index_cast %get3A_177 : i32 to index
    %get3A_179 = arith.constant 96 : index
    %get3A_180 = tpu.vector_load %arg7[%get3A_178, %get3A_179] {strides = array<i32>} : memref<32x128xf32, #tpu.memory_space<vmem>>, vector<1x16xf32>,
    %get3A_181 = vector.shape_cast %get3A_180 : vector<1x16xf32> to vector<16xf32>
    %get3A_182 = arith.constant 1 : i32
    %get3A_183 = arith.index_cast %get3A_182 : i32 to index
    %get3A_184 = arith.constant 96 : index
    %get3A_185 = tpu.vector_load %arg8[%get3A_183, %get3A_184] {strides = array<i32>} : memref<32x128xf32, #tpu.memory_space<vmem>>, vector<1x16xf32>,
    %get3A_186 = vector.shape_cast %get3A_185 : vector<1x16xf32> to vector<16xf32>
    %mul3A_187 = arith.mulf %get3A_181, %get3A_186 : vector<16xf32>
    %add3A_188 = arith.addf %add3A_176, %mul3A_187 : vector<16xf32>
    %get3A_189 = arith.constant 1 : i32
    %get3A_190 = arith.index_cast %get3A_189 : i32 to index
    %get3A_191 = arith.constant 112 : index
    %get3A_192 = tpu.vector_load %arg7[%get3A_190, %get3A_191] {strides = array<i32>} : memref<32x128xf32, #tpu.memory_space<vmem>>, vector<1x16xf32>,
    %get3A_193 = vector.shape_cast %get3A_192 : vector<1x16xf32> to vector<16xf32>
    %get3A_194 = arith.constant 1 : i32
    %get3A_195 = arith.index_cast %get3A_194 : i32 to index
    %get3A_196 = arith.constant 112 : index
    %get3A_197 = tpu.vector_load %arg8[%get3A_195, %get3A_196] {strides = array<i32>} : memref<32x128xf32, #tpu.memory_space<vmem>>, vector<1x16xf32>,
    %get3A_198 = vector.shape_cast %get3A_197 : vector<1x16xf32> to vector<16xf32>
    %mul3A_199 = arith.mulf %get3A_193, %get3A_198 : vector<16xf32>
    %add3A_200 = arith.addf %add3A_188, %mul3A_199 : vector<16xf32>
    %swap3A_201 = arith.constant 1 : i32
    %swap3A_202 = arith.index_cast %swap3A_201 : i32 to index
    %swap3A_203 = arith.constant 0 : index
    %swap3A_204 = tpu.vector_load %arg9[%swap3A_202, %swap3A_203] {strides = array<i32>} : memref<32x16xf32, #tpu.memory_space<vmem>>, vector<1x16xf32>,
    %swap3A_205 = vector.shape_cast %swap3A_204 : vector<1x16xf32> to vector<16xf32>
    %swap3A_206 = vector.shape_cast %add3A_200 : vector<16xf32> to vector<1x16xf32>
    tpu.vector_store %arg9[%swap3A_202, %swap3A_203], %swap3A_206 {strides = array<i32>} : memref<32x16xf32, #tpu.memory_space<vmem>>, vector<1x16xf32>,
    %get3A_207 = arith.constant 2 : i32
    %get3A_208 = arith.index_cast %get3A_207 : i32 to index
    %get3A_209 = arith.constant 0 : index
    %get3A_210 = tpu.vector_load %arg7[%get3A_208, %get3A_209] {strides = array<i32>} : memref<32x128xf32, #tpu.memory_space<vmem>>, vector<1x16xf32>,
    %get3A_211 = vector.shape_cast %get3A_210 : vector<1x16xf32> to vector<16xf32>
    %get3A_212 = arith.constant 2 : i32
    %get3A_213 = arith.index_cast %get3A_212 : i32 to index
    %get3A_214 = arith.constant 0 : index
    %get3A_215 = tpu.vector_load %arg8[%get3A_213, %get3A_214] {strides = array<i32>} : memref<32x128xf32, #tpu.memory_space<vmem>>, vector<1x16xf32>,
    %get3A_216 = vector.shape_cast %get3A_215 : vector<1x16xf32> to vector<16xf32>
    %mul3A_217 = arith.mulf %get3A_211, %get3A_216 : vector<16xf32>
    %get3A_218 = arith.constant 2 : i32
    %get3A_219 = arith.index_cast %get3A_218 : i32 to index
    %get3A_220 = arith.constant 16 : index
    %get3A_221 = tpu.vector_load %arg7[%get3A_219, %get3A_220] {strides = array<i32>} : memref<32x128xf32, #tpu.memory_space<vmem>>, vector<1x16xf32>,
    %get3A_222 = vector.shape_cast %get3A_221 : vector<1x16xf32> to vector<16xf32>
    %get3A_223 = arith.constant 2 : i32
    %get3A_224 = arith.index_cast %get3A_223 : i32 to index
    %get3A_225 = arith.constant 16 : index
    %get3A_226 = tpu.vector_load %arg8[%get3A_224, %get3A_225] {strides = array<i32>} : memref<32x128xf32, #tpu.memory_space<vmem>>, vector<1x16xf32>,
    %get3A_227 = vector.shape_cast %get3A_226 : vector<1x16xf32> to vector<16xf32>
    %mul3A_228 = arith.mulf %get3A_222, %get3A_227 : vector<16xf32>
    %add3A_229 = arith.addf %mul3A_217, %mul3A_228 : vector<16xf32>
    %get3A_230 = arith.constant 2 : i32
    %get3A_231 = arith.index_cast %get3A_230 : i32 to index
    %get3A_232 = arith.constant 32 : index
    %get3A_233 = tpu.vector_load %arg7[%get3A_231, %get3A_232] {strides = array<i32>} : memref<32x128xf32, #tpu.memory_space<vmem>>, vector<1x16xf32>,
    %get3A_234 = vector.shape_cast %get3A_233 : vector<1x16xf32> to vector<16xf32>
    %get3A_235 = arith.constant 2 : i32
    %get3A_236 = arith.index_cast %get3A_235 : i32 to index
    %get3A_237 = arith.constant 32 : index
    %get3A_238 = tpu.vector_load %arg8[%get3A_236, %get3A_237] {strides = array<i32>} : memref<32x128xf32, #tpu.memory_space<vmem>>, vector<1x16xf32>,
    %get3A_239 = vector.shape_cast %get3A_238 : vector<1x16xf32> to vector<16xf32>
    %mul3A_240 = arith.mulf %get3A_234, %get3A_239 : vector<16xf32>
    %add3A_241 = arith.addf %add3A_229, %mul3A_240 : vector<16xf32>
    %get3A_242 = arith.constant 2 : i32
    %get3A_243 = arith.index_cast %get3A_242 : i32 to index
    %get3A_244 = arith.constant 48 : index
    %get3A_245 = tpu.vector_load %arg7[%get3A_243, %get3A_244] {strides = array<i32>} : memref<32x128xf32, #tpu.memory_space<vmem>>, vector<1x16xf32>,
    %get3A_246 = vector.shape_cast %get3A_245 : vector<1x16xf32> to vector<16xf32>
    %get3A_247 = arith.constant 2 : i32
    %get3A_248 = arith.index_cast %get3A_247 : i32 to index
    %get3A_249 = arith.constant 48 : index
    %get3A_250 = tpu.vector_load %arg8[%get3A_248, %get3A_249] {strides = array<i32>} : memref<32x128xf32, #tpu.memory_space<vmem>>, vector<1x16xf32>,
    %get3A_251 = vector.shape_cast %get3A_250 : vector<1x16xf32> to vector<16xf32>
    %mul3A_252 = arith.mulf %get3A_246, %get3A_251 : vector<16xf32>
    %add3A_253 = arith.addf %add3A_241, %mul3A_252 : vector<16xf32>
    %get3A_254 = arith.constant 2 : i32
    %get3A_255 = arith.index_cast %get3A_254 : i32 to index
    %get3A_256 = arith.constant 64 : index
    %get3A_257 = tpu.vector_load %arg7[%get3A_255, %get3A_256] {strides = array<i32>} : memref<32x128xf32, #tpu.memory_space<vmem>>, vector<1x16xf32>,
    %get3A_258 = vector.shape_cast %get3A_257 : vector<1x16xf32> to vector<16xf32>
    %get3A_259 = arith.constant 2 : i32
    %get3A_260 = arith.index_cast %get3A_259 : i32 to index
    %get3A_261 = arith.constant 64 : index
    %get3A_262 = tpu.vector_load %arg8[%get3A_260, %get3A_261] {strides = array<i32>} : memref<32x128xf32, #tpu.memory_space<vmem>>, vector<1x16xf32>,
    %get3A_263 = vector.shape_cast %get3A_262 : vector<1x16xf32> to vector<16xf32>
    %mul3A_264 = arith.mulf %get3A_258, %get3A_263 : vector<16xf32>
    %add3A_265 = arith.addf %add3A_253, %mul3A_264 : vector<16xf32>
    %get3A_266 = arith.constant 2 : i32
    %get3A_267 = arith.index_cast %get3A_266 : i32 to index
    %get3A_268 = arith.constant 80 : index
    %get3A_269 = tpu.vector_load %arg7[%get3A_267, %get3A_268] {strides = array<i32>} : memref<32x128xf32, #tpu.memory_space<vmem>>, vector<1x16xf32>,
    %get3A_270 = vector.shape_cast %get3A_269 : vector<1x16xf32> to vector<16xf32>
    %get3A_271 = arith.constant 2 : i32
    %get3A_272 = arith.index_cast %get3A_271 : i32 to index
    %get3A_273 = arith.constant 80 : index
    %get3A_274 = tpu.vector_load %arg8[%get3A_272, %get3A_273] {strides = array<i32>} : memref<32x128xf32, #tpu.memory_space<vmem>>, vector<1x16xf32>,
    %get3A_275 = vector.shape_cast %get3A_274 : vector<1x16xf32> to vector<16xf32>
    %mul3A_276 = arith.mulf %get3A_270, %get3A_275 : vector<16xf32>
    %add3A_277 = arith.addf %add3A_265, %mul3A_276 : vector<16xf32>
    %get3A_278 = arith.constant 2 : i32
    %get3A_279 = arith.index_cast %get3A_278 : i32 to index
    %get3A_280 = arith.constant 96 : index
    %get3A_281 = tpu.vector_load %arg7[%get3A_279, %get3A_280] {strides = array<i32>} : memref<32x128xf32, #tpu.memory_space<vmem>>, vector<1x16xf32>,
    %get3A_282 = vector.shape_cast %get3A_281 : vector<1x16xf32> to vector<16xf32>
    %get3A_283 = arith.constant 2 : i32
    %get3A_284 = arith.index_cast %get3A_283 : i32 to index
    %get3A_285 = arith.constant 96 : index
    %get3A_286 = tpu.vector_load %arg8[%get3A_284, %get3A_285] {strides = array<i32>} : memref<32x128xf32, #tpu.memory_space<vmem>>, vector<1x16xf32>,
    %get3A_287 = vector.shape_cast %get3A_286 : vector<1x16xf32> to vector<16xf32>
    %mul3A_288 = arith.mulf %get3A_282, %get3A_287 : vector<16xf32>
    %add3A_289 = arith.addf %add3A_277, %mul3A_288 : vector<16xf32>
    %get3A_290 = arith.constant 2 : i32
    %get3A_291 = arith.index_cast %get3A_290 : i32 to index
    %get3A_292 = arith.constant 112 : index
    %get3A_293 = tpu.vector_load %arg7[%get3A_291, %get3A_292] {strides = array<i32>} : memref<32x128xf32, #tpu.memory_space<vmem>>, vector<1x16xf32>,
    %get3A_294 = vector.shape_cast %get3A_293 : vector<1x16xf32> to vector<16xf32>
    %get3A_295 = arith.constant 2 : i32
    %get3A_296 = arith.index_cast %get3A_295 : i32 to index
    %get3A_297 = arith.constant 112 : index
    %get3A_298 = tpu.vector_load %arg8[%get3A_296, %get3A_297] {strides = array<i32>} : memref<32x128xf32, #tpu.memory_space<vmem>>, vector<1x16xf32>,
    %get3A_299 = vector.shape_cast %get3A_298 : vector<1x16xf32> to vector<16xf32>
    %mul3A_300 = arith.mulf %get3A_294, %get3A_299 : vector<16xf32>
    %add3A_301 = arith.addf %add3A_289, %mul3A_300 : vector<16xf32>
    %swap3A_302 = arith.constant 2 : i32
    %swap3A_303 = arith.index_cast %swap3A_302 : i32 to index
    %swap3A_304 = arith.constant 0 : index
    %swap3A_305 = tpu.vector_load %arg9[%swap3A_303, %swap3A_304] {strides = array<i32>} : memref<32x16xf32, #tpu.memory_space<vmem>>, vector<1x16xf32>,
    %swap3A_306 = vector.shape_cast %swap3A_305 : vector<1x16xf32> to vector<16xf32>
    %swap3A_307 = vector.shape_cast %add3A_301 : vector<16xf32> to vector<1x16xf32>
    tpu.vector_store %arg9[%swap3A_303, %swap3A_304], %swap3A_307 {strides = array<i32>} : memref<32x16xf32, #tpu.memory_space<vmem>>, vector<1x16xf32>,
    %get3A_308 = arith.constant 3 : i32
    %get3A_309 = arith.index_cast %get3A_308 : i32 to index
    %get3A_310 = arith.constant 0 : index
    %get3A_311 = tpu.vector_load %arg7[%get3A_309, %get3A_310] {strides = array<i32>} : memref<32x128xf32, #tpu.memory_space<vmem>>, vector<1x16xf32>,
    %get3A_312 = vector.shape_cast %get3A_311 : vector<1x16xf32> to vector<16xf32>
    %get3A_313 = arith.constant 3 : i32
    %get3A_314 = arith.index_cast %get3A_313 : i32 to index
    %get3A_315 = arith.constant 0 : index
    %get3A_316 = tpu.vector_load %arg8[%get3A_314, %get3A_315] {strides = array<i32>} : memref<32x128xf32, #tpu.memory_space<vmem>>, vector<1x16xf32>,
    %get3A_317 = vector.shape_cast %get3A_316 : vector<1x16xf32> to vector<16xf32>
    %mul3A_318 = arith.mulf %get3A_312, %get3A_317 : vector<16xf32>
    %get3A_319 = arith.constant 3 : i32
    %get3A_320 = arith.index_cast %get3A_319 : i32 to index
    %get3A_321 = arith.constant 16 : index
    %get3A_322 = tpu.vector_load %arg7[%get3A_320, %get3A_321] {strides = array<i32>} : memref<32x128xf32, #tpu.memory_space<vmem>>, vector<1x16xf32>,
    %get3A_323 = vector.shape_cast %get3A_322 : vector<1x16xf32> to vector<16xf32>
    %get3A_324 = arith.constant 3 : i32
    %get3A_325 = arith.index_cast %get3A_324 : i32 to index
    %get3A_326 = arith.constant 16 : index
    %get3A_327 = tpu.vector_load %arg8[%get3A_325, %get3A_326] {strides = array<i32>} : memref<32x128xf32, #tpu.memory_space<vmem>>, vector<1x16xf32>,
    %get3A_328 = vector.shape_cast %get3A_327 : vector<1x16xf32> to vector<16xf32>
    %mul3A_329 = arith.mulf %get3A_323, %get3A_328 : vector<16xf32>
    %add3A_330 = arith.addf %mul3A_318, %mul3A_329 : vector<16xf32>
    %get3A_331 = arith.constant 3 : i32
    %get3A_332 = arith.index_cast %get3A_331 : i32 to index
    %get3A_333 = arith.constant 32 : index
    %get3A_334 = tpu.vector_load %arg7[%get3A_332, %get3A_333] {strides = array<i32>} : memref<32x128xf32, #tpu.memory_space<vmem>>, vector<1x16xf32>,
    %get3A_335 = vector.shape_cast %get3A_334 : vector<1x16xf32> to vector<16xf32>
    %get3A_336 = arith.constant 3 : i32
    %get3A_337 = arith.index_cast %get3A_336 : i32 to index
    %get3A_338 = arith.constant 32 : index
    %get3A_339 = tpu.vector_load %arg8[%get3A_337, %get3A_338] {strides = array<i32>} : memref<32x128xf32, #tpu.memory_space<vmem>>, vector<1x16xf32>,
    %get3A_340 = vector.shape_cast %get3A_339 : vector<1x16xf32> to vector<16xf32>
    %mul3A_341 = arith.mulf %get3A_335, %get3A_340 : vector<16xf32>
    %add3A_342 = arith.addf %add3A_330, %mul3A_341 : vector<16xf32>
    %get3A_343 = arith.constant 3 : i32
    %get3A_344 = arith.index_cast %get3A_343 : i32 to index
    %get3A_345 = arith.constant 48 : index
    %get3A_346 = tpu.vector_load %arg7[%get3A_344, %get3A_345] {strides = array<i32>} : memref<32x128xf32, #tpu.memory_space<vmem>>, vector<1x16xf32>,
    %get3A_347 = vector.shape_cast %get3A_346 : vector<1x16xf32> to vector<16xf32>
    %get3A_348 = arith.constant 3 : i32
    %get3A_349 = arith.index_cast %get3A_348 : i32 to index
    %get3A_350 = arith.constant 48 : index
    %get3A_351 = tpu.vector_load %arg8[%get3A_349, %get3A_350] {strides = array<i32>} : memref<32x128xf32, #tpu.memory_space<vmem>>, vector<1x16xf32>,
    %get3A_352 = vector.shape_cast %get3A_351 : vector<1x16xf32> to vector<16xf32>
    %mul3A_353 = arith.mulf %get3A_347, %get3A_352 : vector<16xf32>
    %add3A_354 = arith.addf %add3A_342, %mul3A_353 : vector<16xf32>
    %get3A_355 = arith.constant 3 : i32
    %get3A_356 = arith.index_cast %get3A_355 : i32 to index
    %get3A_357 = arith.constant 64 : index
    %get3A_358 = tpu.vector_load %arg7[%get3A_356, %get3A_357] {strides = array<i32>} : memref<32x128xf32, #tpu.memory_space<vmem>>, vector<1x16xf32>,
    %get3A_359 = vector.shape_cast %get3A_358 : vector<1x16xf32> to vector<16xf32>
    %get3A_360 = arith.constant 3 : i32
    %get3A_361 = arith.index_cast %get3A_360 : i32 to index
    %get3A_362 = arith.constant 64 : index
    %get3A_363 = tpu.vector_load %arg8[%get3A_361, %get3A_362] {strides = array<i32>} : memref<32x128xf32, #tpu.memory_space<vmem>>, vector<1x16xf32>,
    %get3A_364 = vector.shape_cast %get3A_363 : vector<1x16xf32> to vector<16xf32>
    %mul3A_365 = arith.mulf %get3A_359, %get3A_364 : vector<16xf32>
    %add3A_366 = arith.addf %add3A_354, %mul3A_365 : vector<16xf32>
    %get3A_367 = arith.constant 3 : i32
    %get3A_368 = arith.index_cast %get3A_367 : i32 to index
    %get3A_369 = arith.constant 80 : index
    %get3A_370 = tpu.vector_load %arg7[%get3A_368, %get3A_369] {strides = array<i32>} : memref<32x128xf32, #tpu.memory_space<vmem>>, vector<1x16xf32>,
    %get3A_371 = vector.shape_cast %get3A_370 : vector<1x16xf32> to vector<16xf32>
    %get3A_372 = arith.constant 3 : i32
    %get3A_373 = arith.index_cast %get3A_372 : i32 to index
    %get3A_374 = arith.constant 80 : index
    %get3A_375 = tpu.vector_load %arg8[%get3A_373, %get3A_374] {strides = array<i32>} : memref<32x128xf32, #tpu.memory_space<vmem>>, vector<1x16xf32>,
    %get3A_376 = vector.shape_cast %get3A_375 : vector<1x16xf32> to vector<16xf32>
    %mul3A_377 = arith.mulf %get3A_371, %get3A_376 : vector<16xf32>
    %add3A_378 = arith.addf %add3A_366, %mul3A_377 : vector<16xf32>
    %get3A_379 = arith.constant 3 : i32
    %get3A_380 = arith.index_cast %get3A_379 : i32 to index
    %get3A_381 = arith.constant 96 : index
    %get3A_382 = tpu.vector_load %arg7[%get3A_380, %get3A_381] {strides = array<i32>} : memref<32x128xf32, #tpu.memory_space<vmem>>, vector<1x16xf32>,
    %get3A_383 = vector.shape_cast %get3A_382 : vector<1x16xf32> to vector<16xf32>
    %get3A_384 = arith.constant 3 : i32
    %get3A_385 = arith.index_cast %get3A_384 : i32 to index
    %get3A_386 = arith.constant 96 : index
    %get3A_387 = tpu.vector_load %arg8[%get3A_385, %get3A_386] {strides = array<i32>} : memref<32x128xf32, #tpu.memory_space<vmem>>, vector<1x16xf32>,
    %get3A_388 = vector.shape_cast %get3A_387 : vector<1x16xf32> to vector<16xf32>
    %mul3A_389 = arith.mulf %get3A_383, %get3A_388 : vector<16xf32>
    %add3A_390 = arith.addf %add3A_378, %mul3A_389 : vector<16xf32>
    %get3A_391 = arith.constant 3 : i32
    %get3A_392 = arith.index_cast %get3A_391 : i32 to index
    %get3A_393 = arith.constant 112 : index
    %get3A_394 = tpu.vector_load %arg7[%get3A_392, %get3A_393] {strides = array<i32>} : memref<32x128xf32, #tpu.memory_space<vmem>>, vector<1x16xf32>,
    %get3A_395 = vector.shape_cast %get3A_394 : vector<1x16xf32> to vector<16xf32>
    %get3A_396 = arith.constant 3 : i32
    %get3A_397 = arith.index_cast %get3A_396 : i32 to index
    %get3A_398 = arith.constant 112 : index
    %get3A_399 = tpu.vector_load %arg8[%get3A_397, %get3A_398] {strides = array<i32>} : memref<32x128xf32, #tpu.memory_space<vmem>>, vector<1x16xf32>,
    %get3A_400 = vector.shape_cast %get3A_399 : vector<1x16xf32> to vector<16xf32>
    %mul3A_401 = arith.mulf %get3A_395, %get3A_400 : vector<16xf32>
    %add3A_402 = arith.addf %add3A_390, %mul3A_401 : vector<16xf32>
    %swap3A_403 = arith.constant 3 : i32
    %swap3A_404 = arith.index_cast %swap3A_403 : i32 to index
    %swap3A_405 = arith.constant 0 : index
    %swap3A_406 = tpu.vector_load %arg9[%swap3A_404, %swap3A_405] {strides = array<i32>} : memref<32x16xf32, #tpu.memory_space<vmem>>, vector<1x16xf32>,
    %swap3A_407 = vector.shape_cast %swap3A_406 : vector<1x16xf32> to vector<16xf32>
    %swap3A_408 = vector.shape_cast %add3A_402 : vector<16xf32> to vector<1x16xf32>
    tpu.vector_store %arg9[%swap3A_404, %swap3A_405], %swap3A_408 {strides = array<i32>} : memref<32x16xf32, #tpu.memory_space<vmem>>, vector<1x16xf32>,
    %get3A_409 = arith.constant 4 : i32
    %get3A_410 = arith.index_cast %get3A_409 : i32 to index
    %get3A_411 = arith.constant 0 : index
    %get3A_412 = tpu.vector_load %arg7[%get3A_410, %get3A_411] {strides = array<i32>} : memref<32x128xf32, #tpu.memory_space<vmem>>, vector<1x16xf32>,
    %get3A_413 = vector.shape_cast %get3A_412 : vector<1x16xf32> to vector<16xf32>
    %get3A_414 = arith.constant 4 : i32
    %get3A_415 = arith.index_cast %get3A_414 : i32 to index
    %get3A_416 = arith.constant 0 : index
    %get3A_417 = tpu.vector_load %arg8[%get3A_415, %get3A_416] {strides = array<i32>} : memref<32x128xf32, #tpu.memory_space<vmem>>, vector<1x16xf32>,
    %get3A_418 = vector.shape_cast %get3A_417 : vector<1x16xf32> to vector<16xf32>
    %mul3A_419 = arith.mulf %get3A_413, %get3A_418 : vector<16xf32>
    %get3A_420 = arith.constant 4 : i32
    %get3A_421 = arith.index_cast %get3A_420 : i32 to index
    %get3A_422 = arith.constant 16 : index
    %get3A_423 = tpu.vector_load %arg7[%get3A_421, %get3A_422] {strides = array<i32>} : memref<32x128xf32, #tpu.memory_space<vmem>>, vector<1x16xf32>,
    %get3A_424 = vector.shape_cast %get3A_423 : vector<1x16xf32> to vector<16xf32>
    %get3A_425 = arith.constant 4 : i32
    %get3A_426 = arith.index_cast %get3A_425 : i32 to index
    %get3A_427 = arith.constant 16 : index
    %get3A_428 = tpu.vector_load %arg8[%get3A_426, %get3A_427] {strides = array<i32>} : memref<32x128xf32, #tpu.memory_space<vmem>>, vector<1x16xf32>,
    %get3A_429 = vector.shape_cast %get3A_428 : vector<1x16xf32> to vector<16xf32>
    %mul3A_430 = arith.mulf %get3A_424, %get3A_429 : vector<16xf32>
    %add3A_431 = arith.addf %mul3A_419, %mul3A_430 : vector<16xf32>
    %get3A_432 = arith.constant 4 : i32
    %get3A_433 = arith.index_cast %get3A_432 : i32 to index
    %get3A_434 = arith.constant 32 : index
    %get3A_435 = tpu.vector_load %arg7[%get3A_433, %get3A_434] {strides = array<i32>} : memref<32x128xf32, #tpu.memory_space<vmem>>, vector<1x16xf32>,
    %get3A_436 = vector.shape_cast %get3A_435 : vector<1x16xf32> to vector<16xf32>
    %get3A_437 = arith.constant 4 : i32
    %get3A_438 = arith.index_cast %get3A_437 : i32 to index
    %get3A_439 = arith.constant 32 : index
    %get3A_440 = tpu.vector_load %arg8[%get3A_438, %get3A_439] {strides = array<i32>} : memref<32x128xf32, #tpu.memory_space<vmem>>, vector<1x16xf32>,
    %get3A_441 = vector.shape_cast %get3A_440 : vector<1x16xf32> to vector<16xf32>
    %mul3A_442 = arith.mulf %get3A_436, %get3A_441 : vector<16xf32>
    %add3A_443 = arith.addf %add3A_431, %mul3A_442 : vector<16xf32>
    %get3A_444 = arith.constant 4 : i32
    %get3A_445 = arith.index_cast %get3A_444 : i32 to index
    %get3A_446 = arith.constant 48 : index
    %get3A_447 = tpu.vector_load %arg7[%get3A_445, %get3A_446] {strides = array<i32>} : memref<32x128xf32, #tpu.memory_space<vmem>>, vector<1x16xf32>,
    %get3A_448 = vector.shape_cast %get3A_447 : vector<1x16xf32> to vector<16xf32>
    %get3A_449 = arith.constant 4 : i32
    %get3A_450 = arith.index_cast %get3A_449 : i32 to index
    %get3A_451 = arith.constant 48 : index
    %get3A_452 = tpu.vector_load %arg8[%get3A_450, %get3A_451] {strides = array<i32>} : memref<32x128xf32, #tpu.memory_space<vmem>>, vector<1x16xf32>,
    %get3A_453 = vector.shape_cast %get3A_452 : vector<1x16xf32> to vector<16xf32>
    %mul3A_454 = arith.mulf %get3A_448, %get3A_453 : vector<16xf32>
    %add3A_455 = arith.addf %add3A_443, %mul3A_454 : vector<16xf32>
    %get3A_456 = arith.constant 4 : i32
    %get3A_457 = arith.index_cast %get3A_456 : i32 to index
    %get3A_458 = arith.constant 64 : index
    %get3A_459 = tpu.vector_load %arg7[%get3A_457, %get3A_458] {strides = array<i32>} : memref<32x128xf32, #tpu.memory_space<vmem>>, vector<1x16xf32>,
    %get3A_460 = vector.shape_cast %get3A_459 : vector<1x16xf32> to vector<16xf32>
    %get3A_461 = arith.constant 4 : i32
    %get3A_462 = arith.index_cast %get3A_461 : i32 to index
    %get3A_463 = arith.constant 64 : index
    %get3A_464 = tpu.vector_load %arg8[%get3A_462, %get3A_463] {strides = array<i32>} : memref<32x128xf32, #tpu.memory_space<vmem>>, vector<1x16xf32>,
    %get3A_465 = vector.shape_cast %get3A_464 : vector<1x16xf32> to vector<16xf32>
    %mul3A_466 = arith.mulf %get3A_460, %get3A_465 : vector<16xf32>
    %add3A_467 = arith.addf %add3A_455, %mul3A_466 : vector<16xf32>
    %get3A_468 = arith.constant 4 : i32
    %get3A_469 = arith.index_cast %get3A_468 : i32 to index
    %get3A_470 = arith.constant 80 : index
    %get3A_471 = tpu.vector_load %arg7[%get3A_469, %get3A_470] {strides = array<i32>} : memref<32x128xf32, #tpu.memory_space<vmem>>, vector<1x16xf32>,
    %get3A_472 = vector.shape_cast %get3A_471 : vector<1x16xf32> to vector<16xf32>
    %get3A_473 = arith.constant 4 : i32
    %get3A_474 = arith.index_cast %get3A_473 : i32 to index
    %get3A_475 = arith.constant 80 : index
    %get3A_476 = tpu.vector_load %arg8[%get3A_474, %get3A_475] {strides = array<i32>} : memref<32x128xf32, #tpu.memory_space<vmem>>, vector<1x16xf32>,
    %get3A_477 = vector.shape_cast %get3A_476 : vector<1x16xf32> to vector<16xf32>
    %mul3A_478 = arith.mulf %get3A_472, %get3A_477 : vector<16xf32>
    %add3A_479 = arith.addf %add3A_467, %mul3A_478 : vector<16xf32>
    %get3A_480 = arith.constant 4 : i32
    %get3A_481 = arith.index_cast %get3A_480 : i32 to index
    %get3A_482 = arith.constant 96 : index
    %get3A_483 = tpu.vector_load %arg7[%get3A_481, %get3A_482] {strides = array<i32>} : memref<32x128xf32, #tpu.memory_space<vmem>>, vector<1x16xf32>,
    %get3A_484 = vector.shape_cast %get3A_483 : vector<1x16xf32> to vector<16xf32>
    %get3A_485 = arith.constant 4 : i32
    %get3A_486 = arith.index_cast %get3A_485 : i32 to index
    %get3A_487 = arith.constant 96 : index
    %get3A_488 = tpu.vector_load %arg8[%get3A_486, %get3A_487] {strides = array<i32>} : memref<32x128xf32, #tpu.memory_space<vmem>>, vector<1x16xf32>,
    %get3A_489 = vector.shape_cast %get3A_488 : vector<1x16xf32> to vector<16xf32>
    %mul3A_490 = arith.mulf %get3A_484, %get3A_489 : vector<16xf32>
    %add3A_491 = arith.addf %add3A_479, %mul3A_490 : vector<16xf32>
    %get3A_492 = arith.constant 4 : i32
    %get3A_493 = arith.index_cast %get3A_492 : i32 to index
    %get3A_494 = arith.constant 112 : index
    %get3A_495 = tpu.vector_load %arg7[%get3A_493, %get3A_494] {strides = array<i32>} : memref<32x128xf32, #tpu.memory_space<vmem>>, vector<1x16xf32>,
    %get3A_496 = vector.shape_cast %get3A_495 : vector<1x16xf32> to vector<16xf32>
    %get3A_497 = arith.constant 4 : i32
    %get3A_498 = arith.index_cast %get3A_497 : i32 to index
    %get3A_499 = arith.constant 112 : index
    %get3A_500 = tpu.vector_load %arg8[%get3A_498, %get3A_499] {strides = array<i32>} : memref<32x128xf32, #tpu.memory_space<vmem>>, vector<1x16xf32>,
    %get3A_501 = vector.shape_cast %get3A_500 : vector<1x16xf32> to vector<16xf32>
    %mul3A_502 = arith.mulf %get3A_496, %get3A_501 : vector<16xf32>
    %add3A_503 = arith.addf %add3A_491, %mul3A_502 : vector<16xf32>
    %swap3A_504 = arith.constant 4 : i32
    %swap3A_505 = arith.index_cast %swap3A_504 : i32 to index
    %swap3A_506 = arith.constant 0 : index
    %swap3A_507 = tpu.vector_load %arg9[%swap3A_505, %swap3A_506] {strides = array<i32>} : memref<32x16xf32, #tpu.memory_space<vmem>>, vector<1x16xf32>,
    %swap3A_508 = vector.shape_cast %swap3A_507 : vector<1x16xf32> to vector<16xf32>
    %swap3A_509 = vector.shape_cast %add3A_503 : vector<16xf32> to vector<1x16xf32>
    tpu.vector_store %arg9[%swap3A_505, %swap3A_506], %swap3A_509 {strides = array<i32>} : memref<32x16xf32, #tpu.memory_space<vmem>>, vector<1x16xf32>,
    %get3A_510 = arith.constant 5 : i32
    %get3A_511 = arith.index_cast %get3A_510 : i32 to index
    %get3A_512 = arith.constant 0 : index
    %get3A_513 = tpu.vector_load %arg7[%get3A_511, %get3A_512] {strides = array<i32>} : memref<32x128xf32, #tpu.memory_space<vmem>>, vector<1x16xf32>,
    %get3A_514 = vector.shape_cast %get3A_513 : vector<1x16xf32> to vector<16xf32>
    %get3A_515 = arith.constant 5 : i32
    %get3A_516 = arith.index_cast %get3A_515 : i32 to index
    %get3A_517 = arith.constant 0 : index
    %get3A_518 = tpu.vector_load %arg8[%get3A_516, %get3A_517] {strides = array<i32>} : memref<32x128xf32, #tpu.memory_space<vmem>>, vector<1x16xf32>,
    %get3A_519 = vector.shape_cast %get3A_518 : vector<1x16xf32> to vector<16xf32>
    %mul3A_520 = arith.mulf %get3A_514, %get3A_519 : vector<16xf32>
    %get3A_521 = arith.constant 5 : i32
    %get3A_522 = arith.index_cast %get3A_521 : i32 to index
    %get3A_523 = arith.constant 16 : index
    %get3A_524 = tpu.vector_load %arg7[%get3A_522, %get3A_523] {strides = array<i32>} : memref<32x128xf32, #tpu.memory_space<vmem>>, vector<1x16xf32>,
    %get3A_525 = vector.shape_cast %get3A_524 : vector<1x16xf32> to vector<16xf32>
    %get3A_526 = arith.constant 5 : i32
    %get3A_527 = arith.index_cast %get3A_526 : i32 to index
    %get3A_528 = arith.constant 16 : index
    %get3A_529 = tpu.vector_load %arg8[%get3A_527, %get3A_528] {strides = array<i32>} : memref<32x128xf32, #tpu.memory_space<vmem>>, vector<1x16xf32>,
    %get3A_530 = vector.shape_cast %get3A_529 : vector<1x16xf32> to vector<16xf32>
    %mul3A_531 = arith.mulf %get3A_525, %get3A_530 : vector<16xf32>
    %add3A_532 = arith.addf %mul3A_520, %mul3A_531 : vector<16xf32>
    %get3A_533 = arith.constant 5 : i32
    %get3A_534 = arith.index_cast %get3A_533 : i32 to index
    %get3A_535 = arith.constant 32 : index
    %get3A_536 = tpu.vector_load %arg7[%get3A_534, %get3A_535] {strides = array<i32>} : memref<32x128xf32, #tpu.memory_space<vmem>>, vector<1x16xf32>,
    %get3A_537 = vector.shape_cast %get3A_536 : vector<1x16xf32> to vector<16xf32>
    %get3A_538 = arith.constant 5 : i32
    %get3A_539 = arith.index_cast %get3A_538 : i32 to index
    %get3A_540 = arith.constant 32 : index
    %get3A_541 = tpu.vector_load %arg8[%get3A_539, %get3A_540] {strides = array<i32>} : memref<32x128xf32, #tpu.memory_space<vmem>>, vector<1x16xf32>,
    %get3A_542 = vector.shape_cast %get3A_541 : vector<1x16xf32> to vector<16xf32>
    %mul3A_543 = arith.mulf %get3A_537, %get3A_542 : vector<16xf32>
    %add3A_544 = arith.addf %add3A_532, %mul3A_543 : vector<16xf32>
    %get3A_545 = arith.constant 5 : i32
    %get3A_546 = arith.index_cast %get3A_545 : i32 to index
    %get3A_547 = arith.constant 48 : index
    %get3A_548 = tpu.vector_load %arg7[%get3A_546, %get3A_547] {strides = array<i32>} : memref<32x128xf32, #tpu.memory_space<vmem>>, vector<1x16xf32>,
    %get3A_549 = vector.shape_cast %get3A_548 : vector<1x16xf32> to vector<16xf32>
    %get3A_550 = arith.constant 5 : i32
    %get3A_551 = arith.index_cast %get3A_550 : i32 to index
    %get3A_552 = arith.constant 48 : index
    %get3A_553 = tpu.vector_load %arg8[%get3A_551, %get3A_552] {strides = array<i32>} : memref<32x128xf32, #tpu.memory_space<vmem>>, vector<1x16xf32>,
    %get3A_554 = vector.shape_cast %get3A_553 : vector<1x16xf32> to vector<16xf32>
    %mul3A_555 = arith.mulf %get3A_549, %get3A_554 : vector<16xf32>
    %add3A_556 = arith.addf %add3A_544, %mul3A_555 : vector<16xf32>
    %get3A_557 = arith.constant 5 : i32
    %get3A_558 = arith.index_cast %get3A_557 : i32 to index
    %get3A_559 = arith.constant 64 : index
    %get3A_560 = tpu.vector_load %arg7[%get3A_558, %get3A_559] {strides = array<i32>} : memref<32x128xf32, #tpu.memory_space<vmem>>, vector<1x16xf32>,
    %get3A_561 = vector.shape_cast %get3A_560 : vector<1x16xf32> to vector<16xf32>
    %get3A_562 = arith.constant 5 : i32
    %get3A_563 = arith.index_cast %get3A_562 : i32 to index
    %get3A_564 = arith.constant 64 : index
    %get3A_565 = tpu.vector_load %arg8[%get3A_563, %get3A_564] {strides = array<i32>} : memref<32x128xf32, #tpu.memory_space<vmem>>, vector<1x16xf32>,
    %get3A_566 = vector.shape_cast %get3A_565 : vector<1x16xf32> to vector<16xf32>
    %mul3A_567 = arith.mulf %get3A_561, %get3A_566 : vector<16xf32>
    %add3A_568 = arith.addf %add3A_556, %mul3A_567 : vector<16xf32>
    %get3A_569 = arith.constant 5 : i32
    %get3A_570 = arith.index_cast %get3A_569 : i32 to index
    %get3A_571 = arith.constant 80 : index
    %get3A_572 = tpu.vector_load %arg7[%get3A_570, %get3A_571] {strides = array<i32>} : memref<32x128xf32, #tpu.memory_space<vmem>>, vector<1x16xf32>,
    %get3A_573 = vector.shape_cast %get3A_572 : vector<1x16xf32> to vector<16xf32>
    %get3A_574 = arith.constant 5 : i32
    %get3A_575 = arith.index_cast %get3A_574 : i32 to index
    %get3A_576 = arith.constant 80 : index
    %get3A_577 = tpu.vector_load %arg8[%get3A_575, %get3A_576] {strides = array<i32>} : memref<32x128xf32, #tpu.memory_space<vmem>>, vector<1x16xf32>,
    %get3A_578 = vector.shape_cast %get3A_577 : vector<1x16xf32> to vector<16xf32>
    %mul3A_579 = arith.mulf %get3A_573, %get3A_578 : vector<16xf32>
    %add3A_580 = arith.addf %add3A_568, %mul3A_579 : vector<16xf32>
    %get3A_581 = arith.constant 5 : i32
    %get3A_582 = arith.index_cast %get3A_581 : i32 to index
    %get3A_583 = arith.constant 96 : index
    %get3A_584 = tpu.vector_load %arg7[%get3A_582, %get3A_583] {strides = array<i32>} : memref<32x128xf32, #tpu.memory_space<vmem>>, vector<1x16xf32>,
    %get3A_585 = vector.shape_cast %get3A_584 : vector<1x16xf32> to vector<16xf32>
    %get3A_586 = arith.constant 5 : i32
    %get3A_587 = arith.index_cast %get3A_586 : i32 to index
    %get3A_588 = arith.constant 96 : index
    %get3A_589 = tpu.vector_load %arg8[%get3A_587, %get3A_588] {strides = array<i32>} : memref<32x128xf32, #tpu.memory_space<vmem>>, vector<1x16xf32>,
    %get3A_590 = vector.shape_cast %get3A_589 : vector<1x16xf32> to vector<16xf32>
    %mul3A_591 = arith.mulf %get3A_585, %get3A_590 : vector<16xf32>
    %add3A_592 = arith.addf %add3A_580, %mul3A_591 : vector<16xf32>
    %get3A_593 = arith.constant 5 : i32
    %get3A_594 = arith.index_cast %get3A_593 : i32 to index
    %get3A_595 = arith.constant 112 : index
    %get3A_596 = tpu.vector_load %arg7[%get3A_594, %get3A_595] {strides = array<i32>} : memref<32x128xf32, #tpu.memory_space<vmem>>, vector<1x16xf32>,
    %get3A_597 = vector.shape_cast %get3A_596 : vector<1x16xf32> to vector<16xf32>
    %get3A_598 = arith.constant 5 : i32
    %get3A_599 = arith.index_cast %get3A_598 : i32 to index
    %get3A_600 = arith.constant 112 : index
    %get3A_601 = tpu.vector_load %arg8[%get3A_599, %get3A_600] {strides = array<i32>} : memref<32x128xf32, #tpu.memory_space<vmem>>, vector<1x16xf32>,
    %get3A_602 = vector.shape_cast %get3A_601 : vector<1x16xf32> to vector<16xf32>
    %mul3A_603 = arith.mulf %get3A_597, %get3A_602 : vector<16xf32>
    %add3A_604 = arith.addf %add3A_592, %mul3A_603 : vector<16xf32>
    %swap3A_605 = arith.constant 5 : i32
    %swap3A_606 = arith.index_cast %swap3A_605 : i32 to index
    %swap3A_607 = arith.constant 0 : index
    %swap3A_608 = tpu.vector_load %arg9[%swap3A_606, %swap3A_607] {strides = array<i32>} : memref<32x16xf32, #tpu.memory_space<vmem>>, vector<1x16xf32>,
    %swap3A_609 = vector.shape_cast %swap3A_608 : vector<1x16xf32> to vector<16xf32>
    %swap3A_610 = vector.shape_cast %add3A_604 : vector<16xf32> to vector<1x16xf32>
    tpu.vector_store %arg9[%swap3A_606, %swap3A_607], %swap3A_610 {strides = array<i32>} : memref<32x16xf32, #tpu.memory_space<vmem>>, vector<1x16xf32>,
    %get3A_611 = arith.constant 6 : i32
    %get3A_612 = arith.index_cast %get3A_611 : i32 to index
    %get3A_613 = arith.constant 0 : index
    %get3A_614 = tpu.vector_load %arg7[%get3A_612, %get3A_613] {strides = array<i32>} : memref<32x128xf32, #tpu.memory_space<vmem>>, vector<1x16xf32>,
    %get3A_615 = vector.shape_cast %get3A_614 : vector<1x16xf32> to vector<16xf32>
    %get3A_616 = arith.constant 6 : i32
    %get3A_617 = arith.index_cast %get3A_616 : i32 to index
    %get3A_618 = arith.constant 0 : index
    %get3A_619 = tpu.vector_load %arg8[%get3A_617, %get3A_618] {strides = array<i32>} : memref<32x128xf32, #tpu.memory_space<vmem>>, vector<1x16xf32>,
    %get3A_620 = vector.shape_cast %get3A_619 : vector<1x16xf32> to vector<16xf32>
    %mul3A_621 = arith.mulf %get3A_615, %get3A_620 : vector<16xf32>
    %get3A_622 = arith.constant 6 : i32
    %get3A_623 = arith.index_cast %get3A_622 : i32 to index
    %get3A_624 = arith.constant 16 : index
    %get3A_625 = tpu.vector_load %arg7[%get3A_623, %get3A_624] {strides = array<i32>} : memref<32x128xf32, #tpu.memory_space<vmem>>, vector<1x16xf32>,
    %get3A_626 = vector.shape_cast %get3A_625 : vector<1x16xf32> to vector<16xf32>
    %get3A_627 = arith.constant 6 : i32
    %get3A_628 = arith.index_cast %get3A_627 : i32 to index
    %get3A_629 = arith.constant 16 : index
    %get3A_630 = tpu.vector_load %arg8[%get3A_628, %get3A_629] {strides = array<i32>} : memref<32x128xf32, #tpu.memory_space<vmem>>, vector<1x16xf32>,
    %get3A_631 = vector.shape_cast %get3A_630 : vector<1x16xf32> to vector<16xf32>
    %mul3A_632 = arith.mulf %get3A_626, %get3A_631 : vector<16xf32>
    %add3A_633 = arith.addf %mul3A_621, %mul3A_632 : vector<16xf32>
    %get3A_634 = arith.constant 6 : i32
    %get3A_635 = arith.index_cast %get3A_634 : i32 to index
    %get3A_636 = arith.constant 32 : index
    %get3A_637 = tpu.vector_load %arg7[%get3A_635, %get3A_636] {strides = array<i32>} : memref<32x128xf32, #tpu.memory_space<vmem>>, vector<1x16xf32>,
    %get3A_638 = vector.shape_cast %get3A_637 : vector<1x16xf32> to vector<16xf32>
    %get3A_639 = arith.constant 6 : i32
    %get3A_640 = arith.index_cast %get3A_639 : i32 to index
    %get3A_641 = arith.constant 32 : index
    %get3A_642 = tpu.vector_load %arg8[%get3A_640, %get3A_641] {strides = array<i32>} : memref<32x128xf32, #tpu.memory_space<vmem>>, vector<1x16xf32>,
    %get3A_643 = vector.shape_cast %get3A_642 : vector<1x16xf32> to vector<16xf32>
    %mul3A_644 = arith.mulf %get3A_638, %get3A_643 : vector<16xf32>
    %add3A_645 = arith.addf %add3A_633, %mul3A_644 : vector<16xf32>
    %get3A_646 = arith.constant 6 : i32
    %get3A_647 = arith.index_cast %get3A_646 : i32 to index
    %get3A_648 = arith.constant 48 : index
    %get3A_649 = tpu.vector_load %arg7[%get3A_647, %get3A_648] {strides = array<i32>} : memref<32x128xf32, #tpu.memory_space<vmem>>, vector<1x16xf32>,
    %get3A_650 = vector.shape_cast %get3A_649 : vector<1x16xf32> to vector<16xf32>
    %get3A_651 = arith.constant 6 : i32
    %get3A_652 = arith.index_cast %get3A_651 : i32 to index
    %get3A_653 = arith.constant 48 : index
    %get3A_654 = tpu.vector_load %arg8[%get3A_652, %get3A_653] {strides = array<i32>} : memref<32x128xf32, #tpu.memory_space<vmem>>, vector<1x16xf32>,
    %get3A_655 = vector.shape_cast %get3A_654 : vector<1x16xf32> to vector<16xf32>
    %mul3A_656 = arith.mulf %get3A_650, %get3A_655 : vector<16xf32>
    %add3A_657 = arith.addf %add3A_645, %mul3A_656 : vector<16xf32>
    %get3A_658 = arith.constant 6 : i32
    %get3A_659 = arith.index_cast %get3A_658 : i32 to index
    %get3A_660 = arith.constant 64 : index
    %get3A_661 = tpu.vector_load %arg7[%get3A_659, %get3A_660] {strides = array<i32>} : memref<32x128xf32, #tpu.memory_space<vmem>>, vector<1x16xf32>,
    %get3A_662 = vector.shape_cast %get3A_661 : vector<1x16xf32> to vector<16xf32>
    %get3A_663 = arith.constant 6 : i32
    %get3A_664 = arith.index_cast %get3A_663 : i32 to index
    %get3A_665 = arith.constant 64 : index
    %get3A_666 = tpu.vector_load %arg8[%get3A_664, %get3A_665] {strides = array<i32>} : memref<32x128xf32, #tpu.memory_space<vmem>>, vector<1x16xf32>,
    %get3A_667 = vector.shape_cast %get3A_666 : vector<1x16xf32> to vector<16xf32>
    %mul3A_668 = arith.mulf %get3A_662, %get3A_667 : vector<16xf32>
    %add3A_669 = arith.addf %add3A_657, %mul3A_668 : vector<16xf32>
    %get3A_670 = arith.constant 6 : i32
    %get3A_671 = arith.index_cast %get3A_670 : i32 to index
    %get3A_672 = arith.constant 80 : index
    %get3A_673 = tpu.vector_load %arg7[%get3A_671, %get3A_672] {strides = array<i32>} : memref<32x128xf32, #tpu.memory_space<vmem>>, vector<1x16xf32>,
    %get3A_674 = vector.shape_cast %get3A_673 : vector<1x16xf32> to vector<16xf32>
    %get3A_675 = arith.constant 6 : i32
    %get3A_676 = arith.index_cast %get3A_675 : i32 to index
    %get3A_677 = arith.constant 80 : index
    %get3A_678 = tpu.vector_load %arg8[%get3A_676, %get3A_677] {strides = array<i32>} : memref<32x128xf32, #tpu.memory_space<vmem>>, vector<1x16xf32>,
    %get3A_679 = vector.shape_cast %get3A_678 : vector<1x16xf32> to vector<16xf32>
    %mul3A_680 = arith.mulf %get3A_674, %get3A_679 : vector<16xf32>
    %add3A_681 = arith.addf %add3A_669, %mul3A_680 : vector<16xf32>
    %get3A_682 = arith.constant 6 : i32
    %get3A_683 = arith.index_cast %get3A_682 : i32 to index
    %get3A_684 = arith.constant 96 : index
    %get3A_685 = tpu.vector_load %arg7[%get3A_683, %get3A_684] {strides = array<i32>} : memref<32x128xf32, #tpu.memory_space<vmem>>, vector<1x16xf32>,
    %get3A_686 = vector.shape_cast %get3A_685 : vector<1x16xf32> to vector<16xf32>
    %get3A_687 = arith.constant 6 : i32
    %get3A_688 = arith.index_cast %get3A_687 : i32 to index
    %get3A_689 = arith.constant 96 : index
    %get3A_690 = tpu.vector_load %arg8[%get3A_688, %get3A_689] {strides = array<i32>} : memref<32x128xf32, #tpu.memory_space<vmem>>, vector<1x16xf32>,
    %get3A_691 = vector.shape_cast %get3A_690 : vector<1x16xf32> to vector<16xf32>
    %mul3A_692 = arith.mulf %get3A_686, %get3A_691 : vector<16xf32>
    %add3A_693 = arith.addf %add3A_681, %mul3A_692 : vector<16xf32>
    %get3A_694 = arith.constant 6 : i32
    %get3A_695 = arith.index_cast %get3A_694 : i32 to index
    %get3A_696 = arith.constant 112 : index
    %get3A_697 = tpu.vector_load %arg7[%get3A_695, %get3A_696] {strides = array<i32>} : memref<32x128xf32, #tpu.memory_space<vmem>>, vector<1x16xf32>,
    %get3A_698 = vector.shape_cast %get3A_697 : vector<1x16xf32> to vector<16xf32>
    %get3A_699 = arith.constant 6 : i32
    %get3A_700 = arith.index_cast %get3A_699 : i32 to index
    %get3A_701 = arith.constant 112 : index
    %get3A_702 = tpu.vector_load %arg8[%get3A_700, %get3A_701] {strides = array<i32>} : memref<32x128xf32, #tpu.memory_space<vmem>>, vector<1x16xf32>,
    %get3A_703 = vector.shape_cast %get3A_702 : vector<1x16xf32> to vector<16xf32>
    %mul3A_704 = arith.mulf %get3A_698, %get3A_703 : vector<16xf32>
    %add3A_705 = arith.addf %add3A_693, %mul3A_704 : vector<16xf32>
    %swap3A_706 = arith.constant 6 : i32
    %swap3A_707 = arith.index_cast %swap3A_706 : i32 to index
    %swap3A_708 = arith.constant 0 : index
    %swap3A_709 = tpu.vector_load %arg9[%swap3A_707, %swap3A_708] {strides = array<i32>} : memref<32x16xf32, #tpu.memory_space<vmem>>, vector<1x16xf32>,
    %swap3A_710 = vector.shape_cast %swap3A_709 : vector<1x16xf32> to vector<16xf32>
    %swap3A_711 = vector.shape_cast %add3A_705 : vector<16xf32> to vector<1x16xf32>
    tpu.vector_store %arg9[%swap3A_707, %swap3A_708], %swap3A_711 {strides = array<i32>} : memref<32x16xf32, #tpu.memory_space<vmem>>, vector<1x16xf32>,
    %get3A_712 = arith.constant 7 : i32
    %get3A_713 = arith.index_cast %get3A_712 : i32 to index
    %get3A_714 = arith.constant 0 : index
    %get3A_715 = tpu.vector_load %arg7[%get3A_713, %get3A_714] {strides = array<i32>} : memref<32x128xf32, #tpu.memory_space<vmem>>, vector<1x16xf32>,
    %get3A_716 = vector.shape_cast %get3A_715 : vector<1x16xf32> to vector<16xf32>
    %get3A_717 = arith.constant 7 : i32
    %get3A_718 = arith.index_cast %get3A_717 : i32 to index
    %get3A_719 = arith.constant 0 : index
    %get3A_720 = tpu.vector_load %arg8[%get3A_718, %get3A_719] {strides = array<i32>} : memref<32x128xf32, #tpu.memory_space<vmem>>, vector<1x16xf32>,
    %get3A_721 = vector.shape_cast %get3A_720 : vector<1x16xf32> to vector<16xf32>
    %mul3A_722 = arith.mulf %get3A_716, %get3A_721 : vector<16xf32>
    %get3A_723 = arith.constant 7 : i32
    %get3A_724 = arith.index_cast %get3A_723 : i32 to index
    %get3A_725 = arith.constant 16 : index
    %get3A_726 = tpu.vector_load %arg7[%get3A_724, %get3A_725] {strides = array<i32>} : memref<32x128xf32, #tpu.memory_space<vmem>>, vector<1x16xf32>,
    %get3A_727 = vector.shape_cast %get3A_726 : vector<1x16xf32> to vector<16xf32>
    %get3A_728 = arith.constant 7 : i32
    %get3A_729 = arith.index_cast %get3A_728 : i32 to index
    %get3A_730 = arith.constant 16 : index
    %get3A_731 = tpu.vector_load %arg8[%get3A_729, %get3A_730] {strides = array<i32>} : memref<32x128xf32, #tpu.memory_space<vmem>>, vector<1x16xf32>,
    %get3A_732 = vector.shape_cast %get3A_731 : vector<1x16xf32> to vector<16xf32>
    %mul3A_733 = arith.mulf %get3A_727, %get3A_732 : vector<16xf32>
    %add3A_734 = arith.addf %mul3A_722, %mul3A_733 : vector<16xf32>
    %get3A_735 = arith.constant 7 : i32
    %get3A_736 = arith.index_cast %get3A_735 : i32 to index
    %get3A_737 = arith.constant 32 : index
    %get3A_738 = tpu.vector_load %arg7[%get3A_736, %get3A_737] {strides = array<i32>} : memref<32x128xf32, #tpu.memory_space<vmem>>, vector<1x16xf32>,
    %get3A_739 = vector.shape_cast %get3A_738 : vector<1x16xf32> to vector<16xf32>
    %get3A_740 = arith.constant 7 : i32
    %get3A_741 = arith.index_cast %get3A_740 : i32 to index
    %get3A_742 = arith.constant 32 : index
    %get3A_743 = tpu.vector_load %arg8[%get3A_741, %get3A_742] {strides = array<i32>} : memref<32x128xf32, #tpu.memory_space<vmem>>, vector<1x16xf32>,
    %get3A_744 = vector.shape_cast %get3A_743 : vector<1x16xf32> to vector<16xf32>
    %mul3A_745 = arith.mulf %get3A_739, %get3A_744 : vector<16xf32>
    %add3A_746 = arith.addf %add3A_734, %mul3A_745 : vector<16xf32>
    %get3A_747 = arith.constant 7 : i32
    %get3A_748 = arith.index_cast %get3A_747 : i32 to index
    %get3A_749 = arith.constant 48 : index
    %get3A_750 = tpu.vector_load %arg7[%get3A_748, %get3A_749] {strides = array<i32>} : memref<32x128xf32, #tpu.memory_space<vmem>>, vector<1x16xf32>,
    %get3A_751 = vector.shape_cast %get3A_750 : vector<1x16xf32> to vector<16xf32>
    %get3A_752 = arith.constant 7 : i32
    %get3A_753 = arith.index_cast %get3A_752 : i32 to index
    %get3A_754 = arith.constant 48 : index
    %get3A_755 = tpu.vector_load %arg8[%get3A_753, %get3A_754] {strides = array<i32>} : memref<32x128xf32, #tpu.memory_space<vmem>>, vector<1x16xf32>,
    %get3A_756 = vector.shape_cast %get3A_755 : vector<1x16xf32> to vector<16xf32>
    %mul3A_757 = arith.mulf %get3A_751, %get3A_756 : vector<16xf32>
    %add3A_758 = arith.addf %add3A_746, %mul3A_757 : vector<16xf32>
    %get3A_759 = arith.constant 7 : i32
    %get3A_760 = arith.index_cast %get3A_759 : i32 to index
    %get3A_761 = arith.constant 64 : index
    %get3A_762 = tpu.vector_load %arg7[%get3A_760, %get3A_761] {strides = array<i32>} : memref<32x128xf32, #tpu.memory_space<vmem>>, vector<1x16xf32>,
    %get3A_763 = vector.shape_cast %get3A_762 : vector<1x16xf32> to vector<16xf32>
    %get3A_764 = arith.constant 7 : i32
    %get3A_765 = arith.index_cast %get3A_764 : i32 to index
    %get3A_766 = arith.constant 64 : index
    %get3A_767 = tpu.vector_load %arg8[%get3A_765, %get3A_766] {strides = array<i32>} : memref<32x128xf32, #tpu.memory_space<vmem>>, vector<1x16xf32>,
    %get3A_768 = vector.shape_cast %get3A_767 : vector<1x16xf32> to vector<16xf32>
    %mul3A_769 = arith.mulf %get3A_763, %get3A_768 : vector<16xf32>
    %add3A_770 = arith.addf %add3A_758, %mul3A_769 : vector<16xf32>
    %get3A_771 = arith.constant 7 : i32
    %get3A_772 = arith.index_cast %get3A_771 : i32 to index
    %get3A_773 = arith.constant 80 : index
    %get3A_774 = tpu.vector_load %arg7[%get3A_772, %get3A_773] {strides = array<i32>} : memref<32x128xf32, #tpu.memory_space<vmem>>, vector<1x16xf32>,
    %get3A_775 = vector.shape_cast %get3A_774 : vector<1x16xf32> to vector<16xf32>
    %get3A_776 = arith.constant 7 : i32
    %get3A_777 = arith.index_cast %get3A_776 : i32 to index
    %get3A_778 = arith.constant 80 : index
    %get3A_779 = tpu.vector_load %arg8[%get3A_777, %get3A_778] {strides = array<i32>} : memref<32x128xf32, #tpu.memory_space<vmem>>, vector<1x16xf32>,
    %get3A_780 = vector.shape_cast %get3A_779 : vector<1x16xf32> to vector<16xf32>
    %mul3A_781 = arith.mulf %get3A_775, %get3A_780 : vector<16xf32>
    %add3A_782 = arith.addf %add3A_770, %mul3A_781 : vector<16xf32>
    %get3A_783 = arith.constant 7 : i32
    %get3A_784 = arith.index_cast %get3A_783 : i32 to index
    %get3A_785 = arith.constant 96 : index
    %get3A_786 = tpu.vector_load %arg7[%get3A_784, %get3A_785] {strides = array<i32>} : memref<32x128xf32, #tpu.memory_space<vmem>>, vector<1x16xf32>,
    %get3A_787 = vector.shape_cast %get3A_786 : vector<1x16xf32> to vector<16xf32>
    %get3A_788 = arith.constant 7 : i32
    %get3A_789 = arith.index_cast %get3A_788 : i32 to index
    %get3A_790 = arith.constant 96 : index
    %get3A_791 = tpu.vector_load %arg8[%get3A_789, %get3A_790] {strides = array<i32>} : memref<32x128xf32, #tpu.memory_space<vmem>>, vector<1x16xf32>,
    %get3A_792 = vector.shape_cast %get3A_791 : vector<1x16xf32> to vector<16xf32>
    %mul3A_793 = arith.mulf %get3A_787, %get3A_792 : vector<16xf32>
    %add3A_794 = arith.addf %add3A_782, %mul3A_793 : vector<16xf32>
    %get3A_795 = arith.constant 7 : i32
    %get3A_796 = arith.index_cast %get3A_795 : i32 to index
    %get3A_797 = arith.constant 112 : index
    %get3A_798 = tpu.vector_load %arg7[%get3A_796, %get3A_797] {strides = array<i32>} : memref<32x128xf32, #tpu.memory_space<vmem>>, vector<1x16xf32>,
    %get3A_799 = vector.shape_cast %get3A_798 : vector<1x16xf32> to vector<16xf32>
    %get3A_800 = arith.constant 7 : i32
    %get3A_801 = arith.index_cast %get3A_800 : i32 to index
    %get3A_802 = arith.constant 112 : index
    %get3A_803 = tpu.vector_load %arg8[%get3A_801, %get3A_802] {strides = array<i32>} : memref<32x128xf32, #tpu.memory_space<vmem>>, vector<1x16xf32>,
    %get3A_804 = vector.shape_cast %get3A_803 : vector<1x16xf32> to vector<16xf32>
    %mul3A_805 = arith.mulf %get3A_799, %get3A_804 : vector<16xf32>
    %add3A_806 = arith.addf %add3A_794, %mul3A_805 : vector<16xf32>
    %swap3A_807 = arith.constant 7 : i32
    %swap3A_808 = arith.index_cast %swap3A_807 : i32 to index
    %swap3A_809 = arith.constant 0 : index
    %swap3A_810 = tpu.vector_load %arg9[%swap3A_808, %swap3A_809] {strides = array<i32>} : memref<32x16xf32, #tpu.memory_space<vmem>>, vector<1x16xf32>,
    %swap3A_811 = vector.shape_cast %swap3A_810 : vector<1x16xf32> to vector<16xf32>
    %swap3A_812 = vector.shape_cast %add3A_806 : vector<16xf32> to vector<1x16xf32>
    tpu.vector_store %arg9[%swap3A_808, %swap3A_809], %swap3A_812 {strides = array<i32>} : memref<32x16xf32, #tpu.memory_space<vmem>>, vector<1x16xf32>,
    %get3A_813 = arith.constant 8 : i32
    %get3A_814 = arith.index_cast %get3A_813 : i32 to index
    %get3A_815 = arith.constant 0 : index
    %get3A_816 = tpu.vector_load %arg7[%get3A_814, %get3A_815] {strides = array<i32>} : memref<32x128xf32, #tpu.memory_space<vmem>>, vector<1x16xf32>,
    %get3A_817 = vector.shape_cast %get3A_816 : vector<1x16xf32> to vector<16xf32>
    %get3A_818 = arith.constant 8 : i32
    %get3A_819 = arith.index_cast %get3A_818 : i32 to index
    %get3A_820 = arith.constant 0 : index
    %get3A_821 = tpu.vector_load %arg8[%get3A_819, %get3A_820] {strides = array<i32>} : memref<32x128xf32, #tpu.memory_space<vmem>>, vector<1x16xf32>,
    %get3A_822 = vector.shape_cast %get3A_821 : vector<1x16xf32> to vector<16xf32>
    %mul3A_823 = arith.mulf %get3A_817, %get3A_822 : vector<16xf32>
    %get3A_824 = arith.constant 8 : i32
    %get3A_825 = arith.index_cast %get3A_824 : i32 to index
    %get3A_826 = arith.constant 16 : index
    %get3A_827 = tpu.vector_load %arg7[%get3A_825, %get3A_826] {strides = array<i32>} : memref<32x128xf32, #tpu.memory_space<vmem>>, vector<1x16xf32>,
    %get3A_828 = vector.shape_cast %get3A_827 : vector<1x16xf32> to vector<16xf32>
    %get3A_829 = arith.constant 8 : i32
    %get3A_830 = arith.index_cast %get3A_829 : i32 to index
    %get3A_831 = arith.constant 16 : index
    %get3A_832 = tpu.vector_load %arg8[%get3A_830, %get3A_831] {strides = array<i32>} : memref<32x128xf32, #tpu.memory_space<vmem>>, vector<1x16xf32>,
    %get3A_833 = vector.shape_cast %get3A_832 : vector<1x16xf32> to vector<16xf32>
    %mul3A_834 = arith.mulf %get3A_828, %get3A_833 : vector<16xf32>
    %add3A_835 = arith.addf %mul3A_823, %mul3A_834 : vector<16xf32>
    %get3A_836 = arith.constant 8 : i32
    %get3A_837 = arith.index_cast %get3A_836 : i32 to index
    %get3A_838 = arith.constant 32 : index
    %get3A_839 = tpu.vector_load %arg7[%get3A_837, %get3A_838] {strides = array<i32>} : memref<32x128xf32, #tpu.memory_space<vmem>>, vector<1x16xf32>,
    %get3A_840 = vector.shape_cast %get3A_839 : vector<1x16xf32> to vector<16xf32>
    %get3A_841 = arith.constant 8 : i32
    %get3A_842 = arith.index_cast %get3A_841 : i32 to index
    %get3A_843 = arith.constant 32 : index
    %get3A_844 = tpu.vector_load %arg8[%get3A_842, %get3A_843] {strides = array<i32>} : memref<32x128xf32, #tpu.memory_space<vmem>>, vector<1x16xf32>,
    %get3A_845 = vector.shape_cast %get3A_844 : vector<1x16xf32> to vector<16xf32>
    %mul3A_846 = arith.mulf %get3A_840, %get3A_845 : vector<16xf32>
    %add3A_847 = arith.addf %add3A_835, %mul3A_846 : vector<16xf32>
    %get3A_848 = arith.constant 8 : i32
    %get3A_849 = arith.index_cast %get3A_848 : i32 to index
    %get3A_850 = arith.constant 48 : index
    %get3A_851 = tpu.vector_load %arg7[%get3A_849, %get3A_850] {strides = array<i32>} : memref<32x128xf32, #tpu.memory_space<vmem>>, vector<1x16xf32>,
    %get3A_852 = vector.shape_cast %get3A_851 : vector<1x16xf32> to vector<16xf32>
    %get3A_853 = arith.constant 8 : i32
    %get3A_854 = arith.index_cast %get3A_853 : i32 to index
    %get3A_855 = arith.constant 48 : index
    %get3A_856 = tpu.vector_load %arg8[%get3A_854, %get3A_855] {strides = array<i32>} : memref<32x128xf32, #tpu.memory_space<vmem>>, vector<1x16xf32>,
    %get3A_857 = vector.shape_cast %get3A_856 : vector<1x16xf32> to vector<16xf32>
    %mul3A_858 = arith.mulf %get3A_852, %get3A_857 : vector<16xf32>
    %add3A_859 = arith.addf %add3A_847, %mul3A_858 : vector<16xf32>
    %get3A_860 = arith.constant 8 : i32
    %get3A_861 = arith.index_cast %get3A_860 : i32 to index
    %get3A_862 = arith.constant 64 : index
    %get3A_863 = tpu.vector_load %arg7[%get3A_861, %get3A_862] {strides = array<i32>} : memref<32x128xf32, #tpu.memory_space<vmem>>, vector<1x16xf32>,
    %get3A_864 = vector.shape_cast %get3A_863 : vector<1x16xf32> to vector<16xf32>
    %get3A_865 = arith.constant 8 : i32
    %get3A_866 = arith.index_cast %get3A_865 : i32 to index
    %get3A_867 = arith.constant 64 : index
    %get3A_868 = tpu.vector_load %arg8[%get3A_866, %get3A_867] {strides = array<i32>} : memref<32x128xf32, #tpu.memory_space<vmem>>, vector<1x16xf32>,
    %get3A_869 = vector.shape_cast %get3A_868 : vector<1x16xf32> to vector<16xf32>
    %mul3A_870 = arith.mulf %get3A_864, %get3A_869 : vector<16xf32>
    %add3A_871 = arith.addf %add3A_859, %mul3A_870 : vector<16xf32>
    %get3A_872 = arith.constant 8 : i32
    %get3A_873 = arith.index_cast %get3A_872 : i32 to index
    %get3A_874 = arith.constant 80 : index
    %get3A_875 = tpu.vector_load %arg7[%get3A_873, %get3A_874] {strides = array<i32>} : memref<32x128xf32, #tpu.memory_space<vmem>>, vector<1x16xf32>,
    %get3A_876 = vector.shape_cast %get3A_875 : vector<1x16xf32> to vector<16xf32>
    %get3A_877 = arith.constant 8 : i32
    %get3A_878 = arith.index_cast %get3A_877 : i32 to index
    %get3A_879 = arith.constant 80 : index
    %get3A_880 = tpu.vector_load %arg8[%get3A_878, %get3A_879] {strides = array<i32>} : memref<32x128xf32, #tpu.memory_space<vmem>>, vector<1x16xf32>,
    %get3A_881 = vector.shape_cast %get3A_880 : vector<1x16xf32> to vector<16xf32>
    %mul3A_882 = arith.mulf %get3A_876, %get3A_881 : vector<16xf32>
    %add3A_883 = arith.addf %add3A_871, %mul3A_882 : vector<16xf32>
    %get3A_884 = arith.constant 8 : i32
    %get3A_885 = arith.index_cast %get3A_884 : i32 to index
    %get3A_886 = arith.constant 96 : index
    %get3A_887 = tpu.vector_load %arg7[%get3A_885, %get3A_886] {strides = array<i32>} : memref<32x128xf32, #tpu.memory_space<vmem>>, vector<1x16xf32>,
    %get3A_888 = vector.shape_cast %get3A_887 : vector<1x16xf32> to vector<16xf32>
    %get3A_889 = arith.constant 8 : i32
    %get3A_890 = arith.index_cast %get3A_889 : i32 to index
    %get3A_891 = arith.constant 96 : index
    %get3A_892 = tpu.vector_load %arg8[%get3A_890, %get3A_891] {strides = array<i32>} : memref<32x128xf32, #tpu.memory_space<vmem>>, vector<1x16xf32>,
    %get3A_893 = vector.shape_cast %get3A_892 : vector<1x16xf32> to vector<16xf32>
    %mul3A_894 = arith.mulf %get3A_888, %get3A_893 : vector<16xf32>
    %add3A_895 = arith.addf %add3A_883, %mul3A_894 : vector<16xf32>
    %get3A_896 = arith.constant 8 : i32
    %get3A_897 = arith.index_cast %get3A_896 : i32 to index
    %get3A_898 = arith.constant 112 : index
    %get3A_899 = tpu.vector_load %arg7[%get3A_897, %get3A_898] {strides = array<i32>} : memref<32x128xf32, #tpu.memory_space<vmem>>, vector<1x16xf32>,
    %get3A_900 = vector.shape_cast %get3A_899 : vector<1x16xf32> to vector<16xf32>
    %get3A_901 = arith.constant 8 : i32
    %get3A_902 = arith.index_cast %get3A_901 : i32 to index
    %get3A_903 = arith.constant 112 : index
    %get3A_904 = tpu.vector_load %arg8[%get3A_902, %get3A_903] {strides = array<i32>} : memref<32x128xf32, #tpu.memory_space<vmem>>, vector<1x16xf32>,
    %get3A_905 = vector.shape_cast %get3A_904 : vector<1x16xf32> to vector<16xf32>
    %mul3A_906 = arith.mulf %get3A_900, %get3A_905 : vector<16xf32>
    %add3A_907 = arith.addf %add3A_895, %mul3A_906 : vector<16xf32>
    %swap3A_908 = arith.constant 8 : i32
    %swap3A_909 = arith.index_cast %swap3A_908 : i32 to index
    %swap3A_910 = arith.constant 0 : index
    %swap3A_911 = tpu.vector_load %arg9[%swap3A_909, %swap3A_910] {strides = array<i32>} : memref<32x16xf32, #tpu.memory_space<vmem>>, vector<1x16xf32>,
    %swap3A_912 = vector.shape_cast %swap3A_911 : vector<1x16xf32> to vector<16xf32>
    %swap3A_913 = vector.shape_cast %add3A_907 : vector<16xf32> to vector<1x16xf32>
    tpu.vector_store %arg9[%swap3A_909, %swap3A_910], %swap3A_913 {strides = array<i32>} : memref<32x16xf32, #tpu.memory_space<vmem>>, vector<1x16xf32>,
    %get3A_914 = arith.constant 9 : i32
    %get3A_915 = arith.index_cast %get3A_914 : i32 to index
    %get3A_916 = arith.constant 0 : index
    %get3A_917 = tpu.vector_load %arg7[%get3A_915, %get3A_916] {strides = array<i32>} : memref<32x128xf32, #tpu.memory_space<vmem>>, vector<1x16xf32>,
    %get3A_918 = vector.shape_cast %get3A_917 : vector<1x16xf32> to vector<16xf32>
    %get3A_919 = arith.constant 9 : i32
    %get3A_920 = arith.index_cast %get3A_919 : i32 to index
    %get3A_921 = arith.constant 0 : index
    %get3A_922 = tpu.vector_load %arg8[%get3A_920, %get3A_921] {strides = array<i32>} : memref<32x128xf32, #tpu.memory_space<vmem>>, vector<1x16xf32>,
    %get3A_923 = vector.shape_cast %get3A_922 : vector<1x16xf32> to vector<16xf32>
    %mul3A_924 = arith.mulf %get3A_918, %get3A_923 : vector<16xf32>
    %get3A_925 = arith.constant 9 : i32
    %get3A_926 = arith.index_cast %get3A_925 : i32 to index
    %get3A_927 = arith.constant 16 : index
    %get3A_928 = tpu.vector_load %arg7[%get3A_926, %get3A_927] {strides = array<i32>} : memref<32x128xf32, #tpu.memory_space<vmem>>, vector<1x16xf32>,
    %get3A_929 = vector.shape_cast %get3A_928 : vector<1x16xf32> to vector<16xf32>
    %get3A_930 = arith.constant 9 : i32
    %get3A_931 = arith.index_cast %get3A_930 : i32 to index
    %get3A_932 = arith.constant 16 : index
    %get3A_933 = tpu.vector_load %arg8[%get3A_931, %get3A_932] {strides = array<i32>} : memref<32x128xf32, #tpu.memory_space<vmem>>, vector<1x16xf32>,
    %get3A_934 = vector.shape_cast %get3A_933 : vector<1x16xf32> to vector<16xf32>
    %mul3A_935 = arith.mulf %get3A_929, %get3A_934 : vector<16xf32>
    %add3A_936 = arith.addf %mul3A_924, %mul3A_935 : vector<16xf32>
    %get3A_937 = arith.constant 9 : i32
    %get3A_938 = arith.index_cast %get3A_937 : i32 to index
    %get3A_939 = arith.constant 32 : index
    %get3A_940 = tpu.vector_load %arg7[%get3A_938, %get3A_939] {strides = array<i32>} : memref<32x128xf32, #tpu.memory_space<vmem>>, vector<1x16xf32>,
    %get3A_941 = vector.shape_cast %get3A_940 : vector<1x16xf32> to vector<16xf32>
    %get3A_942 = arith.constant 9 : i32
    %get3A_943 = arith.index_cast %get3A_942 : i32 to index
    %get3A_944 = arith.constant 32 : index
    %get3A_945 = tpu.vector_load %arg8[%get3A_943, %get3A_944] {strides = array<i32>} : memref<32x128xf32, #tpu.memory_space<vmem>>, vector<1x16xf32>,
    %get3A_946 = vector.shape_cast %get3A_945 : vector<1x16xf32> to vector<16xf32>
    %mul3A_947 = arith.mulf %get3A_941, %get3A_946 : vector<16xf32>
    %add3A_948 = arith.addf %add3A_936, %mul3A_947 : vector<16xf32>
    %get3A_949 = arith.constant 9 : i32
    %get3A_950 = arith.index_cast %get3A_949 : i32 to index
    %get3A_951 = arith.constant 48 : index
    %get3A_952 = tpu.vector_load %arg7[%get3A_950, %get3A_951] {strides = array<i32>} : memref<32x128xf32, #tpu.memory_space<vmem>>, vector<1x16xf32>,
    %get3A_953 = vector.shape_cast %get3A_952 : vector<1x16xf32> to vector<16xf32>
    %get3A_954 = arith.constant 9 : i32
    %get3A_955 = arith.index_cast %get3A_954 : i32 to index
    %get3A_956 = arith.constant 48 : index
    %get3A_957 = tpu.vector_load %arg8[%get3A_955, %get3A_956] {strides = array<i32>} : memref<32x128xf32, #tpu.memory_space<vmem>>, vector<1x16xf32>,
    %get3A_958 = vector.shape_cast %get3A_957 : vector<1x16xf32> to vector<16xf32>
    %mul3A_959 = arith.mulf %get3A_953, %get3A_958 : vector<16xf32>
    %add3A_960 = arith.addf %add3A_948, %mul3A_959 : vector<16xf32>
    %get3A_961 = arith.constant 9 : i32
    %get3A_962 = arith.index_cast %get3A_961 : i32 to index
    %get3A_963 = arith.constant 64 : index
    %get3A_964 = tpu.vector_load %arg7[%get3A_962, %get3A_963] {strides = array<i32>} : memref<32x128xf32, #tpu.memory_space<vmem>>, vector<1x16xf32>,
    %get3A_965 = vector.shape_cast %get3A_964 : vector<1x16xf32> to vector<16xf32>
    %get3A_966 = arith.constant 9 : i32
    %get3A_967 = arith.index_cast %get3A_966 : i32 to index
    %get3A_968 = arith.constant 64 : index
    %get3A_969 = tpu.vector_load %arg8[%get3A_967, %get3A_968] {strides = array<i32>} : memref<32x128xf32, #tpu.memory_space<vmem>>, vector<1x16xf32>,
    %get3A_970 = vector.shape_cast %get3A_969 : vector<1x16xf32> to vector<16xf32>
    %mul3A_971 = arith.mulf %get3A_965, %get3A_970 : vector<16xf32>
    %add3A_972 = arith.addf %add3A_960, %mul3A_971 : vector<16xf32>
    %get3A_973 = arith.constant 9 : i32
    %get3A_974 = arith.index_cast %get3A_973 : i32 to index
    %get3A_975 = arith.constant 80 : index
    %get3A_976 = tpu.vector_load %arg7[%get3A_974, %get3A_975] {strides = array<i32>} : memref<32x128xf32, #tpu.memory_space<vmem>>, vector<1x16xf32>,
    %get3A_977 = vector.shape_cast %get3A_976 : vector<1x16xf32> to vector<16xf32>
    %get3A_978 = arith.constant 9 : i32
    %get3A_979 = arith.index_cast %get3A_978 : i32 to index
    %get3A_980 = arith.constant 80 : index
    %get3A_981 = tpu.vector_load %arg8[%get3A_979, %get3A_980] {strides = array<i32>} : memref<32x128xf32, #tpu.memory_space<vmem>>, vector<1x16xf32>,
    %get3A_982 = vector.shape_cast %get3A_981 : vector<1x16xf32> to vector<16xf32>
    %mul3A_983 = arith.mulf %get3A_977, %get3A_982 : vector<16xf32>
    %add3A_984 = arith.addf %add3A_972, %mul3A_983 : vector<16xf32>
    %get3A_985 = arith.constant 9 : i32
    %get3A_986 = arith.index_cast %get3A_985 : i32 to index
    %get3A_987 = arith.constant 96 : index
    %get3A_988 = tpu.vector_load %arg7[%get3A_986, %get3A_987] {strides = array<i32>} : memref<32x128xf32, #tpu.memory_space<vmem>>, vector<1x16xf32>,
    %get3A_989 = vector.shape_cast %get3A_988 : vector<1x16xf32> to vector<16xf32>
    %get3A_990 = arith.constant 9 : i32
    %get3A_991 = arith.index_cast %get3A_990 : i32 to index
    %get3A_992 = arith.constant 96 : index
    %get3A_993 = tpu.vector_load %arg8[%get3A_991, %get3A_992] {strides = array<i32>} : memref<32x128xf32, #tpu.memory_space<vmem>>, vector<1x16xf32>,
    %get3A_994 = vector.shape_cast %get3A_993 : vector<1x16xf32> to vector<16xf32>
    %mul3A_995 = arith.mulf %get3A_989, %get3A_994 : vector<16xf32>
    %add3A_996 = arith.addf %add3A_984, %mul3A_995 : vector<16xf32>
    %get3A_997 = arith.constant 9 : i32
    %get3A_998 = arith.index_cast %get3A_997 : i32 to index
    %get3A_999 = arith.constant 112 : index
    %get3A_1000 = tpu.vector_load %arg7[%get3A_998, %get3A_999] {strides = array<i32>} : memref<32x128xf32, #tpu.memory_space<vmem>>, vector<1x16xf32>,
    %get3A_1001 = vector.shape_cast %get3A_1000 : vector<1x16xf32> to vector<16xf32>
    %get3A_1002 = arith.constant 9 : i32
    %get3A_1003 = arith.index_cast %get3A_1002 : i32 to index
    %get3A_1004 = arith.constant 112 : index
    %get3A_1005 = tpu.vector_load %arg8[%get3A_1003, %get3A_1004] {strides = array<i32>} : memref<32x128xf32, #tpu.memory_space<vmem>>, vector<1x16xf32>,
    %get3A_1006 = vector.shape_cast %get3A_1005 : vector<1x16xf32> to vector<16xf32>
    %mul3A_1007 = arith.mulf %get3A_1001, %get3A_1006 : vector<16xf32>
    %add3A_1008 = arith.addf %add3A_996, %mul3A_1007 : vector<16xf32>
    %swap3A_1009 = arith.constant 9 : i32
    %swap3A_1010 = arith.index_cast %swap3A_1009 : i32 to index
    %swap3A_1011 = arith.constant 0 : index
    %swap3A_1012 = tpu.vector_load %arg9[%swap3A_1010, %swap3A_1011] {strides = array<i32>} : memref<32x16xf32, #tpu.memory_space<vmem>>, vector<1x16xf32>,
    %swap3A_1013 = vector.shape_cast %swap3A_1012 : vector<1x16xf32> to vector<16xf32>
    %swap3A_1014 = vector.shape_cast %add3A_1008 : vector<16xf32> to vector<1x16xf32>
    tpu.vector_store %arg9[%swap3A_1010, %swap3A_1011], %swap3A_1014 {strides = array<i32>} : memref<32x16xf32, #tpu.memory_space<vmem>>, vector<1x16xf32>,
    %get3A_1015 = arith.constant 10 : i32
    %get3A_1016 = arith.index_cast %get3A_1015 : i32 to index
    %get3A_1017 = arith.constant 0 : index
    %get3A_1018 = tpu.vector_load %arg7[%get3A_1016, %get3A_1017] {strides = array<i32>} : memref<32x128xf32, #tpu.memory_space<vmem>>, vector<1x16xf32>,
    %get3A_1019 = vector.shape_cast %get3A_1018 : vector<1x16xf32> to vector<16xf32>
    %get3A_1020 = arith.constant 10 : i32
    %get3A_1021 = arith.index_cast %get3A_1020 : i32 to index
    %get3A_1022 = arith.constant 0 : index
    %get3A_1023 = tpu.vector_load %arg8[%get3A_1021, %get3A_1022] {strides = array<i32>} : memref<32x128xf32, #tpu.memory_space<vmem>>, vector<1x16xf32>,
    %get3A_1024 = vector.shape_cast %get3A_1023 : vector<1x16xf32> to vector<16xf32>
    %mul3A_1025 = arith.mulf %get3A_1019, %get3A_1024 : vector<16xf32>
    %get3A_1026 = arith.constant 10 : i32
    %get3A_1027 = arith.index_cast %get3A_1026 : i32 to index
    %get3A_1028 = arith.constant 16 : index
    %get3A_1029 = tpu.vector_load %arg7[%get3A_1027, %get3A_1028] {strides = array<i32>} : memref<32x128xf32, #tpu.memory_space<vmem>>, vector<1x16xf32>,
    %get3A_1030 = vector.shape_cast %get3A_1029 : vector<1x16xf32> to vector<16xf32>
    %get3A_1031 = arith.constant 10 : i32
    %get3A_1032 = arith.index_cast %get3A_1031 : i32 to index
    %get3A_1033 = arith.constant 16 : index
    %get3A_1034 = tpu.vector_load %arg8[%get3A_1032, %get3A_1033] {strides = array<i32>} : memref<32x128xf32, #tpu.memory_space<vmem>>, vector<1x16xf32>,
    %get3A_1035 = vector.shape_cast %get3A_1034 : vector<1x16xf32> to vector<16xf32>
    %mul3A_1036 = arith.mulf %get3A_1030, %get3A_1035 : vector<16xf32>
    %add3A_1037 = arith.addf %mul3A_1025, %mul3A_1036 : vector<16xf32>
    %get3A_1038 = arith.constant 10 : i32
    %get3A_1039 = arith.index_cast %get3A_1038 : i32 to index
    %get3A_1040 = arith.constant 32 : index
    %get3A_1041 = tpu.vector_load %arg7[%get3A_1039, %get3A_1040] {strides = array<i32>} : memref<32x128xf32, #tpu.memory_space<vmem>>, vector<1x16xf32>,
    %get3A_1042 = vector.shape_cast %get3A_1041 : vector<1x16xf32> to vector<16xf32>
    %get3A_1043 = arith.constant 10 : i32
    %get3A_1044 = arith.index_cast %get3A_1043 : i32 to index
    %get3A_1045 = arith.constant 32 : index
    %get3A_1046 = tpu.vector_load %arg8[%get3A_1044, %get3A_1045] {strides = array<i32>} : memref<32x128xf32, #tpu.memory_space<vmem>>, vector<1x16xf32>,
    %get3A_1047 = vector.shape_cast %get3A_1046 : vector<1x16xf32> to vector<16xf32>
    %mul3A_1048 = arith.mulf %get3A_1042, %get3A_1047 : vector<16xf32>
    %add3A_1049 = arith.addf %add3A_1037, %mul3A_1048 : vector<16xf32>
    %get3A_1050 = arith.constant 10 : i32
    %get3A_1051 = arith.index_cast %get3A_1050 : i32 to index
    %get3A_1052 = arith.constant 48 : index
    %get3A_1053 = tpu.vector_load %arg7[%get3A_1051, %get3A_1052] {strides = array<i32>} : memref<32x128xf32, #tpu.memory_space<vmem>>, vector<1x16xf32>,
    %get3A_1054 = vector.shape_cast %get3A_1053 : vector<1x16xf32> to vector<16xf32>
    %get3A_1055 = arith.constant 10 : i32
    %get3A_1056 = arith.index_cast %get3A_1055 : i32 to index
    %get3A_1057 = arith.constant 48 : index
    %get3A_1058 = tpu.vector_load %arg8[%get3A_1056, %get3A_1057] {strides = array<i32>} : memref<32x128xf32, #tpu.memory_space<vmem>>, vector<1x16xf32>,
    %get3A_1059 = vector.shape_cast %get3A_1058 : vector<1x16xf32> to vector<16xf32>
    %mul3A_1060 = arith.mulf %get3A_1054, %get3A_1059 : vector<16xf32>
    %add3A_1061 = arith.addf %add3A_1049, %mul3A_1060 : vector<16xf32>
    %get3A_1062 = arith.constant 10 : i32
    %get3A_1063 = arith.index_cast %get3A_1062 : i32 to index
    %get3A_1064 = arith.constant 64 : index
    %get3A_1065 = tpu.vector_load %arg7[%get3A_1063, %get3A_1064] {strides = array<i32>} : memref<32x128xf32, #tpu.memory_space<vmem>>, vector<1x16xf32>,
    %get3A_1066 = vector.shape_cast %get3A_1065 : vector<1x16xf32> to vector<16xf32>
    %get3A_1067 = arith.constant 10 : i32
    %get3A_1068 = arith.index_cast %get3A_1067 : i32 to index
    %get3A_1069 = arith.constant 64 : index
    %get3A_1070 = tpu.vector_load %arg8[%get3A_1068, %get3A_1069] {strides = array<i32>} : memref<32x128xf32, #tpu.memory_space<vmem>>, vector<1x16xf32>,
    %get3A_1071 = vector.shape_cast %get3A_1070 : vector<1x16xf32> to vector<16xf32>
    %mul3A_1072 = arith.mulf %get3A_1066, %get3A_1071 : vector<16xf32>
    %add3A_1073 = arith.addf %add3A_1061, %mul3A_1072 : vector<16xf32>
    %get3A_1074 = arith.constant 10 : i32
    %get3A_1075 = arith.index_cast %get3A_1074 : i32 to index
    %get3A_1076 = arith.constant 80 : index
    %get3A_1077 = tpu.vector_load %arg7[%get3A_1075, %get3A_1076] {strides = array<i32>} : memref<32x128xf32, #tpu.memory_space<vmem>>, vector<1x16xf32>,
    %get3A_1078 = vector.shape_cast %get3A_1077 : vector<1x16xf32> to vector<16xf32>
    %get3A_1079 = arith.constant 10 : i32
    %get3A_1080 = arith.index_cast %get3A_1079 : i32 to index
    %get3A_1081 = arith.constant 80 : index
    %get3A_1082 = tpu.vector_load %arg8[%get3A_1080, %get3A_1081] {strides = array<i32>} : memref<32x128xf32, #tpu.memory_space<vmem>>, vector<1x16xf32>,
    %get3A_1083 = vector.shape_cast %get3A_1082 : vector<1x16xf32> to vector<16xf32>
    %mul3A_1084 = arith.mulf %get3A_1078, %get3A_1083 : vector<16xf32>
    %add3A_1085 = arith.addf %add3A_1073, %mul3A_1084 : vector<16xf32>
    %get3A_1086 = arith.constant 10 : i32
    %get3A_1087 = arith.index_cast %get3A_1086 : i32 to index
    %get3A_1088 = arith.constant 96 : index
    %get3A_1089 = tpu.vector_load %arg7[%get3A_1087, %get3A_1088] {strides = array<i32>} : memref<32x128xf32, #tpu.memory_space<vmem>>, vector<1x16xf32>,
    %get3A_1090 = vector.shape_cast %get3A_1089 : vector<1x16xf32> to vector<16xf32>
    %get3A_1091 = arith.constant 10 : i32
    %get3A_1092 = arith.index_cast %get3A_1091 : i32 to index
    %get3A_1093 = arith.constant 96 : index
    %get3A_1094 = tpu.vector_load %arg8[%get3A_1092, %get3A_1093] {strides = array<i32>} : memref<32x128xf32, #tpu.memory_space<vmem>>, vector<1x16xf32>,
    %get3A_1095 = vector.shape_cast %get3A_1094 : vector<1x16xf32> to vector<16xf32>
    %mul3A_1096 = arith.mulf %get3A_1090, %get3A_1095 : vector<16xf32>
    %add3A_1097 = arith.addf %add3A_1085, %mul3A_1096 : vector<16xf32>
    %get3A_1098 = arith.constant 10 : i32
    %get3A_1099 = arith.index_cast %get3A_1098 : i32 to index
    %get3A_1100 = arith.constant 112 : index
    %get3A_1101 = tpu.vector_load %arg7[%get3A_1099, %get3A_1100] {strides = array<i32>} : memref<32x128xf32, #tpu.memory_space<vmem>>, vector<1x16xf32>,
    %get3A_1102 = vector.shape_cast %get3A_1101 : vector<1x16xf32> to vector<16xf32>
    %get3A_1103 = arith.constant 10 : i32
    %get3A_1104 = arith.index_cast %get3A_1103 : i32 to index
    %get3A_1105 = arith.constant 112 : index
    %get3A_1106 = tpu.vector_load %arg8[%get3A_1104, %get3A_1105] {strides = array<i32>} : memref<32x128xf32, #tpu.memory_space<vmem>>, vector<1x16xf32>,
    %get3A_1107 = vector.shape_cast %get3A_1106 : vector<1x16xf32> to vector<16xf32>
    %mul3A_1108 = arith.mulf %get3A_1102, %get3A_1107 : vector<16xf32>
    %add3A_1109 = arith.addf %add3A_1097, %mul3A_1108 : vector<16xf32>
    %swap3A_1110 = arith.constant 10 : i32
    %swap3A_1111 = arith.index_cast %swap3A_1110 : i32 to index
    %swap3A_1112 = arith.constant 0 : index
    %swap3A_1113 = tpu.vector_load %arg9[%swap3A_1111, %swap3A_1112] {strides = array<i32>} : memref<32x16xf32, #tpu.memory_space<vmem>>, vector<1x16xf32>,
    %swap3A_1114 = vector.shape_cast %swap3A_1113 : vector<1x16xf32> to vector<16xf32>
    %swap3A_1115 = vector.shape_cast %add3A_1109 : vector<16xf32> to vector<1x16xf32>
    tpu.vector_store %arg9[%swap3A_1111, %swap3A_1112], %swap3A_1115 {strides = array<i32>} : memref<32x16xf32, #tpu.memory_space<vmem>>, vector<1x16xf32>,
    %get3A_1116 = arith.constant 11 : i32
    %get3A_1117 = arith.index_cast %get3A_1116 : i32 to index
    %get3A_1118 = arith.constant 0 : index
    %get3A_1119 = tpu.vector_load %arg7[%get3A_1117, %get3A_1118] {strides = array<i32>} : memref<32x128xf32, #tpu.memory_space<vmem>>, vector<1x16xf32>,
    %get3A_1120 = vector.shape_cast %get3A_1119 : vector<1x16xf32> to vector<16xf32>
    %get3A_1121 = arith.constant 11 : i32
    %get3A_1122 = arith.index_cast %get3A_1121 : i32 to index
    %get3A_1123 = arith.constant 0 : index
    %get3A_1124 = tpu.vector_load %arg8[%get3A_1122, %get3A_1123] {strides = array<i32>} : memref<32x128xf32, #tpu.memory_space<vmem>>, vector<1x16xf32>,
    %get3A_1125 = vector.shape_cast %get3A_1124 : vector<1x16xf32> to vector<16xf32>
    %mul3A_1126 = arith.mulf %get3A_1120, %get3A_1125 : vector<16xf32>
    %get3A_1127 = arith.constant 11 : i32
    %get3A_1128 = arith.index_cast %get3A_1127 : i32 to index
    %get3A_1129 = arith.constant 16 : index
    %get3A_1130 = tpu.vector_load %arg7[%get3A_1128, %get3A_1129] {strides = array<i32>} : memref<32x128xf32, #tpu.memory_space<vmem>>, vector<1x16xf32>,
    %get3A_1131 = vector.shape_cast %get3A_1130 : vector<1x16xf32> to vector<16xf32>
    %get3A_1132 = arith.constant 11 : i32
    %get3A_1133 = arith.index_cast %get3A_1132 : i32 to index
    %get3A_1134 = arith.constant 16 : index
    %get3A_1135 = tpu.vector_load %arg8[%get3A_1133, %get3A_1134] {strides = array<i32>} : memref<32x128xf32, #tpu.memory_space<vmem>>, vector<1x16xf32>,
    %get3A_1136 = vector.shape_cast %get3A_1135 : vector<1x16xf32> to vector<16xf32>
    %mul3A_1137 = arith.mulf %get3A_1131, %get3A_1136 : vector<16xf32>
    %add3A_1138 = arith.addf %mul3A_1126, %mul3A_1137 : vector<16xf32>
    %get3A_1139 = arith.constant 11 : i32
    %get3A_1140 = arith.index_cast %get3A_1139 : i32 to index
    %get3A_1141 = arith.constant 32 : index
    %get3A_1142 = tpu.vector_load %arg7[%get3A_1140, %get3A_1141] {strides = array<i32>} : memref<32x128xf32, #tpu.memory_space<vmem>>, vector<1x16xf32>,
    %get3A_1143 = vector.shape_cast %get3A_1142 : vector<1x16xf32> to vector<16xf32>
    %get3A_1144 = arith.constant 11 : i32
    %get3A_1145 = arith.index_cast %get3A_1144 : i32 to index
    %get3A_1146 = arith.constant 32 : index
    %get3A_1147 = tpu.vector_load %arg8[%get3A_1145, %get3A_1146] {strides = array<i32>} : memref<32x128xf32, #tpu.memory_space<vmem>>, vector<1x16xf32>,
    %get3A_1148 = vector.shape_cast %get3A_1147 : vector<1x16xf32> to vector<16xf32>
    %mul3A_1149 = arith.mulf %get3A_1143, %get3A_1148 : vector<16xf32>
    %add3A_1150 = arith.addf %add3A_1138, %mul3A_1149 : vector<16xf32>
    %get3A_1151 = arith.constant 11 : i32
    %get3A_1152 = arith.index_cast %get3A_1151 : i32 to index
    %get3A_1153 = arith.constant 48 : index
    %get3A_1154 = tpu.vector_load %arg7[%get3A_1152, %get3A_1153] {strides = array<i32>} : memref<32x128xf32, #tpu.memory_space<vmem>>, vector<1x16xf32>,
    %get3A_1155 = vector.shape_cast %get3A_1154 : vector<1x16xf32> to vector<16xf32>
    %get3A_1156 = arith.constant 11 : i32
    %get3A_1157 = arith.index_cast %get3A_1156 : i32 to index
    %get3A_1158 = arith.constant 48 : index
    %get3A_1159 = tpu.vector_load %arg8[%get3A_1157, %get3A_1158] {strides = array<i32>} : memref<32x128xf32, #tpu.memory_space<vmem>>, vector<1x16xf32>,
    %get3A_1160 = vector.shape_cast %get3A_1159 : vector<1x16xf32> to vector<16xf32>
    %mul3A_1161 = arith.mulf %get3A_1155, %get3A_1160 : vector<16xf32>
    %add3A_1162 = arith.addf %add3A_1150, %mul3A_1161 : vector<16xf32>
    %get3A_1163 = arith.constant 11 : i32
    %get3A_1164 = arith.index_cast %get3A_1163 : i32 to index
    %get3A_1165 = arith.constant 64 : index
    %get3A_1166 = tpu.vector_load %arg7[%get3A_1164, %get3A_1165] {strides = array<i32>} : memref<32x128xf32, #tpu.memory_space<vmem>>, vector<1x16xf32>,
    %get3A_1167 = vector.shape_cast %get3A_1166 : vector<1x16xf32> to vector<16xf32>
    %get3A_1168 = arith.constant 11 : i32
    %get3A_1169 = arith.index_cast %get3A_1168 : i32 to index
    %get3A_1170 = arith.constant 64 : index
    %get3A_1171 = tpu.vector_load %arg8[%get3A_1169, %get3A_1170] {strides = array<i32>} : memref<32x128xf32, #tpu.memory_space<vmem>>, vector<1x16xf32>,
    %get3A_1172 = vector.shape_cast %get3A_1171 : vector<1x16xf32> to vector<16xf32>
    %mul3A_1173 = arith.mulf %get3A_1167, %get3A_1172 : vector<16xf32>
    %add3A_1174 = arith.addf %add3A_1162, %mul3A_1173 : vector<16xf32>
    %get3A_1175 = arith.constant 11 : i32
    %get3A_1176 = arith.index_cast %get3A_1175 : i32 to index
    %get3A_1177 = arith.constant 80 : index
    %get3A_1178 = tpu.vector_load %arg7[%get3A_1176, %get3A_1177] {strides = array<i32>} : memref<32x128xf32, #tpu.memory_space<vmem>>, vector<1x16xf32>,
    %get3A_1179 = vector.shape_cast %get3A_1178 : vector<1x16xf32> to vector<16xf32>
    %get3A_1180 = arith.constant 11 : i32
    %get3A_1181 = arith.index_cast %get3A_1180 : i32 to index
    %get3A_1182 = arith.constant 80 : index
    %get3A_1183 = tpu.vector_load %arg8[%get3A_1181, %get3A_1182] {strides = array<i32>} : memref<32x128xf32, #tpu.memory_space<vmem>>, vector<1x16xf32>,
    %get3A_1184 = vector.shape_cast %get3A_1183 : vector<1x16xf32> to vector<16xf32>
    %mul3A_1185 = arith.mulf %get3A_1179, %get3A_1184 : vector<16xf32>
    %add3A_1186 = arith.addf %add3A_1174, %mul3A_1185 : vector<16xf32>
    %get3A_1187 = arith.constant 11 : i32
    %get3A_1188 = arith.index_cast %get3A_1187 : i32 to index
    %get3A_1189 = arith.constant 96 : index
    %get3A_1190 = tpu.vector_load %arg7[%get3A_1188, %get3A_1189] {strides = array<i32>} : memref<32x128xf32, #tpu.memory_space<vmem>>, vector<1x16xf32>,
    %get3A_1191 = vector.shape_cast %get3A_1190 : vector<1x16xf32> to vector<16xf32>
    %get3A_1192 = arith.constant 11 : i32
    %get3A_1193 = arith.index_cast %get3A_1192 : i32 to index
    %get3A_1194 = arith.constant 96 : index
    %get3A_1195 = tpu.vector_load %arg8[%get3A_1193, %get3A_1194] {strides = array<i32>} : memref<32x128xf32, #tpu.memory_space<vmem>>, vector<1x16xf32>,
    %get3A_1196 = vector.shape_cast %get3A_1195 : vector<1x16xf32> to vector<16xf32>
    %mul3A_1197 = arith.mulf %get3A_1191, %get3A_1196 : vector<16xf32>
    %add3A_1198 = arith.addf %add3A_1186, %mul3A_1197 : vector<16xf32>
    %get3A_1199 = arith.constant 11 : i32
    %get3A_1200 = arith.index_cast %get3A_1199 : i32 to index
    %get3A_1201 = arith.constant 112 : index
    %get3A_1202 = tpu.vector_load %arg7[%get3A_1200, %get3A_1201] {strides = array<i32>} : memref<32x128xf32, #tpu.memory_space<vmem>>, vector<1x16xf32>,
    %get3A_1203 = vector.shape_cast %get3A_1202 : vector<1x16xf32> to vector<16xf32>
    %get3A_1204 = arith.constant 11 : i32
    %get3A_1205 = arith.index_cast %get3A_1204 : i32 to index
    %get3A_1206 = arith.constant 112 : index
    %get3A_1207 = tpu.vector_load %arg8[%get3A_1205, %get3A_1206] {strides = array<i32>} : memref<32x128xf32, #tpu.memory_space<vmem>>, vector<1x16xf32>,
    %get3A_1208 = vector.shape_cast %get3A_1207 : vector<1x16xf32> to vector<16xf32>
    %mul3A_1209 = arith.mulf %get3A_1203, %get3A_1208 : vector<16xf32>
    %add3A_1210 = arith.addf %add3A_1198, %mul3A_1209 : vector<16xf32>
    %swap3A_1211 = arith.constant 11 : i32
    %swap3A_1212 = arith.index_cast %swap3A_1211 : i32 to index
    %swap3A_1213 = arith.constant 0 : index
    %swap3A_1214 = tpu.vector_load %arg9[%swap3A_1212, %swap3A_1213] {strides = array<i32>} : memref<32x16xf32, #tpu.memory_space<vmem>>, vector<1x16xf32>,
    %swap3A_1215 = vector.shape_cast %swap3A_1214 : vector<1x16xf32> to vector<16xf32>
    %swap3A_1216 = vector.shape_cast %add3A_1210 : vector<16xf32> to vector<1x16xf32>
    tpu.vector_store %arg9[%swap3A_1212, %swap3A_1213], %swap3A_1216 {strides = array<i32>} : memref<32x16xf32, #tpu.memory_space<vmem>>, vector<1x16xf32>,
    %get3A_1217 = arith.constant 12 : i32
    %get3A_1218 = arith.index_cast %get3A_1217 : i32 to index
    %get3A_1219 = arith.constant 0 : index
    %get3A_1220 = tpu.vector_load %arg7[%get3A_1218, %get3A_1219] {strides = array<i32>} : memref<32x128xf32, #tpu.memory_space<vmem>>, vector<1x16xf32>,
    %get3A_1221 = vector.shape_cast %get3A_1220 : vector<1x16xf32> to vector<16xf32>
    %get3A_1222 = arith.constant 12 : i32
    %get3A_1223 = arith.index_cast %get3A_1222 : i32 to index
    %get3A_1224 = arith.constant 0 : index
    %get3A_1225 = tpu.vector_load %arg8[%get3A_1223, %get3A_1224] {strides = array<i32>} : memref<32x128xf32, #tpu.memory_space<vmem>>, vector<1x16xf32>,
    %get3A_1226 = vector.shape_cast %get3A_1225 : vector<1x16xf32> to vector<16xf32>
    %mul3A_1227 = arith.mulf %get3A_1221, %get3A_1226 : vector<16xf32>
    %get3A_1228 = arith.constant 12 : i32
    %get3A_1229 = arith.index_cast %get3A_1228 : i32 to index
    %get3A_1230 = arith.constant 16 : index
    %get3A_1231 = tpu.vector_load %arg7[%get3A_1229, %get3A_1230] {strides = array<i32>} : memref<32x128xf32, #tpu.memory_space<vmem>>, vector<1x16xf32>,
    %get3A_1232 = vector.shape_cast %get3A_1231 : vector<1x16xf32> to vector<16xf32>
    %get3A_1233 = arith.constant 12 : i32
    %get3A_1234 = arith.index_cast %get3A_1233 : i32 to index
    %get3A_1235 = arith.constant 16 : index
    %get3A_1236 = tpu.vector_load %arg8[%get3A_1234, %get3A_1235] {strides = array<i32>} : memref<32x128xf32, #tpu.memory_space<vmem>>, vector<1x16xf32>,
    %get3A_1237 = vector.shape_cast %get3A_1236 : vector<1x16xf32> to vector<16xf32>
    %mul3A_1238 = arith.mulf %get3A_1232, %get3A_1237 : vector<16xf32>
    %add3A_1239 = arith.addf %mul3A_1227, %mul3A_1238 : vector<16xf32>
    %get3A_1240 = arith.constant 12 : i32
    %get3A_1241 = arith.index_cast %get3A_1240 : i32 to index
    %get3A_1242 = arith.constant 32 : index
    %get3A_1243 = tpu.vector_load %arg7[%get3A_1241, %get3A_1242] {strides = array<i32>} : memref<32x128xf32, #tpu.memory_space<vmem>>, vector<1x16xf32>,
    %get3A_1244 = vector.shape_cast %get3A_1243 : vector<1x16xf32> to vector<16xf32>
    %get3A_1245 = arith.constant 12 : i32
    %get3A_1246 = arith.index_cast %get3A_1245 : i32 to index
    %get3A_1247 = arith.constant 32 : index
    %get3A_1248 = tpu.vector_load %arg8[%get3A_1246, %get3A_1247] {strides = array<i32>} : memref<32x128xf32, #tpu.memory_space<vmem>>, vector<1x16xf32>,
    %get3A_1249 = vector.shape_cast %get3A_1248 : vector<1x16xf32> to vector<16xf32>
    %mul3A_1250 = arith.mulf %get3A_1244, %get3A_1249 : vector<16xf32>
    %add3A_1251 = arith.addf %add3A_1239, %mul3A_1250 : vector<16xf32>
    %get3A_1252 = arith.constant 12 : i32
    %get3A_1253 = arith.index_cast %get3A_1252 : i32 to index
    %get3A_1254 = arith.constant 48 : index
    %get3A_1255 = tpu.vector_load %arg7[%get3A_1253, %get3A_1254] {strides = array<i32>} : memref<32x128xf32, #tpu.memory_space<vmem>>, vector<1x16xf32>,
    %get3A_1256 = vector.shape_cast %get3A_1255 : vector<1x16xf32> to vector<16xf32>
    %get3A_1257 = arith.constant 12 : i32
    %get3A_1258 = arith.index_cast %get3A_1257 : i32 to index
    %get3A_1259 = arith.constant 48 : index
    %get3A_1260 = tpu.vector_load %arg8[%get3A_1258, %get3A_1259] {strides = array<i32>} : memref<32x128xf32, #tpu.memory_space<vmem>>, vector<1x16xf32>,
    %get3A_1261 = vector.shape_cast %get3A_1260 : vector<1x16xf32> to vector<16xf32>
    %mul3A_1262 = arith.mulf %get3A_1256, %get3A_1261 : vector<16xf32>
    %add3A_1263 = arith.addf %add3A_1251, %mul3A_1262 : vector<16xf32>
    %get3A_1264 = arith.constant 12 : i32
    %get3A_1265 = arith.index_cast %get3A_1264 : i32 to index
    %get3A_1266 = arith.constant 64 : index
    %get3A_1267 = tpu.vector_load %arg7[%get3A_1265, %get3A_1266] {strides = array<i32>} : memref<32x128xf32, #tpu.memory_space<vmem>>, vector<1x16xf32>,
    %get3A_1268 = vector.shape_cast %get3A_1267 : vector<1x16xf32> to vector<16xf32>
    %get3A_1269 = arith.constant 12 : i32
    %get3A_1270 = arith.index_cast %get3A_1269 : i32 to index
    %get3A_1271 = arith.constant 64 : index
    %get3A_1272 = tpu.vector_load %arg8[%get3A_1270, %get3A_1271] {strides = array<i32>} : memref<32x128xf32, #tpu.memory_space<vmem>>, vector<1x16xf32>,
    %get3A_1273 = vector.shape_cast %get3A_1272 : vector<1x16xf32> to vector<16xf32>
    %mul3A_1274 = arith.mulf %get3A_1268, %get3A_1273 : vector<16xf32>
    %add3A_1275 = arith.addf %add3A_1263, %mul3A_1274 : vector<16xf32>
    %get3A_1276 = arith.constant 12 : i32
    %get3A_1277 = arith.index_cast %get3A_1276 : i32 to index
    %get3A_1278 = arith.constant 80 : index
    %get3A_1279 = tpu.vector_load %arg7[%get3A_1277, %get3A_1278] {strides = array<i32>} : memref<32x128xf32, #tpu.memory_space<vmem>>, vector<1x16xf32>,
    %get3A_1280 = vector.shape_cast %get3A_1279 : vector<1x16xf32> to vector<16xf32>
    %get3A_1281 = arith.constant 12 : i32
    %get3A_1282 = arith.index_cast %get3A_1281 : i32 to index
    %get3A_1283 = arith.constant 80 : index
    %get3A_1284 = tpu.vector_load %arg8[%get3A_1282, %get3A_1283] {strides = array<i32>} : memref<32x128xf32, #tpu.memory_space<vmem>>, vector<1x16xf32>,
    %get3A_1285 = vector.shape_cast %get3A_1284 : vector<1x16xf32> to vector<16xf32>
    %mul3A_1286 = arith.mulf %get3A_1280, %get3A_1285 : vector<16xf32>
    %add3A_1287 = arith.addf %add3A_1275, %mul3A_1286 : vector<16xf32>
    %get3A_1288 = arith.constant 12 : i32
    %get3A_1289 = arith.index_cast %get3A_1288 : i32 to index
    %get3A_1290 = arith.constant 96 : index
    %get3A_1291 = tpu.vector_load %arg7[%get3A_1289, %get3A_1290] {strides = array<i32>} : memref<32x128xf32, #tpu.memory_space<vmem>>, vector<1x16xf32>,
    %get3A_1292 = vector.shape_cast %get3A_1291 : vector<1x16xf32> to vector<16xf32>
    %get3A_1293 = arith.constant 12 : i32
    %get3A_1294 = arith.index_cast %get3A_1293 : i32 to index
    %get3A_1295 = arith.constant 96 : index
    %get3A_1296 = tpu.vector_load %arg8[%get3A_1294, %get3A_1295] {strides = array<i32>} : memref<32x128xf32, #tpu.memory_space<vmem>>, vector<1x16xf32>,
    %get3A_1297 = vector.shape_cast %get3A_1296 : vector<1x16xf32> to vector<16xf32>
    %mul3A_1298 = arith.mulf %get3A_1292, %get3A_1297 : vector<16xf32>
    %add3A_1299 = arith.addf %add3A_1287, %mul3A_1298 : vector<16xf32>
    %get3A_1300 = arith.constant 12 : i32
    %get3A_1301 = arith.index_cast %get3A_1300 : i32 to index
    %get3A_1302 = arith.constant 112 : index
    %get3A_1303 = tpu.vector_load %arg7[%get3A_1301, %get3A_1302] {strides = array<i32>} : memref<32x128xf32, #tpu.memory_space<vmem>>, vector<1x16xf32>,
    %get3A_1304 = vector.shape_cast %get3A_1303 : vector<1x16xf32> to vector<16xf32>
    %get3A_1305 = arith.constant 12 : i32
    %get3A_1306 = arith.index_cast %get3A_1305 : i32 to index
    %get3A_1307 = arith.constant 112 : index
    %get3A_1308 = tpu.vector_load %arg8[%get3A_1306, %get3A_1307] {strides = array<i32>} : memref<32x128xf32, #tpu.memory_space<vmem>>, vector<1x16xf32>,
    %get3A_1309 = vector.shape_cast %get3A_1308 : vector<1x16xf32> to vector<16xf32>
    %mul3A_1310 = arith.mulf %get3A_1304, %get3A_1309 : vector<16xf32>
    %add3A_1311 = arith.addf %add3A_1299, %mul3A_1310 : vector<16xf32>
    %swap3A_1312 = arith.constant 12 : i32
    %swap3A_1313 = arith.index_cast %swap3A_1312 : i32 to index
    %swap3A_1314 = arith.constant 0 : index
    %swap3A_1315 = tpu.vector_load %arg9[%swap3A_1313, %swap3A_1314] {strides = array<i32>} : memref<32x16xf32, #tpu.memory_space<vmem>>, vector<1x16xf32>,
    %swap3A_1316 = vector.shape_cast %swap3A_1315 : vector<1x16xf32> to vector<16xf32>
    %swap3A_1317 = vector.shape_cast %add3A_1311 : vector<16xf32> to vector<1x16xf32>
    tpu.vector_store %arg9[%swap3A_1313, %swap3A_1314], %swap3A_1317 {strides = array<i32>} : memref<32x16xf32, #tpu.memory_space<vmem>>, vector<1x16xf32>,
    %get3A_1318 = arith.constant 13 : i32
    %get3A_1319 = arith.index_cast %get3A_1318 : i32 to index
    %get3A_1320 = arith.constant 0 : index
    %get3A_1321 = tpu.vector_load %arg7[%get3A_1319, %get3A_1320] {strides = array<i32>} : memref<32x128xf32, #tpu.memory_space<vmem>>, vector<1x16xf32>,
    %get3A_1322 = vector.shape_cast %get3A_1321 : vector<1x16xf32> to vector<16xf32>
    %get3A_1323 = arith.constant 13 : i32
    %get3A_1324 = arith.index_cast %get3A_1323 : i32 to index
    %get3A_1325 = arith.constant 0 : index
    %get3A_1326 = tpu.vector_load %arg8[%get3A_1324, %get3A_1325] {strides = array<i32>} : memref<32x128xf32, #tpu.memory_space<vmem>>, vector<1x16xf32>,
    %get3A_1327 = vector.shape_cast %get3A_1326 : vector<1x16xf32> to vector<16xf32>
    %mul3A_1328 = arith.mulf %get3A_1322, %get3A_1327 : vector<16xf32>
    %get3A_1329 = arith.constant 13 : i32
    %get3A_1330 = arith.index_cast %get3A_1329 : i32 to index
    %get3A_1331 = arith.constant 16 : index
    %get3A_1332 = tpu.vector_load %arg7[%get3A_1330, %get3A_1331] {strides = array<i32>} : memref<32x128xf32, #tpu.memory_space<vmem>>, vector<1x16xf32>,
    %get3A_1333 = vector.shape_cast %get3A_1332 : vector<1x16xf32> to vector<16xf32>
    %get3A_1334 = arith.constant 13 : i32
    %get3A_1335 = arith.index_cast %get3A_1334 : i32 to index
    %get3A_1336 = arith.constant 16 : index
    %get3A_1337 = tpu.vector_load %arg8[%get3A_1335, %get3A_1336] {strides = array<i32>} : memref<32x128xf32, #tpu.memory_space<vmem>>, vector<1x16xf32>,
    %get3A_1338 = vector.shape_cast %get3A_1337 : vector<1x16xf32> to vector<16xf32>
    %mul3A_1339 = arith.mulf %get3A_1333, %get3A_1338 : vector<16xf32>
    %add3A_1340 = arith.addf %mul3A_1328, %mul3A_1339 : vector<16xf32>
    %get3A_1341 = arith.constant 13 : i32
    %get3A_1342 = arith.index_cast %get3A_1341 : i32 to index
    %get3A_1343 = arith.constant 32 : index
    %get3A_1344 = tpu.vector_load %arg7[%get3A_1342, %get3A_1343] {strides = array<i32>} : memref<32x128xf32, #tpu.memory_space<vmem>>, vector<1x16xf32>,
    %get3A_1345 = vector.shape_cast %get3A_1344 : vector<1x16xf32> to vector<16xf32>
    %get3A_1346 = arith.constant 13 : i32
    %get3A_1347 = arith.index_cast %get3A_1346 : i32 to index
    %get3A_1348 = arith.constant 32 : index
    %get3A_1349 = tpu.vector_load %arg8[%get3A_1347, %get3A_1348] {strides = array<i32>} : memref<32x128xf32, #tpu.memory_space<vmem>>, vector<1x16xf32>,
    %get3A_1350 = vector.shape_cast %get3A_1349 : vector<1x16xf32> to vector<16xf32>
    %mul3A_1351 = arith.mulf %get3A_1345, %get3A_1350 : vector<16xf32>
    %add3A_1352 = arith.addf %add3A_1340, %mul3A_1351 : vector<16xf32>
    %get3A_1353 = arith.constant 13 : i32
    %get3A_1354 = arith.index_cast %get3A_1353 : i32 to index
    %get3A_1355 = arith.constant 48 : index
    %get3A_1356 = tpu.vector_load %arg7[%get3A_1354, %get3A_1355] {strides = array<i32>} : memref<32x128xf32, #tpu.memory_space<vmem>>, vector<1x16xf32>,
    %get3A_1357 = vector.shape_cast %get3A_1356 : vector<1x16xf32> to vector<16xf32>
    %get3A_1358 = arith.constant 13 : i32
    %get3A_1359 = arith.index_cast %get3A_1358 : i32 to index
    %get3A_1360 = arith.constant 48 : index
    %get3A_1361 = tpu.vector_load %arg8[%get3A_1359, %get3A_1360] {strides = array<i32>} : memref<32x128xf32, #tpu.memory_space<vmem>>, vector<1x16xf32>,
    %get3A_1362 = vector.shape_cast %get3A_1361 : vector<1x16xf32> to vector<16xf32>
    %mul3A_1363 = arith.mulf %get3A_1357, %get3A_1362 : vector<16xf32>
    %add3A_1364 = arith.addf %add3A_1352, %mul3A_1363 : vector<16xf32>
    %get3A_1365 = arith.constant 13 : i32
    %get3A_1366 = arith.index_cast %get3A_1365 : i32 to index
    %get3A_1367 = arith.constant 64 : index
    %get3A_1368 = tpu.vector_load %arg7[%get3A_1366, %get3A_1367] {strides = array<i32>} : memref<32x128xf32, #tpu.memory_space<vmem>>, vector<1x16xf32>,
    %get3A_1369 = vector.shape_cast %get3A_1368 : vector<1x16xf32> to vector<16xf32>
    %get3A_1370 = arith.constant 13 : i32
    %get3A_1371 = arith.index_cast %get3A_1370 : i32 to index
    %get3A_1372 = arith.constant 64 : index
    %get3A_1373 = tpu.vector_load %arg8[%get3A_1371, %get3A_1372] {strides = array<i32>} : memref<32x128xf32, #tpu.memory_space<vmem>>, vector<1x16xf32>,
    %get3A_1374 = vector.shape_cast %get3A_1373 : vector<1x16xf32> to vector<16xf32>
    %mul3A_1375 = arith.mulf %get3A_1369, %get3A_1374 : vector<16xf32>
    %add3A_1376 = arith.addf %add3A_1364, %mul3A_1375 : vector<16xf32>
    %get3A_1377 = arith.constant 13 : i32
    %get3A_1378 = arith.index_cast %get3A_1377 : i32 to index
    %get3A_1379 = arith.constant 80 : index
    %get3A_1380 = tpu.vector_load %arg7[%get3A_1378, %get3A_1379] {strides = array<i32>} : memref<32x128xf32, #tpu.memory_space<vmem>>, vector<1x16xf32>,
    %get3A_1381 = vector.shape_cast %get3A_1380 : vector<1x16xf32> to vector<16xf32>
    %get3A_1382 = arith.constant 13 : i32
    %get3A_1383 = arith.index_cast %get3A_1382 : i32 to index
    %get3A_1384 = arith.constant 80 : index
    %get3A_1385 = tpu.vector_load %arg8[%get3A_1383, %get3A_1384] {strides = array<i32>} : memref<32x128xf32, #tpu.memory_space<vmem>>, vector<1x16xf32>,
    %get3A_1386 = vector.shape_cast %get3A_1385 : vector<1x16xf32> to vector<16xf32>
    %mul3A_1387 = arith.mulf %get3A_1381, %get3A_1386 : vector<16xf32>
    %add3A_1388 = arith.addf %add3A_1376, %mul3A_1387 : vector<16xf32>
    %get3A_1389 = arith.constant 13 : i32
    %get3A_1390 = arith.index_cast %get3A_1389 : i32 to index
    %get3A_1391 = arith.constant 96 : index
    %get3A_1392 = tpu.vector_load %arg7[%get3A_1390, %get3A_1391] {strides = array<i32>} : memref<32x128xf32, #tpu.memory_space<vmem>>, vector<1x16xf32>,
    %get3A_1393 = vector.shape_cast %get3A_1392 : vector<1x16xf32> to vector<16xf32>
    %get3A_1394 = arith.constant 13 : i32
    %get3A_1395 = arith.index_cast %get3A_1394 : i32 to index
    %get3A_1396 = arith.constant 96 : index
    %get3A_1397 = tpu.vector_load %arg8[%get3A_1395, %get3A_1396] {strides = array<i32>} : memref<32x128xf32, #tpu.memory_space<vmem>>, vector<1x16xf32>,
    %get3A_1398 = vector.shape_cast %get3A_1397 : vector<1x16xf32> to vector<16xf32>
    %mul3A_1399 = arith.mulf %get3A_1393, %get3A_1398 : vector<16xf32>
    %add3A_1400 = arith.addf %add3A_1388, %mul3A_1399 : vector<16xf32>
    %get3A_1401 = arith.constant 13 : i32
    %get3A_1402 = arith.index_cast %get3A_1401 : i32 to index
    %get3A_1403 = arith.constant 112 : index
    %get3A_1404 = tpu.vector_load %arg7[%get3A_1402, %get3A_1403] {strides = array<i32>} : memref<32x128xf32, #tpu.memory_space<vmem>>, vector<1x16xf32>,
    %get3A_1405 = vector.shape_cast %get3A_1404 : vector<1x16xf32> to vector<16xf32>
    %get3A_1406 = arith.constant 13 : i32
    %get3A_1407 = arith.index_cast %get3A_1406 : i32 to index
    %get3A_1408 = arith.constant 112 : index
    %get3A_1409 = tpu.vector_load %arg8[%get3A_1407, %get3A_1408] {strides = array<i32>} : memref<32x128xf32, #tpu.memory_space<vmem>>, vector<1x16xf32>,
    %get3A_1410 = vector.shape_cast %get3A_1409 : vector<1x16xf32> to vector<16xf32>
    %mul3A_1411 = arith.mulf %get3A_1405, %get3A_1410 : vector<16xf32>
    %add3A_1412 = arith.addf %add3A_1400, %mul3A_1411 : vector<16xf32>
    %swap3A_1413 = arith.constant 13 : i32
    %swap3A_1414 = arith.index_cast %swap3A_1413 : i32 to index
    %swap3A_1415 = arith.constant 0 : index
    %swap3A_1416 = tpu.vector_load %arg9[%swap3A_1414, %swap3A_1415] {strides = array<i32>} : memref<32x16xf32, #tpu.memory_space<vmem>>, vector<1x16xf32>,
    %swap3A_1417 = vector.shape_cast %swap3A_1416 : vector<1x16xf32> to vector<16xf32>
    %swap3A_1418 = vector.shape_cast %add3A_1412 : vector<16xf32> to vector<1x16xf32>
    tpu.vector_store %arg9[%swap3A_1414, %swap3A_1415], %swap3A_1418 {strides = array<i32>} : memref<32x16xf32, #tpu.memory_space<vmem>>, vector<1x16xf32>,
    %get3A_1419 = arith.constant 14 : i32
    %get3A_1420 = arith.index_cast %get3A_1419 : i32 to index
    %get3A_1421 = arith.constant 0 : index
    %get3A_1422 = tpu.vector_load %arg7[%get3A_1420, %get3A_1421] {strides = array<i32>} : memref<32x128xf32, #tpu.memory_space<vmem>>, vector<1x16xf32>,
    %get3A_1423 = vector.shape_cast %get3A_1422 : vector<1x16xf32> to vector<16xf32>
    %get3A_1424 = arith.constant 14 : i32
    %get3A_1425 = arith.index_cast %get3A_1424 : i32 to index
    %get3A_1426 = arith.constant 0 : index
    %get3A_1427 = tpu.vector_load %arg8[%get3A_1425, %get3A_1426] {strides = array<i32>} : memref<32x128xf32, #tpu.memory_space<vmem>>, vector<1x16xf32>,
    %get3A_1428 = vector.shape_cast %get3A_1427 : vector<1x16xf32> to vector<16xf32>
    %mul3A_1429 = arith.mulf %get3A_1423, %get3A_1428 : vector<16xf32>
    %get3A_1430 = arith.constant 14 : i32
    %get3A_1431 = arith.index_cast %get3A_1430 : i32 to index
    %get3A_1432 = arith.constant 16 : index
    %get3A_1433 = tpu.vector_load %arg7[%get3A_1431, %get3A_1432] {strides = array<i32>} : memref<32x128xf32, #tpu.memory_space<vmem>>, vector<1x16xf32>,
    %get3A_1434 = vector.shape_cast %get3A_1433 : vector<1x16xf32> to vector<16xf32>
    %get3A_1435 = arith.constant 14 : i32
    %get3A_1436 = arith.index_cast %get3A_1435 : i32 to index
    %get3A_1437 = arith.constant 16 : index
    %get3A_1438 = tpu.vector_load %arg8[%get3A_1436, %get3A_1437] {strides = array<i32>} : memref<32x128xf32, #tpu.memory_space<vmem>>, vector<1x16xf32>,
    %get3A_1439 = vector.shape_cast %get3A_1438 : vector<1x16xf32> to vector<16xf32>
    %mul3A_1440 = arith.mulf %get3A_1434, %get3A_1439 : vector<16xf32>
    %add3A_1441 = arith.addf %mul3A_1429, %mul3A_1440 : vector<16xf32>
    %get3A_1442 = arith.constant 14 : i32
    %get3A_1443 = arith.index_cast %get3A_1442 : i32 to index
    %get3A_1444 = arith.constant 32 : index
    %get3A_1445 = tpu.vector_load %arg7[%get3A_1443, %get3A_1444] {strides = array<i32>} : memref<32x128xf32, #tpu.memory_space<vmem>>, vector<1x16xf32>,
    %get3A_1446 = vector.shape_cast %get3A_1445 : vector<1x16xf32> to vector<16xf32>
    %get3A_1447 = arith.constant 14 : i32
    %get3A_1448 = arith.index_cast %get3A_1447 : i32 to index
    %get3A_1449 = arith.constant 32 : index
    %get3A_1450 = tpu.vector_load %arg8[%get3A_1448, %get3A_1449] {strides = array<i32>} : memref<32x128xf32, #tpu.memory_space<vmem>>, vector<1x16xf32>,
    %get3A_1451 = vector.shape_cast %get3A_1450 : vector<1x16xf32> to vector<16xf32>
    %mul3A_1452 = arith.mulf %get3A_1446, %get3A_1451 : vector<16xf32>
    %add3A_1453 = arith.addf %add3A_1441, %mul3A_1452 : vector<16xf32>
    %get3A_1454 = arith.constant 14 : i32
    %get3A_1455 = arith.index_cast %get3A_1454 : i32 to index
    %get3A_1456 = arith.constant 48 : index
    %get3A_1457 = tpu.vector_load %arg7[%get3A_1455, %get3A_1456] {strides = array<i32>} : memref<32x128xf32, #tpu.memory_space<vmem>>, vector<1x16xf32>,
    %get3A_1458 = vector.shape_cast %get3A_1457 : vector<1x16xf32> to vector<16xf32>
    %get3A_1459 = arith.constant 14 : i32
    %get3A_1460 = arith.index_cast %get3A_1459 : i32 to index
    %get3A_1461 = arith.constant 48 : index
    %get3A_1462 = tpu.vector_load %arg8[%get3A_1460, %get3A_1461] {strides = array<i32>} : memref<32x128xf32, #tpu.memory_space<vmem>>, vector<1x16xf32>,
    %get3A_1463 = vector.shape_cast %get3A_1462 : vector<1x16xf32> to vector<16xf32>
    %mul3A_1464 = arith.mulf %get3A_1458, %get3A_1463 : vector<16xf32>
    %add3A_1465 = arith.addf %add3A_1453, %mul3A_1464 : vector<16xf32>
    %get3A_1466 = arith.constant 14 : i32
    %get3A_1467 = arith.index_cast %get3A_1466 : i32 to index
    %get3A_1468 = arith.constant 64 : index
    %get3A_1469 = tpu.vector_load %arg7[%get3A_1467, %get3A_1468] {strides = array<i32>} : memref<32x128xf32, #tpu.memory_space<vmem>>, vector<1x16xf32>,
    %get3A_1470 = vector.shape_cast %get3A_1469 : vector<1x16xf32> to vector<16xf32>
    %get3A_1471 = arith.constant 14 : i32
    %get3A_1472 = arith.index_cast %get3A_1471 : i32 to index
    %get3A_1473 = arith.constant 64 : index
    %get3A_1474 = tpu.vector_load %arg8[%get3A_1472, %get3A_1473] {strides = array<i32>} : memref<32x128xf32, #tpu.memory_space<vmem>>, vector<1x16xf32>,
    %get3A_1475 = vector.shape_cast %get3A_1474 : vector<1x16xf32> to vector<16xf32>
    %mul3A_1476 = arith.mulf %get3A_1470, %get3A_1475 : vector<16xf32>
    %add3A_1477 = arith.addf %add3A_1465, %mul3A_1476 : vector<16xf32>
    %get3A_1478 = arith.constant 14 : i32
    %get3A_1479 = arith.index_cast %get3A_1478 : i32 to index
    %get3A_1480 = arith.constant 80 : index
    %get3A_1481 = tpu.vector_load %arg7[%get3A_1479, %get3A_1480] {strides = array<i32>} : memref<32x128xf32, #tpu.memory_space<vmem>>, vector<1x16xf32>,
    %get3A_1482 = vector.shape_cast %get3A_1481 : vector<1x16xf32> to vector<16xf32>
    %get3A_1483 = arith.constant 14 : i32
    %get3A_1484 = arith.index_cast %get3A_1483 : i32 to index
    %get3A_1485 = arith.constant 80 : index
    %get3A_1486 = tpu.vector_load %arg8[%get3A_1484, %get3A_1485] {strides = array<i32>} : memref<32x128xf32, #tpu.memory_space<vmem>>, vector<1x16xf32>,
    %get3A_1487 = vector.shape_cast %get3A_1486 : vector<1x16xf32> to vector<16xf32>
    %mul3A_1488 = arith.mulf %get3A_1482, %get3A_1487 : vector<16xf32>
    %add3A_1489 = arith.addf %add3A_1477, %mul3A_1488 : vector<16xf32>
    %get3A_1490 = arith.constant 14 : i32
    %get3A_1491 = arith.index_cast %get3A_1490 : i32 to index
    %get3A_1492 = arith.constant 96 : index
    %get3A_1493 = tpu.vector_load %arg7[%get3A_1491, %get3A_1492] {strides = array<i32>} : memref<32x128xf32, #tpu.memory_space<vmem>>, vector<1x16xf32>,
    %get3A_1494 = vector.shape_cast %get3A_1493 : vector<1x16xf32> to vector<16xf32>
    %get3A_1495 = arith.constant 14 : i32
    %get3A_1496 = arith.index_cast %get3A_1495 : i32 to index
    %get3A_1497 = arith.constant 96 : index
    %get3A_1498 = tpu.vector_load %arg8[%get3A_1496, %get3A_1497] {strides = array<i32>} : memref<32x128xf32, #tpu.memory_space<vmem>>, vector<1x16xf32>,
    %get3A_1499 = vector.shape_cast %get3A_1498 : vector<1x16xf32> to vector<16xf32>
    %mul3A_1500 = arith.mulf %get3A_1494, %get3A_1499 : vector<16xf32>
    %add3A_1501 = arith.addf %add3A_1489, %mul3A_1500 : vector<16xf32>
    %get3A_1502 = arith.constant 14 : i32
    %get3A_1503 = arith.index_cast %get3A_1502 : i32 to index
    %get3A_1504 = arith.constant 112 : index
    %get3A_1505 = tpu.vector_load %arg7[%get3A_1503, %get3A_1504] {strides = array<i32>} : memref<32x128xf32, #tpu.memory_space<vmem>>, vector<1x16xf32>,
    %get3A_1506 = vector.shape_cast %get3A_1505 : vector<1x16xf32> to vector<16xf32>
    %get3A_1507 = arith.constant 14 : i32
    %get3A_1508 = arith.index_cast %get3A_1507 : i32 to index
    %get3A_1509 = arith.constant 112 : index
    %get3A_1510 = tpu.vector_load %arg8[%get3A_1508, %get3A_1509] {strides = array<i32>} : memref<32x128xf32, #tpu.memory_space<vmem>>, vector<1x16xf32>,
    %get3A_1511 = vector.shape_cast %get3A_1510 : vector<1x16xf32> to vector<16xf32>
    %mul3A_1512 = arith.mulf %get3A_1506, %get3A_1511 : vector<16xf32>
    %add3A_1513 = arith.addf %add3A_1501, %mul3A_1512 : vector<16xf32>
    %swap3A_1514 = arith.constant 14 : i32
    %swap3A_1515 = arith.index_cast %swap3A_1514 : i32 to index
    %swap3A_1516 = arith.constant 0 : index
    %swap3A_1517 = tpu.vector_load %arg9[%swap3A_1515, %swap3A_1516] {strides = array<i32>} : memref<32x16xf32, #tpu.memory_space<vmem>>, vector<1x16xf32>,
    %swap3A_1518 = vector.shape_cast %swap3A_1517 : vector<1x16xf32> to vector<16xf32>
    %swap3A_1519 = vector.shape_cast %add3A_1513 : vector<16xf32> to vector<1x16xf32>
    tpu.vector_store %arg9[%swap3A_1515, %swap3A_1516], %swap3A_1519 {strides = array<i32>} : memref<32x16xf32, #tpu.memory_space<vmem>>, vector<1x16xf32>,
    %get3A_1520 = arith.constant 15 : i32
    %get3A_1521 = arith.index_cast %get3A_1520 : i32 to index
    %get3A_1522 = arith.constant 0 : index
    %get3A_1523 = tpu.vector_load %arg7[%get3A_1521, %get3A_1522] {strides = array<i32>} : memref<32x128xf32, #tpu.memory_space<vmem>>, vector<1x16xf32>,
    %get3A_1524 = vector.shape_cast %get3A_1523 : vector<1x16xf32> to vector<16xf32>
    %get3A_1525 = arith.constant 15 : i32
    %get3A_1526 = arith.index_cast %get3A_1525 : i32 to index
    %get3A_1527 = arith.constant 0 : index
    %get3A_1528 = tpu.vector_load %arg8[%get3A_1526, %get3A_1527] {strides = array<i32>} : memref<32x128xf32, #tpu.memory_space<vmem>>, vector<1x16xf32>,
    %get3A_1529 = vector.shape_cast %get3A_1528 : vector<1x16xf32> to vector<16xf32>
    %mul3A_1530 = arith.mulf %get3A_1524, %get3A_1529 : vector<16xf32>
    %get3A_1531 = arith.constant 15 : i32
    %get3A_1532 = arith.index_cast %get3A_1531 : i32 to index
    %get3A_1533 = arith.constant 16 : index
    %get3A_1534 = tpu.vector_load %arg7[%get3A_1532, %get3A_1533] {strides = array<i32>} : memref<32x128xf32, #tpu.memory_space<vmem>>, vector<1x16xf32>,
    %get3A_1535 = vector.shape_cast %get3A_1534 : vector<1x16xf32> to vector<16xf32>
    %get3A_1536 = arith.constant 15 : i32
    %get3A_1537 = arith.index_cast %get3A_1536 : i32 to index
    %get3A_1538 = arith.constant 16 : index
    %get3A_1539 = tpu.vector_load %arg8[%get3A_1537, %get3A_1538] {strides = array<i32>} : memref<32x128xf32, #tpu.memory_space<vmem>>, vector<1x16xf32>,
    %get3A_1540 = vector.shape_cast %get3A_1539 : vector<1x16xf32> to vector<16xf32>
    %mul3A_1541 = arith.mulf %get3A_1535, %get3A_1540 : vector<16xf32>
    %add3A_1542 = arith.addf %mul3A_1530, %mul3A_1541 : vector<16xf32>
    %get3A_1543 = arith.constant 15 : i32
    %get3A_1544 = arith.index_cast %get3A_1543 : i32 to index
    %get3A_1545 = arith.constant 32 : index
    %get3A_1546 = tpu.vector_load %arg7[%get3A_1544, %get3A_1545] {strides = array<i32>} : memref<32x128xf32, #tpu.memory_space<vmem>>, vector<1x16xf32>,
    %get3A_1547 = vector.shape_cast %get3A_1546 : vector<1x16xf32> to vector<16xf32>
    %get3A_1548 = arith.constant 15 : i32
    %get3A_1549 = arith.index_cast %get3A_1548 : i32 to index
    %get3A_1550 = arith.constant 32 : index
    %get3A_1551 = tpu.vector_load %arg8[%get3A_1549, %get3A_1550] {strides = array<i32>} : memref<32x128xf32, #tpu.memory_space<vmem>>, vector<1x16xf32>,
    %get3A_1552 = vector.shape_cast %get3A_1551 : vector<1x16xf32> to vector<16xf32>
    %mul3A_1553 = arith.mulf %get3A_1547, %get3A_1552 : vector<16xf32>
    %add3A_1554 = arith.addf %add3A_1542, %mul3A_1553 : vector<16xf32>
    %get3A_1555 = arith.constant 15 : i32
    %get3A_1556 = arith.index_cast %get3A_1555 : i32 to index
    %get3A_1557 = arith.constant 48 : index
    %get3A_1558 = tpu.vector_load %arg7[%get3A_1556, %get3A_1557] {strides = array<i32>} : memref<32x128xf32, #tpu.memory_space<vmem>>, vector<1x16xf32>,
    %get3A_1559 = vector.shape_cast %get3A_1558 : vector<1x16xf32> to vector<16xf32>
    %get3A_1560 = arith.constant 15 : i32
    %get3A_1561 = arith.index_cast %get3A_1560 : i32 to index
    %get3A_1562 = arith.constant 48 : index
    %get3A_1563 = tpu.vector_load %arg8[%get3A_1561, %get3A_1562] {strides = array<i32>} : memref<32x128xf32, #tpu.memory_space<vmem>>, vector<1x16xf32>,
    %get3A_1564 = vector.shape_cast %get3A_1563 : vector<1x16xf32> to vector<16xf32>
    %mul3A_1565 = arith.mulf %get3A_1559, %get3A_1564 : vector<16xf32>
    %add3A_1566 = arith.addf %add3A_1554, %mul3A_1565 : vector<16xf32>
    %get3A_1567 = arith.constant 15 : i32
    %get3A_1568 = arith.index_cast %get3A_1567 : i32 to index
    %get3A_1569 = arith.constant 64 : index
    %get3A_1570 = tpu.vector_load %arg7[%get3A_1568, %get3A_1569] {strides = array<i32>} : memref<32x128xf32, #tpu.memory_space<vmem>>, vector<1x16xf32>,
    %get3A_1571 = vector.shape_cast %get3A_1570 : vector<1x16xf32> to vector<16xf32>
    %get3A_1572 = arith.constant 15 : i32
    %get3A_1573 = arith.index_cast %get3A_1572 : i32 to index
    %get3A_1574 = arith.constant 64 : index
    %get3A_1575 = tpu.vector_load %arg8[%get3A_1573, %get3A_1574] {strides = array<i32>} : memref<32x128xf32, #tpu.memory_space<vmem>>, vector<1x16xf32>,
    %get3A_1576 = vector.shape_cast %get3A_1575 : vector<1x16xf32> to vector<16xf32>
    %mul3A_1577 = arith.mulf %get3A_1571, %get3A_1576 : vector<16xf32>
    %add3A_1578 = arith.addf %add3A_1566, %mul3A_1577 : vector<16xf32>
    %get3A_1579 = arith.constant 15 : i32
    %get3A_1580 = arith.index_cast %get3A_1579 : i32 to index
    %get3A_1581 = arith.constant 80 : index
    %get3A_1582 = tpu.vector_load %arg7[%get3A_1580, %get3A_1581] {strides = array<i32>} : memref<32x128xf32, #tpu.memory_space<vmem>>, vector<1x16xf32>,
    %get3A_1583 = vector.shape_cast %get3A_1582 : vector<1x16xf32> to vector<16xf32>
    %get3A_1584 = arith.constant 15 : i32
    %get3A_1585 = arith.index_cast %get3A_1584 : i32 to index
    %get3A_1586 = arith.constant 80 : index
    %get3A_1587 = tpu.vector_load %arg8[%get3A_1585, %get3A_1586] {strides = array<i32>} : memref<32x128xf32, #tpu.memory_space<vmem>>, vector<1x16xf32>,
    %get3A_1588 = vector.shape_cast %get3A_1587 : vector<1x16xf32> to vector<16xf32>
    %mul3A_1589 = arith.mulf %get3A_1583, %get3A_1588 : vector<16xf32>
    %add3A_1590 = arith.addf %add3A_1578, %mul3A_1589 : vector<16xf32>
    %get3A_1591 = arith.constant 15 : i32
    %get3A_1592 = arith.index_cast %get3A_1591 : i32 to index
    %get3A_1593 = arith.constant 96 : index
    %get3A_1594 = tpu.vector_load %arg7[%get3A_1592, %get3A_1593] {strides = array<i32>} : memref<32x128xf32, #tpu.memory_space<vmem>>, vector<1x16xf32>,
    %get3A_1595 = vector.shape_cast %get3A_1594 : vector<1x16xf32> to vector<16xf32>
    %get3A_1596 = arith.constant 15 : i32
    %get3A_1597 = arith.index_cast %get3A_1596 : i32 to index
    %get3A_1598 = arith.constant 96 : index
    %get3A_1599 = tpu.vector_load %arg8[%get3A_1597, %get3A_1598] {strides = array<i32>} : memref<32x128xf32, #tpu.memory_space<vmem>>, vector<1x16xf32>,
    %get3A_1600 = vector.shape_cast %get3A_1599 : vector<1x16xf32> to vector<16xf32>
    %mul3A_1601 = arith.mulf %get3A_1595, %get3A_1600 : vector<16xf32>
    %add3A_1602 = arith.addf %add3A_1590, %mul3A_1601 : vector<16xf32>
    %get3A_1603 = arith.constant 15 : i32
    %get3A_1604 = arith.index_cast %get3A_1603 : i32 to index
    %get3A_1605 = arith.constant 112 : index
    %get3A_1606 = tpu.vector_load %arg7[%get3A_1604, %get3A_1605] {strides = array<i32>} : memref<32x128xf32, #tpu.memory_space<vmem>>, vector<1x16xf32>,
    %get3A_1607 = vector.shape_cast %get3A_1606 : vector<1x16xf32> to vector<16xf32>
    %get3A_1608 = arith.constant 15 : i32
    %get3A_1609 = arith.index_cast %get3A_1608 : i32 to index
    %get3A_1610 = arith.constant 112 : index
    %get3A_1611 = tpu.vector_load %arg8[%get3A_1609, %get3A_1610] {strides = array<i32>} : memref<32x128xf32, #tpu.memory_space<vmem>>, vector<1x16xf32>,
    %get3A_1612 = vector.shape_cast %get3A_1611 : vector<1x16xf32> to vector<16xf32>
    %mul3A_1613 = arith.mulf %get3A_1607, %get3A_1612 : vector<16xf32>
    %add3A_1614 = arith.addf %add3A_1602, %mul3A_1613 : vector<16xf32>
    %swap3A_1615 = arith.constant 15 : i32
    %swap3A_1616 = arith.index_cast %swap3A_1615 : i32 to index
    %swap3A_1617 = arith.constant 0 : index
    %swap3A_1618 = tpu.vector_load %arg9[%swap3A_1616, %swap3A_1617] {strides = array<i32>} : memref<32x16xf32, #tpu.memory_space<vmem>>, vector<1x16xf32>,
    %swap3A_1619 = vector.shape_cast %swap3A_1618 : vector<1x16xf32> to vector<16xf32>
    %swap3A_1620 = vector.shape_cast %add3A_1614 : vector<16xf32> to vector<1x16xf32>
    tpu.vector_store %arg9[%swap3A_1616, %swap3A_1617], %swap3A_1620 {strides = array<i32>} : memref<32x16xf32, #tpu.memory_space<vmem>>, vector<1x16xf32>,
    %get3A_1621 = arith.constant 16 : i32
    %get3A_1622 = arith.index_cast %get3A_1621 : i32 to index
    %get3A_1623 = arith.constant 0 : index
    %get3A_1624 = tpu.vector_load %arg7[%get3A_1622, %get3A_1623] {strides = array<i32>} : memref<32x128xf32, #tpu.memory_space<vmem>>, vector<1x16xf32>,
    %get3A_1625 = vector.shape_cast %get3A_1624 : vector<1x16xf32> to vector<16xf32>
    %get3A_1626 = arith.constant 16 : i32
    %get3A_1627 = arith.index_cast %get3A_1626 : i32 to index
    %get3A_1628 = arith.constant 0 : index
    %get3A_1629 = tpu.vector_load %arg8[%get3A_1627, %get3A_1628] {strides = array<i32>} : memref<32x128xf32, #tpu.memory_space<vmem>>, vector<1x16xf32>,
    %get3A_1630 = vector.shape_cast %get3A_1629 : vector<1x16xf32> to vector<16xf32>
    %mul3A_1631 = arith.mulf %get3A_1625, %get3A_1630 : vector<16xf32>
    %get3A_1632 = arith.constant 16 : i32
    %get3A_1633 = arith.index_cast %get3A_1632 : i32 to index
    %get3A_1634 = arith.constant 16 : index
    %get3A_1635 = tpu.vector_load %arg7[%get3A_1633, %get3A_1634] {strides = array<i32>} : memref<32x128xf32, #tpu.memory_space<vmem>>, vector<1x16xf32>,
    %get3A_1636 = vector.shape_cast %get3A_1635 : vector<1x16xf32> to vector<16xf32>
    %get3A_1637 = arith.constant 16 : i32
    %get3A_1638 = arith.index_cast %get3A_1637 : i32 to index
    %get3A_1639 = arith.constant 16 : index
    %get3A_1640 = tpu.vector_load %arg8[%get3A_1638, %get3A_1639] {strides = array<i32>} : memref<32x128xf32, #tpu.memory_space<vmem>>, vector<1x16xf32>,
    %get3A_1641 = vector.shape_cast %get3A_1640 : vector<1x16xf32> to vector<16xf32>
    %mul3A_1642 = arith.mulf %get3A_1636, %get3A_1641 : vector<16xf32>
    %add3A_1643 = arith.addf %mul3A_1631, %mul3A_1642 : vector<16xf32>
    %get3A_1644 = arith.constant 16 : i32
    %get3A_1645 = arith.index_cast %get3A_1644 : i32 to index
    %get3A_1646 = arith.constant 32 : index
    %get3A_1647 = tpu.vector_load %arg7[%get3A_1645, %get3A_1646] {strides = array<i32>} : memref<32x128xf32, #tpu.memory_space<vmem>>, vector<1x16xf32>,
    %get3A_1648 = vector.shape_cast %get3A_1647 : vector<1x16xf32> to vector<16xf32>
    %get3A_1649 = arith.constant 16 : i32
    %get3A_1650 = arith.index_cast %get3A_1649 : i32 to index
    %get3A_1651 = arith.constant 32 : index
    %get3A_1652 = tpu.vector_load %arg8[%get3A_1650, %get3A_1651] {strides = array<i32>} : memref<32x128xf32, #tpu.memory_space<vmem>>, vector<1x16xf32>,
    %get3A_1653 = vector.shape_cast %get3A_1652 : vector<1x16xf32> to vector<16xf32>
    %mul3A_1654 = arith.mulf %get3A_1648, %get3A_1653 : vector<16xf32>
    %add3A_1655 = arith.addf %add3A_1643, %mul3A_1654 : vector<16xf32>
    %get3A_1656 = arith.constant 16 : i32
    %get3A_1657 = arith.index_cast %get3A_1656 : i32 to index
    %get3A_1658 = arith.constant 48 : index
    %get3A_1659 = tpu.vector_load %arg7[%get3A_1657, %get3A_1658] {strides = array<i32>} : memref<32x128xf32, #tpu.memory_space<vmem>>, vector<1x16xf32>,
    %get3A_1660 = vector.shape_cast %get3A_1659 : vector<1x16xf32> to vector<16xf32>
    %get3A_1661 = arith.constant 16 : i32
    %get3A_1662 = arith.index_cast %get3A_1661 : i32 to index
    %get3A_1663 = arith.constant 48 : index
    %get3A_1664 = tpu.vector_load %arg8[%get3A_1662, %get3A_1663] {strides = array<i32>} : memref<32x128xf32, #tpu.memory_space<vmem>>, vector<1x16xf32>,
    %get3A_1665 = vector.shape_cast %get3A_1664 : vector<1x16xf32> to vector<16xf32>
    %mul3A_1666 = arith.mulf %get3A_1660, %get3A_1665 : vector<16xf32>
    %add3A_1667 = arith.addf %add3A_1655, %mul3A_1666 : vector<16xf32>
    %get3A_1668 = arith.constant 16 : i32
    %get3A_1669 = arith.index_cast %get3A_1668 : i32 to index
    %get3A_1670 = arith.constant 64 : index
    %get3A_1671 = tpu.vector_load %arg7[%get3A_1669, %get3A_1670] {strides = array<i32>} : memref<32x128xf32, #tpu.memory_space<vmem>>, vector<1x16xf32>,
    %get3A_1672 = vector.shape_cast %get3A_1671 : vector<1x16xf32> to vector<16xf32>
    %get3A_1673 = arith.constant 16 : i32
    %get3A_1674 = arith.index_cast %get3A_1673 : i32 to index
    %get3A_1675 = arith.constant 64 : index
    %get3A_1676 = tpu.vector_load %arg8[%get3A_1674, %get3A_1675] {strides = array<i32>} : memref<32x128xf32, #tpu.memory_space<vmem>>, vector<1x16xf32>,
    %get3A_1677 = vector.shape_cast %get3A_1676 : vector<1x16xf32> to vector<16xf32>
    %mul3A_1678 = arith.mulf %get3A_1672, %get3A_1677 : vector<16xf32>
    %add3A_1679 = arith.addf %add3A_1667, %mul3A_1678 : vector<16xf32>
    %get3A_1680 = arith.constant 16 : i32
    %get3A_1681 = arith.index_cast %get3A_1680 : i32 to index
    %get3A_1682 = arith.constant 80 : index
    %get3A_1683 = tpu.vector_load %arg7[%get3A_1681, %get3A_1682] {strides = array<i32>} : memref<32x128xf32, #tpu.memory_space<vmem>>, vector<1x16xf32>,
    %get3A_1684 = vector.shape_cast %get3A_1683 : vector<1x16xf32> to vector<16xf32>
    %get3A_1685 = arith.constant 16 : i32
    %get3A_1686 = arith.index_cast %get3A_1685 : i32 to index
    %get3A_1687 = arith.constant 80 : index
    %get3A_1688 = tpu.vector_load %arg8[%get3A_1686, %get3A_1687] {strides = array<i32>} : memref<32x128xf32, #tpu.memory_space<vmem>>, vector<1x16xf32>,
    %get3A_1689 = vector.shape_cast %get3A_1688 : vector<1x16xf32> to vector<16xf32>
    %mul3A_1690 = arith.mulf %get3A_1684, %get3A_1689 : vector<16xf32>
    %add3A_1691 = arith.addf %add3A_1679, %mul3A_1690 : vector<16xf32>
    %get3A_1692 = arith.constant 16 : i32
    %get3A_1693 = arith.index_cast %get3A_1692 : i32 to index
    %get3A_1694 = arith.constant 96 : index
    %get3A_1695 = tpu.vector_load %arg7[%get3A_1693, %get3A_1694] {strides = array<i32>} : memref<32x128xf32, #tpu.memory_space<vmem>>, vector<1x16xf32>,
    %get3A_1696 = vector.shape_cast %get3A_1695 : vector<1x16xf32> to vector<16xf32>
    %get3A_1697 = arith.constant 16 : i32
    %get3A_1698 = arith.index_cast %get3A_1697 : i32 to index
    %get3A_1699 = arith.constant 96 : index
    %get3A_1700 = tpu.vector_load %arg8[%get3A_1698, %get3A_1699] {strides = array<i32>} : memref<32x128xf32, #tpu.memory_space<vmem>>, vector<1x16xf32>,
    %get3A_1701 = vector.shape_cast %get3A_1700 : vector<1x16xf32> to vector<16xf32>
    %mul3A_1702 = arith.mulf %get3A_1696, %get3A_1701 : vector<16xf32>
    %add3A_1703 = arith.addf %add3A_1691, %mul3A_1702 : vector<16xf32>
    %get3A_1704 = arith.constant 16 : i32
    %get3A_1705 = arith.index_cast %get3A_1704 : i32 to index
    %get3A_1706 = arith.constant 112 : index
    %get3A_1707 = tpu.vector_load %arg7[%get3A_1705, %get3A_1706] {strides = array<i32>} : memref<32x128xf32, #tpu.memory_space<vmem>>, vector<1x16xf32>,
    %get3A_1708 = vector.shape_cast %get3A_1707 : vector<1x16xf32> to vector<16xf32>
    %get3A_1709 = arith.constant 16 : i32
    %get3A_1710 = arith.index_cast %get3A_1709 : i32 to index
    %get3A_1711 = arith.constant 112 : index
    %get3A_1712 = tpu.vector_load %arg8[%get3A_1710, %get3A_1711] {strides = array<i32>} : memref<32x128xf32, #tpu.memory_space<vmem>>, vector<1x16xf32>,
    %get3A_1713 = vector.shape_cast %get3A_1712 : vector<1x16xf32> to vector<16xf32>
    %mul3A_1714 = arith.mulf %get3A_1708, %get3A_1713 : vector<16xf32>
    %add3A_1715 = arith.addf %add3A_1703, %mul3A_1714 : vector<16xf32>
    %swap3A_1716 = arith.constant 16 : i32
    %swap3A_1717 = arith.index_cast %swap3A_1716 : i32 to index
    %swap3A_1718 = arith.constant 0 : index
    %swap3A_1719 = tpu.vector_load %arg9[%swap3A_1717, %swap3A_1718] {strides = array<i32>} : memref<32x16xf32, #tpu.memory_space<vmem>>, vector<1x16xf32>,
    %swap3A_1720 = vector.shape_cast %swap3A_1719 : vector<1x16xf32> to vector<16xf32>
    %swap3A_1721 = vector.shape_cast %add3A_1715 : vector<16xf32> to vector<1x16xf32>
    tpu.vector_store %arg9[%swap3A_1717, %swap3A_1718], %swap3A_1721 {strides = array<i32>} : memref<32x16xf32, #tpu.memory_space<vmem>>, vector<1x16xf32>,
    %get3A_1722 = arith.constant 17 : i32
    %get3A_1723 = arith.index_cast %get3A_1722 : i32 to index
    %get3A_1724 = arith.constant 0 : index
    %get3A_1725 = tpu.vector_load %arg7[%get3A_1723, %get3A_1724] {strides = array<i32>} : memref<32x128xf32, #tpu.memory_space<vmem>>, vector<1x16xf32>,
    %get3A_1726 = vector.shape_cast %get3A_1725 : vector<1x16xf32> to vector<16xf32>
    %get3A_1727 = arith.constant 17 : i32
    %get3A_1728 = arith.index_cast %get3A_1727 : i32 to index
    %get3A_1729 = arith.constant 0 : index
    %get3A_1730 = tpu.vector_load %arg8[%get3A_1728, %get3A_1729] {strides = array<i32>} : memref<32x128xf32, #tpu.memory_space<vmem>>, vector<1x16xf32>,
    %get3A_1731 = vector.shape_cast %get3A_1730 : vector<1x16xf32> to vector<16xf32>
    %mul3A_1732 = arith.mulf %get3A_1726, %get3A_1731 : vector<16xf32>
    %get3A_1733 = arith.constant 17 : i32
    %get3A_1734 = arith.index_cast %get3A_1733 : i32 to index
    %get3A_1735 = arith.constant 16 : index
    %get3A_1736 = tpu.vector_load %arg7[%get3A_1734, %get3A_1735] {strides = array<i32>} : memref<32x128xf32, #tpu.memory_space<vmem>>, vector<1x16xf32>,
    %get3A_1737 = vector.shape_cast %get3A_1736 : vector<1x16xf32> to vector<16xf32>
    %get3A_1738 = arith.constant 17 : i32
    %get3A_1739 = arith.index_cast %get3A_1738 : i32 to index
    %get3A_1740 = arith.constant 16 : index
    %get3A_1741 = tpu.vector_load %arg8[%get3A_1739, %get3A_1740] {strides = array<i32>} : memref<32x128xf32, #tpu.memory_space<vmem>>, vector<1x16xf32>,
    %get3A_1742 = vector.shape_cast %get3A_1741 : vector<1x16xf32> to vector<16xf32>
    %mul3A_1743 = arith.mulf %get3A_1737, %get3A_1742 : vector<16xf32>
    %add3A_1744 = arith.addf %mul3A_1732, %mul3A_1743 : vector<16xf32>
    %get3A_1745 = arith.constant 17 : i32
    %get3A_1746 = arith.index_cast %get3A_1745 : i32 to index
    %get3A_1747 = arith.constant 32 : index
    %get3A_1748 = tpu.vector_load %arg7[%get3A_1746, %get3A_1747] {strides = array<i32>} : memref<32x128xf32, #tpu.memory_space<vmem>>, vector<1x16xf32>,
    %get3A_1749 = vector.shape_cast %get3A_1748 : vector<1x16xf32> to vector<16xf32>
    %get3A_1750 = arith.constant 17 : i32
    %get3A_1751 = arith.index_cast %get3A_1750 : i32 to index
    %get3A_1752 = arith.constant 32 : index
    %get3A_1753 = tpu.vector_load %arg8[%get3A_1751, %get3A_1752] {strides = array<i32>} : memref<32x128xf32, #tpu.memory_space<vmem>>, vector<1x16xf32>,
    %get3A_1754 = vector.shape_cast %get3A_1753 : vector<1x16xf32> to vector<16xf32>
    %mul3A_1755 = arith.mulf %get3A_1749, %get3A_1754 : vector<16xf32>
    %add3A_1756 = arith.addf %add3A_1744, %mul3A_1755 : vector<16xf32>
    %get3A_1757 = arith.constant 17 : i32
    %get3A_1758 = arith.index_cast %get3A_1757 : i32 to index
    %get3A_1759 = arith.constant 48 : index
    %get3A_1760 = tpu.vector_load %arg7[%get3A_1758, %get3A_1759] {strides = array<i32>} : memref<32x128xf32, #tpu.memory_space<vmem>>, vector<1x16xf32>,
    %get3A_1761 = vector.shape_cast %get3A_1760 : vector<1x16xf32> to vector<16xf32>
    %get3A_1762 = arith.constant 17 : i32
    %get3A_1763 = arith.index_cast %get3A_1762 : i32 to index
    %get3A_1764 = arith.constant 48 : index
    %get3A_1765 = tpu.vector_load %arg8[%get3A_1763, %get3A_1764] {strides = array<i32>} : memref<32x128xf32, #tpu.memory_space<vmem>>, vector<1x16xf32>,
    %get3A_1766 = vector.shape_cast %get3A_1765 : vector<1x16xf32> to vector<16xf32>
    %mul3A_1767 = arith.mulf %get3A_1761, %get3A_1766 : vector<16xf32>
    %add3A_1768 = arith.addf %add3A_1756, %mul3A_1767 : vector<16xf32>
    %get3A_1769 = arith.constant 17 : i32
    %get3A_1770 = arith.index_cast %get3A_1769 : i32 to index
    %get3A_1771 = arith.constant 64 : index
    %get3A_1772 = tpu.vector_load %arg7[%get3A_1770, %get3A_1771] {strides = array<i32>} : memref<32x128xf32, #tpu.memory_space<vmem>>, vector<1x16xf32>,
    %get3A_1773 = vector.shape_cast %get3A_1772 : vector<1x16xf32> to vector<16xf32>
    %get3A_1774 = arith.constant 17 : i32
    %get3A_1775 = arith.index_cast %get3A_1774 : i32 to index
    %get3A_1776 = arith.constant 64 : index
    %get3A_1777 = tpu.vector_load %arg8[%get3A_1775, %get3A_1776] {strides = array<i32>} : memref<32x128xf32, #tpu.memory_space<vmem>>, vector<1x16xf32>,
    %get3A_1778 = vector.shape_cast %get3A_1777 : vector<1x16xf32> to vector<16xf32>
    %mul3A_1779 = arith.mulf %get3A_1773, %get3A_1778 : vector<16xf32>
    %add3A_1780 = arith.addf %add3A_1768, %mul3A_1779 : vector<16xf32>
    %get3A_1781 = arith.constant 17 : i32
    %get3A_1782 = arith.index_cast %get3A_1781 : i32 to index
    %get3A_1783 = arith.constant 80 : index
    %get3A_1784 = tpu.vector_load %arg7[%get3A_1782, %get3A_1783] {strides = array<i32>} : memref<32x128xf32, #tpu.memory_space<vmem>>, vector<1x16xf32>,
    %get3A_1785 = vector.shape_cast %get3A_1784 : vector<1x16xf32> to vector<16xf32>
    %get3A_1786 = arith.constant 17 : i32
    %get3A_1787 = arith.index_cast %get3A_1786 : i32 to index
    %get3A_1788 = arith.constant 80 : index
    %get3A_1789 = tpu.vector_load %arg8[%get3A_1787, %get3A_1788] {strides = array<i32>} : memref<32x128xf32, #tpu.memory_space<vmem>>, vector<1x16xf32>,
    %get3A_1790 = vector.shape_cast %get3A_1789 : vector<1x16xf32> to vector<16xf32>
    %mul3A_1791 = arith.mulf %get3A_1785, %get3A_1790 : vector<16xf32>
    %add3A_1792 = arith.addf %add3A_1780, %mul3A_1791 : vector<16xf32>
    %get3A_1793 = arith.constant 17 : i32
    %get3A_1794 = arith.index_cast %get3A_1793 : i32 to index
    %get3A_1795 = arith.constant 96 : index
    %get3A_1796 = tpu.vector_load %arg7[%get3A_1794, %get3A_1795] {strides = array<i32>} : memref<32x128xf32, #tpu.memory_space<vmem>>, vector<1x16xf32>,
    %get3A_1797 = vector.shape_cast %get3A_1796 : vector<1x16xf32> to vector<16xf32>
    %get3A_1798 = arith.constant 17 : i32
    %get3A_1799 = arith.index_cast %get3A_1798 : i32 to index
    %get3A_1800 = arith.constant 96 : index
    %get3A_1801 = tpu.vector_load %arg8[%get3A_1799, %get3A_1800] {strides = array<i32>} : memref<32x128xf32, #tpu.memory_space<vmem>>, vector<1x16xf32>,
    %get3A_1802 = vector.shape_cast %get3A_1801 : vector<1x16xf32> to vector<16xf32>
    %mul3A_1803 = arith.mulf %get3A_1797, %get3A_1802 : vector<16xf32>
    %add3A_1804 = arith.addf %add3A_1792, %mul3A_1803 : vector<16xf32>
    %get3A_1805 = arith.constant 17 : i32
    %get3A_1806 = arith.index_cast %get3A_1805 : i32 to index
    %get3A_1807 = arith.constant 112 : index
    %get3A_1808 = tpu.vector_load %arg7[%get3A_1806, %get3A_1807] {strides = array<i32>} : memref<32x128xf32, #tpu.memory_space<vmem>>, vector<1x16xf32>,
    %get3A_1809 = vector.shape_cast %get3A_1808 : vector<1x16xf32> to vector<16xf32>
    %get3A_1810 = arith.constant 17 : i32
    %get3A_1811 = arith.index_cast %get3A_1810 : i32 to index
    %get3A_1812 = arith.constant 112 : index
    %get3A_1813 = tpu.vector_load %arg8[%get3A_1811, %get3A_1812] {strides = array<i32>} : memref<32x128xf32, #tpu.memory_space<vmem>>, vector<1x16xf32>,
    %get3A_1814 = vector.shape_cast %get3A_1813 : vector<1x16xf32> to vector<16xf32>
    %mul3A_1815 = arith.mulf %get3A_1809, %get3A_1814 : vector<16xf32>
    %add3A_1816 = arith.addf %add3A_1804, %mul3A_1815 : vector<16xf32>
    %swap3A_1817 = arith.constant 17 : i32
    %swap3A_1818 = arith.index_cast %swap3A_1817 : i32 to index
    %swap3A_1819 = arith.constant 0 : index
    %swap3A_1820 = tpu.vector_load %arg9[%swap3A_1818, %swap3A_1819] {strides = array<i32>} : memref<32x16xf32, #tpu.memory_space<vmem>>, vector<1x16xf32>,
    %swap3A_1821 = vector.shape_cast %swap3A_1820 : vector<1x16xf32> to vector<16xf32>
    %swap3A_1822 = vector.shape_cast %add3A_1816 : vector<16xf32> to vector<1x16xf32>
    tpu.vector_store %arg9[%swap3A_1818, %swap3A_1819], %swap3A_1822 {strides = array<i32>} : memref<32x16xf32, #tpu.memory_space<vmem>>, vector<1x16xf32>,
    %get3A_1823 = arith.constant 18 : i32
    %get3A_1824 = arith.index_cast %get3A_1823 : i32 to index
    %get3A_1825 = arith.constant 0 : index
    %get3A_1826 = tpu.vector_load %arg7[%get3A_1824, %get3A_1825] {strides = array<i32>} : memref<32x128xf32, #tpu.memory_space<vmem>>, vector<1x16xf32>,
    %get3A_1827 = vector.shape_cast %get3A_1826 : vector<1x16xf32> to vector<16xf32>
    %get3A_1828 = arith.constant 18 : i32
    %get3A_1829 = arith.index_cast %get3A_1828 : i32 to index
    %get3A_1830 = arith.constant 0 : index
    %get3A_1831 = tpu.vector_load %arg8[%get3A_1829, %get3A_1830] {strides = array<i32>} : memref<32x128xf32, #tpu.memory_space<vmem>>, vector<1x16xf32>,
    %get3A_1832 = vector.shape_cast %get3A_1831 : vector<1x16xf32> to vector<16xf32>
    %mul3A_1833 = arith.mulf %get3A_1827, %get3A_1832 : vector<16xf32>
    %get3A_1834 = arith.constant 18 : i32
    %get3A_1835 = arith.index_cast %get3A_1834 : i32 to index
    %get3A_1836 = arith.constant 16 : index
    %get3A_1837 = tpu.vector_load %arg7[%get3A_1835, %get3A_1836] {strides = array<i32>} : memref<32x128xf32, #tpu.memory_space<vmem>>, vector<1x16xf32>,
    %get3A_1838 = vector.shape_cast %get3A_1837 : vector<1x16xf32> to vector<16xf32>
    %get3A_1839 = arith.constant 18 : i32
    %get3A_1840 = arith.index_cast %get3A_1839 : i32 to index
    %get3A_1841 = arith.constant 16 : index
    %get3A_1842 = tpu.vector_load %arg8[%get3A_1840, %get3A_1841] {strides = array<i32>} : memref<32x128xf32, #tpu.memory_space<vmem>>, vector<1x16xf32>,
    %get3A_1843 = vector.shape_cast %get3A_1842 : vector<1x16xf32> to vector<16xf32>
    %mul3A_1844 = arith.mulf %get3A_1838, %get3A_1843 : vector<16xf32>
    %add3A_1845 = arith.addf %mul3A_1833, %mul3A_1844 : vector<16xf32>
    %get3A_1846 = arith.constant 18 : i32
    %get3A_1847 = arith.index_cast %get3A_1846 : i32 to index
    %get3A_1848 = arith.constant 32 : index
    %get3A_1849 = tpu.vector_load %arg7[%get3A_1847, %get3A_1848] {strides = array<i32>} : memref<32x128xf32, #tpu.memory_space<vmem>>, vector<1x16xf32>,
    %get3A_1850 = vector.shape_cast %get3A_1849 : vector<1x16xf32> to vector<16xf32>
    %get3A_1851 = arith.constant 18 : i32
    %get3A_1852 = arith.index_cast %get3A_1851 : i32 to index
    %get3A_1853 = arith.constant 32 : index
    %get3A_1854 = tpu.vector_load %arg8[%get3A_1852, %get3A_1853] {strides = array<i32>} : memref<32x128xf32, #tpu.memory_space<vmem>>, vector<1x16xf32>,
    %get3A_1855 = vector.shape_cast %get3A_1854 : vector<1x16xf32> to vector<16xf32>
    %mul3A_1856 = arith.mulf %get3A_1850, %get3A_1855 : vector<16xf32>
    %add3A_1857 = arith.addf %add3A_1845, %mul3A_1856 : vector<16xf32>
    %get3A_1858 = arith.constant 18 : i32
    %get3A_1859 = arith.index_cast %get3A_1858 : i32 to index
    %get3A_1860 = arith.constant 48 : index
    %get3A_1861 = tpu.vector_load %arg7[%get3A_1859, %get3A_1860] {strides = array<i32>} : memref<32x128xf32, #tpu.memory_space<vmem>>, vector<1x16xf32>,
    %get3A_1862 = vector.shape_cast %get3A_1861 : vector<1x16xf32> to vector<16xf32>
    %get3A_1863 = arith.constant 18 : i32
    %get3A_1864 = arith.index_cast %get3A_1863 : i32 to index
    %get3A_1865 = arith.constant 48 : index
    %get3A_1866 = tpu.vector_load %arg8[%get3A_1864, %get3A_1865] {strides = array<i32>} : memref<32x128xf32, #tpu.memory_space<vmem>>, vector<1x16xf32>,
    %get3A_1867 = vector.shape_cast %get3A_1866 : vector<1x16xf32> to vector<16xf32>
    %mul3A_1868 = arith.mulf %get3A_1862, %get3A_1867 : vector<16xf32>
    %add3A_1869 = arith.addf %add3A_1857, %mul3A_1868 : vector<16xf32>
    %get3A_1870 = arith.constant 18 : i32
    %get3A_1871 = arith.index_cast %get3A_1870 : i32 to index
    %get3A_1872 = arith.constant 64 : index
    %get3A_1873 = tpu.vector_load %arg7[%get3A_1871, %get3A_1872] {strides = array<i32>} : memref<32x128xf32, #tpu.memory_space<vmem>>, vector<1x16xf32>,
    %get3A_1874 = vector.shape_cast %get3A_1873 : vector<1x16xf32> to vector<16xf32>
    %get3A_1875 = arith.constant 18 : i32
    %get3A_1876 = arith.index_cast %get3A_1875 : i32 to index
    %get3A_1877 = arith.constant 64 : index
    %get3A_1878 = tpu.vector_load %arg8[%get3A_1876, %get3A_1877] {strides = array<i32>} : memref<32x128xf32, #tpu.memory_space<vmem>>, vector<1x16xf32>,
    %get3A_1879 = vector.shape_cast %get3A_1878 : vector<1x16xf32> to vector<16xf32>
    %mul3A_1880 = arith.mulf %get3A_1874, %get3A_1879 : vector<16xf32>
    %add3A_1881 = arith.addf %add3A_1869, %mul3A_1880 : vector<16xf32>
    %get3A_1882 = arith.constant 18 : i32
    %get3A_1883 = arith.index_cast %get3A_1882 : i32 to index
    %get3A_1884 = arith.constant 80 : index
    %get3A_1885 = tpu.vector_load %arg7[%get3A_1883, %get3A_1884] {strides = array<i32>} : memref<32x128xf32, #tpu.memory_space<vmem>>, vector<1x16xf32>,
    %get3A_1886 = vector.shape_cast %get3A_1885 : vector<1x16xf32> to vector<16xf32>
    %get3A_1887 = arith.constant 18 : i32
    %get3A_1888 = arith.index_cast %get3A_1887 : i32 to index
    %get3A_1889 = arith.constant 80 : index
    %get3A_1890 = tpu.vector_load %arg8[%get3A_1888, %get3A_1889] {strides = array<i32>} : memref<32x128xf32, #tpu.memory_space<vmem>>, vector<1x16xf32>,
    %get3A_1891 = vector.shape_cast %get3A_1890 : vector<1x16xf32> to vector<16xf32>
    %mul3A_1892 = arith.mulf %get3A_1886, %get3A_1891 : vector<16xf32>
    %add3A_1893 = arith.addf %add3A_1881, %mul3A_1892 : vector<16xf32>
    %get3A_1894 = arith.constant 18 : i32
    %get3A_1895 = arith.index_cast %get3A_1894 : i32 to index
    %get3A_1896 = arith.constant 96 : index
    %get3A_1897 = tpu.vector_load %arg7[%get3A_1895, %get3A_1896] {strides = array<i32>} : memref<32x128xf32, #tpu.memory_space<vmem>>, vector<1x16xf32>,
    %get3A_1898 = vector.shape_cast %get3A_1897 : vector<1x16xf32> to vector<16xf32>
    %get3A_1899 = arith.constant 18 : i32
    %get3A_1900 = arith.index_cast %get3A_1899 : i32 to index
    %get3A_1901 = arith.constant 96 : index
    %get3A_1902 = tpu.vector_load %arg8[%get3A_1900, %get3A_1901] {strides = array<i32>} : memref<32x128xf32, #tpu.memory_space<vmem>>, vector<1x16xf32>,
    %get3A_1903 = vector.shape_cast %get3A_1902 : vector<1x16xf32> to vector<16xf32>
    %mul3A_1904 = arith.mulf %get3A_1898, %get3A_1903 : vector<16xf32>
    %add3A_1905 = arith.addf %add3A_1893, %mul3A_1904 : vector<16xf32>
    %get3A_1906 = arith.constant 18 : i32
    %get3A_1907 = arith.index_cast %get3A_1906 : i32 to index
    %get3A_1908 = arith.constant 112 : index
    %get3A_1909 = tpu.vector_load %arg7[%get3A_1907, %get3A_1908] {strides = array<i32>} : memref<32x128xf32, #tpu.memory_space<vmem>>, vector<1x16xf32>,
    %get3A_1910 = vector.shape_cast %get3A_1909 : vector<1x16xf32> to vector<16xf32>
    %get3A_1911 = arith.constant 18 : i32
    %get3A_1912 = arith.index_cast %get3A_1911 : i32 to index
    %get3A_1913 = arith.constant 112 : index
    %get3A_1914 = tpu.vector_load %arg8[%get3A_1912, %get3A_1913] {strides = array<i32>} : memref<32x128xf32, #tpu.memory_space<vmem>>, vector<1x16xf32>,
    %get3A_1915 = vector.shape_cast %get3A_1914 : vector<1x16xf32> to vector<16xf32>
    %mul3A_1916 = arith.mulf %get3A_1910, %get3A_1915 : vector<16xf32>
    %add3A_1917 = arith.addf %add3A_1905, %mul3A_1916 : vector<16xf32>
    %swap3A_1918 = arith.constant 18 : i32
    %swap3A_1919 = arith.index_cast %swap3A_1918 : i32 to index
    %swap3A_1920 = arith.constant 0 : index
    %swap3A_1921 = tpu.vector_load %arg9[%swap3A_1919, %swap3A_1920] {strides = array<i32>} : memref<32x16xf32, #tpu.memory_space<vmem>>, vector<1x16xf32>,
    %swap3A_1922 = vector.shape_cast %swap3A_1921 : vector<1x16xf32> to vector<16xf32>
    %swap3A_1923 = vector.shape_cast %add3A_1917 : vector<16xf32> to vector<1x16xf32>
    tpu.vector_store %arg9[%swap3A_1919, %swap3A_1920], %swap3A_1923 {strides = array<i32>} : memref<32x16xf32, #tpu.memory_space<vmem>>, vector<1x16xf32>,
    %get3A_1924 = arith.constant 19 : i32
    %get3A_1925 = arith.index_cast %get3A_1924 : i32 to index
    %get3A_1926 = arith.constant 0 : index
    %get3A_1927 = tpu.vector_load %arg7[%get3A_1925, %get3A_1926] {strides = array<i32>} : memref<32x128xf32, #tpu.memory_space<vmem>>, vector<1x16xf32>,
    %get3A_1928 = vector.shape_cast %get3A_1927 : vector<1x16xf32> to vector<16xf32>
    %get3A_1929 = arith.constant 19 : i32
    %get3A_1930 = arith.index_cast %get3A_1929 : i32 to index
    %get3A_1931 = arith.constant 0 : index
    %get3A_1932 = tpu.vector_load %arg8[%get3A_1930, %get3A_1931] {strides = array<i32>} : memref<32x128xf32, #tpu.memory_space<vmem>>, vector<1x16xf32>,
    %get3A_1933 = vector.shape_cast %get3A_1932 : vector<1x16xf32> to vector<16xf32>
    %mul3A_1934 = arith.mulf %get3A_1928, %get3A_1933 : vector<16xf32>
    %get3A_1935 = arith.constant 19 : i32
    %get3A_1936 = arith.index_cast %get3A_1935 : i32 to index
    %get3A_1937 = arith.constant 16 : index
    %get3A_1938 = tpu.vector_load %arg7[%get3A_1936, %get3A_1937] {strides = array<i32>} : memref<32x128xf32, #tpu.memory_space<vmem>>, vector<1x16xf32>,
    %get3A_1939 = vector.shape_cast %get3A_1938 : vector<1x16xf32> to vector<16xf32>
    %get3A_1940 = arith.constant 19 : i32
    %get3A_1941 = arith.index_cast %get3A_1940 : i32 to index
    %get3A_1942 = arith.constant 16 : index
    %get3A_1943 = tpu.vector_load %arg8[%get3A_1941, %get3A_1942] {strides = array<i32>} : memref<32x128xf32, #tpu.memory_space<vmem>>, vector<1x16xf32>,
    %get3A_1944 = vector.shape_cast %get3A_1943 : vector<1x16xf32> to vector<16xf32>
    %mul3A_1945 = arith.mulf %get3A_1939, %get3A_1944 : vector<16xf32>
    %add3A_1946 = arith.addf %mul3A_1934, %mul3A_1945 : vector<16xf32>
    %get3A_1947 = arith.constant 19 : i32
    %get3A_1948 = arith.index_cast %get3A_1947 : i32 to index
    %get3A_1949 = arith.constant 32 : index
    %get3A_1950 = tpu.vector_load %arg7[%get3A_1948, %get3A_1949] {strides = array<i32>} : memref<32x128xf32, #tpu.memory_space<vmem>>, vector<1x16xf32>,
    %get3A_1951 = vector.shape_cast %get3A_1950 : vector<1x16xf32> to vector<16xf32>
    %get3A_1952 = arith.constant 19 : i32
    %get3A_1953 = arith.index_cast %get3A_1952 : i32 to index
    %get3A_1954 = arith.constant 32 : index
    %get3A_1955 = tpu.vector_load %arg8[%get3A_1953, %get3A_1954] {strides = array<i32>} : memref<32x128xf32, #tpu.memory_space<vmem>>, vector<1x16xf32>,
    %get3A_1956 = vector.shape_cast %get3A_1955 : vector<1x16xf32> to vector<16xf32>
    %mul3A_1957 = arith.mulf %get3A_1951, %get3A_1956 : vector<16xf32>
    %add3A_1958 = arith.addf %add3A_1946, %mul3A_1957 : vector<16xf32>
    %get3A_1959 = arith.constant 19 : i32
    %get3A_1960 = arith.index_cast %get3A_1959 : i32 to index
    %get3A_1961 = arith.constant 48 : index
    %get3A_1962 = tpu.vector_load %arg7[%get3A_1960, %get3A_1961] {strides = array<i32>} : memref<32x128xf32, #tpu.memory_space<vmem>>, vector<1x16xf32>,
    %get3A_1963 = vector.shape_cast %get3A_1962 : vector<1x16xf32> to vector<16xf32>
    %get3A_1964 = arith.constant 19 : i32
    %get3A_1965 = arith.index_cast %get3A_1964 : i32 to index
    %get3A_1966 = arith.constant 48 : index
    %get3A_1967 = tpu.vector_load %arg8[%get3A_1965, %get3A_1966] {strides = array<i32>} : memref<32x128xf32, #tpu.memory_space<vmem>>, vector<1x16xf32>,
    %get3A_1968 = vector.shape_cast %get3A_1967 : vector<1x16xf32> to vector<16xf32>
    %mul3A_1969 = arith.mulf %get3A_1963, %get3A_1968 : vector<16xf32>
    %add3A_1970 = arith.addf %add3A_1958, %mul3A_1969 : vector<16xf32>
    %get3A_1971 = arith.constant 19 : i32
    %get3A_1972 = arith.index_cast %get3A_1971 : i32 to index
    %get3A_1973 = arith.constant 64 : index
    %get3A_1974 = tpu.vector_load %arg7[%get3A_1972, %get3A_1973] {strides = array<i32>} : memref<32x128xf32, #tpu.memory_space<vmem>>, vector<1x16xf32>,
    %get3A_1975 = vector.shape_cast %get3A_1974 : vector<1x16xf32> to vector<16xf32>
    %get3A_1976 = arith.constant 19 : i32
    %get3A_1977 = arith.index_cast %get3A_1976 : i32 to index
    %get3A_1978 = arith.constant 64 : index
    %get3A_1979 = tpu.vector_load %arg8[%get3A_1977, %get3A_1978] {strides = array<i32>} : memref<32x128xf32, #tpu.memory_space<vmem>>, vector<1x16xf32>,
    %get3A_1980 = vector.shape_cast %get3A_1979 : vector<1x16xf32> to vector<16xf32>
    %mul3A_1981 = arith.mulf %get3A_1975, %get3A_1980 : vector<16xf32>
    %add3A_1982 = arith.addf %add3A_1970, %mul3A_1981 : vector<16xf32>
    %get3A_1983 = arith.constant 19 : i32
    %get3A_1984 = arith.index_cast %get3A_1983 : i32 to index
    %get3A_1985 = arith.constant 80 : index
    %get3A_1986 = tpu.vector_load %arg7[%get3A_1984, %get3A_1985] {strides = array<i32>} : memref<32x128xf32, #tpu.memory_space<vmem>>, vector<1x16xf32>,
    %get3A_1987 = vector.shape_cast %get3A_1986 : vector<1x16xf32> to vector<16xf32>
    %get3A_1988 = arith.constant 19 : i32
    %get3A_1989 = arith.index_cast %get3A_1988 : i32 to index
    %get3A_1990 = arith.constant 80 : index
    %get3A_1991 = tpu.vector_load %arg8[%get3A_1989, %get3A_1990] {strides = array<i32>} : memref<32x128xf32, #tpu.memory_space<vmem>>, vector<1x16xf32>,
    %get3A_1992 = vector.shape_cast %get3A_1991 : vector<1x16xf32> to vector<16xf32>
    %mul3A_1993 = arith.mulf %get3A_1987, %get3A_1992 : vector<16xf32>
    %add3A_1994 = arith.addf %add3A_1982, %mul3A_1993 : vector<16xf32>
    %get3A_1995 = arith.constant 19 : i32
    %get3A_1996 = arith.index_cast %get3A_1995 : i32 to index
    %get3A_1997 = arith.constant 96 : index
    %get3A_1998 = tpu.vector_load %arg7[%get3A_1996, %get3A_1997] {strides = array<i32>} : memref<32x128xf32, #tpu.memory_space<vmem>>, vector<1x16xf32>,
    %get3A_1999 = vector.shape_cast %get3A_1998 : vector<1x16xf32> to vector<16xf32>
    %get3A_2000 = arith.constant 19 : i32
    %get3A_2001 = arith.index_cast %get3A_2000 : i32 to index
    %get3A_2002 = arith.constant 96 : index
    %get3A_2003 = tpu.vector_load %arg8[%get3A_2001, %get3A_2002] {strides = array<i32>} : memref<32x128xf32, #tpu.memory_space<vmem>>, vector<1x16xf32>,
    %get3A_2004 = vector.shape_cast %get3A_2003 : vector<1x16xf32> to vector<16xf32>
    %mul3A_2005 = arith.mulf %get3A_1999, %get3A_2004 : vector<16xf32>
    %add3A_2006 = arith.addf %add3A_1994, %mul3A_2005 : vector<16xf32>
    %get3A_2007 = arith.constant 19 : i32
    %get3A_2008 = arith.index_cast %get3A_2007 : i32 to index
    %get3A_2009 = arith.constant 112 : index
    %get3A_2010 = tpu.vector_load %arg7[%get3A_2008, %get3A_2009] {strides = array<i32>} : memref<32x128xf32, #tpu.memory_space<vmem>>, vector<1x16xf32>,
    %get3A_2011 = vector.shape_cast %get3A_2010 : vector<1x16xf32> to vector<16xf32>
    %get3A_2012 = arith.constant 19 : i32
    %get3A_2013 = arith.index_cast %get3A_2012 : i32 to index
    %get3A_2014 = arith.constant 112 : index
    %get3A_2015 = tpu.vector_load %arg8[%get3A_2013, %get3A_2014] {strides = array<i32>} : memref<32x128xf32, #tpu.memory_space<vmem>>, vector<1x16xf32>,
    %get3A_2016 = vector.shape_cast %get3A_2015 : vector<1x16xf32> to vector<16xf32>
    %mul3A_2017 = arith.mulf %get3A_2011, %get3A_2016 : vector<16xf32>
    %add3A_2018 = arith.addf %add3A_2006, %mul3A_2017 : vector<16xf32>
    %swap3A_2019 = arith.constant 19 : i32
    %swap3A_2020 = arith.index_cast %swap3A_2019 : i32 to index
    %swap3A_2021 = arith.constant 0 : index
    %swap3A_2022 = tpu.vector_load %arg9[%swap3A_2020, %swap3A_2021] {strides = array<i32>} : memref<32x16xf32, #tpu.memory_space<vmem>>, vector<1x16xf32>,
    %swap3A_2023 = vector.shape_cast %swap3A_2022 : vector<1x16xf32> to vector<16xf32>
    %swap3A_2024 = vector.shape_cast %add3A_2018 : vector<16xf32> to vector<1x16xf32>
    tpu.vector_store %arg9[%swap3A_2020, %swap3A_2021], %swap3A_2024 {strides = array<i32>} : memref<32x16xf32, #tpu.memory_space<vmem>>, vector<1x16xf32>,
    %get3A_2025 = arith.constant 20 : i32
    %get3A_2026 = arith.index_cast %get3A_2025 : i32 to index
    %get3A_2027 = arith.constant 0 : index
    %get3A_2028 = tpu.vector_load %arg7[%get3A_2026, %get3A_2027] {strides = array<i32>} : memref<32x128xf32, #tpu.memory_space<vmem>>, vector<1x16xf32>,
    %get3A_2029 = vector.shape_cast %get3A_2028 : vector<1x16xf32> to vector<16xf32>
    %get3A_2030 = arith.constant 20 : i32
    %get3A_2031 = arith.index_cast %get3A_2030 : i32 to index
    %get3A_2032 = arith.constant 0 : index
    %get3A_2033 = tpu.vector_load %arg8[%get3A_2031, %get3A_2032] {strides = array<i32>} : memref<32x128xf32, #tpu.memory_space<vmem>>, vector<1x16xf32>,
    %get3A_2034 = vector.shape_cast %get3A_2033 : vector<1x16xf32> to vector<16xf32>
    %mul3A_2035 = arith.mulf %get3A_2029, %get3A_2034 : vector<16xf32>
    %get3A_2036 = arith.constant 20 : i32
    %get3A_2037 = arith.index_cast %get3A_2036 : i32 to index
    %get3A_2038 = arith.constant 16 : index
    %get3A_2039 = tpu.vector_load %arg7[%get3A_2037, %get3A_2038] {strides = array<i32>} : memref<32x128xf32, #tpu.memory_space<vmem>>, vector<1x16xf32>,
    %get3A_2040 = vector.shape_cast %get3A_2039 : vector<1x16xf32> to vector<16xf32>
    %get3A_2041 = arith.constant 20 : i32
    %get3A_2042 = arith.index_cast %get3A_2041 : i32 to index
    %get3A_2043 = arith.constant 16 : index
    %get3A_2044 = tpu.vector_load %arg8[%get3A_2042, %get3A_2043] {strides = array<i32>} : memref<32x128xf32, #tpu.memory_space<vmem>>, vector<1x16xf32>,
    %get3A_2045 = vector.shape_cast %get3A_2044 : vector<1x16xf32> to vector<16xf32>
    %mul3A_2046 = arith.mulf %get3A_2040, %get3A_2045 : vector<16xf32>
    %add3A_2047 = arith.addf %mul3A_2035, %mul3A_2046 : vector<16xf32>
    %get3A_2048 = arith.constant 20 : i32
    %get3A_2049 = arith.index_cast %get3A_2048 : i32 to index
    %get3A_2050 = arith.constant 32 : index
    %get3A_2051 = tpu.vector_load %arg7[%get3A_2049, %get3A_2050] {strides = array<i32>} : memref<32x128xf32, #tpu.memory_space<vmem>>, vector<1x16xf32>,
    %get3A_2052 = vector.shape_cast %get3A_2051 : vector<1x16xf32> to vector<16xf32>
    %get3A_2053 = arith.constant 20 : i32
    %get3A_2054 = arith.index_cast %get3A_2053 : i32 to index
    %get3A_2055 = arith.constant 32 : index
    %get3A_2056 = tpu.vector_load %arg8[%get3A_2054, %get3A_2055] {strides = array<i32>} : memref<32x128xf32, #tpu.memory_space<vmem>>, vector<1x16xf32>,
    %get3A_2057 = vector.shape_cast %get3A_2056 : vector<1x16xf32> to vector<16xf32>
    %mul3A_2058 = arith.mulf %get3A_2052, %get3A_2057 : vector<16xf32>
    %add3A_2059 = arith.addf %add3A_2047, %mul3A_2058 : vector<16xf32>
    %get3A_2060 = arith.constant 20 : i32
    %get3A_2061 = arith.index_cast %get3A_2060 : i32 to index
    %get3A_2062 = arith.constant 48 : index
    %get3A_2063 = tpu.vector_load %arg7[%get3A_2061, %get3A_2062] {strides = array<i32>} : memref<32x128xf32, #tpu.memory_space<vmem>>, vector<1x16xf32>,
    %get3A_2064 = vector.shape_cast %get3A_2063 : vector<1x16xf32> to vector<16xf32>
    %get3A_2065 = arith.constant 20 : i32
    %get3A_2066 = arith.index_cast %get3A_2065 : i32 to index
    %get3A_2067 = arith.constant 48 : index
    %get3A_2068 = tpu.vector_load %arg8[%get3A_2066, %get3A_2067] {strides = array<i32>} : memref<32x128xf32, #tpu.memory_space<vmem>>, vector<1x16xf32>,
    %get3A_2069 = vector.shape_cast %get3A_2068 : vector<1x16xf32> to vector<16xf32>
    %mul3A_2070 = arith.mulf %get3A_2064, %get3A_2069 : vector<16xf32>
    %add3A_2071 = arith.addf %add3A_2059, %mul3A_2070 : vector<16xf32>
    %get3A_2072 = arith.constant 20 : i32
    %get3A_2073 = arith.index_cast %get3A_2072 : i32 to index
    %get3A_2074 = arith.constant 64 : index
    %get3A_2075 = tpu.vector_load %arg7[%get3A_2073, %get3A_2074] {strides = array<i32>} : memref<32x128xf32, #tpu.memory_space<vmem>>, vector<1x16xf32>,
    %get3A_2076 = vector.shape_cast %get3A_2075 : vector<1x16xf32> to vector<16xf32>
    %get3A_2077 = arith.constant 20 : i32
    %get3A_2078 = arith.index_cast %get3A_2077 : i32 to index
    %get3A_2079 = arith.constant 64 : index
    %get3A_2080 = tpu.vector_load %arg8[%get3A_2078, %get3A_2079] {strides = array<i32>} : memref<32x128xf32, #tpu.memory_space<vmem>>, vector<1x16xf32>,
    %get3A_2081 = vector.shape_cast %get3A_2080 : vector<1x16xf32> to vector<16xf32>
    %mul3A_2082 = arith.mulf %get3A_2076, %get3A_2081 : vector<16xf32>
    %add3A_2083 = arith.addf %add3A_2071, %mul3A_2082 : vector<16xf32>
    %get3A_2084 = arith.constant 20 : i32
    %get3A_2085 = arith.index_cast %get3A_2084 : i32 to index
    %get3A_2086 = arith.constant 80 : index
    %get3A_2087 = tpu.vector_load %arg7[%get3A_2085, %get3A_2086] {strides = array<i32>} : memref<32x128xf32, #tpu.memory_space<vmem>>, vector<1x16xf32>,
    %get3A_2088 = vector.shape_cast %get3A_2087 : vector<1x16xf32> to vector<16xf32>
    %get3A_2089 = arith.constant 20 : i32
    %get3A_2090 = arith.index_cast %get3A_2089 : i32 to index
    %get3A_2091 = arith.constant 80 : index
    %get3A_2092 = tpu.vector_load %arg8[%get3A_2090, %get3A_2091] {strides = array<i32>} : memref<32x128xf32, #tpu.memory_space<vmem>>, vector<1x16xf32>,
    %get3A_2093 = vector.shape_cast %get3A_2092 : vector<1x16xf32> to vector<16xf32>
    %mul3A_2094 = arith.mulf %get3A_2088, %get3A_2093 : vector<16xf32>
    %add3A_2095 = arith.addf %add3A_2083, %mul3A_2094 : vector<16xf32>
    %get3A_2096 = arith.constant 20 : i32
    %get3A_2097 = arith.index_cast %get3A_2096 : i32 to index
    %get3A_2098 = arith.constant 96 : index
    %get3A_2099 = tpu.vector_load %arg7[%get3A_2097, %get3A_2098] {strides = array<i32>} : memref<32x128xf32, #tpu.memory_space<vmem>>, vector<1x16xf32>,
    %get3A_2100 = vector.shape_cast %get3A_2099 : vector<1x16xf32> to vector<16xf32>
    %get3A_2101 = arith.constant 20 : i32
    %get3A_2102 = arith.index_cast %get3A_2101 : i32 to index
    %get3A_2103 = arith.constant 96 : index
    %get3A_2104 = tpu.vector_load %arg8[%get3A_2102, %get3A_2103] {strides = array<i32>} : memref<32x128xf32, #tpu.memory_space<vmem>>, vector<1x16xf32>,
    %get3A_2105 = vector.shape_cast %get3A_2104 : vector<1x16xf32> to vector<16xf32>
    %mul3A_2106 = arith.mulf %get3A_2100, %get3A_2105 : vector<16xf32>
    %add3A_2107 = arith.addf %add3A_2095, %mul3A_2106 : vector<16xf32>
    %get3A_2108 = arith.constant 20 : i32
    %get3A_2109 = arith.index_cast %get3A_2108 : i32 to index
    %get3A_2110 = arith.constant 112 : index
    %get3A_2111 = tpu.vector_load %arg7[%get3A_2109, %get3A_2110] {strides = array<i32>} : memref<32x128xf32, #tpu.memory_space<vmem>>, vector<1x16xf32>,
    %get3A_2112 = vector.shape_cast %get3A_2111 : vector<1x16xf32> to vector<16xf32>
    %get3A_2113 = arith.constant 20 : i32
    %get3A_2114 = arith.index_cast %get3A_2113 : i32 to index
    %get3A_2115 = arith.constant 112 : index
    %get3A_2116 = tpu.vector_load %arg8[%get3A_2114, %get3A_2115] {strides = array<i32>} : memref<32x128xf32, #tpu.memory_space<vmem>>, vector<1x16xf32>,
    %get3A_2117 = vector.shape_cast %get3A_2116 : vector<1x16xf32> to vector<16xf32>
    %mul3A_2118 = arith.mulf %get3A_2112, %get3A_2117 : vector<16xf32>
    %add3A_2119 = arith.addf %add3A_2107, %mul3A_2118 : vector<16xf32>
    %swap3A_2120 = arith.constant 20 : i32
    %swap3A_2121 = arith.index_cast %swap3A_2120 : i32 to index
    %swap3A_2122 = arith.constant 0 : index
    %swap3A_2123 = tpu.vector_load %arg9[%swap3A_2121, %swap3A_2122] {strides = array<i32>} : memref<32x16xf32, #tpu.memory_space<vmem>>, vector<1x16xf32>,
    %swap3A_2124 = vector.shape_cast %swap3A_2123 : vector<1x16xf32> to vector<16xf32>
    %swap3A_2125 = vector.shape_cast %add3A_2119 : vector<16xf32> to vector<1x16xf32>
    tpu.vector_store %arg9[%swap3A_2121, %swap3A_2122], %swap3A_2125 {strides = array<i32>} : memref<32x16xf32, #tpu.memory_space<vmem>>, vector<1x16xf32>,
    %get3A_2126 = arith.constant 21 : i32
    %get3A_2127 = arith.index_cast %get3A_2126 : i32 to index
    %get3A_2128 = arith.constant 0 : index
    %get3A_2129 = tpu.vector_load %arg7[%get3A_2127, %get3A_2128] {strides = array<i32>} : memref<32x128xf32, #tpu.memory_space<vmem>>, vector<1x16xf32>,
    %get3A_2130 = vector.shape_cast %get3A_2129 : vector<1x16xf32> to vector<16xf32>
    %get3A_2131 = arith.constant 21 : i32
    %get3A_2132 = arith.index_cast %get3A_2131 : i32 to index
    %get3A_2133 = arith.constant 0 : index
    %get3A_2134 = tpu.vector_load %arg8[%get3A_2132, %get3A_2133] {strides = array<i32>} : memref<32x128xf32, #tpu.memory_space<vmem>>, vector<1x16xf32>,
    %get3A_2135 = vector.shape_cast %get3A_2134 : vector<1x16xf32> to vector<16xf32>
    %mul3A_2136 = arith.mulf %get3A_2130, %get3A_2135 : vector<16xf32>
    %get3A_2137 = arith.constant 21 : i32
    %get3A_2138 = arith.index_cast %get3A_2137 : i32 to index
    %get3A_2139 = arith.constant 16 : index
    %get3A_2140 = tpu.vector_load %arg7[%get3A_2138, %get3A_2139] {strides = array<i32>} : memref<32x128xf32, #tpu.memory_space<vmem>>, vector<1x16xf32>,
    %get3A_2141 = vector.shape_cast %get3A_2140 : vector<1x16xf32> to vector<16xf32>
    %get3A_2142 = arith.constant 21 : i32
    %get3A_2143 = arith.index_cast %get3A_2142 : i32 to index
    %get3A_2144 = arith.constant 16 : index
    %get3A_2145 = tpu.vector_load %arg8[%get3A_2143, %get3A_2144] {strides = array<i32>} : memref<32x128xf32, #tpu.memory_space<vmem>>, vector<1x16xf32>,
    %get3A_2146 = vector.shape_cast %get3A_2145 : vector<1x16xf32> to vector<16xf32>
    %mul3A_2147 = arith.mulf %get3A_2141, %get3A_2146 : vector<16xf32>
    %add3A_2148 = arith.addf %mul3A_2136, %mul3A_2147 : vector<16xf32>
    %get3A_2149 = arith.constant 21 : i32
    %get3A_2150 = arith.index_cast %get3A_2149 : i32 to index
    %get3A_2151 = arith.constant 32 : index
    %get3A_2152 = tpu.vector_load %arg7[%get3A_2150, %get3A_2151] {strides = array<i32>} : memref<32x128xf32, #tpu.memory_space<vmem>>, vector<1x16xf32>,
    %get3A_2153 = vector.shape_cast %get3A_2152 : vector<1x16xf32> to vector<16xf32>
    %get3A_2154 = arith.constant 21 : i32
    %get3A_2155 = arith.index_cast %get3A_2154 : i32 to index
    %get3A_2156 = arith.constant 32 : index
    %get3A_2157 = tpu.vector_load %arg8[%get3A_2155, %get3A_2156] {strides = array<i32>} : memref<32x128xf32, #tpu.memory_space<vmem>>, vector<1x16xf32>,
    %get3A_2158 = vector.shape_cast %get3A_2157 : vector<1x16xf32> to vector<16xf32>
    %mul3A_2159 = arith.mulf %get3A_2153, %get3A_2158 : vector<16xf32>
    %add3A_2160 = arith.addf %add3A_2148, %mul3A_2159 : vector<16xf32>
    %get3A_2161 = arith.constant 21 : i32
    %get3A_2162 = arith.index_cast %get3A_2161 : i32 to index
    %get3A_2163 = arith.constant 48 : index
    %get3A_2164 = tpu.vector_load %arg7[%get3A_2162, %get3A_2163] {strides = array<i32>} : memref<32x128xf32, #tpu.memory_space<vmem>>, vector<1x16xf32>,
    %get3A_2165 = vector.shape_cast %get3A_2164 : vector<1x16xf32> to vector<16xf32>
    %get3A_2166 = arith.constant 21 : i32
    %get3A_2167 = arith.index_cast %get3A_2166 : i32 to index
    %get3A_2168 = arith.constant 48 : index
    %get3A_2169 = tpu.vector_load %arg8[%get3A_2167, %get3A_2168] {strides = array<i32>} : memref<32x128xf32, #tpu.memory_space<vmem>>, vector<1x16xf32>,
    %get3A_2170 = vector.shape_cast %get3A_2169 : vector<1x16xf32> to vector<16xf32>
    %mul3A_2171 = arith.mulf %get3A_2165, %get3A_2170 : vector<16xf32>
    %add3A_2172 = arith.addf %add3A_2160, %mul3A_2171 : vector<16xf32>
    %get3A_2173 = arith.constant 21 : i32
    %get3A_2174 = arith.index_cast %get3A_2173 : i32 to index
    %get3A_2175 = arith.constant 64 : index
    %get3A_2176 = tpu.vector_load %arg7[%get3A_2174, %get3A_2175] {strides = array<i32>} : memref<32x128xf32, #tpu.memory_space<vmem>>, vector<1x16xf32>,
    %get3A_2177 = vector.shape_cast %get3A_2176 : vector<1x16xf32> to vector<16xf32>
    %get3A_2178 = arith.constant 21 : i32
    %get3A_2179 = arith.index_cast %get3A_2178 : i32 to index
    %get3A_2180 = arith.constant 64 : index
    %get3A_2181 = tpu.vector_load %arg8[%get3A_2179, %get3A_2180] {strides = array<i32>} : memref<32x128xf32, #tpu.memory_space<vmem>>, vector<1x16xf32>,
    %get3A_2182 = vector.shape_cast %get3A_2181 : vector<1x16xf32> to vector<16xf32>
    %mul3A_2183 = arith.mulf %get3A_2177, %get3A_2182 : vector<16xf32>
    %add3A_2184 = arith.addf %add3A_2172, %mul3A_2183 : vector<16xf32>
    %get3A_2185 = arith.constant 21 : i32
    %get3A_2186 = arith.index_cast %get3A_2185 : i32 to index
    %get3A_2187 = arith.constant 80 : index
    %get3A_2188 = tpu.vector_load %arg7[%get3A_2186, %get3A_2187] {strides = array<i32>} : memref<32x128xf32, #tpu.memory_space<vmem>>, vector<1x16xf32>,
    %get3A_2189 = vector.shape_cast %get3A_2188 : vector<1x16xf32> to vector<16xf32>
    %get3A_2190 = arith.constant 21 : i32
    %get3A_2191 = arith.index_cast %get3A_2190 : i32 to index
    %get3A_2192 = arith.constant 80 : index
    %get3A_2193 = tpu.vector_load %arg8[%get3A_2191, %get3A_2192] {strides = array<i32>} : memref<32x128xf32, #tpu.memory_space<vmem>>, vector<1x16xf32>,
    %get3A_2194 = vector.shape_cast %get3A_2193 : vector<1x16xf32> to vector<16xf32>
    %mul3A_2195 = arith.mulf %get3A_2189, %get3A_2194 : vector<16xf32>
    %add3A_2196 = arith.addf %add3A_2184, %mul3A_2195 : vector<16xf32>
    %get3A_2197 = arith.constant 21 : i32
    %get3A_2198 = arith.index_cast %get3A_2197 : i32 to index
    %get3A_2199 = arith.constant 96 : index
    %get3A_2200 = tpu.vector_load %arg7[%get3A_2198, %get3A_2199] {strides = array<i32>} : memref<32x128xf32, #tpu.memory_space<vmem>>, vector<1x16xf32>,
    %get3A_2201 = vector.shape_cast %get3A_2200 : vector<1x16xf32> to vector<16xf32>
    %get3A_2202 = arith.constant 21 : i32
    %get3A_2203 = arith.index_cast %get3A_2202 : i32 to index
    %get3A_2204 = arith.constant 96 : index
    %get3A_2205 = tpu.vector_load %arg8[%get3A_2203, %get3A_2204] {strides = array<i32>} : memref<32x128xf32, #tpu.memory_space<vmem>>, vector<1x16xf32>,
    %get3A_2206 = vector.shape_cast %get3A_2205 : vector<1x16xf32> to vector<16xf32>
    %mul3A_2207 = arith.mulf %get3A_2201, %get3A_2206 : vector<16xf32>
    %add3A_2208 = arith.addf %add3A_2196, %mul3A_2207 : vector<16xf32>
    %get3A_2209 = arith.constant 21 : i32
    %get3A_2210 = arith.index_cast %get3A_2209 : i32 to index
    %get3A_2211 = arith.constant 112 : index
    %get3A_2212 = tpu.vector_load %arg7[%get3A_2210, %get3A_2211] {strides = array<i32>} : memref<32x128xf32, #tpu.memory_space<vmem>>, vector<1x16xf32>,
    %get3A_2213 = vector.shape_cast %get3A_2212 : vector<1x16xf32> to vector<16xf32>
    %get3A_2214 = arith.constant 21 : i32
    %get3A_2215 = arith.index_cast %get3A_2214 : i32 to index
    %get3A_2216 = arith.constant 112 : index
    %get3A_2217 = tpu.vector_load %arg8[%get3A_2215, %get3A_2216] {strides = array<i32>} : memref<32x128xf32, #tpu.memory_space<vmem>>, vector<1x16xf32>,
    %get3A_2218 = vector.shape_cast %get3A_2217 : vector<1x16xf32> to vector<16xf32>
    %mul3A_2219 = arith.mulf %get3A_2213, %get3A_2218 : vector<16xf32>
    %add3A_2220 = arith.addf %add3A_2208, %mul3A_2219 : vector<16xf32>
    %swap3A_2221 = arith.constant 21 : i32
    %swap3A_2222 = arith.index_cast %swap3A_2221 : i32 to index
    %swap3A_2223 = arith.constant 0 : index
    %swap3A_2224 = tpu.vector_load %arg9[%swap3A_2222, %swap3A_2223] {strides = array<i32>} : memref<32x16xf32, #tpu.memory_space<vmem>>, vector<1x16xf32>,
    %swap3A_2225 = vector.shape_cast %swap3A_2224 : vector<1x16xf32> to vector<16xf32>
    %swap3A_2226 = vector.shape_cast %add3A_2220 : vector<16xf32> to vector<1x16xf32>
    tpu.vector_store %arg9[%swap3A_2222, %swap3A_2223], %swap3A_2226 {strides = array<i32>} : memref<32x16xf32, #tpu.memory_space<vmem>>, vector<1x16xf32>,
    %get3A_2227 = arith.constant 22 : i32
    %get3A_2228 = arith.index_cast %get3A_2227 : i32 to index
    %get3A_2229 = arith.constant 0 : index
    %get3A_2230 = tpu.vector_load %arg7[%get3A_2228, %get3A_2229] {strides = array<i32>} : memref<32x128xf32, #tpu.memory_space<vmem>>, vector<1x16xf32>,
    %get3A_2231 = vector.shape_cast %get3A_2230 : vector<1x16xf32> to vector<16xf32>
    %get3A_2232 = arith.constant 22 : i32
    %get3A_2233 = arith.index_cast %get3A_2232 : i32 to index
    %get3A_2234 = arith.constant 0 : index
    %get3A_2235 = tpu.vector_load %arg8[%get3A_2233, %get3A_2234] {strides = array<i32>} : memref<32x128xf32, #tpu.memory_space<vmem>>, vector<1x16xf32>,
    %get3A_2236 = vector.shape_cast %get3A_2235 : vector<1x16xf32> to vector<16xf32>
    %mul3A_2237 = arith.mulf %get3A_2231, %get3A_2236 : vector<16xf32>
    %get3A_2238 = arith.constant 22 : i32
    %get3A_2239 = arith.index_cast %get3A_2238 : i32 to index
    %get3A_2240 = arith.constant 16 : index
    %get3A_2241 = tpu.vector_load %arg7[%get3A_2239, %get3A_2240] {strides = array<i32>} : memref<32x128xf32, #tpu.memory_space<vmem>>, vector<1x16xf32>,
    %get3A_2242 = vector.shape_cast %get3A_2241 : vector<1x16xf32> to vector<16xf32>
    %get3A_2243 = arith.constant 22 : i32
    %get3A_2244 = arith.index_cast %get3A_2243 : i32 to index
    %get3A_2245 = arith.constant 16 : index
    %get3A_2246 = tpu.vector_load %arg8[%get3A_2244, %get3A_2245] {strides = array<i32>} : memref<32x128xf32, #tpu.memory_space<vmem>>, vector<1x16xf32>,
    %get3A_2247 = vector.shape_cast %get3A_2246 : vector<1x16xf32> to vector<16xf32>
    %mul3A_2248 = arith.mulf %get3A_2242, %get3A_2247 : vector<16xf32>
    %add3A_2249 = arith.addf %mul3A_2237, %mul3A_2248 : vector<16xf32>
    %get3A_2250 = arith.constant 22 : i32
    %get3A_2251 = arith.index_cast %get3A_2250 : i32 to index
    %get3A_2252 = arith.constant 32 : index
    %get3A_2253 = tpu.vector_load %arg7[%get3A_2251, %get3A_2252] {strides = array<i32>} : memref<32x128xf32, #tpu.memory_space<vmem>>, vector<1x16xf32>,
    %get3A_2254 = vector.shape_cast %get3A_2253 : vector<1x16xf32> to vector<16xf32>
    %get3A_2255 = arith.constant 22 : i32
    %get3A_2256 = arith.index_cast %get3A_2255 : i32 to index
    %get3A_2257 = arith.constant 32 : index
    %get3A_2258 = tpu.vector_load %arg8[%get3A_2256, %get3A_2257] {strides = array<i32>} : memref<32x128xf32, #tpu.memory_space<vmem>>, vector<1x16xf32>,
    %get3A_2259 = vector.shape_cast %get3A_2258 : vector<1x16xf32> to vector<16xf32>
    %mul3A_2260 = arith.mulf %get3A_2254, %get3A_2259 : vector<16xf32>
    %add3A_2261 = arith.addf %add3A_2249, %mul3A_2260 : vector<16xf32>
    %get3A_2262 = arith.constant 22 : i32
    %get3A_2263 = arith.index_cast %get3A_2262 : i32 to index
    %get3A_2264 = arith.constant 48 : index
    %get3A_2265 = tpu.vector_load %arg7[%get3A_2263, %get3A_2264] {strides = array<i32>} : memref<32x128xf32, #tpu.memory_space<vmem>>, vector<1x16xf32>,
    %get3A_2266 = vector.shape_cast %get3A_2265 : vector<1x16xf32> to vector<16xf32>
    %get3A_2267 = arith.constant 22 : i32
    %get3A_2268 = arith.index_cast %get3A_2267 : i32 to index
    %get3A_2269 = arith.constant 48 : index
    %get3A_2270 = tpu.vector_load %arg8[%get3A_2268, %get3A_2269] {strides = array<i32>} : memref<32x128xf32, #tpu.memory_space<vmem>>, vector<1x16xf32>,
    %get3A_2271 = vector.shape_cast %get3A_2270 : vector<1x16xf32> to vector<16xf32>
    %mul3A_2272 = arith.mulf %get3A_2266, %get3A_2271 : vector<16xf32>
    %add3A_2273 = arith.addf %add3A_2261, %mul3A_2272 : vector<16xf32>
    %get3A_2274 = arith.constant 22 : i32
    %get3A_2275 = arith.index_cast %get3A_2274 : i32 to index
    %get3A_2276 = arith.constant 64 : index
    %get3A_2277 = tpu.vector_load %arg7[%get3A_2275, %get3A_2276] {strides = array<i32>} : memref<32x128xf32, #tpu.memory_space<vmem>>, vector<1x16xf32>,
    %get3A_2278 = vector.shape_cast %get3A_2277 : vector<1x16xf32> to vector<16xf32>
    %get3A_2279 = arith.constant 22 : i32
    %get3A_2280 = arith.index_cast %get3A_2279 : i32 to index
    %get3A_2281 = arith.constant 64 : index
    %get3A_2282 = tpu.vector_load %arg8[%get3A_2280, %get3A_2281] {strides = array<i32>} : memref<32x128xf32, #tpu.memory_space<vmem>>, vector<1x16xf32>,
    %get3A_2283 = vector.shape_cast %get3A_2282 : vector<1x16xf32> to vector<16xf32>
    %mul3A_2284 = arith.mulf %get3A_2278, %get3A_2283 : vector<16xf32>
    %add3A_2285 = arith.addf %add3A_2273, %mul3A_2284 : vector<16xf32>
    %get3A_2286 = arith.constant 22 : i32
    %get3A_2287 = arith.index_cast %get3A_2286 : i32 to index
    %get3A_2288 = arith.constant 80 : index
    %get3A_2289 = tpu.vector_load %arg7[%get3A_2287, %get3A_2288] {strides = array<i32>} : memref<32x128xf32, #tpu.memory_space<vmem>>, vector<1x16xf32>,
    %get3A_2290 = vector.shape_cast %get3A_2289 : vector<1x16xf32> to vector<16xf32>
    %get3A_2291 = arith.constant 22 : i32
    %get3A_2292 = arith.index_cast %get3A_2291 : i32 to index
    %get3A_2293 = arith.constant 80 : index
    %get3A_2294 = tpu.vector_load %arg8[%get3A_2292, %get3A_2293] {strides = array<i32>} : memref<32x128xf32, #tpu.memory_space<vmem>>, vector<1x16xf32>,
    %get3A_2295 = vector.shape_cast %get3A_2294 : vector<1x16xf32> to vector<16xf32>
    %mul3A_2296 = arith.mulf %get3A_2290, %get3A_2295 : vector<16xf32>
    %add3A_2297 = arith.addf %add3A_2285, %mul3A_2296 : vector<16xf32>
    %get3A_2298 = arith.constant 22 : i32
    %get3A_2299 = arith.index_cast %get3A_2298 : i32 to index
    %get3A_2300 = arith.constant 96 : index
    %get3A_2301 = tpu.vector_load %arg7[%get3A_2299, %get3A_2300] {strides = array<i32>} : memref<32x128xf32, #tpu.memory_space<vmem>>, vector<1x16xf32>,
    %get3A_2302 = vector.shape_cast %get3A_2301 : vector<1x16xf32> to vector<16xf32>
    %get3A_2303 = arith.constant 22 : i32
    %get3A_2304 = arith.index_cast %get3A_2303 : i32 to index
    %get3A_2305 = arith.constant 96 : index
    %get3A_2306 = tpu.vector_load %arg8[%get3A_2304, %get3A_2305] {strides = array<i32>} : memref<32x128xf32, #tpu.memory_space<vmem>>, vector<1x16xf32>,
    %get3A_2307 = vector.shape_cast %get3A_2306 : vector<1x16xf32> to vector<16xf32>
    %mul3A_2308 = arith.mulf %get3A_2302, %get3A_2307 : vector<16xf32>
    %add3A_2309 = arith.addf %add3A_2297, %mul3A_2308 : vector<16xf32>
    %get3A_2310 = arith.constant 22 : i32
    %get3A_2311 = arith.index_cast %get3A_2310 : i32 to index
    %get3A_2312 = arith.constant 112 : index
    %get3A_2313 = tpu.vector_load %arg7[%get3A_2311, %get3A_2312] {strides = array<i32>} : memref<32x128xf32, #tpu.memory_space<vmem>>, vector<1x16xf32>,
    %get3A_2314 = vector.shape_cast %get3A_2313 : vector<1x16xf32> to vector<16xf32>
    %get3A_2315 = arith.constant 22 : i32
    %get3A_2316 = arith.index_cast %get3A_2315 : i32 to index
    %get3A_2317 = arith.constant 112 : index
    %get3A_2318 = tpu.vector_load %arg8[%get3A_2316, %get3A_2317] {strides = array<i32>} : memref<32x128xf32, #tpu.memory_space<vmem>>, vector<1x16xf32>,
    %get3A_2319 = vector.shape_cast %get3A_2318 : vector<1x16xf32> to vector<16xf32>
    %mul3A_2320 = arith.mulf %get3A_2314, %get3A_2319 : vector<16xf32>
    %add3A_2321 = arith.addf %add3A_2309, %mul3A_2320 : vector<16xf32>
    %swap3A_2322 = arith.constant 22 : i32
    %swap3A_2323 = arith.index_cast %swap3A_2322 : i32 to index
    %swap3A_2324 = arith.constant 0 : index
    %swap3A_2325 = tpu.vector_load %arg9[%swap3A_2323, %swap3A_2324] {strides = array<i32>} : memref<32x16xf32, #tpu.memory_space<vmem>>, vector<1x16xf32>,
    %swap3A_2326 = vector.shape_cast %swap3A_2325 : vector<1x16xf32> to vector<16xf32>
    %swap3A_2327 = vector.shape_cast %add3A_2321 : vector<16xf32> to vector<1x16xf32>
    tpu.vector_store %arg9[%swap3A_2323, %swap3A_2324], %swap3A_2327 {strides = array<i32>} : memref<32x16xf32, #tpu.memory_space<vmem>>, vector<1x16xf32>,
    %get3A_2328 = arith.constant 23 : i32
    %get3A_2329 = arith.index_cast %get3A_2328 : i32 to index
    %get3A_2330 = arith.constant 0 : index
    %get3A_2331 = tpu.vector_load %arg7[%get3A_2329, %get3A_2330] {strides = array<i32>} : memref<32x128xf32, #tpu.memory_space<vmem>>, vector<1x16xf32>,
    %get3A_2332 = vector.shape_cast %get3A_2331 : vector<1x16xf32> to vector<16xf32>
    %get3A_2333 = arith.constant 23 : i32
    %get3A_2334 = arith.index_cast %get3A_2333 : i32 to index
    %get3A_2335 = arith.constant 0 : index
    %get3A_2336 = tpu.vector_load %arg8[%get3A_2334, %get3A_2335] {strides = array<i32>} : memref<32x128xf32, #tpu.memory_space<vmem>>, vector<1x16xf32>,
    %get3A_2337 = vector.shape_cast %get3A_2336 : vector<1x16xf32> to vector<16xf32>
    %mul3A_2338 = arith.mulf %get3A_2332, %get3A_2337 : vector<16xf32>
    %get3A_2339 = arith.constant 23 : i32
    %get3A_2340 = arith.index_cast %get3A_2339 : i32 to index
    %get3A_2341 = arith.constant 16 : index
    %get3A_2342 = tpu.vector_load %arg7[%get3A_2340, %get3A_2341] {strides = array<i32>} : memref<32x128xf32, #tpu.memory_space<vmem>>, vector<1x16xf32>,
    %get3A_2343 = vector.shape_cast %get3A_2342 : vector<1x16xf32> to vector<16xf32>
    %get3A_2344 = arith.constant 23 : i32
    %get3A_2345 = arith.index_cast %get3A_2344 : i32 to index
    %get3A_2346 = arith.constant 16 : index
    %get3A_2347 = tpu.vector_load %arg8[%get3A_2345, %get3A_2346] {strides = array<i32>} : memref<32x128xf32, #tpu.memory_space<vmem>>, vector<1x16xf32>,
    %get3A_2348 = vector.shape_cast %get3A_2347 : vector<1x16xf32> to vector<16xf32>
    %mul3A_2349 = arith.mulf %get3A_2343, %get3A_2348 : vector<16xf32>
    %add3A_2350 = arith.addf %mul3A_2338, %mul3A_2349 : vector<16xf32>
    %get3A_2351 = arith.constant 23 : i32
    %get3A_2352 = arith.index_cast %get3A_2351 : i32 to index
    %get3A_2353 = arith.constant 32 : index
    %get3A_2354 = tpu.vector_load %arg7[%get3A_2352, %get3A_2353] {strides = array<i32>} : memref<32x128xf32, #tpu.memory_space<vmem>>, vector<1x16xf32>,
    %get3A_2355 = vector.shape_cast %get3A_2354 : vector<1x16xf32> to vector<16xf32>
    %get3A_2356 = arith.constant 23 : i32
    %get3A_2357 = arith.index_cast %get3A_2356 : i32 to index
    %get3A_2358 = arith.constant 32 : index
    %get3A_2359 = tpu.vector_load %arg8[%get3A_2357, %get3A_2358] {strides = array<i32>} : memref<32x128xf32, #tpu.memory_space<vmem>>, vector<1x16xf32>,
    %get3A_2360 = vector.shape_cast %get3A_2359 : vector<1x16xf32> to vector<16xf32>
    %mul3A_2361 = arith.mulf %get3A_2355, %get3A_2360 : vector<16xf32>
    %add3A_2362 = arith.addf %add3A_2350, %mul3A_2361 : vector<16xf32>
    %get3A_2363 = arith.constant 23 : i32
    %get3A_2364 = arith.index_cast %get3A_2363 : i32 to index
    %get3A_2365 = arith.constant 48 : index
    %get3A_2366 = tpu.vector_load %arg7[%get3A_2364, %get3A_2365] {strides = array<i32>} : memref<32x128xf32, #tpu.memory_space<vmem>>, vector<1x16xf32>,
    %get3A_2367 = vector.shape_cast %get3A_2366 : vector<1x16xf32> to vector<16xf32>
    %get3A_2368 = arith.constant 23 : i32
    %get3A_2369 = arith.index_cast %get3A_2368 : i32 to index
    %get3A_2370 = arith.constant 48 : index
    %get3A_2371 = tpu.vector_load %arg8[%get3A_2369, %get3A_2370] {strides = array<i32>} : memref<32x128xf32, #tpu.memory_space<vmem>>, vector<1x16xf32>,
    %get3A_2372 = vector.shape_cast %get3A_2371 : vector<1x16xf32> to vector<16xf32>
    %mul3A_2373 = arith.mulf %get3A_2367, %get3A_2372 : vector<16xf32>
    %add3A_2374 = arith.addf %add3A_2362, %mul3A_2373 : vector<16xf32>
    %get3A_2375 = arith.constant 23 : i32
    %get3A_2376 = arith.index_cast %get3A_2375 : i32 to index
    %get3A_2377 = arith.constant 64 : index
    %get3A_2378 = tpu.vector_load %arg7[%get3A_2376, %get3A_2377] {strides = array<i32>} : memref<32x128xf32, #tpu.memory_space<vmem>>, vector<1x16xf32>,
    %get3A_2379 = vector.shape_cast %get3A_2378 : vector<1x16xf32> to vector<16xf32>
    %get3A_2380 = arith.constant 23 : i32
    %get3A_2381 = arith.index_cast %get3A_2380 : i32 to index
    %get3A_2382 = arith.constant 64 : index
    %get3A_2383 = tpu.vector_load %arg8[%get3A_2381, %get3A_2382] {strides = array<i32>} : memref<32x128xf32, #tpu.memory_space<vmem>>, vector<1x16xf32>,
    %get3A_2384 = vector.shape_cast %get3A_2383 : vector<1x16xf32> to vector<16xf32>
    %mul3A_2385 = arith.mulf %get3A_2379, %get3A_2384 : vector<16xf32>
    %add3A_2386 = arith.addf %add3A_2374, %mul3A_2385 : vector<16xf32>
    %get3A_2387 = arith.constant 23 : i32
    %get3A_2388 = arith.index_cast %get3A_2387 : i32 to index
    %get3A_2389 = arith.constant 80 : index
    %get3A_2390 = tpu.vector_load %arg7[%get3A_2388, %get3A_2389] {strides = array<i32>} : memref<32x128xf32, #tpu.memory_space<vmem>>, vector<1x16xf32>,
    %get3A_2391 = vector.shape_cast %get3A_2390 : vector<1x16xf32> to vector<16xf32>
    %get3A_2392 = arith.constant 23 : i32
    %get3A_2393 = arith.index_cast %get3A_2392 : i32 to index
    %get3A_2394 = arith.constant 80 : index
    %get3A_2395 = tpu.vector_load %arg8[%get3A_2393, %get3A_2394] {strides = array<i32>} : memref<32x128xf32, #tpu.memory_space<vmem>>, vector<1x16xf32>,
    %get3A_2396 = vector.shape_cast %get3A_2395 : vector<1x16xf32> to vector<16xf32>
    %mul3A_2397 = arith.mulf %get3A_2391, %get3A_2396 : vector<16xf32>
    %add3A_2398 = arith.addf %add3A_2386, %mul3A_2397 : vector<16xf32>
    %get3A_2399 = arith.constant 23 : i32
    %get3A_2400 = arith.index_cast %get3A_2399 : i32 to index
    %get3A_2401 = arith.constant 96 : index
    %get3A_2402 = tpu.vector_load %arg7[%get3A_2400, %get3A_2401] {strides = array<i32>} : memref<32x128xf32, #tpu.memory_space<vmem>>, vector<1x16xf32>,
    %get3A_2403 = vector.shape_cast %get3A_2402 : vector<1x16xf32> to vector<16xf32>
    %get3A_2404 = arith.constant 23 : i32
    %get3A_2405 = arith.index_cast %get3A_2404 : i32 to index
    %get3A_2406 = arith.constant 96 : index
    %get3A_2407 = tpu.vector_load %arg8[%get3A_2405, %get3A_2406] {strides = array<i32>} : memref<32x128xf32, #tpu.memory_space<vmem>>, vector<1x16xf32>,
    %get3A_2408 = vector.shape_cast %get3A_2407 : vector<1x16xf32> to vector<16xf32>
    %mul3A_2409 = arith.mulf %get3A_2403, %get3A_2408 : vector<16xf32>
    %add3A_2410 = arith.addf %add3A_2398, %mul3A_2409 : vector<16xf32>
    %get3A_2411 = arith.constant 23 : i32
    %get3A_2412 = arith.index_cast %get3A_2411 : i32 to index
    %get3A_2413 = arith.constant 112 : index
    %get3A_2414 = tpu.vector_load %arg7[%get3A_2412, %get3A_2413] {strides = array<i32>} : memref<32x128xf32, #tpu.memory_space<vmem>>, vector<1x16xf32>,
    %get3A_2415 = vector.shape_cast %get3A_2414 : vector<1x16xf32> to vector<16xf32>
    %get3A_2416 = arith.constant 23 : i32
    %get3A_2417 = arith.index_cast %get3A_2416 : i32 to index
    %get3A_2418 = arith.constant 112 : index
    %get3A_2419 = tpu.vector_load %arg8[%get3A_2417, %get3A_2418] {strides = array<i32>} : memref<32x128xf32, #tpu.memory_space<vmem>>, vector<1x16xf32>,
    %get3A_2420 = vector.shape_cast %get3A_2419 : vector<1x16xf32> to vector<16xf32>
    %mul3A_2421 = arith.mulf %get3A_2415, %get3A_2420 : vector<16xf32>
    %add3A_2422 = arith.addf %add3A_2410, %mul3A_2421 : vector<16xf32>
    %swap3A_2423 = arith.constant 23 : i32
    %swap3A_2424 = arith.index_cast %swap3A_2423 : i32 to index
    %swap3A_2425 = arith.constant 0 : index
    %swap3A_2426 = tpu.vector_load %arg9[%swap3A_2424, %swap3A_2425] {strides = array<i32>} : memref<32x16xf32, #tpu.memory_space<vmem>>, vector<1x16xf32>,
    %swap3A_2427 = vector.shape_cast %swap3A_2426 : vector<1x16xf32> to vector<16xf32>
    %swap3A_2428 = vector.shape_cast %add3A_2422 : vector<16xf32> to vector<1x16xf32>
    tpu.vector_store %arg9[%swap3A_2424, %swap3A_2425], %swap3A_2428 {strides = array<i32>} : memref<32x16xf32, #tpu.memory_space<vmem>>, vector<1x16xf32>,
    %get3A_2429 = arith.constant 24 : i32
    %get3A_2430 = arith.index_cast %get3A_2429 : i32 to index
    %get3A_2431 = arith.constant 0 : index
    %get3A_2432 = tpu.vector_load %arg7[%get3A_2430, %get3A_2431] {strides = array<i32>} : memref<32x128xf32, #tpu.memory_space<vmem>>, vector<1x16xf32>,
    %get3A_2433 = vector.shape_cast %get3A_2432 : vector<1x16xf32> to vector<16xf32>
    %get3A_2434 = arith.constant 24 : i32
    %get3A_2435 = arith.index_cast %get3A_2434 : i32 to index
    %get3A_2436 = arith.constant 0 : index
    %get3A_2437 = tpu.vector_load %arg8[%get3A_2435, %get3A_2436] {strides = array<i32>} : memref<32x128xf32, #tpu.memory_space<vmem>>, vector<1x16xf32>,
    %get3A_2438 = vector.shape_cast %get3A_2437 : vector<1x16xf32> to vector<16xf32>
    %mul3A_2439 = arith.mulf %get3A_2433, %get3A_2438 : vector<16xf32>
    %get3A_2440 = arith.constant 24 : i32
    %get3A_2441 = arith.index_cast %get3A_2440 : i32 to index
    %get3A_2442 = arith.constant 16 : index
    %get3A_2443 = tpu.vector_load %arg7[%get3A_2441, %get3A_2442] {strides = array<i32>} : memref<32x128xf32, #tpu.memory_space<vmem>>, vector<1x16xf32>,
    %get3A_2444 = vector.shape_cast %get3A_2443 : vector<1x16xf32> to vector<16xf32>
    %get3A_2445 = arith.constant 24 : i32
    %get3A_2446 = arith.index_cast %get3A_2445 : i32 to index
    %get3A_2447 = arith.constant 16 : index
    %get3A_2448 = tpu.vector_load %arg8[%get3A_2446, %get3A_2447] {strides = array<i32>} : memref<32x128xf32, #tpu.memory_space<vmem>>, vector<1x16xf32>,
    %get3A_2449 = vector.shape_cast %get3A_2448 : vector<1x16xf32> to vector<16xf32>
    %mul3A_2450 = arith.mulf %get3A_2444, %get3A_2449 : vector<16xf32>
    %add3A_2451 = arith.addf %mul3A_2439, %mul3A_2450 : vector<16xf32>
    %get3A_2452 = arith.constant 24 : i32
    %get3A_2453 = arith.index_cast %get3A_2452 : i32 to index
    %get3A_2454 = arith.constant 32 : index
    %get3A_2455 = tpu.vector_load %arg7[%get3A_2453, %get3A_2454] {strides = array<i32>} : memref<32x128xf32, #tpu.memory_space<vmem>>, vector<1x16xf32>,
    %get3A_2456 = vector.shape_cast %get3A_2455 : vector<1x16xf32> to vector<16xf32>
    %get3A_2457 = arith.constant 24 : i32
    %get3A_2458 = arith.index_cast %get3A_2457 : i32 to index
    %get3A_2459 = arith.constant 32 : index
    %get3A_2460 = tpu.vector_load %arg8[%get3A_2458, %get3A_2459] {strides = array<i32>} : memref<32x128xf32, #tpu.memory_space<vmem>>, vector<1x16xf32>,
    %get3A_2461 = vector.shape_cast %get3A_2460 : vector<1x16xf32> to vector<16xf32>
    %mul3A_2462 = arith.mulf %get3A_2456, %get3A_2461 : vector<16xf32>
    %add3A_2463 = arith.addf %add3A_2451, %mul3A_2462 : vector<16xf32>
    %get3A_2464 = arith.constant 24 : i32
    %get3A_2465 = arith.index_cast %get3A_2464 : i32 to index
    %get3A_2466 = arith.constant 48 : index
    %get3A_2467 = tpu.vector_load %arg7[%get3A_2465, %get3A_2466] {strides = array<i32>} : memref<32x128xf32, #tpu.memory_space<vmem>>, vector<1x16xf32>,
    %get3A_2468 = vector.shape_cast %get3A_2467 : vector<1x16xf32> to vector<16xf32>
    %get3A_2469 = arith.constant 24 : i32
    %get3A_2470 = arith.index_cast %get3A_2469 : i32 to index
    %get3A_2471 = arith.constant 48 : index
    %get3A_2472 = tpu.vector_load %arg8[%get3A_2470, %get3A_2471] {strides = array<i32>} : memref<32x128xf32, #tpu.memory_space<vmem>>, vector<1x16xf32>,
    %get3A_2473 = vector.shape_cast %get3A_2472 : vector<1x16xf32> to vector<16xf32>
    %mul3A_2474 = arith.mulf %get3A_2468, %get3A_2473 : vector<16xf32>
    %add3A_2475 = arith.addf %add3A_2463, %mul3A_2474 : vector<16xf32>
    %get3A_2476 = arith.constant 24 : i32
    %get3A_2477 = arith.index_cast %get3A_2476 : i32 to index
    %get3A_2478 = arith.constant 64 : index
    %get3A_2479 = tpu.vector_load %arg7[%get3A_2477, %get3A_2478] {strides = array<i32>} : memref<32x128xf32, #tpu.memory_space<vmem>>, vector<1x16xf32>,
    %get3A_2480 = vector.shape_cast %get3A_2479 : vector<1x16xf32> to vector<16xf32>
    %get3A_2481 = arith.constant 24 : i32
    %get3A_2482 = arith.index_cast %get3A_2481 : i32 to index
    %get3A_2483 = arith.constant 64 : index
    %get3A_2484 = tpu.vector_load %arg8[%get3A_2482, %get3A_2483] {strides = array<i32>} : memref<32x128xf32, #tpu.memory_space<vmem>>, vector<1x16xf32>,
    %get3A_2485 = vector.shape_cast %get3A_2484 : vector<1x16xf32> to vector<16xf32>
    %mul3A_2486 = arith.mulf %get3A_2480, %get3A_2485 : vector<16xf32>
    %add3A_2487 = arith.addf %add3A_2475, %mul3A_2486 : vector<16xf32>
    %get3A_2488 = arith.constant 24 : i32
    %get3A_2489 = arith.index_cast %get3A_2488 : i32 to index
    %get3A_2490 = arith.constant 80 : index
    %get3A_2491 = tpu.vector_load %arg7[%get3A_2489, %get3A_2490] {strides = array<i32>} : memref<32x128xf32, #tpu.memory_space<vmem>>, vector<1x16xf32>,
    %get3A_2492 = vector.shape_cast %get3A_2491 : vector<1x16xf32> to vector<16xf32>
    %get3A_2493 = arith.constant 24 : i32
    %get3A_2494 = arith.index_cast %get3A_2493 : i32 to index
    %get3A_2495 = arith.constant 80 : index
    %get3A_2496 = tpu.vector_load %arg8[%get3A_2494, %get3A_2495] {strides = array<i32>} : memref<32x128xf32, #tpu.memory_space<vmem>>, vector<1x16xf32>,
    %get3A_2497 = vector.shape_cast %get3A_2496 : vector<1x16xf32> to vector<16xf32>
    %mul3A_2498 = arith.mulf %get3A_2492, %get3A_2497 : vector<16xf32>
    %add3A_2499 = arith.addf %add3A_2487, %mul3A_2498 : vector<16xf32>
    %get3A_2500 = arith.constant 24 : i32
    %get3A_2501 = arith.index_cast %get3A_2500 : i32 to index
    %get3A_2502 = arith.constant 96 : index
    %get3A_2503 = tpu.vector_load %arg7[%get3A_2501, %get3A_2502] {strides = array<i32>} : memref<32x128xf32, #tpu.memory_space<vmem>>, vector<1x16xf32>,
    %get3A_2504 = vector.shape_cast %get3A_2503 : vector<1x16xf32> to vector<16xf32>
    %get3A_2505 = arith.constant 24 : i32
    %get3A_2506 = arith.index_cast %get3A_2505 : i32 to index
    %get3A_2507 = arith.constant 96 : index
    %get3A_2508 = tpu.vector_load %arg8[%get3A_2506, %get3A_2507] {strides = array<i32>} : memref<32x128xf32, #tpu.memory_space<vmem>>, vector<1x16xf32>,
    %get3A_2509 = vector.shape_cast %get3A_2508 : vector<1x16xf32> to vector<16xf32>
    %mul3A_2510 = arith.mulf %get3A_2504, %get3A_2509 : vector<16xf32>
    %add3A_2511 = arith.addf %add3A_2499, %mul3A_2510 : vector<16xf32>
    %get3A_2512 = arith.constant 24 : i32
    %get3A_2513 = arith.index_cast %get3A_2512 : i32 to index
    %get3A_2514 = arith.constant 112 : index
    %get3A_2515 = tpu.vector_load %arg7[%get3A_2513, %get3A_2514] {strides = array<i32>} : memref<32x128xf32, #tpu.memory_space<vmem>>, vector<1x16xf32>,
    %get3A_2516 = vector.shape_cast %get3A_2515 : vector<1x16xf32> to vector<16xf32>
    %get3A_2517 = arith.constant 24 : i32
    %get3A_2518 = arith.index_cast %get3A_2517 : i32 to index
    %get3A_2519 = arith.constant 112 : index
    %get3A_2520 = tpu.vector_load %arg8[%get3A_2518, %get3A_2519] {strides = array<i32>} : memref<32x128xf32, #tpu.memory_space<vmem>>, vector<1x16xf32>,
    %get3A_2521 = vector.shape_cast %get3A_2520 : vector<1x16xf32> to vector<16xf32>
    %mul3A_2522 = arith.mulf %get3A_2516, %get3A_2521 : vector<16xf32>
    %add3A_2523 = arith.addf %add3A_2511, %mul3A_2522 : vector<16xf32>
    %swap3A_2524 = arith.constant 24 : i32
    %swap3A_2525 = arith.index_cast %swap3A_2524 : i32 to index
    %swap3A_2526 = arith.constant 0 : index
    %swap3A_2527 = tpu.vector_load %arg9[%swap3A_2525, %swap3A_2526] {strides = array<i32>} : memref<32x16xf32, #tpu.memory_space<vmem>>, vector<1x16xf32>,
    %swap3A_2528 = vector.shape_cast %swap3A_2527 : vector<1x16xf32> to vector<16xf32>
    %swap3A_2529 = vector.shape_cast %add3A_2523 : vector<16xf32> to vector<1x16xf32>
    tpu.vector_store %arg9[%swap3A_2525, %swap3A_2526], %swap3A_2529 {strides = array<i32>} : memref<32x16xf32, #tpu.memory_space<vmem>>, vector<1x16xf32>,
    %get3A_2530 = arith.constant 25 : i32
    %get3A_2531 = arith.index_cast %get3A_2530 : i32 to index
    %get3A_2532 = arith.constant 0 : index
    %get3A_2533 = tpu.vector_load %arg7[%get3A_2531, %get3A_2532] {strides = array<i32>} : memref<32x128xf32, #tpu.memory_space<vmem>>, vector<1x16xf32>,
    %get3A_2534 = vector.shape_cast %get3A_2533 : vector<1x16xf32> to vector<16xf32>
    %get3A_2535 = arith.constant 25 : i32
    %get3A_2536 = arith.index_cast %get3A_2535 : i32 to index
    %get3A_2537 = arith.constant 0 : index
    %get3A_2538 = tpu.vector_load %arg8[%get3A_2536, %get3A_2537] {strides = array<i32>} : memref<32x128xf32, #tpu.memory_space<vmem>>, vector<1x16xf32>,
    %get3A_2539 = vector.shape_cast %get3A_2538 : vector<1x16xf32> to vector<16xf32>
    %mul3A_2540 = arith.mulf %get3A_2534, %get3A_2539 : vector<16xf32>
    %get3A_2541 = arith.constant 25 : i32
    %get3A_2542 = arith.index_cast %get3A_2541 : i32 to index
    %get3A_2543 = arith.constant 16 : index
    %get3A_2544 = tpu.vector_load %arg7[%get3A_2542, %get3A_2543] {strides = array<i32>} : memref<32x128xf32, #tpu.memory_space<vmem>>, vector<1x16xf32>,
    %get3A_2545 = vector.shape_cast %get3A_2544 : vector<1x16xf32> to vector<16xf32>
    %get3A_2546 = arith.constant 25 : i32
    %get3A_2547 = arith.index_cast %get3A_2546 : i32 to index
    %get3A_2548 = arith.constant 16 : index
    %get3A_2549 = tpu.vector_load %arg8[%get3A_2547, %get3A_2548] {strides = array<i32>} : memref<32x128xf32, #tpu.memory_space<vmem>>, vector<1x16xf32>,
    %get3A_2550 = vector.shape_cast %get3A_2549 : vector<1x16xf32> to vector<16xf32>
    %mul3A_2551 = arith.mulf %get3A_2545, %get3A_2550 : vector<16xf32>
    %add3A_2552 = arith.addf %mul3A_2540, %mul3A_2551 : vector<16xf32>
    %get3A_2553 = arith.constant 25 : i32
    %get3A_2554 = arith.index_cast %get3A_2553 : i32 to index
    %get3A_2555 = arith.constant 32 : index
    %get3A_2556 = tpu.vector_load %arg7[%get3A_2554, %get3A_2555] {strides = array<i32>} : memref<32x128xf32, #tpu.memory_space<vmem>>, vector<1x16xf32>,
    %get3A_2557 = vector.shape_cast %get3A_2556 : vector<1x16xf32> to vector<16xf32>
    %get3A_2558 = arith.constant 25 : i32
    %get3A_2559 = arith.index_cast %get3A_2558 : i32 to index
    %get3A_2560 = arith.constant 32 : index
    %get3A_2561 = tpu.vector_load %arg8[%get3A_2559, %get3A_2560] {strides = array<i32>} : memref<32x128xf32, #tpu.memory_space<vmem>>, vector<1x16xf32>,
    %get3A_2562 = vector.shape_cast %get3A_2561 : vector<1x16xf32> to vector<16xf32>
    %mul3A_2563 = arith.mulf %get3A_2557, %get3A_2562 : vector<16xf32>
    %add3A_2564 = arith.addf %add3A_2552, %mul3A_2563 : vector<16xf32>
    %get3A_2565 = arith.constant 25 : i32
    %get3A_2566 = arith.index_cast %get3A_2565 : i32 to index
    %get3A_2567 = arith.constant 48 : index
    %get3A_2568 = tpu.vector_load %arg7[%get3A_2566, %get3A_2567] {strides = array<i32>} : memref<32x128xf32, #tpu.memory_space<vmem>>, vector<1x16xf32>,
    %get3A_2569 = vector.shape_cast %get3A_2568 : vector<1x16xf32> to vector<16xf32>
    %get3A_2570 = arith.constant 25 : i32
    %get3A_2571 = arith.index_cast %get3A_2570 : i32 to index
    %get3A_2572 = arith.constant 48 : index
    %get3A_2573 = tpu.vector_load %arg8[%get3A_2571, %get3A_2572] {strides = array<i32>} : memref<32x128xf32, #tpu.memory_space<vmem>>, vector<1x16xf32>,
    %get3A_2574 = vector.shape_cast %get3A_2573 : vector<1x16xf32> to vector<16xf32>
    %mul3A_2575 = arith.mulf %get3A_2569, %get3A_2574 : vector<16xf32>
    %add3A_2576 = arith.addf %add3A_2564, %mul3A_2575 : vector<16xf32>
    %get3A_2577 = arith.constant 25 : i32
    %get3A_2578 = arith.index_cast %get3A_2577 : i32 to index
    %get3A_2579 = arith.constant 64 : index
    %get3A_2580 = tpu.vector_load %arg7[%get3A_2578, %get3A_2579] {strides = array<i32>} : memref<32x128xf32, #tpu.memory_space<vmem>>, vector<1x16xf32>,
    %get3A_2581 = vector.shape_cast %get3A_2580 : vector<1x16xf32> to vector<16xf32>
    %get3A_2582 = arith.constant 25 : i32
    %get3A_2583 = arith.index_cast %get3A_2582 : i32 to index
    %get3A_2584 = arith.constant 64 : index
    %get3A_2585 = tpu.vector_load %arg8[%get3A_2583, %get3A_2584] {strides = array<i32>} : memref<32x128xf32, #tpu.memory_space<vmem>>, vector<1x16xf32>,
    %get3A_2586 = vector.shape_cast %get3A_2585 : vector<1x16xf32> to vector<16xf32>
    %mul3A_2587 = arith.mulf %get3A_2581, %get3A_2586 : vector<16xf32>
    %add3A_2588 = arith.addf %add3A_2576, %mul3A_2587 : vector<16xf32>
    %get3A_2589 = arith.constant 25 : i32
    %get3A_2590 = arith.index_cast %get3A_2589 : i32 to index
    %get3A_2591 = arith.constant 80 : index
    %get3A_2592 = tpu.vector_load %arg7[%get3A_2590, %get3A_2591] {strides = array<i32>} : memref<32x128xf32, #tpu.memory_space<vmem>>, vector<1x16xf32>,
    %get3A_2593 = vector.shape_cast %get3A_2592 : vector<1x16xf32> to vector<16xf32>
    %get3A_2594 = arith.constant 25 : i32
    %get3A_2595 = arith.index_cast %get3A_2594 : i32 to index
    %get3A_2596 = arith.constant 80 : index
    %get3A_2597 = tpu.vector_load %arg8[%get3A_2595, %get3A_2596] {strides = array<i32>} : memref<32x128xf32, #tpu.memory_space<vmem>>, vector<1x16xf32>,
    %get3A_2598 = vector.shape_cast %get3A_2597 : vector<1x16xf32> to vector<16xf32>
    %mul3A_2599 = arith.mulf %get3A_2593, %get3A_2598 : vector<16xf32>
    %add3A_2600 = arith.addf %add3A_2588, %mul3A_2599 : vector<16xf32>
    %get3A_2601 = arith.constant 25 : i32
    %get3A_2602 = arith.index_cast %get3A_2601 : i32 to index
    %get3A_2603 = arith.constant 96 : index
    %get3A_2604 = tpu.vector_load %arg7[%get3A_2602, %get3A_2603] {strides = array<i32>} : memref<32x128xf32, #tpu.memory_space<vmem>>, vector<1x16xf32>,
    %get3A_2605 = vector.shape_cast %get3A_2604 : vector<1x16xf32> to vector<16xf32>
    %get3A_2606 = arith.constant 25 : i32
    %get3A_2607 = arith.index_cast %get3A_2606 : i32 to index
    %get3A_2608 = arith.constant 96 : index
    %get3A_2609 = tpu.vector_load %arg8[%get3A_2607, %get3A_2608] {strides = array<i32>} : memref<32x128xf32, #tpu.memory_space<vmem>>, vector<1x16xf32>,
    %get3A_2610 = vector.shape_cast %get3A_2609 : vector<1x16xf32> to vector<16xf32>
    %mul3A_2611 = arith.mulf %get3A_2605, %get3A_2610 : vector<16xf32>
    %add3A_2612 = arith.addf %add3A_2600, %mul3A_2611 : vector<16xf32>
    %get3A_2613 = arith.constant 25 : i32
    %get3A_2614 = arith.index_cast %get3A_2613 : i32 to index
    %get3A_2615 = arith.constant 112 : index
    %get3A_2616 = tpu.vector_load %arg7[%get3A_2614, %get3A_2615] {strides = array<i32>} : memref<32x128xf32, #tpu.memory_space<vmem>>, vector<1x16xf32>,
    %get3A_2617 = vector.shape_cast %get3A_2616 : vector<1x16xf32> to vector<16xf32>
    %get3A_2618 = arith.constant 25 : i32
    %get3A_2619 = arith.index_cast %get3A_2618 : i32 to index
    %get3A_2620 = arith.constant 112 : index
    %get3A_2621 = tpu.vector_load %arg8[%get3A_2619, %get3A_2620] {strides = array<i32>} : memref<32x128xf32, #tpu.memory_space<vmem>>, vector<1x16xf32>,
    %get3A_2622 = vector.shape_cast %get3A_2621 : vector<1x16xf32> to vector<16xf32>
    %mul3A_2623 = arith.mulf %get3A_2617, %get3A_2622 : vector<16xf32>
    %add3A_2624 = arith.addf %add3A_2612, %mul3A_2623 : vector<16xf32>
    %swap3A_2625 = arith.constant 25 : i32
    %swap3A_2626 = arith.index_cast %swap3A_2625 : i32 to index
    %swap3A_2627 = arith.constant 0 : index
    %swap3A_2628 = tpu.vector_load %arg9[%swap3A_2626, %swap3A_2627] {strides = array<i32>} : memref<32x16xf32, #tpu.memory_space<vmem>>, vector<1x16xf32>,
    %swap3A_2629 = vector.shape_cast %swap3A_2628 : vector<1x16xf32> to vector<16xf32>
    %swap3A_2630 = vector.shape_cast %add3A_2624 : vector<16xf32> to vector<1x16xf32>
    tpu.vector_store %arg9[%swap3A_2626, %swap3A_2627], %swap3A_2630 {strides = array<i32>} : memref<32x16xf32, #tpu.memory_space<vmem>>, vector<1x16xf32>,
    %get3A_2631 = arith.constant 26 : i32
    %get3A_2632 = arith.index_cast %get3A_2631 : i32 to index
    %get3A_2633 = arith.constant 0 : index
    %get3A_2634 = tpu.vector_load %arg7[%get3A_2632, %get3A_2633] {strides = array<i32>} : memref<32x128xf32, #tpu.memory_space<vmem>>, vector<1x16xf32>,
    %get3A_2635 = vector.shape_cast %get3A_2634 : vector<1x16xf32> to vector<16xf32>
    %get3A_2636 = arith.constant 26 : i32
    %get3A_2637 = arith.index_cast %get3A_2636 : i32 to index
    %get3A_2638 = arith.constant 0 : index
    %get3A_2639 = tpu.vector_load %arg8[%get3A_2637, %get3A_2638] {strides = array<i32>} : memref<32x128xf32, #tpu.memory_space<vmem>>, vector<1x16xf32>,
    %get3A_2640 = vector.shape_cast %get3A_2639 : vector<1x16xf32> to vector<16xf32>
    %mul3A_2641 = arith.mulf %get3A_2635, %get3A_2640 : vector<16xf32>
    %get3A_2642 = arith.constant 26 : i32
    %get3A_2643 = arith.index_cast %get3A_2642 : i32 to index
    %get3A_2644 = arith.constant 16 : index
    %get3A_2645 = tpu.vector_load %arg7[%get3A_2643, %get3A_2644] {strides = array<i32>} : memref<32x128xf32, #tpu.memory_space<vmem>>, vector<1x16xf32>,
    %get3A_2646 = vector.shape_cast %get3A_2645 : vector<1x16xf32> to vector<16xf32>
    %get3A_2647 = arith.constant 26 : i32
    %get3A_2648 = arith.index_cast %get3A_2647 : i32 to index
    %get3A_2649 = arith.constant 16 : index
    %get3A_2650 = tpu.vector_load %arg8[%get3A_2648, %get3A_2649] {strides = array<i32>} : memref<32x128xf32, #tpu.memory_space<vmem>>, vector<1x16xf32>,
    %get3A_2651 = vector.shape_cast %get3A_2650 : vector<1x16xf32> to vector<16xf32>
    %mul3A_2652 = arith.mulf %get3A_2646, %get3A_2651 : vector<16xf32>
    %add3A_2653 = arith.addf %mul3A_2641, %mul3A_2652 : vector<16xf32>
    %get3A_2654 = arith.constant 26 : i32
    %get3A_2655 = arith.index_cast %get3A_2654 : i32 to index
    %get3A_2656 = arith.constant 32 : index
    %get3A_2657 = tpu.vector_load %arg7[%get3A_2655, %get3A_2656] {strides = array<i32>} : memref<32x128xf32, #tpu.memory_space<vmem>>, vector<1x16xf32>,
    %get3A_2658 = vector.shape_cast %get3A_2657 : vector<1x16xf32> to vector<16xf32>
    %get3A_2659 = arith.constant 26 : i32
    %get3A_2660 = arith.index_cast %get3A_2659 : i32 to index
    %get3A_2661 = arith.constant 32 : index
    %get3A_2662 = tpu.vector_load %arg8[%get3A_2660, %get3A_2661] {strides = array<i32>} : memref<32x128xf32, #tpu.memory_space<vmem>>, vector<1x16xf32>,
    %get3A_2663 = vector.shape_cast %get3A_2662 : vector<1x16xf32> to vector<16xf32>
    %mul3A_2664 = arith.mulf %get3A_2658, %get3A_2663 : vector<16xf32>
    %add3A_2665 = arith.addf %add3A_2653, %mul3A_2664 : vector<16xf32>
    %get3A_2666 = arith.constant 26 : i32
    %get3A_2667 = arith.index_cast %get3A_2666 : i32 to index
    %get3A_2668 = arith.constant 48 : index
    %get3A_2669 = tpu.vector_load %arg7[%get3A_2667, %get3A_2668] {strides = array<i32>} : memref<32x128xf32, #tpu.memory_space<vmem>>, vector<1x16xf32>,
    %get3A_2670 = vector.shape_cast %get3A_2669 : vector<1x16xf32> to vector<16xf32>
    %get3A_2671 = arith.constant 26 : i32
    %get3A_2672 = arith.index_cast %get3A_2671 : i32 to index
    %get3A_2673 = arith.constant 48 : index
    %get3A_2674 = tpu.vector_load %arg8[%get3A_2672, %get3A_2673] {strides = array<i32>} : memref<32x128xf32, #tpu.memory_space<vmem>>, vector<1x16xf32>,
    %get3A_2675 = vector.shape_cast %get3A_2674 : vector<1x16xf32> to vector<16xf32>
    %mul3A_2676 = arith.mulf %get3A_2670, %get3A_2675 : vector<16xf32>
    %add3A_2677 = arith.addf %add3A_2665, %mul3A_2676 : vector<16xf32>
    %get3A_2678 = arith.constant 26 : i32
    %get3A_2679 = arith.index_cast %get3A_2678 : i32 to index
    %get3A_2680 = arith.constant 64 : index
    %get3A_2681 = tpu.vector_load %arg7[%get3A_2679, %get3A_2680] {strides = array<i32>} : memref<32x128xf32, #tpu.memory_space<vmem>>, vector<1x16xf32>,
    %get3A_2682 = vector.shape_cast %get3A_2681 : vector<1x16xf32> to vector<16xf32>
    %get3A_2683 = arith.constant 26 : i32
    %get3A_2684 = arith.index_cast %get3A_2683 : i32 to index
    %get3A_2685 = arith.constant 64 : index
    %get3A_2686 = tpu.vector_load %arg8[%get3A_2684, %get3A_2685] {strides = array<i32>} : memref<32x128xf32, #tpu.memory_space<vmem>>, vector<1x16xf32>,
    %get3A_2687 = vector.shape_cast %get3A_2686 : vector<1x16xf32> to vector<16xf32>
    %mul3A_2688 = arith.mulf %get3A_2682, %get3A_2687 : vector<16xf32>
    %add3A_2689 = arith.addf %add3A_2677, %mul3A_2688 : vector<16xf32>
    %get3A_2690 = arith.constant 26 : i32
    %get3A_2691 = arith.index_cast %get3A_2690 : i32 to index
    %get3A_2692 = arith.constant 80 : index
    %get3A_2693 = tpu.vector_load %arg7[%get3A_2691, %get3A_2692] {strides = array<i32>} : memref<32x128xf32, #tpu.memory_space<vmem>>, vector<1x16xf32>,
    %get3A_2694 = vector.shape_cast %get3A_2693 : vector<1x16xf32> to vector<16xf32>
    %get3A_2695 = arith.constant 26 : i32
    %get3A_2696 = arith.index_cast %get3A_2695 : i32 to index
    %get3A_2697 = arith.constant 80 : index
    %get3A_2698 = tpu.vector_load %arg8[%get3A_2696, %get3A_2697] {strides = array<i32>} : memref<32x128xf32, #tpu.memory_space<vmem>>, vector<1x16xf32>,
    %get3A_2699 = vector.shape_cast %get3A_2698 : vector<1x16xf32> to vector<16xf32>
    %mul3A_2700 = arith.mulf %get3A_2694, %get3A_2699 : vector<16xf32>
    %add3A_2701 = arith.addf %add3A_2689, %mul3A_2700 : vector<16xf32>
    %get3A_2702 = arith.constant 26 : i32
    %get3A_2703 = arith.index_cast %get3A_2702 : i32 to index
    %get3A_2704 = arith.constant 96 : index
    %get3A_2705 = tpu.vector_load %arg7[%get3A_2703, %get3A_2704] {strides = array<i32>} : memref<32x128xf32, #tpu.memory_space<vmem>>, vector<1x16xf32>,
    %get3A_2706 = vector.shape_cast %get3A_2705 : vector<1x16xf32> to vector<16xf32>
    %get3A_2707 = arith.constant 26 : i32
    %get3A_2708 = arith.index_cast %get3A_2707 : i32 to index
    %get3A_2709 = arith.constant 96 : index
    %get3A_2710 = tpu.vector_load %arg8[%get3A_2708, %get3A_2709] {strides = array<i32>} : memref<32x128xf32, #tpu.memory_space<vmem>>, vector<1x16xf32>,
    %get3A_2711 = vector.shape_cast %get3A_2710 : vector<1x16xf32> to vector<16xf32>
    %mul3A_2712 = arith.mulf %get3A_2706, %get3A_2711 : vector<16xf32>
    %add3A_2713 = arith.addf %add3A_2701, %mul3A_2712 : vector<16xf32>
    %get3A_2714 = arith.constant 26 : i32
    %get3A_2715 = arith.index_cast %get3A_2714 : i32 to index
    %get3A_2716 = arith.constant 112 : index
    %get3A_2717 = tpu.vector_load %arg7[%get3A_2715, %get3A_2716] {strides = array<i32>} : memref<32x128xf32, #tpu.memory_space<vmem>>, vector<1x16xf32>,
    %get3A_2718 = vector.shape_cast %get3A_2717 : vector<1x16xf32> to vector<16xf32>
    %get3A_2719 = arith.constant 26 : i32
    %get3A_2720 = arith.index_cast %get3A_2719 : i32 to index
    %get3A_2721 = arith.constant 112 : index
    %get3A_2722 = tpu.vector_load %arg8[%get3A_2720, %get3A_2721] {strides = array<i32>} : memref<32x128xf32, #tpu.memory_space<vmem>>, vector<1x16xf32>,
    %get3A_2723 = vector.shape_cast %get3A_2722 : vector<1x16xf32> to vector<16xf32>
    %mul3A_2724 = arith.mulf %get3A_2718, %get3A_2723 : vector<16xf32>
    %add3A_2725 = arith.addf %add3A_2713, %mul3A_2724 : vector<16xf32>
    %swap3A_2726 = arith.constant 26 : i32
    %swap3A_2727 = arith.index_cast %swap3A_2726 : i32 to index
    %swap3A_2728 = arith.constant 0 : index
    %swap3A_2729 = tpu.vector_load %arg9[%swap3A_2727, %swap3A_2728] {strides = array<i32>} : memref<32x16xf32, #tpu.memory_space<vmem>>, vector<1x16xf32>,
    %swap3A_2730 = vector.shape_cast %swap3A_2729 : vector<1x16xf32> to vector<16xf32>
    %swap3A_2731 = vector.shape_cast %add3A_2725 : vector<16xf32> to vector<1x16xf32>
    tpu.vector_store %arg9[%swap3A_2727, %swap3A_2728], %swap3A_2731 {strides = array<i32>} : memref<32x16xf32, #tpu.memory_space<vmem>>, vector<1x16xf32>,
    %get3A_2732 = arith.constant 27 : i32
    %get3A_2733 = arith.index_cast %get3A_2732 : i32 to index
    %get3A_2734 = arith.constant 0 : index
    %get3A_2735 = tpu.vector_load %arg7[%get3A_2733, %get3A_2734] {strides = array<i32>} : memref<32x128xf32, #tpu.memory_space<vmem>>, vector<1x16xf32>,
    %get3A_2736 = vector.shape_cast %get3A_2735 : vector<1x16xf32> to vector<16xf32>
    %get3A_2737 = arith.constant 27 : i32
    %get3A_2738 = arith.index_cast %get3A_2737 : i32 to index
    %get3A_2739 = arith.constant 0 : index
    %get3A_2740 = tpu.vector_load %arg8[%get3A_2738, %get3A_2739] {strides = array<i32>} : memref<32x128xf32, #tpu.memory_space<vmem>>, vector<1x16xf32>,
    %get3A_2741 = vector.shape_cast %get3A_2740 : vector<1x16xf32> to vector<16xf32>
    %mul3A_2742 = arith.mulf %get3A_2736, %get3A_2741 : vector<16xf32>
    %get3A_2743 = arith.constant 27 : i32
    %get3A_2744 = arith.index_cast %get3A_2743 : i32 to index
    %get3A_2745 = arith.constant 16 : index
    %get3A_2746 = tpu.vector_load %arg7[%get3A_2744, %get3A_2745] {strides = array<i32>} : memref<32x128xf32, #tpu.memory_space<vmem>>, vector<1x16xf32>,
    %get3A_2747 = vector.shape_cast %get3A_2746 : vector<1x16xf32> to vector<16xf32>
    %get3A_2748 = arith.constant 27 : i32
    %get3A_2749 = arith.index_cast %get3A_2748 : i32 to index
    %get3A_2750 = arith.constant 16 : index
    %get3A_2751 = tpu.vector_load %arg8[%get3A_2749, %get3A_2750] {strides = array<i32>} : memref<32x128xf32, #tpu.memory_space<vmem>>, vector<1x16xf32>,
    %get3A_2752 = vector.shape_cast %get3A_2751 : vector<1x16xf32> to vector<16xf32>
    %mul3A_2753 = arith.mulf %get3A_2747, %get3A_2752 : vector<16xf32>
    %add3A_2754 = arith.addf %mul3A_2742, %mul3A_2753 : vector<16xf32>
    %get3A_2755 = arith.constant 27 : i32
    %get3A_2756 = arith.index_cast %get3A_2755 : i32 to index
    %get3A_2757 = arith.constant 32 : index
    %get3A_2758 = tpu.vector_load %arg7[%get3A_2756, %get3A_2757] {strides = array<i32>} : memref<32x128xf32, #tpu.memory_space<vmem>>, vector<1x16xf32>,
    %get3A_2759 = vector.shape_cast %get3A_2758 : vector<1x16xf32> to vector<16xf32>
    %get3A_2760 = arith.constant 27 : i32
    %get3A_2761 = arith.index_cast %get3A_2760 : i32 to index
    %get3A_2762 = arith.constant 32 : index
    %get3A_2763 = tpu.vector_load %arg8[%get3A_2761, %get3A_2762] {strides = array<i32>} : memref<32x128xf32, #tpu.memory_space<vmem>>, vector<1x16xf32>,
    %get3A_2764 = vector.shape_cast %get3A_2763 : vector<1x16xf32> to vector<16xf32>
    %mul3A_2765 = arith.mulf %get3A_2759, %get3A_2764 : vector<16xf32>
    %add3A_2766 = arith.addf %add3A_2754, %mul3A_2765 : vector<16xf32>
    %get3A_2767 = arith.constant 27 : i32
    %get3A_2768 = arith.index_cast %get3A_2767 : i32 to index
    %get3A_2769 = arith.constant 48 : index
    %get3A_2770 = tpu.vector_load %arg7[%get3A_2768, %get3A_2769] {strides = array<i32>} : memref<32x128xf32, #tpu.memory_space<vmem>>, vector<1x16xf32>,
    %get3A_2771 = vector.shape_cast %get3A_2770 : vector<1x16xf32> to vector<16xf32>
    %get3A_2772 = arith.constant 27 : i32
    %get3A_2773 = arith.index_cast %get3A_2772 : i32 to index
    %get3A_2774 = arith.constant 48 : index
    %get3A_2775 = tpu.vector_load %arg8[%get3A_2773, %get3A_2774] {strides = array<i32>} : memref<32x128xf32, #tpu.memory_space<vmem>>, vector<1x16xf32>,
    %get3A_2776 = vector.shape_cast %get3A_2775 : vector<1x16xf32> to vector<16xf32>
    %mul3A_2777 = arith.mulf %get3A_2771, %get3A_2776 : vector<16xf32>
    %add3A_2778 = arith.addf %add3A_2766, %mul3A_2777 : vector<16xf32>
    %get3A_2779 = arith.constant 27 : i32
    %get3A_2780 = arith.index_cast %get3A_2779 : i32 to index
    %get3A_2781 = arith.constant 64 : index
    %get3A_2782 = tpu.vector_load %arg7[%get3A_2780, %get3A_2781] {strides = array<i32>} : memref<32x128xf32, #tpu.memory_space<vmem>>, vector<1x16xf32>,
    %get3A_2783 = vector.shape_cast %get3A_2782 : vector<1x16xf32> to vector<16xf32>
    %get3A_2784 = arith.constant 27 : i32
    %get3A_2785 = arith.index_cast %get3A_2784 : i32 to index
    %get3A_2786 = arith.constant 64 : index
    %get3A_2787 = tpu.vector_load %arg8[%get3A_2785, %get3A_2786] {strides = array<i32>} : memref<32x128xf32, #tpu.memory_space<vmem>>, vector<1x16xf32>,
    %get3A_2788 = vector.shape_cast %get3A_2787 : vector<1x16xf32> to vector<16xf32>
    %mul3A_2789 = arith.mulf %get3A_2783, %get3A_2788 : vector<16xf32>
    %add3A_2790 = arith.addf %add3A_2778, %mul3A_2789 : vector<16xf32>
    %get3A_2791 = arith.constant 27 : i32
    %get3A_2792 = arith.index_cast %get3A_2791 : i32 to index
    %get3A_2793 = arith.constant 80 : index
    %get3A_2794 = tpu.vector_load %arg7[%get3A_2792, %get3A_2793] {strides = array<i32>} : memref<32x128xf32, #tpu.memory_space<vmem>>, vector<1x16xf32>,
    %get3A_2795 = vector.shape_cast %get3A_2794 : vector<1x16xf32> to vector<16xf32>
    %get3A_2796 = arith.constant 27 : i32
    %get3A_2797 = arith.index_cast %get3A_2796 : i32 to index
    %get3A_2798 = arith.constant 80 : index
    %get3A_2799 = tpu.vector_load %arg8[%get3A_2797, %get3A_2798] {strides = array<i32>} : memref<32x128xf32, #tpu.memory_space<vmem>>, vector<1x16xf32>,
    %get3A_2800 = vector.shape_cast %get3A_2799 : vector<1x16xf32> to vector<16xf32>
    %mul3A_2801 = arith.mulf %get3A_2795, %get3A_2800 : vector<16xf32>
    %add3A_2802 = arith.addf %add3A_2790, %mul3A_2801 : vector<16xf32>
    %get3A_2803 = arith.constant 27 : i32
    %get3A_2804 = arith.index_cast %get3A_2803 : i32 to index
    %get3A_2805 = arith.constant 96 : index
    %get3A_2806 = tpu.vector_load %arg7[%get3A_2804, %get3A_2805] {strides = array<i32>} : memref<32x128xf32, #tpu.memory_space<vmem>>, vector<1x16xf32>,
    %get3A_2807 = vector.shape_cast %get3A_2806 : vector<1x16xf32> to vector<16xf32>
    %get3A_2808 = arith.constant 27 : i32
    %get3A_2809 = arith.index_cast %get3A_2808 : i32 to index
    %get3A_2810 = arith.constant 96 : index
    %get3A_2811 = tpu.vector_load %arg8[%get3A_2809, %get3A_2810] {strides = array<i32>} : memref<32x128xf32, #tpu.memory_space<vmem>>, vector<1x16xf32>,
    %get3A_2812 = vector.shape_cast %get3A_2811 : vector<1x16xf32> to vector<16xf32>
    %mul3A_2813 = arith.mulf %get3A_2807, %get3A_2812 : vector<16xf32>
    %add3A_2814 = arith.addf %add3A_2802, %mul3A_2813 : vector<16xf32>
    %get3A_2815 = arith.constant 27 : i32
    %get3A_2816 = arith.index_cast %get3A_2815 : i32 to index
    %get3A_2817 = arith.constant 112 : index
    %get3A_2818 = tpu.vector_load %arg7[%get3A_2816, %get3A_2817] {strides = array<i32>} : memref<32x128xf32, #tpu.memory_space<vmem>>, vector<1x16xf32>,
    %get3A_2819 = vector.shape_cast %get3A_2818 : vector<1x16xf32> to vector<16xf32>
    %get3A_2820 = arith.constant 27 : i32
    %get3A_2821 = arith.index_cast %get3A_2820 : i32 to index
    %get3A_2822 = arith.constant 112 : index
    %get3A_2823 = tpu.vector_load %arg8[%get3A_2821, %get3A_2822] {strides = array<i32>} : memref<32x128xf32, #tpu.memory_space<vmem>>, vector<1x16xf32>,
    %get3A_2824 = vector.shape_cast %get3A_2823 : vector<1x16xf32> to vector<16xf32>
    %mul3A_2825 = arith.mulf %get3A_2819, %get3A_2824 : vector<16xf32>
    %add3A_2826 = arith.addf %add3A_2814, %mul3A_2825 : vector<16xf32>
    %swap3A_2827 = arith.constant 27 : i32
    %swap3A_2828 = arith.index_cast %swap3A_2827 : i32 to index
    %swap3A_2829 = arith.constant 0 : index
    %swap3A_2830 = tpu.vector_load %arg9[%swap3A_2828, %swap3A_2829] {strides = array<i32>} : memref<32x16xf32, #tpu.memory_space<vmem>>, vector<1x16xf32>,
    %swap3A_2831 = vector.shape_cast %swap3A_2830 : vector<1x16xf32> to vector<16xf32>
    %swap3A_2832 = vector.shape_cast %add3A_2826 : vector<16xf32> to vector<1x16xf32>
    tpu.vector_store %arg9[%swap3A_2828, %swap3A_2829], %swap3A_2832 {strides = array<i32>} : memref<32x16xf32, #tpu.memory_space<vmem>>, vector<1x16xf32>,
    %get3A_2833 = arith.constant 28 : i32
    %get3A_2834 = arith.index_cast %get3A_2833 : i32 to index
    %get3A_2835 = arith.constant 0 : index
    %get3A_2836 = tpu.vector_load %arg7[%get3A_2834, %get3A_2835] {strides = array<i32>} : memref<32x128xf32, #tpu.memory_space<vmem>>, vector<1x16xf32>,
    %get3A_2837 = vector.shape_cast %get3A_2836 : vector<1x16xf32> to vector<16xf32>
    %get3A_2838 = arith.constant 28 : i32
    %get3A_2839 = arith.index_cast %get3A_2838 : i32 to index
    %get3A_2840 = arith.constant 0 : index
    %get3A_2841 = tpu.vector_load %arg8[%get3A_2839, %get3A_2840] {strides = array<i32>} : memref<32x128xf32, #tpu.memory_space<vmem>>, vector<1x16xf32>,
    %get3A_2842 = vector.shape_cast %get3A_2841 : vector<1x16xf32> to vector<16xf32>
    %mul3A_2843 = arith.mulf %get3A_2837, %get3A_2842 : vector<16xf32>
    %get3A_2844 = arith.constant 28 : i32
    %get3A_2845 = arith.index_cast %get3A_2844 : i32 to index
    %get3A_2846 = arith.constant 16 : index
    %get3A_2847 = tpu.vector_load %arg7[%get3A_2845, %get3A_2846] {strides = array<i32>} : memref<32x128xf32, #tpu.memory_space<vmem>>, vector<1x16xf32>,
    %get3A_2848 = vector.shape_cast %get3A_2847 : vector<1x16xf32> to vector<16xf32>
    %get3A_2849 = arith.constant 28 : i32
    %get3A_2850 = arith.index_cast %get3A_2849 : i32 to index
    %get3A_2851 = arith.constant 16 : index
    %get3A_2852 = tpu.vector_load %arg8[%get3A_2850, %get3A_2851] {strides = array<i32>} : memref<32x128xf32, #tpu.memory_space<vmem>>, vector<1x16xf32>,
    %get3A_2853 = vector.shape_cast %get3A_2852 : vector<1x16xf32> to vector<16xf32>
    %mul3A_2854 = arith.mulf %get3A_2848, %get3A_2853 : vector<16xf32>
    %add3A_2855 = arith.addf %mul3A_2843, %mul3A_2854 : vector<16xf32>
    %get3A_2856 = arith.constant 28 : i32
    %get3A_2857 = arith.index_cast %get3A_2856 : i32 to index
    %get3A_2858 = arith.constant 32 : index
    %get3A_2859 = tpu.vector_load %arg7[%get3A_2857, %get3A_2858] {strides = array<i32>} : memref<32x128xf32, #tpu.memory_space<vmem>>, vector<1x16xf32>,
    %get3A_2860 = vector.shape_cast %get3A_2859 : vector<1x16xf32> to vector<16xf32>
    %get3A_2861 = arith.constant 28 : i32
    %get3A_2862 = arith.index_cast %get3A_2861 : i32 to index
    %get3A_2863 = arith.constant 32 : index
    %get3A_2864 = tpu.vector_load %arg8[%get3A_2862, %get3A_2863] {strides = array<i32>} : memref<32x128xf32, #tpu.memory_space<vmem>>, vector<1x16xf32>,
    %get3A_2865 = vector.shape_cast %get3A_2864 : vector<1x16xf32> to vector<16xf32>
    %mul3A_2866 = arith.mulf %get3A_2860, %get3A_2865 : vector<16xf32>
    %add3A_2867 = arith.addf %add3A_2855, %mul3A_2866 : vector<16xf32>
    %get3A_2868 = arith.constant 28 : i32
    %get3A_2869 = arith.index_cast %get3A_2868 : i32 to index
    %get3A_2870 = arith.constant 48 : index
    %get3A_2871 = tpu.vector_load %arg7[%get3A_2869, %get3A_2870] {strides = array<i32>} : memref<32x128xf32, #tpu.memory_space<vmem>>, vector<1x16xf32>,
    %get3A_2872 = vector.shape_cast %get3A_2871 : vector<1x16xf32> to vector<16xf32>
    %get3A_2873 = arith.constant 28 : i32
    %get3A_2874 = arith.index_cast %get3A_2873 : i32 to index
    %get3A_2875 = arith.constant 48 : index
    %get3A_2876 = tpu.vector_load %arg8[%get3A_2874, %get3A_2875] {strides = array<i32>} : memref<32x128xf32, #tpu.memory_space<vmem>>, vector<1x16xf32>,
    %get3A_2877 = vector.shape_cast %get3A_2876 : vector<1x16xf32> to vector<16xf32>
    %mul3A_2878 = arith.mulf %get3A_2872, %get3A_2877 : vector<16xf32>
    %add3A_2879 = arith.addf %add3A_2867, %mul3A_2878 : vector<16xf32>
    %get3A_2880 = arith.constant 28 : i32
    %get3A_2881 = arith.index_cast %get3A_2880 : i32 to index
    %get3A_2882 = arith.constant 64 : index
    %get3A_2883 = tpu.vector_load %arg7[%get3A_2881, %get3A_2882] {strides = array<i32>} : memref<32x128xf32, #tpu.memory_space<vmem>>, vector<1x16xf32>,
    %get3A_2884 = vector.shape_cast %get3A_2883 : vector<1x16xf32> to vector<16xf32>
    %get3A_2885 = arith.constant 28 : i32
    %get3A_2886 = arith.index_cast %get3A_2885 : i32 to index
    %get3A_2887 = arith.constant 64 : index
    %get3A_2888 = tpu.vector_load %arg8[%get3A_2886, %get3A_2887] {strides = array<i32>} : memref<32x128xf32, #tpu.memory_space<vmem>>, vector<1x16xf32>,
    %get3A_2889 = vector.shape_cast %get3A_2888 : vector<1x16xf32> to vector<16xf32>
    %mul3A_2890 = arith.mulf %get3A_2884, %get3A_2889 : vector<16xf32>
    %add3A_2891 = arith.addf %add3A_2879, %mul3A_2890 : vector<16xf32>
    %get3A_2892 = arith.constant 28 : i32
    %get3A_2893 = arith.index_cast %get3A_2892 : i32 to index
    %get3A_2894 = arith.constant 80 : index
    %get3A_2895 = tpu.vector_load %arg7[%get3A_2893, %get3A_2894] {strides = array<i32>} : memref<32x128xf32, #tpu.memory_space<vmem>>, vector<1x16xf32>,
    %get3A_2896 = vector.shape_cast %get3A_2895 : vector<1x16xf32> to vector<16xf32>
    %get3A_2897 = arith.constant 28 : i32
    %get3A_2898 = arith.index_cast %get3A_2897 : i32 to index
    %get3A_2899 = arith.constant 80 : index
    %get3A_2900 = tpu.vector_load %arg8[%get3A_2898, %get3A_2899] {strides = array<i32>} : memref<32x128xf32, #tpu.memory_space<vmem>>, vector<1x16xf32>,
    %get3A_2901 = vector.shape_cast %get3A_2900 : vector<1x16xf32> to vector<16xf32>
    %mul3A_2902 = arith.mulf %get3A_2896, %get3A_2901 : vector<16xf32>
    %add3A_2903 = arith.addf %add3A_2891, %mul3A_2902 : vector<16xf32>
    %get3A_2904 = arith.constant 28 : i32
    %get3A_2905 = arith.index_cast %get3A_2904 : i32 to index
    %get3A_2906 = arith.constant 96 : index
    %get3A_2907 = tpu.vector_load %arg7[%get3A_2905, %get3A_2906] {strides = array<i32>} : memref<32x128xf32, #tpu.memory_space<vmem>>, vector<1x16xf32>,
    %get3A_2908 = vector.shape_cast %get3A_2907 : vector<1x16xf32> to vector<16xf32>
    %get3A_2909 = arith.constant 28 : i32
    %get3A_2910 = arith.index_cast %get3A_2909 : i32 to index
    %get3A_2911 = arith.constant 96 : index
    %get3A_2912 = tpu.vector_load %arg8[%get3A_2910, %get3A_2911] {strides = array<i32>} : memref<32x128xf32, #tpu.memory_space<vmem>>, vector<1x16xf32>,
    %get3A_2913 = vector.shape_cast %get3A_2912 : vector<1x16xf32> to vector<16xf32>
    %mul3A_2914 = arith.mulf %get3A_2908, %get3A_2913 : vector<16xf32>
    %add3A_2915 = arith.addf %add3A_2903, %mul3A_2914 : vector<16xf32>
    %get3A_2916 = arith.constant 28 : i32
    %get3A_2917 = arith.index_cast %get3A_2916 : i32 to index
    %get3A_2918 = arith.constant 112 : index
    %get3A_2919 = tpu.vector_load %arg7[%get3A_2917, %get3A_2918] {strides = array<i32>} : memref<32x128xf32, #tpu.memory_space<vmem>>, vector<1x16xf32>,
    %get3A_2920 = vector.shape_cast %get3A_2919 : vector<1x16xf32> to vector<16xf32>
    %get3A_2921 = arith.constant 28 : i32
    %get3A_2922 = arith.index_cast %get3A_2921 : i32 to index
    %get3A_2923 = arith.constant 112 : index
    %get3A_2924 = tpu.vector_load %arg8[%get3A_2922, %get3A_2923] {strides = array<i32>} : memref<32x128xf32, #tpu.memory_space<vmem>>, vector<1x16xf32>,
    %get3A_2925 = vector.shape_cast %get3A_2924 : vector<1x16xf32> to vector<16xf32>
    %mul3A_2926 = arith.mulf %get3A_2920, %get3A_2925 : vector<16xf32>
    %add3A_2927 = arith.addf %add3A_2915, %mul3A_2926 : vector<16xf32>
    %swap3A_2928 = arith.constant 28 : i32
    %swap3A_2929 = arith.index_cast %swap3A_2928 : i32 to index
    %swap3A_2930 = arith.constant 0 : index
    %swap3A_2931 = tpu.vector_load %arg9[%swap3A_2929, %swap3A_2930] {strides = array<i32>} : memref<32x16xf32, #tpu.memory_space<vmem>>, vector<1x16xf32>,
    %swap3A_2932 = vector.shape_cast %swap3A_2931 : vector<1x16xf32> to vector<16xf32>
    %swap3A_2933 = vector.shape_cast %add3A_2927 : vector<16xf32> to vector<1x16xf32>
    tpu.vector_store %arg9[%swap3A_2929, %swap3A_2930], %swap3A_2933 {strides = array<i32>} : memref<32x16xf32, #tpu.memory_space<vmem>>, vector<1x16xf32>,
    %get3A_2934 = arith.constant 29 : i32
    %get3A_2935 = arith.index_cast %get3A_2934 : i32 to index
    %get3A_2936 = arith.constant 0 : index
    %get3A_2937 = tpu.vector_load %arg7[%get3A_2935, %get3A_2936] {strides = array<i32>} : memref<32x128xf32, #tpu.memory_space<vmem>>, vector<1x16xf32>,
    %get3A_2938 = vector.shape_cast %get3A_2937 : vector<1x16xf32> to vector<16xf32>
    %get3A_2939 = arith.constant 29 : i32
    %get3A_2940 = arith.index_cast %get3A_2939 : i32 to index
    %get3A_2941 = arith.constant 0 : index
    %get3A_2942 = tpu.vector_load %arg8[%get3A_2940, %get3A_2941] {strides = array<i32>} : memref<32x128xf32, #tpu.memory_space<vmem>>, vector<1x16xf32>,
    %get3A_2943 = vector.shape_cast %get3A_2942 : vector<1x16xf32> to vector<16xf32>
    %mul3A_2944 = arith.mulf %get3A_2938, %get3A_2943 : vector<16xf32>
    %get3A_2945 = arith.constant 29 : i32
    %get3A_2946 = arith.index_cast %get3A_2945 : i32 to index
    %get3A_2947 = arith.constant 16 : index
    %get3A_2948 = tpu.vector_load %arg7[%get3A_2946, %get3A_2947] {strides = array<i32>} : memref<32x128xf32, #tpu.memory_space<vmem>>, vector<1x16xf32>,
    %get3A_2949 = vector.shape_cast %get3A_2948 : vector<1x16xf32> to vector<16xf32>
    %get3A_2950 = arith.constant 29 : i32
    %get3A_2951 = arith.index_cast %get3A_2950 : i32 to index
    %get3A_2952 = arith.constant 16 : index
    %get3A_2953 = tpu.vector_load %arg8[%get3A_2951, %get3A_2952] {strides = array<i32>} : memref<32x128xf32, #tpu.memory_space<vmem>>, vector<1x16xf32>,
    %get3A_2954 = vector.shape_cast %get3A_2953 : vector<1x16xf32> to vector<16xf32>
    %mul3A_2955 = arith.mulf %get3A_2949, %get3A_2954 : vector<16xf32>
    %add3A_2956 = arith.addf %mul3A_2944, %mul3A_2955 : vector<16xf32>
    %get3A_2957 = arith.constant 29 : i32
    %get3A_2958 = arith.index_cast %get3A_2957 : i32 to index
    %get3A_2959 = arith.constant 32 : index
    %get3A_2960 = tpu.vector_load %arg7[%get3A_2958, %get3A_2959] {strides = array<i32>} : memref<32x128xf32, #tpu.memory_space<vmem>>, vector<1x16xf32>,
    %get3A_2961 = vector.shape_cast %get3A_2960 : vector<1x16xf32> to vector<16xf32>
    %get3A_2962 = arith.constant 29 : i32
    %get3A_2963 = arith.index_cast %get3A_2962 : i32 to index
    %get3A_2964 = arith.constant 32 : index
    %get3A_2965 = tpu.vector_load %arg8[%get3A_2963, %get3A_2964] {strides = array<i32>} : memref<32x128xf32, #tpu.memory_space<vmem>>, vector<1x16xf32>,
    %get3A_2966 = vector.shape_cast %get3A_2965 : vector<1x16xf32> to vector<16xf32>
    %mul3A_2967 = arith.mulf %get3A_2961, %get3A_2966 : vector<16xf32>
    %add3A_2968 = arith.addf %add3A_2956, %mul3A_2967 : vector<16xf32>
    %get3A_2969 = arith.constant 29 : i32
    %get3A_2970 = arith.index_cast %get3A_2969 : i32 to index
    %get3A_2971 = arith.constant 48 : index
    %get3A_2972 = tpu.vector_load %arg7[%get3A_2970, %get3A_2971] {strides = array<i32>} : memref<32x128xf32, #tpu.memory_space<vmem>>, vector<1x16xf32>,
    %get3A_2973 = vector.shape_cast %get3A_2972 : vector<1x16xf32> to vector<16xf32>
    %get3A_2974 = arith.constant 29 : i32
    %get3A_2975 = arith.index_cast %get3A_2974 : i32 to index
    %get3A_2976 = arith.constant 48 : index
    %get3A_2977 = tpu.vector_load %arg8[%get3A_2975, %get3A_2976] {strides = array<i32>} : memref<32x128xf32, #tpu.memory_space<vmem>>, vector<1x16xf32>,
    %get3A_2978 = vector.shape_cast %get3A_2977 : vector<1x16xf32> to vector<16xf32>
    %mul3A_2979 = arith.mulf %get3A_2973, %get3A_2978 : vector<16xf32>
    %add3A_2980 = arith.addf %add3A_2968, %mul3A_2979 : vector<16xf32>
    %get3A_2981 = arith.constant 29 : i32
    %get3A_2982 = arith.index_cast %get3A_2981 : i32 to index
    %get3A_2983 = arith.constant 64 : index
    %get3A_2984 = tpu.vector_load %arg7[%get3A_2982, %get3A_2983] {strides = array<i32>} : memref<32x128xf32, #tpu.memory_space<vmem>>, vector<1x16xf32>,
    %get3A_2985 = vector.shape_cast %get3A_2984 : vector<1x16xf32> to vector<16xf32>
    %get3A_2986 = arith.constant 29 : i32
    %get3A_2987 = arith.index_cast %get3A_2986 : i32 to index
    %get3A_2988 = arith.constant 64 : index
    %get3A_2989 = tpu.vector_load %arg8[%get3A_2987, %get3A_2988] {strides = array<i32>} : memref<32x128xf32, #tpu.memory_space<vmem>>, vector<1x16xf32>,
    %get3A_2990 = vector.shape_cast %get3A_2989 : vector<1x16xf32> to vector<16xf32>
    %mul3A_2991 = arith.mulf %get3A_2985, %get3A_2990 : vector<16xf32>
    %add3A_2992 = arith.addf %add3A_2980, %mul3A_2991 : vector<16xf32>
    %get3A_2993 = arith.constant 29 : i32
    %get3A_2994 = arith.index_cast %get3A_2993 : i32 to index
    %get3A_2995 = arith.constant 80 : index
    %get3A_2996 = tpu.vector_load %arg7[%get3A_2994, %get3A_2995] {strides = array<i32>} : memref<32x128xf32, #tpu.memory_space<vmem>>, vector<1x16xf32>,
    %get3A_2997 = vector.shape_cast %get3A_2996 : vector<1x16xf32> to vector<16xf32>
    %get3A_2998 = arith.constant 29 : i32
    %get3A_2999 = arith.index_cast %get3A_2998 : i32 to index
    %get3A_3000 = arith.constant 80 : index
    %get3A_3001 = tpu.vector_load %arg8[%get3A_2999, %get3A_3000] {strides = array<i32>} : memref<32x128xf32, #tpu.memory_space<vmem>>, vector<1x16xf32>,
    %get3A_3002 = vector.shape_cast %get3A_3001 : vector<1x16xf32> to vector<16xf32>
    %mul3A_3003 = arith.mulf %get3A_2997, %get3A_3002 : vector<16xf32>
    %add3A_3004 = arith.addf %add3A_2992, %mul3A_3003 : vector<16xf32>
    %get3A_3005 = arith.constant 29 : i32
    %get3A_3006 = arith.index_cast %get3A_3005 : i32 to index
    %get3A_3007 = arith.constant 96 : index
    %get3A_3008 = tpu.vector_load %arg7[%get3A_3006, %get3A_3007] {strides = array<i32>} : memref<32x128xf32, #tpu.memory_space<vmem>>, vector<1x16xf32>,
    %get3A_3009 = vector.shape_cast %get3A_3008 : vector<1x16xf32> to vector<16xf32>
    %get3A_3010 = arith.constant 29 : i32
    %get3A_3011 = arith.index_cast %get3A_3010 : i32 to index
    %get3A_3012 = arith.constant 96 : index
    %get3A_3013 = tpu.vector_load %arg8[%get3A_3011, %get3A_3012] {strides = array<i32>} : memref<32x128xf32, #tpu.memory_space<vmem>>, vector<1x16xf32>,
    %get3A_3014 = vector.shape_cast %get3A_3013 : vector<1x16xf32> to vector<16xf32>
    %mul3A_3015 = arith.mulf %get3A_3009, %get3A_3014 : vector<16xf32>
    %add3A_3016 = arith.addf %add3A_3004, %mul3A_3015 : vector<16xf32>
    %get3A_3017 = arith.constant 29 : i32
    %get3A_3018 = arith.index_cast %get3A_3017 : i32 to index
    %get3A_3019 = arith.constant 112 : index
    %get3A_3020 = tpu.vector_load %arg7[%get3A_3018, %get3A_3019] {strides = array<i32>} : memref<32x128xf32, #tpu.memory_space<vmem>>, vector<1x16xf32>,
    %get3A_3021 = vector.shape_cast %get3A_3020 : vector<1x16xf32> to vector<16xf32>
    %get3A_3022 = arith.constant 29 : i32
    %get3A_3023 = arith.index_cast %get3A_3022 : i32 to index
    %get3A_3024 = arith.constant 112 : index
    %get3A_3025 = tpu.vector_load %arg8[%get3A_3023, %get3A_3024] {strides = array<i32>} : memref<32x128xf32, #tpu.memory_space<vmem>>, vector<1x16xf32>,
    %get3A_3026 = vector.shape_cast %get3A_3025 : vector<1x16xf32> to vector<16xf32>
    %mul3A_3027 = arith.mulf %get3A_3021, %get3A_3026 : vector<16xf32>
    %add3A_3028 = arith.addf %add3A_3016, %mul3A_3027 : vector<16xf32>
    %swap3A_3029 = arith.constant 29 : i32
    %swap3A_3030 = arith.index_cast %swap3A_3029 : i32 to index
    %swap3A_3031 = arith.constant 0 : index
    %swap3A_3032 = tpu.vector_load %arg9[%swap3A_3030, %swap3A_3031] {strides = array<i32>} : memref<32x16xf32, #tpu.memory_space<vmem>>, vector<1x16xf32>,
    %swap3A_3033 = vector.shape_cast %swap3A_3032 : vector<1x16xf32> to vector<16xf32>
    %swap3A_3034 = vector.shape_cast %add3A_3028 : vector<16xf32> to vector<1x16xf32>
    tpu.vector_store %arg9[%swap3A_3030, %swap3A_3031], %swap3A_3034 {strides = array<i32>} : memref<32x16xf32, #tpu.memory_space<vmem>>, vector<1x16xf32>,
    %get3A_3035 = arith.constant 30 : i32
    %get3A_3036 = arith.index_cast %get3A_3035 : i32 to index
    %get3A_3037 = arith.constant 0 : index
    %get3A_3038 = tpu.vector_load %arg7[%get3A_3036, %get3A_3037] {strides = array<i32>} : memref<32x128xf32, #tpu.memory_space<vmem>>, vector<1x16xf32>,
    %get3A_3039 = vector.shape_cast %get3A_3038 : vector<1x16xf32> to vector<16xf32>
    %get3A_3040 = arith.constant 30 : i32
    %get3A_3041 = arith.index_cast %get3A_3040 : i32 to index
    %get3A_3042 = arith.constant 0 : index
    %get3A_3043 = tpu.vector_load %arg8[%get3A_3041, %get3A_3042] {strides = array<i32>} : memref<32x128xf32, #tpu.memory_space<vmem>>, vector<1x16xf32>,
    %get3A_3044 = vector.shape_cast %get3A_3043 : vector<1x16xf32> to vector<16xf32>
    %mul3A_3045 = arith.mulf %get3A_3039, %get3A_3044 : vector<16xf32>
    %get3A_3046 = arith.constant 30 : i32
    %get3A_3047 = arith.index_cast %get3A_3046 : i32 to index
    %get3A_3048 = arith.constant 16 : index
    %get3A_3049 = tpu.vector_load %arg7[%get3A_3047, %get3A_3048] {strides = array<i32>} : memref<32x128xf32, #tpu.memory_space<vmem>>, vector<1x16xf32>,
    %get3A_3050 = vector.shape_cast %get3A_3049 : vector<1x16xf32> to vector<16xf32>
    %get3A_3051 = arith.constant 30 : i32
    %get3A_3052 = arith.index_cast %get3A_3051 : i32 to index
    %get3A_3053 = arith.constant 16 : index
    %get3A_3054 = tpu.vector_load %arg8[%get3A_3052, %get3A_3053] {strides = array<i32>} : memref<32x128xf32, #tpu.memory_space<vmem>>, vector<1x16xf32>,
    %get3A_3055 = vector.shape_cast %get3A_3054 : vector<1x16xf32> to vector<16xf32>
    %mul3A_3056 = arith.mulf %get3A_3050, %get3A_3055 : vector<16xf32>
    %add3A_3057 = arith.addf %mul3A_3045, %mul3A_3056 : vector<16xf32>
    %get3A_3058 = arith.constant 30 : i32
    %get3A_3059 = arith.index_cast %get3A_3058 : i32 to index
    %get3A_3060 = arith.constant 32 : index
    %get3A_3061 = tpu.vector_load %arg7[%get3A_3059, %get3A_3060] {strides = array<i32>} : memref<32x128xf32, #tpu.memory_space<vmem>>, vector<1x16xf32>,
    %get3A_3062 = vector.shape_cast %get3A_3061 : vector<1x16xf32> to vector<16xf32>
    %get3A_3063 = arith.constant 30 : i32
    %get3A_3064 = arith.index_cast %get3A_3063 : i32 to index
    %get3A_3065 = arith.constant 32 : index
    %get3A_3066 = tpu.vector_load %arg8[%get3A_3064, %get3A_3065] {strides = array<i32>} : memref<32x128xf32, #tpu.memory_space<vmem>>, vector<1x16xf32>,
    %get3A_3067 = vector.shape_cast %get3A_3066 : vector<1x16xf32> to vector<16xf32>
    %mul3A_3068 = arith.mulf %get3A_3062, %get3A_3067 : vector<16xf32>
    %add3A_3069 = arith.addf %add3A_3057, %mul3A_3068 : vector<16xf32>
    %get3A_3070 = arith.constant 30 : i32
    %get3A_3071 = arith.index_cast %get3A_3070 : i32 to index
    %get3A_3072 = arith.constant 48 : index
    %get3A_3073 = tpu.vector_load %arg7[%get3A_3071, %get3A_3072] {strides = array<i32>} : memref<32x128xf32, #tpu.memory_space<vmem>>, vector<1x16xf32>,
    %get3A_3074 = vector.shape_cast %get3A_3073 : vector<1x16xf32> to vector<16xf32>
    %get3A_3075 = arith.constant 30 : i32
    %get3A_3076 = arith.index_cast %get3A_3075 : i32 to index
    %get3A_3077 = arith.constant 48 : index
    %get3A_3078 = tpu.vector_load %arg8[%get3A_3076, %get3A_3077] {strides = array<i32>} : memref<32x128xf32, #tpu.memory_space<vmem>>, vector<1x16xf32>,
    %get3A_3079 = vector.shape_cast %get3A_3078 : vector<1x16xf32> to vector<16xf32>
    %mul3A_3080 = arith.mulf %get3A_3074, %get3A_3079 : vector<16xf32>
    %add3A_3081 = arith.addf %add3A_3069, %mul3A_3080 : vector<16xf32>
    %get3A_3082 = arith.constant 30 : i32
    %get3A_3083 = arith.index_cast %get3A_3082 : i32 to index
    %get3A_3084 = arith.constant 64 : index
    %get3A_3085 = tpu.vector_load %arg7[%get3A_3083, %get3A_3084] {strides = array<i32>} : memref<32x128xf32, #tpu.memory_space<vmem>>, vector<1x16xf32>,
    %get3A_3086 = vector.shape_cast %get3A_3085 : vector<1x16xf32> to vector<16xf32>
    %get3A_3087 = arith.constant 30 : i32
    %get3A_3088 = arith.index_cast %get3A_3087 : i32 to index
    %get3A_3089 = arith.constant 64 : index
    %get3A_3090 = tpu.vector_load %arg8[%get3A_3088, %get3A_3089] {strides = array<i32>} : memref<32x128xf32, #tpu.memory_space<vmem>>, vector<1x16xf32>,
    %get3A_3091 = vector.shape_cast %get3A_3090 : vector<1x16xf32> to vector<16xf32>
    %mul3A_3092 = arith.mulf %get3A_3086, %get3A_3091 : vector<16xf32>
    %add3A_3093 = arith.addf %add3A_3081, %mul3A_3092 : vector<16xf32>
    %get3A_3094 = arith.constant 30 : i32
    %get3A_3095 = arith.index_cast %get3A_3094 : i32 to index
    %get3A_3096 = arith.constant 80 : index
    %get3A_3097 = tpu.vector_load %arg7[%get3A_3095, %get3A_3096] {strides = array<i32>} : memref<32x128xf32, #tpu.memory_space<vmem>>, vector<1x16xf32>,
    %get3A_3098 = vector.shape_cast %get3A_3097 : vector<1x16xf32> to vector<16xf32>
    %get3A_3099 = arith.constant 30 : i32
    %get3A_3100 = arith.index_cast %get3A_3099 : i32 to index
    %get3A_3101 = arith.constant 80 : index
    %get3A_3102 = tpu.vector_load %arg8[%get3A_3100, %get3A_3101] {strides = array<i32>} : memref<32x128xf32, #tpu.memory_space<vmem>>, vector<1x16xf32>,
    %get3A_3103 = vector.shape_cast %get3A_3102 : vector<1x16xf32> to vector<16xf32>
    %mul3A_3104 = arith.mulf %get3A_3098, %get3A_3103 : vector<16xf32>
    %add3A_3105 = arith.addf %add3A_3093, %mul3A_3104 : vector<16xf32>
    %get3A_3106 = arith.constant 30 : i32
    %get3A_3107 = arith.index_cast %get3A_3106 : i32 to index
    %get3A_3108 = arith.constant 96 : index
    %get3A_3109 = tpu.vector_load %arg7[%get3A_3107, %get3A_3108] {strides = array<i32>} : memref<32x128xf32, #tpu.memory_space<vmem>>, vector<1x16xf32>,
    %get3A_3110 = vector.shape_cast %get3A_3109 : vector<1x16xf32> to vector<16xf32>
    %get3A_3111 = arith.constant 30 : i32
    %get3A_3112 = arith.index_cast %get3A_3111 : i32 to index
    %get3A_3113 = arith.constant 96 : index
    %get3A_3114 = tpu.vector_load %arg8[%get3A_3112, %get3A_3113] {strides = array<i32>} : memref<32x128xf32, #tpu.memory_space<vmem>>, vector<1x16xf32>,
    %get3A_3115 = vector.shape_cast %get3A_3114 : vector<1x16xf32> to vector<16xf32>
    %mul3A_3116 = arith.mulf %get3A_3110, %get3A_3115 : vector<16xf32>
    %add3A_3117 = arith.addf %add3A_3105, %mul3A_3116 : vector<16xf32>
    %get3A_3118 = arith.constant 30 : i32
    %get3A_3119 = arith.index_cast %get3A_3118 : i32 to index
    %get3A_3120 = arith.constant 112 : index
    %get3A_3121 = tpu.vector_load %arg7[%get3A_3119, %get3A_3120] {strides = array<i32>} : memref<32x128xf32, #tpu.memory_space<vmem>>, vector<1x16xf32>,
    %get3A_3122 = vector.shape_cast %get3A_3121 : vector<1x16xf32> to vector<16xf32>
    %get3A_3123 = arith.constant 30 : i32
    %get3A_3124 = arith.index_cast %get3A_3123 : i32 to index
    %get3A_3125 = arith.constant 112 : index
    %get3A_3126 = tpu.vector_load %arg8[%get3A_3124, %get3A_3125] {strides = array<i32>} : memref<32x128xf32, #tpu.memory_space<vmem>>, vector<1x16xf32>,
    %get3A_3127 = vector.shape_cast %get3A_3126 : vector<1x16xf32> to vector<16xf32>
    %mul3A_3128 = arith.mulf %get3A_3122, %get3A_3127 : vector<16xf32>
    %add3A_3129 = arith.addf %add3A_3117, %mul3A_3128 : vector<16xf32>
    %swap3A_3130 = arith.constant 30 : i32
    %swap3A_3131 = arith.index_cast %swap3A_3130 : i32 to index
    %swap3A_3132 = arith.constant 0 : index
    %swap3A_3133 = tpu.vector_load %arg9[%swap3A_3131, %swap3A_3132] {strides = array<i32>} : memref<32x16xf32, #tpu.memory_space<vmem>>, vector<1x16xf32>,
    %swap3A_3134 = vector.shape_cast %swap3A_3133 : vector<1x16xf32> to vector<16xf32>
    %swap3A_3135 = vector.shape_cast %add3A_3129 : vector<16xf32> to vector<1x16xf32>
    tpu.vector_store %arg9[%swap3A_3131, %swap3A_3132], %swap3A_3135 {strides = array<i32>} : memref<32x16xf32, #tpu.memory_space<vmem>>, vector<1x16xf32>,
    %get3A_3136 = arith.constant 31 : i32
    %get3A_3137 = arith.index_cast %get3A_3136 : i32 to index
    %get3A_3138 = arith.constant 0 : index
    %get3A_3139 = tpu.vector_load %arg7[%get3A_3137, %get3A_3138] {strides = array<i32>} : memref<32x128xf32, #tpu.memory_space<vmem>>, vector<1x16xf32>,
    %get3A_3140 = vector.shape_cast %get3A_3139 : vector<1x16xf32> to vector<16xf32>
    %get3A_3141 = arith.constant 31 : i32
    %get3A_3142 = arith.index_cast %get3A_3141 : i32 to index
    %get3A_3143 = arith.constant 0 : index
    %get3A_3144 = tpu.vector_load %arg8[%get3A_3142, %get3A_3143] {strides = array<i32>} : memref<32x128xf32, #tpu.memory_space<vmem>>, vector<1x16xf32>,
    %get3A_3145 = vector.shape_cast %get3A_3144 : vector<1x16xf32> to vector<16xf32>
    %mul3A_3146 = arith.mulf %get3A_3140, %get3A_3145 : vector<16xf32>
    %get3A_3147 = arith.constant 31 : i32
    %get3A_3148 = arith.index_cast %get3A_3147 : i32 to index
    %get3A_3149 = arith.constant 16 : index
    %get3A_3150 = tpu.vector_load %arg7[%get3A_3148, %get3A_3149] {strides = array<i32>} : memref<32x128xf32, #tpu.memory_space<vmem>>, vector<1x16xf32>,
    %get3A_3151 = vector.shape_cast %get3A_3150 : vector<1x16xf32> to vector<16xf32>
    %get3A_3152 = arith.constant 31 : i32
    %get3A_3153 = arith.index_cast %get3A_3152 : i32 to index
    %get3A_3154 = arith.constant 16 : index
    %get3A_3155 = tpu.vector_load %arg8[%get3A_3153, %get3A_3154] {strides = array<i32>} : memref<32x128xf32, #tpu.memory_space<vmem>>, vector<1x16xf32>,
    %get3A_3156 = vector.shape_cast %get3A_3155 : vector<1x16xf32> to vector<16xf32>
    %mul3A_3157 = arith.mulf %get3A_3151, %get3A_3156 : vector<16xf32>
    %add3A_3158 = arith.addf %mul3A_3146, %mul3A_3157 : vector<16xf32>
    %get3A_3159 = arith.constant 31 : i32
    %get3A_3160 = arith.index_cast %get3A_3159 : i32 to index
    %get3A_3161 = arith.constant 32 : index
    %get3A_3162 = tpu.vector_load %arg7[%get3A_3160, %get3A_3161] {strides = array<i32>} : memref<32x128xf32, #tpu.memory_space<vmem>>, vector<1x16xf32>,
    %get3A_3163 = vector.shape_cast %get3A_3162 : vector<1x16xf32> to vector<16xf32>
    %get3A_3164 = arith.constant 31 : i32
    %get3A_3165 = arith.index_cast %get3A_3164 : i32 to index
    %get3A_3166 = arith.constant 32 : index
    %get3A_3167 = tpu.vector_load %arg8[%get3A_3165, %get3A_3166] {strides = array<i32>} : memref<32x128xf32, #tpu.memory_space<vmem>>, vector<1x16xf32>,
    %get3A_3168 = vector.shape_cast %get3A_3167 : vector<1x16xf32> to vector<16xf32>
    %mul3A_3169 = arith.mulf %get3A_3163, %get3A_3168 : vector<16xf32>
    %add3A_3170 = arith.addf %add3A_3158, %mul3A_3169 : vector<16xf32>
    %get3A_3171 = arith.constant 31 : i32
    %get3A_3172 = arith.index_cast %get3A_3171 : i32 to index
    %get3A_3173 = arith.constant 48 : index
    %get3A_3174 = tpu.vector_load %arg7[%get3A_3172, %get3A_3173] {strides = array<i32>} : memref<32x128xf32, #tpu.memory_space<vmem>>, vector<1x16xf32>,
    %get3A_3175 = vector.shape_cast %get3A_3174 : vector<1x16xf32> to vector<16xf32>
    %get3A_3176 = arith.constant 31 : i32
    %get3A_3177 = arith.index_cast %get3A_3176 : i32 to index
    %get3A_3178 = arith.constant 48 : index
    %get3A_3179 = tpu.vector_load %arg8[%get3A_3177, %get3A_3178] {strides = array<i32>} : memref<32x128xf32, #tpu.memory_space<vmem>>, vector<1x16xf32>,
    %get3A_3180 = vector.shape_cast %get3A_3179 : vector<1x16xf32> to vector<16xf32>
    %mul3A_3181 = arith.mulf %get3A_3175, %get3A_3180 : vector<16xf32>
    %add3A_3182 = arith.addf %add3A_3170, %mul3A_3181 : vector<16xf32>
    %get3A_3183 = arith.constant 31 : i32
    %get3A_3184 = arith.index_cast %get3A_3183 : i32 to index
    %get3A_3185 = arith.constant 64 : index
    %get3A_3186 = tpu.vector_load %arg7[%get3A_3184, %get3A_3185] {strides = array<i32>} : memref<32x128xf32, #tpu.memory_space<vmem>>, vector<1x16xf32>,
    %get3A_3187 = vector.shape_cast %get3A_3186 : vector<1x16xf32> to vector<16xf32>
    %get3A_3188 = arith.constant 31 : i32
    %get3A_3189 = arith.index_cast %get3A_3188 : i32 to index
    %get3A_3190 = arith.constant 64 : index
    %get3A_3191 = tpu.vector_load %arg8[%get3A_3189, %get3A_3190] {strides = array<i32>} : memref<32x128xf32, #tpu.memory_space<vmem>>, vector<1x16xf32>,
    %get3A_3192 = vector.shape_cast %get3A_3191 : vector<1x16xf32> to vector<16xf32>
    %mul3A_3193 = arith.mulf %get3A_3187, %get3A_3192 : vector<16xf32>
    %add3A_3194 = arith.addf %add3A_3182, %mul3A_3193 : vector<16xf32>
    %get3A_3195 = arith.constant 31 : i32
    %get3A_3196 = arith.index_cast %get3A_3195 : i32 to index
    %get3A_3197 = arith.constant 80 : index
    %get3A_3198 = tpu.vector_load %arg7[%get3A_3196, %get3A_3197] {strides = array<i32>} : memref<32x128xf32, #tpu.memory_space<vmem>>, vector<1x16xf32>,
    %get3A_3199 = vector.shape_cast %get3A_3198 : vector<1x16xf32> to vector<16xf32>
    %get3A_3200 = arith.constant 31 : i32
    %get3A_3201 = arith.index_cast %get3A_3200 : i32 to index
    %get3A_3202 = arith.constant 80 : index
    %get3A_3203 = tpu.vector_load %arg8[%get3A_3201, %get3A_3202] {strides = array<i32>} : memref<32x128xf32, #tpu.memory_space<vmem>>, vector<1x16xf32>,
    %get3A_3204 = vector.shape_cast %get3A_3203 : vector<1x16xf32> to vector<16xf32>
    %mul3A_3205 = arith.mulf %get3A_3199, %get3A_3204 : vector<16xf32>
    %add3A_3206 = arith.addf %add3A_3194, %mul3A_3205 : vector<16xf32>
    %get3A_3207 = arith.constant 31 : i32
    %get3A_3208 = arith.index_cast %get3A_3207 : i32 to index
    %get3A_3209 = arith.constant 96 : index
    %get3A_3210 = tpu.vector_load %arg7[%get3A_3208, %get3A_3209] {strides = array<i32>} : memref<32x128xf32, #tpu.memory_space<vmem>>, vector<1x16xf32>,
    %get3A_3211 = vector.shape_cast %get3A_3210 : vector<1x16xf32> to vector<16xf32>
    %get3A_3212 = arith.constant 31 : i32
    %get3A_3213 = arith.index_cast %get3A_3212 : i32 to index
    %get3A_3214 = arith.constant 96 : index
    %get3A_3215 = tpu.vector_load %arg8[%get3A_3213, %get3A_3214] {strides = array<i32>} : memref<32x128xf32, #tpu.memory_space<vmem>>, vector<1x16xf32>,
    %get3A_3216 = vector.shape_cast %get3A_3215 : vector<1x16xf32> to vector<16xf32>
    %mul3A_3217 = arith.mulf %get3A_3211, %get3A_3216 : vector<16xf32>
    %add3A_3218 = arith.addf %add3A_3206, %mul3A_3217 : vector<16xf32>
    %get3A_3219 = arith.constant 31 : i32
    %get3A_3220 = arith.index_cast %get3A_3219 : i32 to index
    %get3A_3221 = arith.constant 112 : index
    %get3A_3222 = tpu.vector_load %arg7[%get3A_3220, %get3A_3221] {strides = array<i32>} : memref<32x128xf32, #tpu.memory_space<vmem>>, vector<1x16xf32>,
    %get3A_3223 = vector.shape_cast %get3A_3222 : vector<1x16xf32> to vector<16xf32>
    %get3A_3224 = arith.constant 31 : i32
    %get3A_3225 = arith.index_cast %get3A_3224 : i32 to index
    %get3A_3226 = arith.constant 112 : index
    %get3A_3227 = tpu.vector_load %arg8[%get3A_3225, %get3A_3226] {strides = array<i32>} : memref<32x128xf32, #tpu.memory_space<vmem>>, vector<1x16xf32>,
    %get3A_3228 = vector.shape_cast %get3A_3227 : vector<1x16xf32> to vector<16xf32>
    %mul3A_3229 = arith.mulf %get3A_3223, %get3A_3228 : vector<16xf32>
    %add3A_3230 = arith.addf %add3A_3218, %mul3A_3229 : vector<16xf32>
    %swap3A_3231 = arith.constant 31 : i32
    %swap3A_3232 = arith.index_cast %swap3A_3231 : i32 to index
    %swap3A_3233 = arith.constant 0 : index
    %swap3A_3234 = tpu.vector_load %arg9[%swap3A_3232, %swap3A_3233] {strides = array<i32>} : memref<32x16xf32, #tpu.memory_space<vmem>>, vector<1x16xf32>,
    %swap3A_3235 = vector.shape_cast %swap3A_3234 : vector<1x16xf32> to vector<16xf32>
    %swap3A_3236 = vector.shape_cast %add3A_3230 : vector<16xf32> to vector<1x16xf32>
    tpu.vector_store %arg9[%swap3A_3232, %swap3A_3233], %swap3A_3236 {strides = array<i32>} : memref<32x16xf32, #tpu.memory_space<vmem>>, vector<1x16xf32>,
    "tpu.region"() ({
      %run_scoped3A = tpu.sem_alloc : memref<!tpu.dma_semaphore, #tpu.memory_space<semaphore_mem>>
      %dma_start3A_3237 = arith.constant 0 : i32
      %dma_start3A_3238 = tpu.memref_slice %arg5[%mul3A_2, %dma_start3A_3237] : memref<1024x16xf32, #tpu.memory_space<hbm>> -> memref<32x16xf32, #tpu.memory_space<hbm>>
      %dma_start3A_3239 = arith.constant 0 : i32
      %dma_start3A_3240 = tpu.memref_slice %arg5[%mul3A_2, %dma_start3A_3239] : memref<1024x16xf32, #tpu.memory_space<hbm>> -> memref<32x16xf32, #tpu.memory_space<hbm>>
      tpu.enqueue_dma source(%arg9 : memref<32x16xf32, #tpu.memory_space<vmem>>) target(%dma_start3A_3240 : memref<32x16xf32, #tpu.memory_space<hbm>>) target_semaphore(%run_scoped3A : memref<!tpu.dma_semaphore, #tpu.memory_space<semaphore_mem>>)
      %dma_wait3A_3241 = arith.constant 0 : i32
      %dma_wait3A_3242 = tpu.memref_slice %arg5[%mul3A_2, %dma_wait3A_3241] : memref<1024x16xf32, #tpu.memory_space<hbm>> -> memref<32x16xf32, #tpu.memory_space<hbm>>
      %dma_wait3A_3243 = arith.constant 0 : i32
      %dma_wait3A_3244 = tpu.memref_slice %arg5[%mul3A_2, %dma_wait3A_3243] : memref<1024x16xf32, #tpu.memory_space<hbm>> -> memref<32x16xf32, #tpu.memory_space<hbm>>
      tpu.wait_dma2 semaphore(%run_scoped3A : memref<!tpu.dma_semaphore, #tpu.memory_space<semaphore_mem>>) src(%arg9 : memref<32x16xf32, #tpu.memory_space<vmem>>) dst(%dma_wait3A_3244 : memref<32x16xf32, #tpu.memory_space<hbm>>)
      tpu.yield
    }) : () -> ()
    return
  }
}

module attributes {stable_mosaic.version = 14 : i64} {
  func.func @_body(%arg0: i32, %arg1: i32, %arg2: memref<1024x128xf32, #tpu.memory_space<vmem>>, %arg3: memref<4096x128xf32, #tpu.memory_space<vmem>>, %arg4: memref<1024x16xf32, #tpu.memory_space<vmem>>, %arg5: memref<1x1xf32, #tpu.memory_space<vmem>>, %arg6: memref<1024x128xf32, #tpu.memory_space<vmem>>, %arg7: memref<6x1024x128xf32, #tpu.memory_space<vmem>>) attributes {dimension_semantics = [#tpu.dimension_semantics<arbitrary>, #tpu.dimension_semantics<arbitrary>], iteration_bounds = array<i64: 25, 1>, scalar_prefetch = 0 : i64, scratch_operands = 2 : i64, tpu.core_type = #tpu.core_type<tc>, window_params = [{pipeline_mode = #tpu.pipeline_mode<synchronous>, transform_indices = @transform_0, window_bounds = array<i64: 1024, 128>}, {transform_indices = @transform_1, window_bounds = array<i64: 4096, 128>}, {transform_indices = @transform_2, window_bounds = array<i64: 1024, 16>}, {pipeline_mode = #tpu.pipeline_mode<synchronous>, transform_indices = @transform_3, window_bounds = array<i64: 1, 1>}]} {
    %mul3A = arith.constant 1024 : i32
    %mul3A_0 = arith.muli %arg1, %mul3A : i32
    %eq3A = arith.constant 0 : i32
    %eq3A_1 = arith.cmpi eq, %arg0, %eq3A : i32
    %convert_element_type3A = arith.extui %eq3A_1 : i1 to i32
    %cond3A = arith.constant 0 : i32
    %cond3A_2 = arith.cmpi ne, %convert_element_type3A, %cond3A : i32
    scf.if %cond3A_2 {
      %broadcast_in_dim3A = arith.constant 0.000000e+00 : f32
      %broadcast_in_dim3A_14 = vector.broadcast %broadcast_in_dim3A : f32 to vector<1024x128xf32>
      %swap3A = arith.index_cast %mul3A_0 : i32 to index
      %swap3A_15 = arith.constant 0 : index
      %swap3A_16 = vector.load %arg6[%swap3A, %swap3A_15] : memref<1024x128xf32, #tpu.memory_space<vmem>>, vector<1024x128xf32>
      tpu.vector_store %arg6[%swap3A, %swap3A_15], %broadcast_in_dim3A_14 {strides = array<i32>} : memref<1024x128xf32, #tpu.memory_space<vmem>>, vector<1024x128xf32>,
      %broadcast_in_dim3A_17 = arith.constant -3.000000e+38 : f32
      %broadcast_in_dim3A_18 = vector.broadcast %broadcast_in_dim3A_17 : f32 to vector<1024x128xf32>
      %swap3A_19 = arith.constant 0 : index
      %swap3A_20 = arith.index_cast %mul3A_0 : i32 to index
      %swap3A_21 = arith.constant 0 : index
      %swap3A_22 = vector.load %arg7[%swap3A_19, %swap3A_20, %swap3A_21] : memref<6x1024x128xf32, #tpu.memory_space<vmem>>, vector<1x1024x128xf32>
      %swap3A_23 = vector.shape_cast %swap3A_22 : vector<1x1024x128xf32> to vector<1024x128xf32>
      %swap3A_24 = vector.shape_cast %broadcast_in_dim3A_18 : vector<1024x128xf32> to vector<1x1024x128xf32>
      tpu.vector_store %arg7[%swap3A_19, %swap3A_20, %swap3A_21], %swap3A_24 {strides = array<i32>} : memref<6x1024x128xf32, #tpu.memory_space<vmem>>, vector<1x1024x128xf32>,
      %broadcast_in_dim3A_25 = arith.constant -3.000000e+38 : f32
      %broadcast_in_dim3A_26 = vector.broadcast %broadcast_in_dim3A_25 : f32 to vector<1024x128xf32>
      %swap3A_27 = arith.constant 1 : index
      %swap3A_28 = arith.index_cast %mul3A_0 : i32 to index
      %swap3A_29 = arith.constant 0 : index
      %swap3A_30 = vector.load %arg7[%swap3A_27, %swap3A_28, %swap3A_29] : memref<6x1024x128xf32, #tpu.memory_space<vmem>>, vector<1x1024x128xf32>
      %swap3A_31 = vector.shape_cast %swap3A_30 : vector<1x1024x128xf32> to vector<1024x128xf32>
      %swap3A_32 = vector.shape_cast %broadcast_in_dim3A_26 : vector<1024x128xf32> to vector<1x1024x128xf32>
      tpu.vector_store %arg7[%swap3A_27, %swap3A_28, %swap3A_29], %swap3A_32 {strides = array<i32>} : memref<6x1024x128xf32, #tpu.memory_space<vmem>>, vector<1x1024x128xf32>,
      %broadcast_in_dim3A_33 = arith.constant -3.000000e+38 : f32
      %broadcast_in_dim3A_34 = vector.broadcast %broadcast_in_dim3A_33 : f32 to vector<1024x128xf32>
      %swap3A_35 = arith.constant 2 : index
      %swap3A_36 = arith.index_cast %mul3A_0 : i32 to index
      %swap3A_37 = arith.constant 0 : index
      %swap3A_38 = vector.load %arg7[%swap3A_35, %swap3A_36, %swap3A_37] : memref<6x1024x128xf32, #tpu.memory_space<vmem>>, vector<1x1024x128xf32>
      %swap3A_39 = vector.shape_cast %swap3A_38 : vector<1x1024x128xf32> to vector<1024x128xf32>
      %swap3A_40 = vector.shape_cast %broadcast_in_dim3A_34 : vector<1024x128xf32> to vector<1x1024x128xf32>
      tpu.vector_store %arg7[%swap3A_35, %swap3A_36, %swap3A_37], %swap3A_40 {strides = array<i32>} : memref<6x1024x128xf32, #tpu.memory_space<vmem>>, vector<1x1024x128xf32>,
      %broadcast_in_dim3A_41 = arith.constant -3.000000e+38 : f32
      %broadcast_in_dim3A_42 = vector.broadcast %broadcast_in_dim3A_41 : f32 to vector<1024x128xf32>
      %swap3A_43 = arith.constant 3 : index
      %swap3A_44 = arith.index_cast %mul3A_0 : i32 to index
      %swap3A_45 = arith.constant 0 : index
      %swap3A_46 = vector.load %arg7[%swap3A_43, %swap3A_44, %swap3A_45] : memref<6x1024x128xf32, #tpu.memory_space<vmem>>, vector<1x1024x128xf32>
      %swap3A_47 = vector.shape_cast %swap3A_46 : vector<1x1024x128xf32> to vector<1024x128xf32>
      %swap3A_48 = vector.shape_cast %broadcast_in_dim3A_42 : vector<1024x128xf32> to vector<1x1024x128xf32>
      tpu.vector_store %arg7[%swap3A_43, %swap3A_44, %swap3A_45], %swap3A_48 {strides = array<i32>} : memref<6x1024x128xf32, #tpu.memory_space<vmem>>, vector<1x1024x128xf32>,
      %broadcast_in_dim3A_49 = arith.constant -3.000000e+38 : f32
      %broadcast_in_dim3A_50 = vector.broadcast %broadcast_in_dim3A_49 : f32 to vector<1024x128xf32>
      %swap3A_51 = arith.constant 4 : index
      %swap3A_52 = arith.index_cast %mul3A_0 : i32 to index
      %swap3A_53 = arith.constant 0 : index
      %swap3A_54 = vector.load %arg7[%swap3A_51, %swap3A_52, %swap3A_53] : memref<6x1024x128xf32, #tpu.memory_space<vmem>>, vector<1x1024x128xf32>
      %swap3A_55 = vector.shape_cast %swap3A_54 : vector<1x1024x128xf32> to vector<1024x128xf32>
      %swap3A_56 = vector.shape_cast %broadcast_in_dim3A_50 : vector<1024x128xf32> to vector<1x1024x128xf32>
      tpu.vector_store %arg7[%swap3A_51, %swap3A_52, %swap3A_53], %swap3A_56 {strides = array<i32>} : memref<6x1024x128xf32, #tpu.memory_space<vmem>>, vector<1x1024x128xf32>,
      %broadcast_in_dim3A_57 = arith.constant -3.000000e+38 : f32
      %broadcast_in_dim3A_58 = vector.broadcast %broadcast_in_dim3A_57 : f32 to vector<1024x128xf32>
      %swap3A_59 = arith.constant 5 : index
      %swap3A_60 = arith.index_cast %mul3A_0 : i32 to index
      %swap3A_61 = arith.constant 0 : index
      %swap3A_62 = vector.load %arg7[%swap3A_59, %swap3A_60, %swap3A_61] : memref<6x1024x128xf32, #tpu.memory_space<vmem>>, vector<1x1024x128xf32>
      %swap3A_63 = vector.shape_cast %swap3A_62 : vector<1x1024x128xf32> to vector<1024x128xf32>
      %swap3A_64 = vector.shape_cast %broadcast_in_dim3A_58 : vector<1024x128xf32> to vector<1x1024x128xf32>
      tpu.vector_store %arg7[%swap3A_59, %swap3A_60, %swap3A_61], %swap3A_64 {strides = array<i32>} : memref<6x1024x128xf32, #tpu.memory_space<vmem>>, vector<1x1024x128xf32>,
    } else {
    }
    %get3A = arith.index_cast %mul3A_0 : i32 to index
    %get3A_3 = arith.constant 0 : index
    %get3A_4 = vector.load %arg2[%get3A, %get3A_3] : memref<1024x128xf32, #tpu.memory_space<vmem>>, vector<1024x128xf32>
    %lt3A = arith.constant 24 : i32
    %lt3A_5 = arith.cmpi slt, %arg0, %lt3A : i32
    %convert_element_type3A_6 = arith.extui %lt3A_5 : i1 to i32
    %cond3A_7 = arith.constant 0 : i32
    %cond3A_8 = arith.cmpi ne, %convert_element_type3A_6, %cond3A_7 : i32
    scf.if %cond3A_8 {
      %get3A_14 = arith.constant 0 : index
      %get3A_15 = arith.index_cast %mul3A_0 : i32 to index
      %get3A_16 = arith.constant 0 : index
      %get3A_17 = vector.load %arg7[%get3A_14, %get3A_15, %get3A_16] : memref<6x1024x128xf32, #tpu.memory_space<vmem>>, vector<1x1024x128xf32>
      %get3A_18 = vector.shape_cast %get3A_17 : vector<1x1024x128xf32> to vector<1024x128xf32>
      %get3A_19 = arith.constant 1 : index
      %get3A_20 = arith.index_cast %mul3A_0 : i32 to index
      %get3A_21 = arith.constant 0 : index
      %get3A_22 = vector.load %arg7[%get3A_19, %get3A_20, %get3A_21] : memref<6x1024x128xf32, #tpu.memory_space<vmem>>, vector<1x1024x128xf32>
      %get3A_23 = vector.shape_cast %get3A_22 : vector<1x1024x128xf32> to vector<1024x128xf32>
      %get3A_24 = arith.constant 2 : index
      %get3A_25 = arith.index_cast %mul3A_0 : i32 to index
      %get3A_26 = arith.constant 0 : index
      %get3A_27 = vector.load %arg7[%get3A_24, %get3A_25, %get3A_26] : memref<6x1024x128xf32, #tpu.memory_space<vmem>>, vector<1x1024x128xf32>
      %get3A_28 = vector.shape_cast %get3A_27 : vector<1x1024x128xf32> to vector<1024x128xf32>
      %get3A_29 = arith.constant 3 : index
      %get3A_30 = arith.index_cast %mul3A_0 : i32 to index
      %get3A_31 = arith.constant 0 : index
      %get3A_32 = vector.load %arg7[%get3A_29, %get3A_30, %get3A_31] : memref<6x1024x128xf32, #tpu.memory_space<vmem>>, vector<1x1024x128xf32>
      %get3A_33 = vector.shape_cast %get3A_32 : vector<1x1024x128xf32> to vector<1024x128xf32>
      %get3A_34 = arith.constant 4 : index
      %get3A_35 = arith.index_cast %mul3A_0 : i32 to index
      %get3A_36 = arith.constant 0 : index
      %get3A_37 = vector.load %arg7[%get3A_34, %get3A_35, %get3A_36] : memref<6x1024x128xf32, #tpu.memory_space<vmem>>, vector<1x1024x128xf32>
      %get3A_38 = vector.shape_cast %get3A_37 : vector<1x1024x128xf32> to vector<1024x128xf32>
      %get3A_39 = arith.constant 5 : index
      %get3A_40 = arith.index_cast %mul3A_0 : i32 to index
      %get3A_41 = arith.constant 0 : index
      %get3A_42 = vector.load %arg7[%get3A_39, %get3A_40, %get3A_41] : memref<6x1024x128xf32, #tpu.memory_space<vmem>>, vector<1x1024x128xf32>
      %get3A_43 = vector.shape_cast %get3A_42 : vector<1x1024x128xf32> to vector<1024x128xf32>
      %get3A_44 = arith.index_cast %mul3A_0 : i32 to index
      %get3A_45 = arith.constant 0 : index
      %get3A_46 = vector.load %arg6[%get3A_44, %get3A_45] : memref<1024x128xf32, #tpu.memory_space<vmem>>, vector<1024x128xf32>
      %reduce_max3A = arith.constant dense<0xFF800000> : vector<1024xf32>
      %reduce_max3A_47 = vector.multi_reduction <maximumf>, %get3A_18, %reduce_max3A [1] : vector<1024x128xf32> to vector<1024xf32>
      %broadcast_in_dim3A = vector.shape_cast %reduce_max3A_47 : vector<1024xf32> to vector<1024x1xf32>
      %get3A_48 = arith.constant 0 : index
      %get3A_49 = arith.constant 0 : index
      %get3A_50 = vector.load %arg3[%get3A_48, %get3A_49] : memref<4096x128xf32, #tpu.memory_space<vmem>>, vector<1024x128xf32>
      %dot_general3A = arith.constant dense<0.000000e+00> : vector<1024x1024xf32>
      %dot_general3A_51 = tpu.matmul %get3A_4, %get3A_50, %dot_general3A {dimension_numbers = #tpu.dot_dimension_numbers<[1], [1], [0], [0], [0, 0, 1, 0], [], []>, transpose_lhs_hint = false} : vector<1024x128xf32>, vector<1024x128xf32>, vector<1024x1024xf32> -> vector<1024x1024xf32>
      %slice3A = vector.extract_strided_slice %dot_general3A_51 {offsets = [0, 0], sizes = [1024, 128], strides = [1, 1]} : vector<1024x1024xf32> to vector<1024x128xf32>
      %slice3A_52 = vector.extract_strided_slice %dot_general3A_51 {offsets = [0, 128], sizes = [1024, 128], strides = [1, 1]} : vector<1024x1024xf32> to vector<1024x128xf32>
      %slice3A_53 = vector.extract_strided_slice %dot_general3A_51 {offsets = [0, 256], sizes = [1024, 128], strides = [1, 1]} : vector<1024x1024xf32> to vector<1024x128xf32>
      %slice3A_54 = vector.extract_strided_slice %dot_general3A_51 {offsets = [0, 384], sizes = [1024, 128], strides = [1, 1]} : vector<1024x1024xf32> to vector<1024x128xf32>
      %slice3A_55 = vector.extract_strided_slice %dot_general3A_51 {offsets = [0, 512], sizes = [1024, 128], strides = [1, 1]} : vector<1024x1024xf32> to vector<1024x128xf32>
      %slice3A_56 = vector.extract_strided_slice %dot_general3A_51 {offsets = [0, 640], sizes = [1024, 128], strides = [1, 1]} : vector<1024x1024xf32> to vector<1024x128xf32>
      %slice3A_57 = vector.extract_strided_slice %dot_general3A_51 {offsets = [0, 768], sizes = [1024, 128], strides = [1, 1]} : vector<1024x1024xf32> to vector<1024x128xf32>
      %slice3A_58 = vector.extract_strided_slice %dot_general3A_51 {offsets = [0, 896], sizes = [1024, 128], strides = [1, 1]} : vector<1024x1024xf32> to vector<1024x128xf32>
      %max3A = arith.maximumf %slice3A, %slice3A_52 : vector<1024x128xf32>
      %max3A_59 = arith.maximumf %slice3A_53, %slice3A_54 : vector<1024x128xf32>
      %max3A_60 = arith.maximumf %max3A, %max3A_59 : vector<1024x128xf32>
      %max3A_61 = arith.maximumf %slice3A_55, %slice3A_56 : vector<1024x128xf32>
      %max3A_62 = arith.maximumf %slice3A_57, %slice3A_58 : vector<1024x128xf32>
      %max3A_63 = arith.maximumf %max3A_61, %max3A_62 : vector<1024x128xf32>
      %max3A_64 = arith.maximumf %max3A_60, %max3A_63 : vector<1024x128xf32>
      %max3A_65 = arith.maximumf %get3A_18, %max3A_64 : vector<1024x128xf32>
      %min3A = arith.minimumf %slice3A, %slice3A_52 : vector<1024x128xf32>
      %min3A_66 = arith.minimumf %slice3A_53, %slice3A_54 : vector<1024x128xf32>
      %max3A_67 = arith.maximumf %min3A, %min3A_66 : vector<1024x128xf32>
      %min3A_68 = arith.minimumf %max3A, %max3A_59 : vector<1024x128xf32>
      %max3A_69 = arith.maximumf %max3A_67, %min3A_68 : vector<1024x128xf32>
      %min3A_70 = arith.minimumf %slice3A_55, %slice3A_56 : vector<1024x128xf32>
      %min3A_71 = arith.minimumf %slice3A_57, %slice3A_58 : vector<1024x128xf32>
      %max3A_72 = arith.maximumf %min3A_70, %min3A_71 : vector<1024x128xf32>
      %min3A_73 = arith.minimumf %max3A_61, %max3A_62 : vector<1024x128xf32>
      %max3A_74 = arith.maximumf %max3A_72, %min3A_73 : vector<1024x128xf32>
      %max3A_75 = arith.maximumf %max3A_69, %max3A_74 : vector<1024x128xf32>
      %min3A_76 = arith.minimumf %max3A_67, %min3A_68 : vector<1024x128xf32>
      %min3A_77 = arith.minimumf %max3A_72, %min3A_73 : vector<1024x128xf32>
      %max3A_78 = arith.maximumf %min3A_76, %min3A_77 : vector<1024x128xf32>
      %min3A_79 = arith.minimumf %max3A_60, %max3A_63 : vector<1024x128xf32>
      %max3A_80 = arith.maximumf %max3A_78, %min3A_79 : vector<1024x128xf32>
      %max3A_81 = arith.maximumf %max3A_75, %max3A_80 : vector<1024x128xf32>
      %max3A_82 = arith.maximumf %get3A_23, %max3A_81 : vector<1024x128xf32>
      %min3A_83 = arith.minimumf %max3A_75, %max3A_80 : vector<1024x128xf32>
      %max3A_84 = arith.maximumf %get3A_28, %min3A_83 : vector<1024x128xf32>
      %min3A_85 = arith.minimumf %min3A, %min3A_66 : vector<1024x128xf32>
      %min3A_86 = arith.minimumf %min3A_70, %min3A_71 : vector<1024x128xf32>
      %max3A_87 = arith.maximumf %min3A_85, %min3A_86 : vector<1024x128xf32>
      %min3A_88 = arith.minimumf %max3A_69, %max3A_74 : vector<1024x128xf32>
      %max3A_89 = arith.maximumf %max3A_87, %min3A_88 : vector<1024x128xf32>
      %min3A_90 = arith.minimumf %max3A_78, %min3A_79 : vector<1024x128xf32>
      %min3A_91 = arith.minimumf %max3A_89, %min3A_90 : vector<1024x128xf32>
      %max3A_92 = arith.maximumf %get3A_38, %min3A_91 : vector<1024x128xf32>
      %min3A_93 = arith.minimumf %get3A_18, %max3A_64 : vector<1024x128xf32>
      %max3A_94 = arith.maximumf %max3A_92, %min3A_93 : vector<1024x128xf32>
      %max3A_95 = arith.maximumf %max3A_84, %max3A_94 : vector<1024x128xf32>
      %max3A_96 = arith.maximumf %max3A_82, %max3A_95 : vector<1024x128xf32>
      %min3A_97 = arith.minimumf %max3A_82, %max3A_95 : vector<1024x128xf32>
      %max3A_98 = arith.maximumf %max3A_89, %min3A_90 : vector<1024x128xf32>
      %max3A_99 = arith.maximumf %get3A_33, %max3A_98 : vector<1024x128xf32>
      %min3A_100 = arith.minimumf %max3A_87, %min3A_88 : vector<1024x128xf32>
      %min3A_101 = arith.minimumf %min3A_76, %min3A_77 : vector<1024x128xf32>
      %max3A_102 = arith.maximumf %min3A_100, %min3A_101 : vector<1024x128xf32>
      %max3A_103 = arith.maximumf %get3A_43, %max3A_102 : vector<1024x128xf32>
      %min3A_104 = arith.minimumf %get3A_23, %max3A_81 : vector<1024x128xf32>
      %max3A_105 = arith.maximumf %max3A_103, %min3A_104 : vector<1024x128xf32>
      %max3A_106 = arith.maximumf %max3A_99, %max3A_105 : vector<1024x128xf32>
      %min3A_107 = arith.minimumf %max3A_84, %max3A_94 : vector<1024x128xf32>
      %max3A_108 = arith.maximumf %max3A_106, %min3A_107 : vector<1024x128xf32>
      %min3A_109 = arith.minimumf %max3A_106, %min3A_107 : vector<1024x128xf32>
      %min3A_110 = arith.minimumf %max3A_99, %max3A_105 : vector<1024x128xf32>
      %min3A_111 = arith.minimumf %min3A_100, %min3A_101 : vector<1024x128xf32>
      %min3A_112 = arith.minimumf %get3A_28, %min3A_83 : vector<1024x128xf32>
      %max3A_113 = arith.maximumf %min3A_111, %min3A_112 : vector<1024x128xf32>
      %min3A_114 = arith.minimumf %max3A_92, %min3A_93 : vector<1024x128xf32>
      %max3A_115 = arith.maximumf %max3A_113, %min3A_114 : vector<1024x128xf32>
      %max3A_116 = arith.maximumf %min3A_110, %max3A_115 : vector<1024x128xf32>
      %reduce_max3A_117 = arith.constant dense<0xFF800000> : vector<1024xf32>
      %reduce_max3A_118 = vector.multi_reduction <maximumf>, %max3A_65, %reduce_max3A_117 [1] : vector<1024x128xf32> to vector<1024xf32>
      %broadcast_in_dim3A_119 = vector.shape_cast %reduce_max3A_118 : vector<1024xf32> to vector<1024x1xf32>
      %sub3A = arith.subf %broadcast_in_dim3A, %broadcast_in_dim3A_119 : vector<1024x1xf32>
      %min3A_120 = arith.constant 0.000000e+00 : f32
      %min3A_121 = vector.broadcast %min3A_120 : f32 to vector<1024x1xf32>
      %min3A_122 = arith.minimumf %sub3A, %min3A_121 : vector<1024x1xf32>
      %exp23A = math.exp2 %min3A_122 : vector<1024x1xf32>
      %sub3A_123 = vector.broadcast %broadcast_in_dim3A_119 : vector<1024x1xf32> to vector<1024x128xf32>
      %sub3A_124 = arith.subf %slice3A, %sub3A_123 : vector<1024x128xf32>
      %exp23A_125 = math.exp2 %sub3A_124 : vector<1024x128xf32>
      %sub3A_126 = vector.broadcast %broadcast_in_dim3A_119 : vector<1024x1xf32> to vector<1024x128xf32>
      %sub3A_127 = arith.subf %slice3A_52, %sub3A_126 : vector<1024x128xf32>
      %exp23A_128 = math.exp2 %sub3A_127 : vector<1024x128xf32>
      %add3A = arith.addf %exp23A_125, %exp23A_128 : vector<1024x128xf32>
      %sub3A_129 = vector.broadcast %broadcast_in_dim3A_119 : vector<1024x1xf32> to vector<1024x128xf32>
      %sub3A_130 = arith.subf %slice3A_53, %sub3A_129 : vector<1024x128xf32>
      %exp23A_131 = math.exp2 %sub3A_130 : vector<1024x128xf32>
      %add3A_132 = arith.addf %add3A, %exp23A_131 : vector<1024x128xf32>
      %sub3A_133 = vector.broadcast %broadcast_in_dim3A_119 : vector<1024x1xf32> to vector<1024x128xf32>
      %sub3A_134 = arith.subf %slice3A_54, %sub3A_133 : vector<1024x128xf32>
      %exp23A_135 = math.exp2 %sub3A_134 : vector<1024x128xf32>
      %add3A_136 = arith.addf %add3A_132, %exp23A_135 : vector<1024x128xf32>
      %sub3A_137 = vector.broadcast %broadcast_in_dim3A_119 : vector<1024x1xf32> to vector<1024x128xf32>
      %sub3A_138 = arith.subf %slice3A_55, %sub3A_137 : vector<1024x128xf32>
      %exp23A_139 = math.exp2 %sub3A_138 : vector<1024x128xf32>
      %add3A_140 = arith.addf %add3A_136, %exp23A_139 : vector<1024x128xf32>
      %sub3A_141 = vector.broadcast %broadcast_in_dim3A_119 : vector<1024x1xf32> to vector<1024x128xf32>
      %sub3A_142 = arith.subf %slice3A_56, %sub3A_141 : vector<1024x128xf32>
      %exp23A_143 = math.exp2 %sub3A_142 : vector<1024x128xf32>
      %add3A_144 = arith.addf %add3A_140, %exp23A_143 : vector<1024x128xf32>
      %sub3A_145 = vector.broadcast %broadcast_in_dim3A_119 : vector<1024x1xf32> to vector<1024x128xf32>
      %sub3A_146 = arith.subf %slice3A_57, %sub3A_145 : vector<1024x128xf32>
      %exp23A_147 = math.exp2 %sub3A_146 : vector<1024x128xf32>
      %add3A_148 = arith.addf %add3A_144, %exp23A_147 : vector<1024x128xf32>
      %sub3A_149 = vector.broadcast %broadcast_in_dim3A_119 : vector<1024x1xf32> to vector<1024x128xf32>
      %sub3A_150 = arith.subf %slice3A_58, %sub3A_149 : vector<1024x128xf32>
      %exp23A_151 = math.exp2 %sub3A_150 : vector<1024x128xf32>
      %add3A_152 = arith.addf %add3A_148, %exp23A_151 : vector<1024x128xf32>
      %mul3A_153 = vector.broadcast %exp23A : vector<1024x1xf32> to vector<1024x128xf32>
      %mul3A_154 = arith.mulf %get3A_46, %mul3A_153 : vector<1024x128xf32>
      %add3A_155 = arith.addf %mul3A_154, %add3A_152 : vector<1024x128xf32>
      %get3A_156 = arith.constant 1024 : index
      %get3A_157 = arith.constant 0 : index
      %get3A_158 = vector.load %arg3[%get3A_156, %get3A_157] : memref<4096x128xf32, #tpu.memory_space<vmem>>, vector<1024x128xf32>
      %dot_general3A_159 = arith.constant dense<0.000000e+00> : vector<1024x1024xf32>
      %dot_general3A_160 = tpu.matmul %get3A_4, %get3A_158, %dot_general3A_159 {dimension_numbers = #tpu.dot_dimension_numbers<[1], [1], [0], [0], [0, 0, 1, 0], [], []>, transpose_lhs_hint = false} : vector<1024x128xf32>, vector<1024x128xf32>, vector<1024x1024xf32> -> vector<1024x1024xf32>
      %slice3A_161 = vector.extract_strided_slice %dot_general3A_160 {offsets = [0, 0], sizes = [1024, 128], strides = [1, 1]} : vector<1024x1024xf32> to vector<1024x128xf32>
      %slice3A_162 = vector.extract_strided_slice %dot_general3A_160 {offsets = [0, 128], sizes = [1024, 128], strides = [1, 1]} : vector<1024x1024xf32> to vector<1024x128xf32>
      %slice3A_163 = vector.extract_strided_slice %dot_general3A_160 {offsets = [0, 256], sizes = [1024, 128], strides = [1, 1]} : vector<1024x1024xf32> to vector<1024x128xf32>
      %slice3A_164 = vector.extract_strided_slice %dot_general3A_160 {offsets = [0, 384], sizes = [1024, 128], strides = [1, 1]} : vector<1024x1024xf32> to vector<1024x128xf32>
      %slice3A_165 = vector.extract_strided_slice %dot_general3A_160 {offsets = [0, 512], sizes = [1024, 128], strides = [1, 1]} : vector<1024x1024xf32> to vector<1024x128xf32>
      %slice3A_166 = vector.extract_strided_slice %dot_general3A_160 {offsets = [0, 640], sizes = [1024, 128], strides = [1, 1]} : vector<1024x1024xf32> to vector<1024x128xf32>
      %slice3A_167 = vector.extract_strided_slice %dot_general3A_160 {offsets = [0, 768], sizes = [1024, 128], strides = [1, 1]} : vector<1024x1024xf32> to vector<1024x128xf32>
      %slice3A_168 = vector.extract_strided_slice %dot_general3A_160 {offsets = [0, 896], sizes = [1024, 128], strides = [1, 1]} : vector<1024x1024xf32> to vector<1024x128xf32>
      %max3A_169 = arith.maximumf %slice3A_161, %slice3A_162 : vector<1024x128xf32>
      %max3A_170 = arith.maximumf %slice3A_163, %slice3A_164 : vector<1024x128xf32>
      %max3A_171 = arith.maximumf %max3A_169, %max3A_170 : vector<1024x128xf32>
      %max3A_172 = arith.maximumf %slice3A_165, %slice3A_166 : vector<1024x128xf32>
      %max3A_173 = arith.maximumf %slice3A_167, %slice3A_168 : vector<1024x128xf32>
      %max3A_174 = arith.maximumf %max3A_172, %max3A_173 : vector<1024x128xf32>
      %max3A_175 = arith.maximumf %max3A_171, %max3A_174 : vector<1024x128xf32>
      %max3A_176 = arith.maximumf %max3A_65, %max3A_175 : vector<1024x128xf32>
      %min3A_177 = arith.minimumf %slice3A_161, %slice3A_162 : vector<1024x128xf32>
      %min3A_178 = arith.minimumf %slice3A_163, %slice3A_164 : vector<1024x128xf32>
      %max3A_179 = arith.maximumf %min3A_177, %min3A_178 : vector<1024x128xf32>
      %min3A_180 = arith.minimumf %max3A_169, %max3A_170 : vector<1024x128xf32>
      %max3A_181 = arith.maximumf %max3A_179, %min3A_180 : vector<1024x128xf32>
      %min3A_182 = arith.minimumf %slice3A_165, %slice3A_166 : vector<1024x128xf32>
      %min3A_183 = arith.minimumf %slice3A_167, %slice3A_168 : vector<1024x128xf32>
      %max3A_184 = arith.maximumf %min3A_182, %min3A_183 : vector<1024x128xf32>
      %min3A_185 = arith.minimumf %max3A_172, %max3A_173 : vector<1024x128xf32>
      %max3A_186 = arith.maximumf %max3A_184, %min3A_185 : vector<1024x128xf32>
      %max3A_187 = arith.maximumf %max3A_181, %max3A_186 : vector<1024x128xf32>
      %min3A_188 = arith.minimumf %max3A_179, %min3A_180 : vector<1024x128xf32>
      %min3A_189 = arith.minimumf %max3A_184, %min3A_185 : vector<1024x128xf32>
      %max3A_190 = arith.maximumf %min3A_188, %min3A_189 : vector<1024x128xf32>
      %min3A_191 = arith.minimumf %max3A_171, %max3A_174 : vector<1024x128xf32>
      %max3A_192 = arith.maximumf %max3A_190, %min3A_191 : vector<1024x128xf32>
      %max3A_193 = arith.maximumf %max3A_187, %max3A_192 : vector<1024x128xf32>
      %max3A_194 = arith.maximumf %max3A_96, %max3A_193 : vector<1024x128xf32>
      %min3A_195 = arith.minimumf %max3A_187, %max3A_192 : vector<1024x128xf32>
      %max3A_196 = arith.maximumf %min3A_97, %min3A_195 : vector<1024x128xf32>
      %min3A_197 = arith.minimumf %min3A_177, %min3A_178 : vector<1024x128xf32>
      %min3A_198 = arith.minimumf %min3A_182, %min3A_183 : vector<1024x128xf32>
      %max3A_199 = arith.maximumf %min3A_197, %min3A_198 : vector<1024x128xf32>
      %min3A_200 = arith.minimumf %max3A_181, %max3A_186 : vector<1024x128xf32>
      %max3A_201 = arith.maximumf %max3A_199, %min3A_200 : vector<1024x128xf32>
      %min3A_202 = arith.minimumf %max3A_190, %min3A_191 : vector<1024x128xf32>
      %min3A_203 = arith.minimumf %max3A_201, %min3A_202 : vector<1024x128xf32>
      %max3A_204 = arith.maximumf %min3A_109, %min3A_203 : vector<1024x128xf32>
      %min3A_205 = arith.minimumf %max3A_65, %max3A_175 : vector<1024x128xf32>
      %max3A_206 = arith.maximumf %max3A_204, %min3A_205 : vector<1024x128xf32>
      %max3A_207 = arith.maximumf %max3A_196, %max3A_206 : vector<1024x128xf32>
      %max3A_208 = arith.maximumf %max3A_194, %max3A_207 : vector<1024x128xf32>
      %min3A_209 = arith.minimumf %max3A_194, %max3A_207 : vector<1024x128xf32>
      %max3A_210 = arith.maximumf %max3A_201, %min3A_202 : vector<1024x128xf32>
      %max3A_211 = arith.maximumf %max3A_108, %max3A_210 : vector<1024x128xf32>
      %min3A_212 = arith.minimumf %max3A_199, %min3A_200 : vector<1024x128xf32>
      %min3A_213 = arith.minimumf %min3A_188, %min3A_189 : vector<1024x128xf32>
      %max3A_214 = arith.maximumf %min3A_212, %min3A_213 : vector<1024x128xf32>
      %max3A_215 = arith.maximumf %max3A_116, %max3A_214 : vector<1024x128xf32>
      %min3A_216 = arith.minimumf %max3A_96, %max3A_193 : vector<1024x128xf32>
      %max3A_217 = arith.maximumf %max3A_215, %min3A_216 : vector<1024x128xf32>
      %max3A_218 = arith.maximumf %max3A_211, %max3A_217 : vector<1024x128xf32>
      %min3A_219 = arith.minimumf %max3A_196, %max3A_206 : vector<1024x128xf32>
      %max3A_220 = arith.maximumf %max3A_218, %min3A_219 : vector<1024x128xf32>
      %min3A_221 = arith.minimumf %max3A_218, %min3A_219 : vector<1024x128xf32>
      %min3A_222 = arith.minimumf %max3A_211, %max3A_217 : vector<1024x128xf32>
      %min3A_223 = arith.minimumf %min3A_212, %min3A_213 : vector<1024x128xf32>
      %min3A_224 = arith.minimumf %min3A_97, %min3A_195 : vector<1024x128xf32>
      %max3A_225 = arith.maximumf %min3A_223, %min3A_224 : vector<1024x128xf32>
      %min3A_226 = arith.minimumf %max3A_204, %min3A_205 : vector<1024x128xf32>
      %max3A_227 = arith.maximumf %max3A_225, %min3A_226 : vector<1024x128xf32>
      %max3A_228 = arith.maximumf %min3A_222, %max3A_227 : vector<1024x128xf32>
      %reduce_max3A_229 = arith.constant dense<0xFF800000> : vector<1024xf32>
      %reduce_max3A_230 = vector.multi_reduction <maximumf>, %max3A_176, %reduce_max3A_229 [1] : vector<1024x128xf32> to vector<1024xf32>
      %broadcast_in_dim3A_231 = vector.shape_cast %reduce_max3A_230 : vector<1024xf32> to vector<1024x1xf32>
      %sub3A_232 = arith.subf %broadcast_in_dim3A_119, %broadcast_in_dim3A_231 : vector<1024x1xf32>
      %min3A_233 = arith.constant 0.000000e+00 : f32
      %min3A_234 = vector.broadcast %min3A_233 : f32 to vector<1024x1xf32>
      %min3A_235 = arith.minimumf %sub3A_232, %min3A_234 : vector<1024x1xf32>
      %exp23A_236 = math.exp2 %min3A_235 : vector<1024x1xf32>
      %sub3A_237 = vector.broadcast %broadcast_in_dim3A_231 : vector<1024x1xf32> to vector<1024x128xf32>
      %sub3A_238 = arith.subf %slice3A_161, %sub3A_237 : vector<1024x128xf32>
      %exp23A_239 = math.exp2 %sub3A_238 : vector<1024x128xf32>
      %sub3A_240 = vector.broadcast %broadcast_in_dim3A_231 : vector<1024x1xf32> to vector<1024x128xf32>
      %sub3A_241 = arith.subf %slice3A_162, %sub3A_240 : vector<1024x128xf32>
      %exp23A_242 = math.exp2 %sub3A_241 : vector<1024x128xf32>
      %add3A_243 = arith.addf %exp23A_239, %exp23A_242 : vector<1024x128xf32>
      %sub3A_244 = vector.broadcast %broadcast_in_dim3A_231 : vector<1024x1xf32> to vector<1024x128xf32>
      %sub3A_245 = arith.subf %slice3A_163, %sub3A_244 : vector<1024x128xf32>
      %exp23A_246 = math.exp2 %sub3A_245 : vector<1024x128xf32>
      %add3A_247 = arith.addf %add3A_243, %exp23A_246 : vector<1024x128xf32>
      %sub3A_248 = vector.broadcast %broadcast_in_dim3A_231 : vector<1024x1xf32> to vector<1024x128xf32>
      %sub3A_249 = arith.subf %slice3A_164, %sub3A_248 : vector<1024x128xf32>
      %exp23A_250 = math.exp2 %sub3A_249 : vector<1024x128xf32>
      %add3A_251 = arith.addf %add3A_247, %exp23A_250 : vector<1024x128xf32>
      %sub3A_252 = vector.broadcast %broadcast_in_dim3A_231 : vector<1024x1xf32> to vector<1024x128xf32>
      %sub3A_253 = arith.subf %slice3A_165, %sub3A_252 : vector<1024x128xf32>
      %exp23A_254 = math.exp2 %sub3A_253 : vector<1024x128xf32>
      %add3A_255 = arith.addf %add3A_251, %exp23A_254 : vector<1024x128xf32>
      %sub3A_256 = vector.broadcast %broadcast_in_dim3A_231 : vector<1024x1xf32> to vector<1024x128xf32>
      %sub3A_257 = arith.subf %slice3A_166, %sub3A_256 : vector<1024x128xf32>
      %exp23A_258 = math.exp2 %sub3A_257 : vector<1024x128xf32>
      %add3A_259 = arith.addf %add3A_255, %exp23A_258 : vector<1024x128xf32>
      %sub3A_260 = vector.broadcast %broadcast_in_dim3A_231 : vector<1024x1xf32> to vector<1024x128xf32>
      %sub3A_261 = arith.subf %slice3A_167, %sub3A_260 : vector<1024x128xf32>
      %exp23A_262 = math.exp2 %sub3A_261 : vector<1024x128xf32>
      %add3A_263 = arith.addf %add3A_259, %exp23A_262 : vector<1024x128xf32>
      %sub3A_264 = vector.broadcast %broadcast_in_dim3A_231 : vector<1024x1xf32> to vector<1024x128xf32>
      %sub3A_265 = arith.subf %slice3A_168, %sub3A_264 : vector<1024x128xf32>
      %exp23A_266 = math.exp2 %sub3A_265 : vector<1024x128xf32>
      %add3A_267 = arith.addf %add3A_263, %exp23A_266 : vector<1024x128xf32>
      %mul3A_268 = vector.broadcast %exp23A_236 : vector<1024x1xf32> to vector<1024x128xf32>
      %mul3A_269 = arith.mulf %add3A_155, %mul3A_268 : vector<1024x128xf32>
      %add3A_270 = arith.addf %mul3A_269, %add3A_267 : vector<1024x128xf32>
      %get3A_271 = arith.constant 2048 : index
      %get3A_272 = arith.constant 0 : index
      %get3A_273 = vector.load %arg3[%get3A_271, %get3A_272] : memref<4096x128xf32, #tpu.memory_space<vmem>>, vector<1024x128xf32>
      %dot_general3A_274 = arith.constant dense<0.000000e+00> : vector<1024x1024xf32>
      %dot_general3A_275 = tpu.matmul %get3A_4, %get3A_273, %dot_general3A_274 {dimension_numbers = #tpu.dot_dimension_numbers<[1], [1], [0], [0], [0, 0, 1, 0], [], []>, transpose_lhs_hint = false} : vector<1024x128xf32>, vector<1024x128xf32>, vector<1024x1024xf32> -> vector<1024x1024xf32>
      %slice3A_276 = vector.extract_strided_slice %dot_general3A_275 {offsets = [0, 0], sizes = [1024, 128], strides = [1, 1]} : vector<1024x1024xf32> to vector<1024x128xf32>
      %slice3A_277 = vector.extract_strided_slice %dot_general3A_275 {offsets = [0, 128], sizes = [1024, 128], strides = [1, 1]} : vector<1024x1024xf32> to vector<1024x128xf32>
      %slice3A_278 = vector.extract_strided_slice %dot_general3A_275 {offsets = [0, 256], sizes = [1024, 128], strides = [1, 1]} : vector<1024x1024xf32> to vector<1024x128xf32>
      %slice3A_279 = vector.extract_strided_slice %dot_general3A_275 {offsets = [0, 384], sizes = [1024, 128], strides = [1, 1]} : vector<1024x1024xf32> to vector<1024x128xf32>
      %slice3A_280 = vector.extract_strided_slice %dot_general3A_275 {offsets = [0, 512], sizes = [1024, 128], strides = [1, 1]} : vector<1024x1024xf32> to vector<1024x128xf32>
      %slice3A_281 = vector.extract_strided_slice %dot_general3A_275 {offsets = [0, 640], sizes = [1024, 128], strides = [1, 1]} : vector<1024x1024xf32> to vector<1024x128xf32>
      %slice3A_282 = vector.extract_strided_slice %dot_general3A_275 {offsets = [0, 768], sizes = [1024, 128], strides = [1, 1]} : vector<1024x1024xf32> to vector<1024x128xf32>
      %slice3A_283 = vector.extract_strided_slice %dot_general3A_275 {offsets = [0, 896], sizes = [1024, 128], strides = [1, 1]} : vector<1024x1024xf32> to vector<1024x128xf32>
      %max3A_284 = arith.maximumf %slice3A_276, %slice3A_277 : vector<1024x128xf32>
      %max3A_285 = arith.maximumf %slice3A_278, %slice3A_279 : vector<1024x128xf32>
      %max3A_286 = arith.maximumf %max3A_284, %max3A_285 : vector<1024x128xf32>
      %max3A_287 = arith.maximumf %slice3A_280, %slice3A_281 : vector<1024x128xf32>
      %max3A_288 = arith.maximumf %slice3A_282, %slice3A_283 : vector<1024x128xf32>
      %max3A_289 = arith.maximumf %max3A_287, %max3A_288 : vector<1024x128xf32>
      %max3A_290 = arith.maximumf %max3A_286, %max3A_289 : vector<1024x128xf32>
      %max3A_291 = arith.maximumf %max3A_176, %max3A_290 : vector<1024x128xf32>
      %min3A_292 = arith.minimumf %slice3A_276, %slice3A_277 : vector<1024x128xf32>
      %min3A_293 = arith.minimumf %slice3A_278, %slice3A_279 : vector<1024x128xf32>
      %max3A_294 = arith.maximumf %min3A_292, %min3A_293 : vector<1024x128xf32>
      %min3A_295 = arith.minimumf %max3A_284, %max3A_285 : vector<1024x128xf32>
      %max3A_296 = arith.maximumf %max3A_294, %min3A_295 : vector<1024x128xf32>
      %min3A_297 = arith.minimumf %slice3A_280, %slice3A_281 : vector<1024x128xf32>
      %min3A_298 = arith.minimumf %slice3A_282, %slice3A_283 : vector<1024x128xf32>
      %max3A_299 = arith.maximumf %min3A_297, %min3A_298 : vector<1024x128xf32>
      %min3A_300 = arith.minimumf %max3A_287, %max3A_288 : vector<1024x128xf32>
      %max3A_301 = arith.maximumf %max3A_299, %min3A_300 : vector<1024x128xf32>
      %max3A_302 = arith.maximumf %max3A_296, %max3A_301 : vector<1024x128xf32>
      %min3A_303 = arith.minimumf %max3A_294, %min3A_295 : vector<1024x128xf32>
      %min3A_304 = arith.minimumf %max3A_299, %min3A_300 : vector<1024x128xf32>
      %max3A_305 = arith.maximumf %min3A_303, %min3A_304 : vector<1024x128xf32>
      %min3A_306 = arith.minimumf %max3A_286, %max3A_289 : vector<1024x128xf32>
      %max3A_307 = arith.maximumf %max3A_305, %min3A_306 : vector<1024x128xf32>
      %max3A_308 = arith.maximumf %max3A_302, %max3A_307 : vector<1024x128xf32>
      %max3A_309 = arith.maximumf %max3A_208, %max3A_308 : vector<1024x128xf32>
      %min3A_310 = arith.minimumf %max3A_302, %max3A_307 : vector<1024x128xf32>
      %max3A_311 = arith.maximumf %min3A_209, %min3A_310 : vector<1024x128xf32>
      %min3A_312 = arith.minimumf %min3A_292, %min3A_293 : vector<1024x128xf32>
      %min3A_313 = arith.minimumf %min3A_297, %min3A_298 : vector<1024x128xf32>
      %max3A_314 = arith.maximumf %min3A_312, %min3A_313 : vector<1024x128xf32>
      %min3A_315 = arith.minimumf %max3A_296, %max3A_301 : vector<1024x128xf32>
      %max3A_316 = arith.maximumf %max3A_314, %min3A_315 : vector<1024x128xf32>
      %min3A_317 = arith.minimumf %max3A_305, %min3A_306 : vector<1024x128xf32>
      %min3A_318 = arith.minimumf %max3A_316, %min3A_317 : vector<1024x128xf32>
      %max3A_319 = arith.maximumf %min3A_221, %min3A_318 : vector<1024x128xf32>
      %min3A_320 = arith.minimumf %max3A_176, %max3A_290 : vector<1024x128xf32>
      %max3A_321 = arith.maximumf %max3A_319, %min3A_320 : vector<1024x128xf32>
      %max3A_322 = arith.maximumf %max3A_311, %max3A_321 : vector<1024x128xf32>
      %max3A_323 = arith.maximumf %max3A_309, %max3A_322 : vector<1024x128xf32>
      %min3A_324 = arith.minimumf %max3A_309, %max3A_322 : vector<1024x128xf32>
      %max3A_325 = arith.maximumf %max3A_316, %min3A_317 : vector<1024x128xf32>
      %max3A_326 = arith.maximumf %max3A_220, %max3A_325 : vector<1024x128xf32>
      %min3A_327 = arith.minimumf %max3A_314, %min3A_315 : vector<1024x128xf32>
      %min3A_328 = arith.minimumf %min3A_303, %min3A_304 : vector<1024x128xf32>
      %max3A_329 = arith.maximumf %min3A_327, %min3A_328 : vector<1024x128xf32>
      %max3A_330 = arith.maximumf %max3A_228, %max3A_329 : vector<1024x128xf32>
      %min3A_331 = arith.minimumf %max3A_208, %max3A_308 : vector<1024x128xf32>
      %max3A_332 = arith.maximumf %max3A_330, %min3A_331 : vector<1024x128xf32>
      %max3A_333 = arith.maximumf %max3A_326, %max3A_332 : vector<1024x128xf32>
      %min3A_334 = arith.minimumf %max3A_311, %max3A_321 : vector<1024x128xf32>
      %max3A_335 = arith.maximumf %max3A_333, %min3A_334 : vector<1024x128xf32>
      %min3A_336 = arith.minimumf %max3A_333, %min3A_334 : vector<1024x128xf32>
      %min3A_337 = arith.minimumf %max3A_326, %max3A_332 : vector<1024x128xf32>
      %min3A_338 = arith.minimumf %min3A_327, %min3A_328 : vector<1024x128xf32>
      %min3A_339 = arith.minimumf %min3A_209, %min3A_310 : vector<1024x128xf32>
      %max3A_340 = arith.maximumf %min3A_338, %min3A_339 : vector<1024x128xf32>
      %min3A_341 = arith.minimumf %max3A_319, %min3A_320 : vector<1024x128xf32>
      %max3A_342 = arith.maximumf %max3A_340, %min3A_341 : vector<1024x128xf32>
      %max3A_343 = arith.maximumf %min3A_337, %max3A_342 : vector<1024x128xf32>
      %reduce_max3A_344 = arith.constant dense<0xFF800000> : vector<1024xf32>
      %reduce_max3A_345 = vector.multi_reduction <maximumf>, %max3A_291, %reduce_max3A_344 [1] : vector<1024x128xf32> to vector<1024xf32>
      %broadcast_in_dim3A_346 = vector.shape_cast %reduce_max3A_345 : vector<1024xf32> to vector<1024x1xf32>
      %sub3A_347 = arith.subf %broadcast_in_dim3A_231, %broadcast_in_dim3A_346 : vector<1024x1xf32>
      %min3A_348 = arith.constant 0.000000e+00 : f32
      %min3A_349 = vector.broadcast %min3A_348 : f32 to vector<1024x1xf32>
      %min3A_350 = arith.minimumf %sub3A_347, %min3A_349 : vector<1024x1xf32>
      %exp23A_351 = math.exp2 %min3A_350 : vector<1024x1xf32>
      %sub3A_352 = vector.broadcast %broadcast_in_dim3A_346 : vector<1024x1xf32> to vector<1024x128xf32>
      %sub3A_353 = arith.subf %slice3A_276, %sub3A_352 : vector<1024x128xf32>
      %exp23A_354 = math.exp2 %sub3A_353 : vector<1024x128xf32>
      %sub3A_355 = vector.broadcast %broadcast_in_dim3A_346 : vector<1024x1xf32> to vector<1024x128xf32>
      %sub3A_356 = arith.subf %slice3A_277, %sub3A_355 : vector<1024x128xf32>
      %exp23A_357 = math.exp2 %sub3A_356 : vector<1024x128xf32>
      %add3A_358 = arith.addf %exp23A_354, %exp23A_357 : vector<1024x128xf32>
      %sub3A_359 = vector.broadcast %broadcast_in_dim3A_346 : vector<1024x1xf32> to vector<1024x128xf32>
      %sub3A_360 = arith.subf %slice3A_278, %sub3A_359 : vector<1024x128xf32>
      %exp23A_361 = math.exp2 %sub3A_360 : vector<1024x128xf32>
      %add3A_362 = arith.addf %add3A_358, %exp23A_361 : vector<1024x128xf32>
      %sub3A_363 = vector.broadcast %broadcast_in_dim3A_346 : vector<1024x1xf32> to vector<1024x128xf32>
      %sub3A_364 = arith.subf %slice3A_279, %sub3A_363 : vector<1024x128xf32>
      %exp23A_365 = math.exp2 %sub3A_364 : vector<1024x128xf32>
      %add3A_366 = arith.addf %add3A_362, %exp23A_365 : vector<1024x128xf32>
      %sub3A_367 = vector.broadcast %broadcast_in_dim3A_346 : vector<1024x1xf32> to vector<1024x128xf32>
      %sub3A_368 = arith.subf %slice3A_280, %sub3A_367 : vector<1024x128xf32>
      %exp23A_369 = math.exp2 %sub3A_368 : vector<1024x128xf32>
      %add3A_370 = arith.addf %add3A_366, %exp23A_369 : vector<1024x128xf32>
      %sub3A_371 = vector.broadcast %broadcast_in_dim3A_346 : vector<1024x1xf32> to vector<1024x128xf32>
      %sub3A_372 = arith.subf %slice3A_281, %sub3A_371 : vector<1024x128xf32>
      %exp23A_373 = math.exp2 %sub3A_372 : vector<1024x128xf32>
      %add3A_374 = arith.addf %add3A_370, %exp23A_373 : vector<1024x128xf32>
      %sub3A_375 = vector.broadcast %broadcast_in_dim3A_346 : vector<1024x1xf32> to vector<1024x128xf32>
      %sub3A_376 = arith.subf %slice3A_282, %sub3A_375 : vector<1024x128xf32>
      %exp23A_377 = math.exp2 %sub3A_376 : vector<1024x128xf32>
      %add3A_378 = arith.addf %add3A_374, %exp23A_377 : vector<1024x128xf32>
      %sub3A_379 = vector.broadcast %broadcast_in_dim3A_346 : vector<1024x1xf32> to vector<1024x128xf32>
      %sub3A_380 = arith.subf %slice3A_283, %sub3A_379 : vector<1024x128xf32>
      %exp23A_381 = math.exp2 %sub3A_380 : vector<1024x128xf32>
      %add3A_382 = arith.addf %add3A_378, %exp23A_381 : vector<1024x128xf32>
      %mul3A_383 = vector.broadcast %exp23A_351 : vector<1024x1xf32> to vector<1024x128xf32>
      %mul3A_384 = arith.mulf %add3A_270, %mul3A_383 : vector<1024x128xf32>
      %add3A_385 = arith.addf %mul3A_384, %add3A_382 : vector<1024x128xf32>
      %get3A_386 = arith.constant 3072 : index
      %get3A_387 = arith.constant 0 : index
      %get3A_388 = vector.load %arg3[%get3A_386, %get3A_387] : memref<4096x128xf32, #tpu.memory_space<vmem>>, vector<1024x128xf32>
      %dot_general3A_389 = arith.constant dense<0.000000e+00> : vector<1024x1024xf32>
      %dot_general3A_390 = tpu.matmul %get3A_4, %get3A_388, %dot_general3A_389 {dimension_numbers = #tpu.dot_dimension_numbers<[1], [1], [0], [0], [0, 0, 1, 0], [], []>, transpose_lhs_hint = false} : vector<1024x128xf32>, vector<1024x128xf32>, vector<1024x1024xf32> -> vector<1024x1024xf32>
      %slice3A_391 = vector.extract_strided_slice %dot_general3A_390 {offsets = [0, 0], sizes = [1024, 128], strides = [1, 1]} : vector<1024x1024xf32> to vector<1024x128xf32>
      %slice3A_392 = vector.extract_strided_slice %dot_general3A_390 {offsets = [0, 128], sizes = [1024, 128], strides = [1, 1]} : vector<1024x1024xf32> to vector<1024x128xf32>
      %slice3A_393 = vector.extract_strided_slice %dot_general3A_390 {offsets = [0, 256], sizes = [1024, 128], strides = [1, 1]} : vector<1024x1024xf32> to vector<1024x128xf32>
      %slice3A_394 = vector.extract_strided_slice %dot_general3A_390 {offsets = [0, 384], sizes = [1024, 128], strides = [1, 1]} : vector<1024x1024xf32> to vector<1024x128xf32>
      %slice3A_395 = vector.extract_strided_slice %dot_general3A_390 {offsets = [0, 512], sizes = [1024, 128], strides = [1, 1]} : vector<1024x1024xf32> to vector<1024x128xf32>
      %slice3A_396 = vector.extract_strided_slice %dot_general3A_390 {offsets = [0, 640], sizes = [1024, 128], strides = [1, 1]} : vector<1024x1024xf32> to vector<1024x128xf32>
      %slice3A_397 = vector.extract_strided_slice %dot_general3A_390 {offsets = [0, 768], sizes = [1024, 128], strides = [1, 1]} : vector<1024x1024xf32> to vector<1024x128xf32>
      %slice3A_398 = vector.extract_strided_slice %dot_general3A_390 {offsets = [0, 896], sizes = [1024, 128], strides = [1, 1]} : vector<1024x1024xf32> to vector<1024x128xf32>
      %max3A_399 = arith.maximumf %slice3A_391, %slice3A_392 : vector<1024x128xf32>
      %max3A_400 = arith.maximumf %slice3A_393, %slice3A_394 : vector<1024x128xf32>
      %max3A_401 = arith.maximumf %max3A_399, %max3A_400 : vector<1024x128xf32>
      %max3A_402 = arith.maximumf %slice3A_395, %slice3A_396 : vector<1024x128xf32>
      %max3A_403 = arith.maximumf %slice3A_397, %slice3A_398 : vector<1024x128xf32>
      %max3A_404 = arith.maximumf %max3A_402, %max3A_403 : vector<1024x128xf32>
      %max3A_405 = arith.maximumf %max3A_401, %max3A_404 : vector<1024x128xf32>
      %max3A_406 = arith.maximumf %max3A_291, %max3A_405 : vector<1024x128xf32>
      %min3A_407 = arith.minimumf %slice3A_391, %slice3A_392 : vector<1024x128xf32>
      %min3A_408 = arith.minimumf %slice3A_393, %slice3A_394 : vector<1024x128xf32>
      %max3A_409 = arith.maximumf %min3A_407, %min3A_408 : vector<1024x128xf32>
      %min3A_410 = arith.minimumf %max3A_399, %max3A_400 : vector<1024x128xf32>
      %max3A_411 = arith.maximumf %max3A_409, %min3A_410 : vector<1024x128xf32>
      %min3A_412 = arith.minimumf %slice3A_395, %slice3A_396 : vector<1024x128xf32>
      %min3A_413 = arith.minimumf %slice3A_397, %slice3A_398 : vector<1024x128xf32>
      %max3A_414 = arith.maximumf %min3A_412, %min3A_413 : vector<1024x128xf32>
      %min3A_415 = arith.minimumf %max3A_402, %max3A_403 : vector<1024x128xf32>
      %max3A_416 = arith.maximumf %max3A_414, %min3A_415 : vector<1024x128xf32>
      %max3A_417 = arith.maximumf %max3A_411, %max3A_416 : vector<1024x128xf32>
      %min3A_418 = arith.minimumf %max3A_409, %min3A_410 : vector<1024x128xf32>
      %min3A_419 = arith.minimumf %max3A_414, %min3A_415 : vector<1024x128xf32>
      %max3A_420 = arith.maximumf %min3A_418, %min3A_419 : vector<1024x128xf32>
      %min3A_421 = arith.minimumf %max3A_401, %max3A_404 : vector<1024x128xf32>
      %max3A_422 = arith.maximumf %max3A_420, %min3A_421 : vector<1024x128xf32>
      %max3A_423 = arith.maximumf %max3A_417, %max3A_422 : vector<1024x128xf32>
      %max3A_424 = arith.maximumf %max3A_323, %max3A_423 : vector<1024x128xf32>
      %min3A_425 = arith.minimumf %max3A_417, %max3A_422 : vector<1024x128xf32>
      %max3A_426 = arith.maximumf %min3A_324, %min3A_425 : vector<1024x128xf32>
      %min3A_427 = arith.minimumf %min3A_407, %min3A_408 : vector<1024x128xf32>
      %min3A_428 = arith.minimumf %min3A_412, %min3A_413 : vector<1024x128xf32>
      %max3A_429 = arith.maximumf %min3A_427, %min3A_428 : vector<1024x128xf32>
      %min3A_430 = arith.minimumf %max3A_411, %max3A_416 : vector<1024x128xf32>
      %max3A_431 = arith.maximumf %max3A_429, %min3A_430 : vector<1024x128xf32>
      %min3A_432 = arith.minimumf %max3A_420, %min3A_421 : vector<1024x128xf32>
      %min3A_433 = arith.minimumf %max3A_431, %min3A_432 : vector<1024x128xf32>
      %max3A_434 = arith.maximumf %min3A_336, %min3A_433 : vector<1024x128xf32>
      %min3A_435 = arith.minimumf %max3A_291, %max3A_405 : vector<1024x128xf32>
      %max3A_436 = arith.maximumf %max3A_434, %min3A_435 : vector<1024x128xf32>
      %max3A_437 = arith.maximumf %max3A_426, %max3A_436 : vector<1024x128xf32>
      %max3A_438 = arith.maximumf %max3A_424, %max3A_437 : vector<1024x128xf32>
      %min3A_439 = arith.minimumf %max3A_424, %max3A_437 : vector<1024x128xf32>
      %max3A_440 = arith.maximumf %max3A_431, %min3A_432 : vector<1024x128xf32>
      %max3A_441 = arith.maximumf %max3A_335, %max3A_440 : vector<1024x128xf32>
      %min3A_442 = arith.minimumf %max3A_429, %min3A_430 : vector<1024x128xf32>
      %min3A_443 = arith.minimumf %min3A_418, %min3A_419 : vector<1024x128xf32>
      %max3A_444 = arith.maximumf %min3A_442, %min3A_443 : vector<1024x128xf32>
      %max3A_445 = arith.maximumf %max3A_343, %max3A_444 : vector<1024x128xf32>
      %min3A_446 = arith.minimumf %max3A_323, %max3A_423 : vector<1024x128xf32>
      %max3A_447 = arith.maximumf %max3A_445, %min3A_446 : vector<1024x128xf32>
      %max3A_448 = arith.maximumf %max3A_441, %max3A_447 : vector<1024x128xf32>
      %min3A_449 = arith.minimumf %max3A_426, %max3A_436 : vector<1024x128xf32>
      %max3A_450 = arith.maximumf %max3A_448, %min3A_449 : vector<1024x128xf32>
      %min3A_451 = arith.minimumf %max3A_448, %min3A_449 : vector<1024x128xf32>
      %min3A_452 = arith.minimumf %max3A_441, %max3A_447 : vector<1024x128xf32>
      %min3A_453 = arith.minimumf %min3A_442, %min3A_443 : vector<1024x128xf32>
      %min3A_454 = arith.minimumf %min3A_324, %min3A_425 : vector<1024x128xf32>
      %max3A_455 = arith.maximumf %min3A_453, %min3A_454 : vector<1024x128xf32>
      %min3A_456 = arith.minimumf %max3A_434, %min3A_435 : vector<1024x128xf32>
      %max3A_457 = arith.maximumf %max3A_455, %min3A_456 : vector<1024x128xf32>
      %max3A_458 = arith.maximumf %min3A_452, %max3A_457 : vector<1024x128xf32>
      %reduce_max3A_459 = arith.constant dense<0xFF800000> : vector<1024xf32>
      %reduce_max3A_460 = vector.multi_reduction <maximumf>, %max3A_406, %reduce_max3A_459 [1] : vector<1024x128xf32> to vector<1024xf32>
      %broadcast_in_dim3A_461 = vector.shape_cast %reduce_max3A_460 : vector<1024xf32> to vector<1024x1xf32>
      %sub3A_462 = arith.subf %broadcast_in_dim3A_346, %broadcast_in_dim3A_461 : vector<1024x1xf32>
      %min3A_463 = arith.constant 0.000000e+00 : f32
      %min3A_464 = vector.broadcast %min3A_463 : f32 to vector<1024x1xf32>
      %min3A_465 = arith.minimumf %sub3A_462, %min3A_464 : vector<1024x1xf32>
      %exp23A_466 = math.exp2 %min3A_465 : vector<1024x1xf32>
      %sub3A_467 = vector.broadcast %broadcast_in_dim3A_461 : vector<1024x1xf32> to vector<1024x128xf32>
      %sub3A_468 = arith.subf %slice3A_391, %sub3A_467 : vector<1024x128xf32>
      %exp23A_469 = math.exp2 %sub3A_468 : vector<1024x128xf32>
      %sub3A_470 = vector.broadcast %broadcast_in_dim3A_461 : vector<1024x1xf32> to vector<1024x128xf32>
      %sub3A_471 = arith.subf %slice3A_392, %sub3A_470 : vector<1024x128xf32>
      %exp23A_472 = math.exp2 %sub3A_471 : vector<1024x128xf32>
      %add3A_473 = arith.addf %exp23A_469, %exp23A_472 : vector<1024x128xf32>
      %sub3A_474 = vector.broadcast %broadcast_in_dim3A_461 : vector<1024x1xf32> to vector<1024x128xf32>
      %sub3A_475 = arith.subf %slice3A_393, %sub3A_474 : vector<1024x128xf32>
      %exp23A_476 = math.exp2 %sub3A_475 : vector<1024x128xf32>
      %add3A_477 = arith.addf %add3A_473, %exp23A_476 : vector<1024x128xf32>
      %sub3A_478 = vector.broadcast %broadcast_in_dim3A_461 : vector<1024x1xf32> to vector<1024x128xf32>
      %sub3A_479 = arith.subf %slice3A_394, %sub3A_478 : vector<1024x128xf32>
      %exp23A_480 = math.exp2 %sub3A_479 : vector<1024x128xf32>
      %add3A_481 = arith.addf %add3A_477, %exp23A_480 : vector<1024x128xf32>
      %sub3A_482 = vector.broadcast %broadcast_in_dim3A_461 : vector<1024x1xf32> to vector<1024x128xf32>
      %sub3A_483 = arith.subf %slice3A_395, %sub3A_482 : vector<1024x128xf32>
      %exp23A_484 = math.exp2 %sub3A_483 : vector<1024x128xf32>
      %add3A_485 = arith.addf %add3A_481, %exp23A_484 : vector<1024x128xf32>
      %sub3A_486 = vector.broadcast %broadcast_in_dim3A_461 : vector<1024x1xf32> to vector<1024x128xf32>
      %sub3A_487 = arith.subf %slice3A_396, %sub3A_486 : vector<1024x128xf32>
      %exp23A_488 = math.exp2 %sub3A_487 : vector<1024x128xf32>
      %add3A_489 = arith.addf %add3A_485, %exp23A_488 : vector<1024x128xf32>
      %sub3A_490 = vector.broadcast %broadcast_in_dim3A_461 : vector<1024x1xf32> to vector<1024x128xf32>
      %sub3A_491 = arith.subf %slice3A_397, %sub3A_490 : vector<1024x128xf32>
      %exp23A_492 = math.exp2 %sub3A_491 : vector<1024x128xf32>
      %add3A_493 = arith.addf %add3A_489, %exp23A_492 : vector<1024x128xf32>
      %sub3A_494 = vector.broadcast %broadcast_in_dim3A_461 : vector<1024x1xf32> to vector<1024x128xf32>
      %sub3A_495 = arith.subf %slice3A_398, %sub3A_494 : vector<1024x128xf32>
      %exp23A_496 = math.exp2 %sub3A_495 : vector<1024x128xf32>
      %add3A_497 = arith.addf %add3A_493, %exp23A_496 : vector<1024x128xf32>
      %mul3A_498 = vector.broadcast %exp23A_466 : vector<1024x1xf32> to vector<1024x128xf32>
      %mul3A_499 = arith.mulf %add3A_385, %mul3A_498 : vector<1024x128xf32>
      %add3A_500 = arith.addf %mul3A_499, %add3A_497 : vector<1024x128xf32>
      %swap3A = arith.constant 0 : index
      %swap3A_501 = arith.index_cast %mul3A_0 : i32 to index
      %swap3A_502 = arith.constant 0 : index
      %swap3A_503 = vector.load %arg7[%swap3A, %swap3A_501, %swap3A_502] : memref<6x1024x128xf32, #tpu.memory_space<vmem>>, vector<1x1024x128xf32>
      %swap3A_504 = vector.shape_cast %swap3A_503 : vector<1x1024x128xf32> to vector<1024x128xf32>
      %swap3A_505 = vector.shape_cast %max3A_406 : vector<1024x128xf32> to vector<1x1024x128xf32>
      tpu.vector_store %arg7[%swap3A, %swap3A_501, %swap3A_502], %swap3A_505 {strides = array<i32>} : memref<6x1024x128xf32, #tpu.memory_space<vmem>>, vector<1x1024x128xf32>,
      %swap3A_506 = arith.constant 1 : index
      %swap3A_507 = arith.index_cast %mul3A_0 : i32 to index
      %swap3A_508 = arith.constant 0 : index
      %swap3A_509 = vector.load %arg7[%swap3A_506, %swap3A_507, %swap3A_508] : memref<6x1024x128xf32, #tpu.memory_space<vmem>>, vector<1x1024x128xf32>
      %swap3A_510 = vector.shape_cast %swap3A_509 : vector<1x1024x128xf32> to vector<1024x128xf32>
      %swap3A_511 = vector.shape_cast %max3A_438 : vector<1024x128xf32> to vector<1x1024x128xf32>
      tpu.vector_store %arg7[%swap3A_506, %swap3A_507, %swap3A_508], %swap3A_511 {strides = array<i32>} : memref<6x1024x128xf32, #tpu.memory_space<vmem>>, vector<1x1024x128xf32>,
      %swap3A_512 = arith.constant 2 : index
      %swap3A_513 = arith.index_cast %mul3A_0 : i32 to index
      %swap3A_514 = arith.constant 0 : index
      %swap3A_515 = vector.load %arg7[%swap3A_512, %swap3A_513, %swap3A_514] : memref<6x1024x128xf32, #tpu.memory_space<vmem>>, vector<1x1024x128xf32>
      %swap3A_516 = vector.shape_cast %swap3A_515 : vector<1x1024x128xf32> to vector<1024x128xf32>
      %swap3A_517 = vector.shape_cast %min3A_439 : vector<1024x128xf32> to vector<1x1024x128xf32>
      tpu.vector_store %arg7[%swap3A_512, %swap3A_513, %swap3A_514], %swap3A_517 {strides = array<i32>} : memref<6x1024x128xf32, #tpu.memory_space<vmem>>, vector<1x1024x128xf32>,
      %swap3A_518 = arith.constant 3 : index
      %swap3A_519 = arith.index_cast %mul3A_0 : i32 to index
      %swap3A_520 = arith.constant 0 : index
      %swap3A_521 = vector.load %arg7[%swap3A_518, %swap3A_519, %swap3A_520] : memref<6x1024x128xf32, #tpu.memory_space<vmem>>, vector<1x1024x128xf32>
      %swap3A_522 = vector.shape_cast %swap3A_521 : vector<1x1024x128xf32> to vector<1024x128xf32>
      %swap3A_523 = vector.shape_cast %max3A_450 : vector<1024x128xf32> to vector<1x1024x128xf32>
      tpu.vector_store %arg7[%swap3A_518, %swap3A_519, %swap3A_520], %swap3A_523 {strides = array<i32>} : memref<6x1024x128xf32, #tpu.memory_space<vmem>>, vector<1x1024x128xf32>,
      %swap3A_524 = arith.constant 4 : index
      %swap3A_525 = arith.index_cast %mul3A_0 : i32 to index
      %swap3A_526 = arith.constant 0 : index
      %swap3A_527 = vector.load %arg7[%swap3A_524, %swap3A_525, %swap3A_526] : memref<6x1024x128xf32, #tpu.memory_space<vmem>>, vector<1x1024x128xf32>
      %swap3A_528 = vector.shape_cast %swap3A_527 : vector<1x1024x128xf32> to vector<1024x128xf32>
      %swap3A_529 = vector.shape_cast %min3A_451 : vector<1024x128xf32> to vector<1x1024x128xf32>
      tpu.vector_store %arg7[%swap3A_524, %swap3A_525, %swap3A_526], %swap3A_529 {strides = array<i32>} : memref<6x1024x128xf32, #tpu.memory_space<vmem>>, vector<1x1024x128xf32>,
      %swap3A_530 = arith.constant 5 : index
      %swap3A_531 = arith.index_cast %mul3A_0 : i32 to index
      %swap3A_532 = arith.constant 0 : index
      %swap3A_533 = vector.load %arg7[%swap3A_530, %swap3A_531, %swap3A_532] : memref<6x1024x128xf32, #tpu.memory_space<vmem>>, vector<1x1024x128xf32>
      %swap3A_534 = vector.shape_cast %swap3A_533 : vector<1x1024x128xf32> to vector<1024x128xf32>
      %swap3A_535 = vector.shape_cast %max3A_458 : vector<1024x128xf32> to vector<1x1024x128xf32>
      tpu.vector_store %arg7[%swap3A_530, %swap3A_531, %swap3A_532], %swap3A_535 {strides = array<i32>} : memref<6x1024x128xf32, #tpu.memory_space<vmem>>, vector<1x1024x128xf32>,
      %swap3A_536 = arith.index_cast %mul3A_0 : i32 to index
      %swap3A_537 = arith.constant 0 : index
      %swap3A_538 = vector.load %arg6[%swap3A_536, %swap3A_537] : memref<1024x128xf32, #tpu.memory_space<vmem>>, vector<1024x128xf32>
      tpu.vector_store %arg6[%swap3A_536, %swap3A_537], %add3A_500 {strides = array<i32>} : memref<1024x128xf32, #tpu.memory_space<vmem>>, vector<1024x128xf32>,
    } else {
    }
    %eq3A_9 = arith.constant 24 : i32
    %eq3A_10 = arith.cmpi eq, %arg0, %eq3A_9 : i32
    %convert_element_type3A_11 = arith.extui %eq3A_10 : i1 to i32
    %cond3A_12 = arith.constant 0 : i32
    %cond3A_13 = arith.cmpi ne, %convert_element_type3A_11, %cond3A_12 : i32
    scf.if %cond3A_13 {
      %mul3A_14 = arith.constant 4096 : i32
      %mul3A_15 = arith.muli %arg0, %mul3A_14 : i32
      %iota3A = tpu.iota {dimensions = array<i32: 1>} : vector<1x4096xi32>
      %add3A = vector.broadcast %mul3A_15 : i32 to vector<1x4096xi32>
      %add3A_16 = arith.addi %add3A, %iota3A : vector<1x4096xi32>
      %ge3A = arith.constant 100000 : i32
      %ge3A_17 = vector.broadcast %ge3A : i32 to vector<1x4096xi32>
      %ge3A_18 = arith.cmpi sge, %add3A_16, %ge3A_17 : vector<1x4096xi32>
      %get3A_19 = arith.constant 0 : index
      %get3A_20 = arith.index_cast %mul3A_0 : i32 to index
      %get3A_21 = arith.constant 0 : index
      %get3A_22 = vector.load %arg7[%get3A_19, %get3A_20, %get3A_21] : memref<6x1024x128xf32, #tpu.memory_space<vmem>>, vector<1x1024x128xf32>
      %get3A_23 = vector.shape_cast %get3A_22 : vector<1x1024x128xf32> to vector<1024x128xf32>
      %get3A_24 = arith.constant 1 : index
      %get3A_25 = arith.index_cast %mul3A_0 : i32 to index
      %get3A_26 = arith.constant 0 : index
      %get3A_27 = vector.load %arg7[%get3A_24, %get3A_25, %get3A_26] : memref<6x1024x128xf32, #tpu.memory_space<vmem>>, vector<1x1024x128xf32>
      %get3A_28 = vector.shape_cast %get3A_27 : vector<1x1024x128xf32> to vector<1024x128xf32>
      %get3A_29 = arith.constant 2 : index
      %get3A_30 = arith.index_cast %mul3A_0 : i32 to index
      %get3A_31 = arith.constant 0 : index
      %get3A_32 = vector.load %arg7[%get3A_29, %get3A_30, %get3A_31] : memref<6x1024x128xf32, #tpu.memory_space<vmem>>, vector<1x1024x128xf32>
      %get3A_33 = vector.shape_cast %get3A_32 : vector<1x1024x128xf32> to vector<1024x128xf32>
      %get3A_34 = arith.constant 3 : index
      %get3A_35 = arith.index_cast %mul3A_0 : i32 to index
      %get3A_36 = arith.constant 0 : index
      %get3A_37 = vector.load %arg7[%get3A_34, %get3A_35, %get3A_36] : memref<6x1024x128xf32, #tpu.memory_space<vmem>>, vector<1x1024x128xf32>
      %get3A_38 = vector.shape_cast %get3A_37 : vector<1x1024x128xf32> to vector<1024x128xf32>
      %get3A_39 = arith.constant 4 : index
      %get3A_40 = arith.index_cast %mul3A_0 : i32 to index
      %get3A_41 = arith.constant 0 : index
      %get3A_42 = vector.load %arg7[%get3A_39, %get3A_40, %get3A_41] : memref<6x1024x128xf32, #tpu.memory_space<vmem>>, vector<1x1024x128xf32>
      %get3A_43 = vector.shape_cast %get3A_42 : vector<1x1024x128xf32> to vector<1024x128xf32>
      %get3A_44 = arith.constant 5 : index
      %get3A_45 = arith.index_cast %mul3A_0 : i32 to index
      %get3A_46 = arith.constant 0 : index
      %get3A_47 = vector.load %arg7[%get3A_44, %get3A_45, %get3A_46] : memref<6x1024x128xf32, #tpu.memory_space<vmem>>, vector<1x1024x128xf32>
      %get3A_48 = vector.shape_cast %get3A_47 : vector<1x1024x128xf32> to vector<1024x128xf32>
      %get3A_49 = arith.index_cast %mul3A_0 : i32 to index
      %get3A_50 = arith.constant 0 : index
      %get3A_51 = vector.load %arg6[%get3A_49, %get3A_50] : memref<1024x128xf32, #tpu.memory_space<vmem>>, vector<1024x128xf32>
      %reduce_max3A = arith.constant dense<0xFF800000> : vector<1024xf32>
      %reduce_max3A_52 = vector.multi_reduction <maximumf>, %get3A_23, %reduce_max3A [1] : vector<1024x128xf32> to vector<1024xf32>
      %broadcast_in_dim3A = vector.shape_cast %reduce_max3A_52 : vector<1024xf32> to vector<1024x1xf32>
      %get3A_53 = arith.constant 0 : index
      %get3A_54 = arith.constant 0 : index
      %get3A_55 = vector.load %arg3[%get3A_53, %get3A_54] : memref<4096x128xf32, #tpu.memory_space<vmem>>, vector<1024x128xf32>
      %dot_general3A = arith.constant dense<0.000000e+00> : vector<1024x1024xf32>
      %dot_general3A_56 = tpu.matmul %get3A_4, %get3A_55, %dot_general3A {dimension_numbers = #tpu.dot_dimension_numbers<[1], [1], [0], [0], [0, 0, 1, 0], [], []>, transpose_lhs_hint = false} : vector<1024x128xf32>, vector<1024x128xf32>, vector<1024x1024xf32> -> vector<1024x1024xf32>
      %slice3A = vector.extract_strided_slice %dot_general3A_56 {offsets = [0, 0], sizes = [1024, 128], strides = [1, 1]} : vector<1024x1024xf32> to vector<1024x128xf32>
      %slice3A_57 = vector.extract_strided_slice %dot_general3A_56 {offsets = [0, 128], sizes = [1024, 128], strides = [1, 1]} : vector<1024x1024xf32> to vector<1024x128xf32>
      %slice3A_58 = vector.extract_strided_slice %dot_general3A_56 {offsets = [0, 256], sizes = [1024, 128], strides = [1, 1]} : vector<1024x1024xf32> to vector<1024x128xf32>
      %slice3A_59 = vector.extract_strided_slice %dot_general3A_56 {offsets = [0, 384], sizes = [1024, 128], strides = [1, 1]} : vector<1024x1024xf32> to vector<1024x128xf32>
      %slice3A_60 = vector.extract_strided_slice %dot_general3A_56 {offsets = [0, 512], sizes = [1024, 128], strides = [1, 1]} : vector<1024x1024xf32> to vector<1024x128xf32>
      %slice3A_61 = vector.extract_strided_slice %dot_general3A_56 {offsets = [0, 640], sizes = [1024, 128], strides = [1, 1]} : vector<1024x1024xf32> to vector<1024x128xf32>
      %slice3A_62 = vector.extract_strided_slice %dot_general3A_56 {offsets = [0, 768], sizes = [1024, 128], strides = [1, 1]} : vector<1024x1024xf32> to vector<1024x128xf32>
      %slice3A_63 = vector.extract_strided_slice %dot_general3A_56 {offsets = [0, 896], sizes = [1024, 128], strides = [1, 1]} : vector<1024x1024xf32> to vector<1024x128xf32>
      %slice3A_64 = vector.extract_strided_slice %ge3A_18 {offsets = [0, 0], sizes = [1, 128], strides = [1, 1]} : vector<1x4096xi1> to vector<1x128xi1>
      %jit3A = arith.constant -1.000000e+30 : f32
      %broadcast_in_dim3A_65 = vector.shape_cast %slice3A_64 : vector<1x128xi1> to vector<1x128xi1>
      %broadcast_in_dim3A_66 = vector.broadcast %broadcast_in_dim3A_65 : vector<1x128xi1> to vector<1024x128xi1>
      %broadcast_in_dim3A_67 = vector.broadcast %jit3A : f32 to vector<1024x128xf32>
      %select_n3A = arith.select %broadcast_in_dim3A_66, %broadcast_in_dim3A_67, %slice3A : vector<1024x128xi1>, vector<1024x128xf32>
      %slice3A_68 = vector.extract_strided_slice %ge3A_18 {offsets = [0, 128], sizes = [1, 128], strides = [1, 1]} : vector<1x4096xi1> to vector<1x128xi1>
      %jit3A_69 = arith.constant -1.000000e+30 : f32
      %broadcast_in_dim3A_70 = vector.shape_cast %slice3A_68 : vector<1x128xi1> to vector<1x128xi1>
      %broadcast_in_dim3A_71 = vector.broadcast %broadcast_in_dim3A_70 : vector<1x128xi1> to vector<1024x128xi1>
      %broadcast_in_dim3A_72 = vector.broadcast %jit3A_69 : f32 to vector<1024x128xf32>
      %select_n3A_73 = arith.select %broadcast_in_dim3A_71, %broadcast_in_dim3A_72, %slice3A_57 : vector<1024x128xi1>, vector<1024x128xf32>
      %slice3A_74 = vector.extract_strided_slice %ge3A_18 {offsets = [0, 256], sizes = [1, 128], strides = [1, 1]} : vector<1x4096xi1> to vector<1x128xi1>
      %jit3A_75 = arith.constant -1.000000e+30 : f32
      %broadcast_in_dim3A_76 = vector.shape_cast %slice3A_74 : vector<1x128xi1> to vector<1x128xi1>
      %broadcast_in_dim3A_77 = vector.broadcast %broadcast_in_dim3A_76 : vector<1x128xi1> to vector<1024x128xi1>
      %broadcast_in_dim3A_78 = vector.broadcast %jit3A_75 : f32 to vector<1024x128xf32>
      %select_n3A_79 = arith.select %broadcast_in_dim3A_77, %broadcast_in_dim3A_78, %slice3A_58 : vector<1024x128xi1>, vector<1024x128xf32>
      %slice3A_80 = vector.extract_strided_slice %ge3A_18 {offsets = [0, 384], sizes = [1, 128], strides = [1, 1]} : vector<1x4096xi1> to vector<1x128xi1>
      %jit3A_81 = arith.constant -1.000000e+30 : f32
      %broadcast_in_dim3A_82 = vector.shape_cast %slice3A_80 : vector<1x128xi1> to vector<1x128xi1>
      %broadcast_in_dim3A_83 = vector.broadcast %broadcast_in_dim3A_82 : vector<1x128xi1> to vector<1024x128xi1>
      %broadcast_in_dim3A_84 = vector.broadcast %jit3A_81 : f32 to vector<1024x128xf32>
      %select_n3A_85 = arith.select %broadcast_in_dim3A_83, %broadcast_in_dim3A_84, %slice3A_59 : vector<1024x128xi1>, vector<1024x128xf32>
      %slice3A_86 = vector.extract_strided_slice %ge3A_18 {offsets = [0, 512], sizes = [1, 128], strides = [1, 1]} : vector<1x4096xi1> to vector<1x128xi1>
      %jit3A_87 = arith.constant -1.000000e+30 : f32
      %broadcast_in_dim3A_88 = vector.shape_cast %slice3A_86 : vector<1x128xi1> to vector<1x128xi1>
      %broadcast_in_dim3A_89 = vector.broadcast %broadcast_in_dim3A_88 : vector<1x128xi1> to vector<1024x128xi1>
      %broadcast_in_dim3A_90 = vector.broadcast %jit3A_87 : f32 to vector<1024x128xf32>
      %select_n3A_91 = arith.select %broadcast_in_dim3A_89, %broadcast_in_dim3A_90, %slice3A_60 : vector<1024x128xi1>, vector<1024x128xf32>
      %slice3A_92 = vector.extract_strided_slice %ge3A_18 {offsets = [0, 640], sizes = [1, 128], strides = [1, 1]} : vector<1x4096xi1> to vector<1x128xi1>
      %jit3A_93 = arith.constant -1.000000e+30 : f32
      %broadcast_in_dim3A_94 = vector.shape_cast %slice3A_92 : vector<1x128xi1> to vector<1x128xi1>
      %broadcast_in_dim3A_95 = vector.broadcast %broadcast_in_dim3A_94 : vector<1x128xi1> to vector<1024x128xi1>
      %broadcast_in_dim3A_96 = vector.broadcast %jit3A_93 : f32 to vector<1024x128xf32>
      %select_n3A_97 = arith.select %broadcast_in_dim3A_95, %broadcast_in_dim3A_96, %slice3A_61 : vector<1024x128xi1>, vector<1024x128xf32>
      %slice3A_98 = vector.extract_strided_slice %ge3A_18 {offsets = [0, 768], sizes = [1, 128], strides = [1, 1]} : vector<1x4096xi1> to vector<1x128xi1>
      %jit3A_99 = arith.constant -1.000000e+30 : f32
      %broadcast_in_dim3A_100 = vector.shape_cast %slice3A_98 : vector<1x128xi1> to vector<1x128xi1>
      %broadcast_in_dim3A_101 = vector.broadcast %broadcast_in_dim3A_100 : vector<1x128xi1> to vector<1024x128xi1>
      %broadcast_in_dim3A_102 = vector.broadcast %jit3A_99 : f32 to vector<1024x128xf32>
      %select_n3A_103 = arith.select %broadcast_in_dim3A_101, %broadcast_in_dim3A_102, %slice3A_62 : vector<1024x128xi1>, vector<1024x128xf32>
      %slice3A_104 = vector.extract_strided_slice %ge3A_18 {offsets = [0, 896], sizes = [1, 128], strides = [1, 1]} : vector<1x4096xi1> to vector<1x128xi1>
      %jit3A_105 = arith.constant -1.000000e+30 : f32
      %broadcast_in_dim3A_106 = vector.shape_cast %slice3A_104 : vector<1x128xi1> to vector<1x128xi1>
      %broadcast_in_dim3A_107 = vector.broadcast %broadcast_in_dim3A_106 : vector<1x128xi1> to vector<1024x128xi1>
      %broadcast_in_dim3A_108 = vector.broadcast %jit3A_105 : f32 to vector<1024x128xf32>
      %select_n3A_109 = arith.select %broadcast_in_dim3A_107, %broadcast_in_dim3A_108, %slice3A_63 : vector<1024x128xi1>, vector<1024x128xf32>
      %max3A = arith.maximumf %select_n3A, %select_n3A_73 : vector<1024x128xf32>
      %max3A_110 = arith.maximumf %select_n3A_79, %select_n3A_85 : vector<1024x128xf32>
      %max3A_111 = arith.maximumf %max3A, %max3A_110 : vector<1024x128xf32>
      %max3A_112 = arith.maximumf %select_n3A_91, %select_n3A_97 : vector<1024x128xf32>
      %max3A_113 = arith.maximumf %select_n3A_103, %select_n3A_109 : vector<1024x128xf32>
      %max3A_114 = arith.maximumf %max3A_112, %max3A_113 : vector<1024x128xf32>
      %max3A_115 = arith.maximumf %max3A_111, %max3A_114 : vector<1024x128xf32>
      %max3A_116 = arith.maximumf %get3A_23, %max3A_115 : vector<1024x128xf32>
      %min3A = arith.minimumf %select_n3A, %select_n3A_73 : vector<1024x128xf32>
      %min3A_117 = arith.minimumf %select_n3A_79, %select_n3A_85 : vector<1024x128xf32>
      %max3A_118 = arith.maximumf %min3A, %min3A_117 : vector<1024x128xf32>
      %min3A_119 = arith.minimumf %max3A, %max3A_110 : vector<1024x128xf32>
      %max3A_120 = arith.maximumf %max3A_118, %min3A_119 : vector<1024x128xf32>
      %min3A_121 = arith.minimumf %select_n3A_91, %select_n3A_97 : vector<1024x128xf32>
      %min3A_122 = arith.minimumf %select_n3A_103, %select_n3A_109 : vector<1024x128xf32>
      %max3A_123 = arith.maximumf %min3A_121, %min3A_122 : vector<1024x128xf32>
      %min3A_124 = arith.minimumf %max3A_112, %max3A_113 : vector<1024x128xf32>
      %max3A_125 = arith.maximumf %max3A_123, %min3A_124 : vector<1024x128xf32>
      %max3A_126 = arith.maximumf %max3A_120, %max3A_125 : vector<1024x128xf32>
      %min3A_127 = arith.minimumf %max3A_118, %min3A_119 : vector<1024x128xf32>
      %min3A_128 = arith.minimumf %max3A_123, %min3A_124 : vector<1024x128xf32>
      %max3A_129 = arith.maximumf %min3A_127, %min3A_128 : vector<1024x128xf32>
      %min3A_130 = arith.minimumf %max3A_111, %max3A_114 : vector<1024x128xf32>
      %max3A_131 = arith.maximumf %max3A_129, %min3A_130 : vector<1024x128xf32>
      %max3A_132 = arith.maximumf %max3A_126, %max3A_131 : vector<1024x128xf32>
      %max3A_133 = arith.maximumf %get3A_28, %max3A_132 : vector<1024x128xf32>
      %min3A_134 = arith.minimumf %max3A_126, %max3A_131 : vector<1024x128xf32>
      %max3A_135 = arith.maximumf %get3A_33, %min3A_134 : vector<1024x128xf32>
      %min3A_136 = arith.minimumf %min3A, %min3A_117 : vector<1024x128xf32>
      %min3A_137 = arith.minimumf %min3A_121, %min3A_122 : vector<1024x128xf32>
      %max3A_138 = arith.maximumf %min3A_136, %min3A_137 : vector<1024x128xf32>
      %min3A_139 = arith.minimumf %max3A_120, %max3A_125 : vector<1024x128xf32>
      %max3A_140 = arith.maximumf %max3A_138, %min3A_139 : vector<1024x128xf32>
      %min3A_141 = arith.minimumf %max3A_129, %min3A_130 : vector<1024x128xf32>
      %min3A_142 = arith.minimumf %max3A_140, %min3A_141 : vector<1024x128xf32>
      %max3A_143 = arith.maximumf %get3A_43, %min3A_142 : vector<1024x128xf32>
      %min3A_144 = arith.minimumf %get3A_23, %max3A_115 : vector<1024x128xf32>
      %max3A_145 = arith.maximumf %max3A_143, %min3A_144 : vector<1024x128xf32>
      %max3A_146 = arith.maximumf %max3A_135, %max3A_145 : vector<1024x128xf32>
      %max3A_147 = arith.maximumf %max3A_133, %max3A_146 : vector<1024x128xf32>
      %min3A_148 = arith.minimumf %max3A_133, %max3A_146 : vector<1024x128xf32>
      %max3A_149 = arith.maximumf %max3A_140, %min3A_141 : vector<1024x128xf32>
      %max3A_150 = arith.maximumf %get3A_38, %max3A_149 : vector<1024x128xf32>
      %min3A_151 = arith.minimumf %max3A_138, %min3A_139 : vector<1024x128xf32>
      %min3A_152 = arith.minimumf %min3A_127, %min3A_128 : vector<1024x128xf32>
      %max3A_153 = arith.maximumf %min3A_151, %min3A_152 : vector<1024x128xf32>
      %max3A_154 = arith.maximumf %get3A_48, %max3A_153 : vector<1024x128xf32>
      %min3A_155 = arith.minimumf %get3A_28, %max3A_132 : vector<1024x128xf32>
      %max3A_156 = arith.maximumf %max3A_154, %min3A_155 : vector<1024x128xf32>
      %max3A_157 = arith.maximumf %max3A_150, %max3A_156 : vector<1024x128xf32>
      %min3A_158 = arith.minimumf %max3A_135, %max3A_145 : vector<1024x128xf32>
      %max3A_159 = arith.maximumf %max3A_157, %min3A_158 : vector<1024x128xf32>
      %min3A_160 = arith.minimumf %max3A_157, %min3A_158 : vector<1024x128xf32>
      %min3A_161 = arith.minimumf %max3A_150, %max3A_156 : vector<1024x128xf32>
      %min3A_162 = arith.minimumf %min3A_151, %min3A_152 : vector<1024x128xf32>
      %min3A_163 = arith.minimumf %get3A_33, %min3A_134 : vector<1024x128xf32>
      %max3A_164 = arith.maximumf %min3A_162, %min3A_163 : vector<1024x128xf32>
      %min3A_165 = arith.minimumf %max3A_143, %min3A_144 : vector<1024x128xf32>
      %max3A_166 = arith.maximumf %max3A_164, %min3A_165 : vector<1024x128xf32>
      %max3A_167 = arith.maximumf %min3A_161, %max3A_166 : vector<1024x128xf32>
      %reduce_max3A_168 = arith.constant dense<0xFF800000> : vector<1024xf32>
      %reduce_max3A_169 = vector.multi_reduction <maximumf>, %max3A_116, %reduce_max3A_168 [1] : vector<1024x128xf32> to vector<1024xf32>
      %broadcast_in_dim3A_170 = vector.shape_cast %reduce_max3A_169 : vector<1024xf32> to vector<1024x1xf32>
      %sub3A = arith.subf %broadcast_in_dim3A, %broadcast_in_dim3A_170 : vector<1024x1xf32>
      %min3A_171 = arith.constant 0.000000e+00 : f32
      %min3A_172 = vector.broadcast %min3A_171 : f32 to vector<1024x1xf32>
      %min3A_173 = arith.minimumf %sub3A, %min3A_172 : vector<1024x1xf32>
      %exp23A = math.exp2 %min3A_173 : vector<1024x1xf32>
      %sub3A_174 = vector.broadcast %broadcast_in_dim3A_170 : vector<1024x1xf32> to vector<1024x128xf32>
      %sub3A_175 = arith.subf %select_n3A, %sub3A_174 : vector<1024x128xf32>
      %exp23A_176 = math.exp2 %sub3A_175 : vector<1024x128xf32>
      %sub3A_177 = vector.broadcast %broadcast_in_dim3A_170 : vector<1024x1xf32> to vector<1024x128xf32>
      %sub3A_178 = arith.subf %select_n3A_73, %sub3A_177 : vector<1024x128xf32>
      %exp23A_179 = math.exp2 %sub3A_178 : vector<1024x128xf32>
      %add3A_180 = arith.addf %exp23A_176, %exp23A_179 : vector<1024x128xf32>
      %sub3A_181 = vector.broadcast %broadcast_in_dim3A_170 : vector<1024x1xf32> to vector<1024x128xf32>
      %sub3A_182 = arith.subf %select_n3A_79, %sub3A_181 : vector<1024x128xf32>
      %exp23A_183 = math.exp2 %sub3A_182 : vector<1024x128xf32>
      %add3A_184 = arith.addf %add3A_180, %exp23A_183 : vector<1024x128xf32>
      %sub3A_185 = vector.broadcast %broadcast_in_dim3A_170 : vector<1024x1xf32> to vector<1024x128xf32>
      %sub3A_186 = arith.subf %select_n3A_85, %sub3A_185 : vector<1024x128xf32>
      %exp23A_187 = math.exp2 %sub3A_186 : vector<1024x128xf32>
      %add3A_188 = arith.addf %add3A_184, %exp23A_187 : vector<1024x128xf32>
      %sub3A_189 = vector.broadcast %broadcast_in_dim3A_170 : vector<1024x1xf32> to vector<1024x128xf32>
      %sub3A_190 = arith.subf %select_n3A_91, %sub3A_189 : vector<1024x128xf32>
      %exp23A_191 = math.exp2 %sub3A_190 : vector<1024x128xf32>
      %add3A_192 = arith.addf %add3A_188, %exp23A_191 : vector<1024x128xf32>
      %sub3A_193 = vector.broadcast %broadcast_in_dim3A_170 : vector<1024x1xf32> to vector<1024x128xf32>
      %sub3A_194 = arith.subf %select_n3A_97, %sub3A_193 : vector<1024x128xf32>
      %exp23A_195 = math.exp2 %sub3A_194 : vector<1024x128xf32>
      %add3A_196 = arith.addf %add3A_192, %exp23A_195 : vector<1024x128xf32>
      %sub3A_197 = vector.broadcast %broadcast_in_dim3A_170 : vector<1024x1xf32> to vector<1024x128xf32>
      %sub3A_198 = arith.subf %select_n3A_103, %sub3A_197 : vector<1024x128xf32>
      %exp23A_199 = math.exp2 %sub3A_198 : vector<1024x128xf32>
      %add3A_200 = arith.addf %add3A_196, %exp23A_199 : vector<1024x128xf32>
      %sub3A_201 = vector.broadcast %broadcast_in_dim3A_170 : vector<1024x1xf32> to vector<1024x128xf32>
      %sub3A_202 = arith.subf %select_n3A_109, %sub3A_201 : vector<1024x128xf32>
      %exp23A_203 = math.exp2 %sub3A_202 : vector<1024x128xf32>
      %add3A_204 = arith.addf %add3A_200, %exp23A_203 : vector<1024x128xf32>
      %mul3A_205 = vector.broadcast %exp23A : vector<1024x1xf32> to vector<1024x128xf32>
      %mul3A_206 = arith.mulf %get3A_51, %mul3A_205 : vector<1024x128xf32>
      %add3A_207 = arith.addf %mul3A_206, %add3A_204 : vector<1024x128xf32>
      %get3A_208 = arith.constant 1024 : index
      %get3A_209 = arith.constant 0 : index
      %get3A_210 = vector.load %arg3[%get3A_208, %get3A_209] : memref<4096x128xf32, #tpu.memory_space<vmem>>, vector<1024x128xf32>
      %dot_general3A_211 = arith.constant dense<0.000000e+00> : vector<1024x1024xf32>
      %dot_general3A_212 = tpu.matmul %get3A_4, %get3A_210, %dot_general3A_211 {dimension_numbers = #tpu.dot_dimension_numbers<[1], [1], [0], [0], [0, 0, 1, 0], [], []>, transpose_lhs_hint = false} : vector<1024x128xf32>, vector<1024x128xf32>, vector<1024x1024xf32> -> vector<1024x1024xf32>
      %slice3A_213 = vector.extract_strided_slice %dot_general3A_212 {offsets = [0, 0], sizes = [1024, 128], strides = [1, 1]} : vector<1024x1024xf32> to vector<1024x128xf32>
      %slice3A_214 = vector.extract_strided_slice %dot_general3A_212 {offsets = [0, 128], sizes = [1024, 128], strides = [1, 1]} : vector<1024x1024xf32> to vector<1024x128xf32>
      %slice3A_215 = vector.extract_strided_slice %dot_general3A_212 {offsets = [0, 256], sizes = [1024, 128], strides = [1, 1]} : vector<1024x1024xf32> to vector<1024x128xf32>
      %slice3A_216 = vector.extract_strided_slice %dot_general3A_212 {offsets = [0, 384], sizes = [1024, 128], strides = [1, 1]} : vector<1024x1024xf32> to vector<1024x128xf32>
      %slice3A_217 = vector.extract_strided_slice %dot_general3A_212 {offsets = [0, 512], sizes = [1024, 128], strides = [1, 1]} : vector<1024x1024xf32> to vector<1024x128xf32>
      %slice3A_218 = vector.extract_strided_slice %dot_general3A_212 {offsets = [0, 640], sizes = [1024, 128], strides = [1, 1]} : vector<1024x1024xf32> to vector<1024x128xf32>
      %slice3A_219 = vector.extract_strided_slice %dot_general3A_212 {offsets = [0, 768], sizes = [1024, 128], strides = [1, 1]} : vector<1024x1024xf32> to vector<1024x128xf32>
      %slice3A_220 = vector.extract_strided_slice %dot_general3A_212 {offsets = [0, 896], sizes = [1024, 128], strides = [1, 1]} : vector<1024x1024xf32> to vector<1024x128xf32>
      %slice3A_221 = vector.extract_strided_slice %ge3A_18 {offsets = [0, 1024], sizes = [1, 128], strides = [1, 1]} : vector<1x4096xi1> to vector<1x128xi1>
      %jit3A_222 = arith.constant -1.000000e+30 : f32
      %broadcast_in_dim3A_223 = vector.shape_cast %slice3A_221 : vector<1x128xi1> to vector<1x128xi1>
      %broadcast_in_dim3A_224 = vector.broadcast %broadcast_in_dim3A_223 : vector<1x128xi1> to vector<1024x128xi1>
      %broadcast_in_dim3A_225 = vector.broadcast %jit3A_222 : f32 to vector<1024x128xf32>
      %select_n3A_226 = arith.select %broadcast_in_dim3A_224, %broadcast_in_dim3A_225, %slice3A_213 : vector<1024x128xi1>, vector<1024x128xf32>
      %slice3A_227 = vector.extract_strided_slice %ge3A_18 {offsets = [0, 1152], sizes = [1, 128], strides = [1, 1]} : vector<1x4096xi1> to vector<1x128xi1>
      %jit3A_228 = arith.constant -1.000000e+30 : f32
      %broadcast_in_dim3A_229 = vector.shape_cast %slice3A_227 : vector<1x128xi1> to vector<1x128xi1>
      %broadcast_in_dim3A_230 = vector.broadcast %broadcast_in_dim3A_229 : vector<1x128xi1> to vector<1024x128xi1>
      %broadcast_in_dim3A_231 = vector.broadcast %jit3A_228 : f32 to vector<1024x128xf32>
      %select_n3A_232 = arith.select %broadcast_in_dim3A_230, %broadcast_in_dim3A_231, %slice3A_214 : vector<1024x128xi1>, vector<1024x128xf32>
      %slice3A_233 = vector.extract_strided_slice %ge3A_18 {offsets = [0, 1280], sizes = [1, 128], strides = [1, 1]} : vector<1x4096xi1> to vector<1x128xi1>
      %jit3A_234 = arith.constant -1.000000e+30 : f32
      %broadcast_in_dim3A_235 = vector.shape_cast %slice3A_233 : vector<1x128xi1> to vector<1x128xi1>
      %broadcast_in_dim3A_236 = vector.broadcast %broadcast_in_dim3A_235 : vector<1x128xi1> to vector<1024x128xi1>
      %broadcast_in_dim3A_237 = vector.broadcast %jit3A_234 : f32 to vector<1024x128xf32>
      %select_n3A_238 = arith.select %broadcast_in_dim3A_236, %broadcast_in_dim3A_237, %slice3A_215 : vector<1024x128xi1>, vector<1024x128xf32>
      %slice3A_239 = vector.extract_strided_slice %ge3A_18 {offsets = [0, 1408], sizes = [1, 128], strides = [1, 1]} : vector<1x4096xi1> to vector<1x128xi1>
      %jit3A_240 = arith.constant -1.000000e+30 : f32
      %broadcast_in_dim3A_241 = vector.shape_cast %slice3A_239 : vector<1x128xi1> to vector<1x128xi1>
      %broadcast_in_dim3A_242 = vector.broadcast %broadcast_in_dim3A_241 : vector<1x128xi1> to vector<1024x128xi1>
      %broadcast_in_dim3A_243 = vector.broadcast %jit3A_240 : f32 to vector<1024x128xf32>
      %select_n3A_244 = arith.select %broadcast_in_dim3A_242, %broadcast_in_dim3A_243, %slice3A_216 : vector<1024x128xi1>, vector<1024x128xf32>
      %slice3A_245 = vector.extract_strided_slice %ge3A_18 {offsets = [0, 1536], sizes = [1, 128], strides = [1, 1]} : vector<1x4096xi1> to vector<1x128xi1>
      %jit3A_246 = arith.constant -1.000000e+30 : f32
      %broadcast_in_dim3A_247 = vector.shape_cast %slice3A_245 : vector<1x128xi1> to vector<1x128xi1>
      %broadcast_in_dim3A_248 = vector.broadcast %broadcast_in_dim3A_247 : vector<1x128xi1> to vector<1024x128xi1>
      %broadcast_in_dim3A_249 = vector.broadcast %jit3A_246 : f32 to vector<1024x128xf32>
      %select_n3A_250 = arith.select %broadcast_in_dim3A_248, %broadcast_in_dim3A_249, %slice3A_217 : vector<1024x128xi1>, vector<1024x128xf32>
      %slice3A_251 = vector.extract_strided_slice %ge3A_18 {offsets = [0, 1664], sizes = [1, 128], strides = [1, 1]} : vector<1x4096xi1> to vector<1x128xi1>
      %jit3A_252 = arith.constant -1.000000e+30 : f32
      %broadcast_in_dim3A_253 = vector.shape_cast %slice3A_251 : vector<1x128xi1> to vector<1x128xi1>
      %broadcast_in_dim3A_254 = vector.broadcast %broadcast_in_dim3A_253 : vector<1x128xi1> to vector<1024x128xi1>
      %broadcast_in_dim3A_255 = vector.broadcast %jit3A_252 : f32 to vector<1024x128xf32>
      %select_n3A_256 = arith.select %broadcast_in_dim3A_254, %broadcast_in_dim3A_255, %slice3A_218 : vector<1024x128xi1>, vector<1024x128xf32>
      %slice3A_257 = vector.extract_strided_slice %ge3A_18 {offsets = [0, 1792], sizes = [1, 128], strides = [1, 1]} : vector<1x4096xi1> to vector<1x128xi1>
      %jit3A_258 = arith.constant -1.000000e+30 : f32
      %broadcast_in_dim3A_259 = vector.shape_cast %slice3A_257 : vector<1x128xi1> to vector<1x128xi1>
      %broadcast_in_dim3A_260 = vector.broadcast %broadcast_in_dim3A_259 : vector<1x128xi1> to vector<1024x128xi1>
      %broadcast_in_dim3A_261 = vector.broadcast %jit3A_258 : f32 to vector<1024x128xf32>
      %select_n3A_262 = arith.select %broadcast_in_dim3A_260, %broadcast_in_dim3A_261, %slice3A_219 : vector<1024x128xi1>, vector<1024x128xf32>
      %slice3A_263 = vector.extract_strided_slice %ge3A_18 {offsets = [0, 1920], sizes = [1, 128], strides = [1, 1]} : vector<1x4096xi1> to vector<1x128xi1>
      %jit3A_264 = arith.constant -1.000000e+30 : f32
      %broadcast_in_dim3A_265 = vector.shape_cast %slice3A_263 : vector<1x128xi1> to vector<1x128xi1>
      %broadcast_in_dim3A_266 = vector.broadcast %broadcast_in_dim3A_265 : vector<1x128xi1> to vector<1024x128xi1>
      %broadcast_in_dim3A_267 = vector.broadcast %jit3A_264 : f32 to vector<1024x128xf32>
      %select_n3A_268 = arith.select %broadcast_in_dim3A_266, %broadcast_in_dim3A_267, %slice3A_220 : vector<1024x128xi1>, vector<1024x128xf32>
      %max3A_269 = arith.maximumf %select_n3A_226, %select_n3A_232 : vector<1024x128xf32>
      %max3A_270 = arith.maximumf %select_n3A_238, %select_n3A_244 : vector<1024x128xf32>
      %max3A_271 = arith.maximumf %max3A_269, %max3A_270 : vector<1024x128xf32>
      %max3A_272 = arith.maximumf %select_n3A_250, %select_n3A_256 : vector<1024x128xf32>
      %max3A_273 = arith.maximumf %select_n3A_262, %select_n3A_268 : vector<1024x128xf32>
      %max3A_274 = arith.maximumf %max3A_272, %max3A_273 : vector<1024x128xf32>
      %max3A_275 = arith.maximumf %max3A_271, %max3A_274 : vector<1024x128xf32>
      %max3A_276 = arith.maximumf %max3A_116, %max3A_275 : vector<1024x128xf32>
      %min3A_277 = arith.minimumf %select_n3A_226, %select_n3A_232 : vector<1024x128xf32>
      %min3A_278 = arith.minimumf %select_n3A_238, %select_n3A_244 : vector<1024x128xf32>
      %max3A_279 = arith.maximumf %min3A_277, %min3A_278 : vector<1024x128xf32>
      %min3A_280 = arith.minimumf %max3A_269, %max3A_270 : vector<1024x128xf32>
      %max3A_281 = arith.maximumf %max3A_279, %min3A_280 : vector<1024x128xf32>
      %min3A_282 = arith.minimumf %select_n3A_250, %select_n3A_256 : vector<1024x128xf32>
      %min3A_283 = arith.minimumf %select_n3A_262, %select_n3A_268 : vector<1024x128xf32>
      %max3A_284 = arith.maximumf %min3A_282, %min3A_283 : vector<1024x128xf32>
      %min3A_285 = arith.minimumf %max3A_272, %max3A_273 : vector<1024x128xf32>
      %max3A_286 = arith.maximumf %max3A_284, %min3A_285 : vector<1024x128xf32>
      %max3A_287 = arith.maximumf %max3A_281, %max3A_286 : vector<1024x128xf32>
      %min3A_288 = arith.minimumf %max3A_279, %min3A_280 : vector<1024x128xf32>
      %min3A_289 = arith.minimumf %max3A_284, %min3A_285 : vector<1024x128xf32>
      %max3A_290 = arith.maximumf %min3A_288, %min3A_289 : vector<1024x128xf32>
      %min3A_291 = arith.minimumf %max3A_271, %max3A_274 : vector<1024x128xf32>
      %max3A_292 = arith.maximumf %max3A_290, %min3A_291 : vector<1024x128xf32>
      %max3A_293 = arith.maximumf %max3A_287, %max3A_292 : vector<1024x128xf32>
      %max3A_294 = arith.maximumf %max3A_147, %max3A_293 : vector<1024x128xf32>
      %min3A_295 = arith.minimumf %max3A_287, %max3A_292 : vector<1024x128xf32>
      %max3A_296 = arith.maximumf %min3A_148, %min3A_295 : vector<1024x128xf32>
      %min3A_297 = arith.minimumf %min3A_277, %min3A_278 : vector<1024x128xf32>
      %min3A_298 = arith.minimumf %min3A_282, %min3A_283 : vector<1024x128xf32>
      %max3A_299 = arith.maximumf %min3A_297, %min3A_298 : vector<1024x128xf32>
      %min3A_300 = arith.minimumf %max3A_281, %max3A_286 : vector<1024x128xf32>
      %max3A_301 = arith.maximumf %max3A_299, %min3A_300 : vector<1024x128xf32>
      %min3A_302 = arith.minimumf %max3A_290, %min3A_291 : vector<1024x128xf32>
      %min3A_303 = arith.minimumf %max3A_301, %min3A_302 : vector<1024x128xf32>
      %max3A_304 = arith.maximumf %min3A_160, %min3A_303 : vector<1024x128xf32>
      %min3A_305 = arith.minimumf %max3A_116, %max3A_275 : vector<1024x128xf32>
      %max3A_306 = arith.maximumf %max3A_304, %min3A_305 : vector<1024x128xf32>
      %max3A_307 = arith.maximumf %max3A_296, %max3A_306 : vector<1024x128xf32>
      %max3A_308 = arith.maximumf %max3A_294, %max3A_307 : vector<1024x128xf32>
      %min3A_309 = arith.minimumf %max3A_294, %max3A_307 : vector<1024x128xf32>
      %max3A_310 = arith.maximumf %max3A_301, %min3A_302 : vector<1024x128xf32>
      %max3A_311 = arith.maximumf %max3A_159, %max3A_310 : vector<1024x128xf32>
      %min3A_312 = arith.minimumf %max3A_299, %min3A_300 : vector<1024x128xf32>
      %min3A_313 = arith.minimumf %min3A_288, %min3A_289 : vector<1024x128xf32>
      %max3A_314 = arith.maximumf %min3A_312, %min3A_313 : vector<1024x128xf32>
      %max3A_315 = arith.maximumf %max3A_167, %max3A_314 : vector<1024x128xf32>
      %min3A_316 = arith.minimumf %max3A_147, %max3A_293 : vector<1024x128xf32>
      %max3A_317 = arith.maximumf %max3A_315, %min3A_316 : vector<1024x128xf32>
      %max3A_318 = arith.maximumf %max3A_311, %max3A_317 : vector<1024x128xf32>
      %min3A_319 = arith.minimumf %max3A_296, %max3A_306 : vector<1024x128xf32>
      %max3A_320 = arith.maximumf %max3A_318, %min3A_319 : vector<1024x128xf32>
      %min3A_321 = arith.minimumf %max3A_318, %min3A_319 : vector<1024x128xf32>
      %min3A_322 = arith.minimumf %max3A_311, %max3A_317 : vector<1024x128xf32>
      %min3A_323 = arith.minimumf %min3A_312, %min3A_313 : vector<1024x128xf32>
      %min3A_324 = arith.minimumf %min3A_148, %min3A_295 : vector<1024x128xf32>
      %max3A_325 = arith.maximumf %min3A_323, %min3A_324 : vector<1024x128xf32>
      %min3A_326 = arith.minimumf %max3A_304, %min3A_305 : vector<1024x128xf32>
      %max3A_327 = arith.maximumf %max3A_325, %min3A_326 : vector<1024x128xf32>
      %max3A_328 = arith.maximumf %min3A_322, %max3A_327 : vector<1024x128xf32>
      %reduce_max3A_329 = arith.constant dense<0xFF800000> : vector<1024xf32>
      %reduce_max3A_330 = vector.multi_reduction <maximumf>, %max3A_276, %reduce_max3A_329 [1] : vector<1024x128xf32> to vector<1024xf32>
      %broadcast_in_dim3A_331 = vector.shape_cast %reduce_max3A_330 : vector<1024xf32> to vector<1024x1xf32>
      %sub3A_332 = arith.subf %broadcast_in_dim3A_170, %broadcast_in_dim3A_331 : vector<1024x1xf32>
      %min3A_333 = arith.constant 0.000000e+00 : f32
      %min3A_334 = vector.broadcast %min3A_333 : f32 to vector<1024x1xf32>
      %min3A_335 = arith.minimumf %sub3A_332, %min3A_334 : vector<1024x1xf32>
      %exp23A_336 = math.exp2 %min3A_335 : vector<1024x1xf32>
      %sub3A_337 = vector.broadcast %broadcast_in_dim3A_331 : vector<1024x1xf32> to vector<1024x128xf32>
      %sub3A_338 = arith.subf %select_n3A_226, %sub3A_337 : vector<1024x128xf32>
      %exp23A_339 = math.exp2 %sub3A_338 : vector<1024x128xf32>
      %sub3A_340 = vector.broadcast %broadcast_in_dim3A_331 : vector<1024x1xf32> to vector<1024x128xf32>
      %sub3A_341 = arith.subf %select_n3A_232, %sub3A_340 : vector<1024x128xf32>
      %exp23A_342 = math.exp2 %sub3A_341 : vector<1024x128xf32>
      %add3A_343 = arith.addf %exp23A_339, %exp23A_342 : vector<1024x128xf32>
      %sub3A_344 = vector.broadcast %broadcast_in_dim3A_331 : vector<1024x1xf32> to vector<1024x128xf32>
      %sub3A_345 = arith.subf %select_n3A_238, %sub3A_344 : vector<1024x128xf32>
      %exp23A_346 = math.exp2 %sub3A_345 : vector<1024x128xf32>
      %add3A_347 = arith.addf %add3A_343, %exp23A_346 : vector<1024x128xf32>
      %sub3A_348 = vector.broadcast %broadcast_in_dim3A_331 : vector<1024x1xf32> to vector<1024x128xf32>
      %sub3A_349 = arith.subf %select_n3A_244, %sub3A_348 : vector<1024x128xf32>
      %exp23A_350 = math.exp2 %sub3A_349 : vector<1024x128xf32>
      %add3A_351 = arith.addf %add3A_347, %exp23A_350 : vector<1024x128xf32>
      %sub3A_352 = vector.broadcast %broadcast_in_dim3A_331 : vector<1024x1xf32> to vector<1024x128xf32>
      %sub3A_353 = arith.subf %select_n3A_250, %sub3A_352 : vector<1024x128xf32>
      %exp23A_354 = math.exp2 %sub3A_353 : vector<1024x128xf32>
      %add3A_355 = arith.addf %add3A_351, %exp23A_354 : vector<1024x128xf32>
      %sub3A_356 = vector.broadcast %broadcast_in_dim3A_331 : vector<1024x1xf32> to vector<1024x128xf32>
      %sub3A_357 = arith.subf %select_n3A_256, %sub3A_356 : vector<1024x128xf32>
      %exp23A_358 = math.exp2 %sub3A_357 : vector<1024x128xf32>
      %add3A_359 = arith.addf %add3A_355, %exp23A_358 : vector<1024x128xf32>
      %sub3A_360 = vector.broadcast %broadcast_in_dim3A_331 : vector<1024x1xf32> to vector<1024x128xf32>
      %sub3A_361 = arith.subf %select_n3A_262, %sub3A_360 : vector<1024x128xf32>
      %exp23A_362 = math.exp2 %sub3A_361 : vector<1024x128xf32>
      %add3A_363 = arith.addf %add3A_359, %exp23A_362 : vector<1024x128xf32>
      %sub3A_364 = vector.broadcast %broadcast_in_dim3A_331 : vector<1024x1xf32> to vector<1024x128xf32>
      %sub3A_365 = arith.subf %select_n3A_268, %sub3A_364 : vector<1024x128xf32>
      %exp23A_366 = math.exp2 %sub3A_365 : vector<1024x128xf32>
      %add3A_367 = arith.addf %add3A_363, %exp23A_366 : vector<1024x128xf32>
      %mul3A_368 = vector.broadcast %exp23A_336 : vector<1024x1xf32> to vector<1024x128xf32>
      %mul3A_369 = arith.mulf %add3A_207, %mul3A_368 : vector<1024x128xf32>
      %add3A_370 = arith.addf %mul3A_369, %add3A_367 : vector<1024x128xf32>
      %get3A_371 = arith.constant 2048 : index
      %get3A_372 = arith.constant 0 : index
      %get3A_373 = vector.load %arg3[%get3A_371, %get3A_372] : memref<4096x128xf32, #tpu.memory_space<vmem>>, vector<1024x128xf32>
      %dot_general3A_374 = arith.constant dense<0.000000e+00> : vector<1024x1024xf32>
      %dot_general3A_375 = tpu.matmul %get3A_4, %get3A_373, %dot_general3A_374 {dimension_numbers = #tpu.dot_dimension_numbers<[1], [1], [0], [0], [0, 0, 1, 0], [], []>, transpose_lhs_hint = false} : vector<1024x128xf32>, vector<1024x128xf32>, vector<1024x1024xf32> -> vector<1024x1024xf32>
      %slice3A_376 = vector.extract_strided_slice %dot_general3A_375 {offsets = [0, 0], sizes = [1024, 128], strides = [1, 1]} : vector<1024x1024xf32> to vector<1024x128xf32>
      %slice3A_377 = vector.extract_strided_slice %dot_general3A_375 {offsets = [0, 128], sizes = [1024, 128], strides = [1, 1]} : vector<1024x1024xf32> to vector<1024x128xf32>
      %slice3A_378 = vector.extract_strided_slice %dot_general3A_375 {offsets = [0, 256], sizes = [1024, 128], strides = [1, 1]} : vector<1024x1024xf32> to vector<1024x128xf32>
      %slice3A_379 = vector.extract_strided_slice %dot_general3A_375 {offsets = [0, 384], sizes = [1024, 128], strides = [1, 1]} : vector<1024x1024xf32> to vector<1024x128xf32>
      %slice3A_380 = vector.extract_strided_slice %dot_general3A_375 {offsets = [0, 512], sizes = [1024, 128], strides = [1, 1]} : vector<1024x1024xf32> to vector<1024x128xf32>
      %slice3A_381 = vector.extract_strided_slice %dot_general3A_375 {offsets = [0, 640], sizes = [1024, 128], strides = [1, 1]} : vector<1024x1024xf32> to vector<1024x128xf32>
      %slice3A_382 = vector.extract_strided_slice %dot_general3A_375 {offsets = [0, 768], sizes = [1024, 128], strides = [1, 1]} : vector<1024x1024xf32> to vector<1024x128xf32>
      %slice3A_383 = vector.extract_strided_slice %dot_general3A_375 {offsets = [0, 896], sizes = [1024, 128], strides = [1, 1]} : vector<1024x1024xf32> to vector<1024x128xf32>
      %slice3A_384 = vector.extract_strided_slice %ge3A_18 {offsets = [0, 2048], sizes = [1, 128], strides = [1, 1]} : vector<1x4096xi1> to vector<1x128xi1>
      %jit3A_385 = arith.constant -1.000000e+30 : f32
      %broadcast_in_dim3A_386 = vector.shape_cast %slice3A_384 : vector<1x128xi1> to vector<1x128xi1>
      %broadcast_in_dim3A_387 = vector.broadcast %broadcast_in_dim3A_386 : vector<1x128xi1> to vector<1024x128xi1>
      %broadcast_in_dim3A_388 = vector.broadcast %jit3A_385 : f32 to vector<1024x128xf32>
      %select_n3A_389 = arith.select %broadcast_in_dim3A_387, %broadcast_in_dim3A_388, %slice3A_376 : vector<1024x128xi1>, vector<1024x128xf32>
      %slice3A_390 = vector.extract_strided_slice %ge3A_18 {offsets = [0, 2176], sizes = [1, 128], strides = [1, 1]} : vector<1x4096xi1> to vector<1x128xi1>
      %jit3A_391 = arith.constant -1.000000e+30 : f32
      %broadcast_in_dim3A_392 = vector.shape_cast %slice3A_390 : vector<1x128xi1> to vector<1x128xi1>
      %broadcast_in_dim3A_393 = vector.broadcast %broadcast_in_dim3A_392 : vector<1x128xi1> to vector<1024x128xi1>
      %broadcast_in_dim3A_394 = vector.broadcast %jit3A_391 : f32 to vector<1024x128xf32>
      %select_n3A_395 = arith.select %broadcast_in_dim3A_393, %broadcast_in_dim3A_394, %slice3A_377 : vector<1024x128xi1>, vector<1024x128xf32>
      %slice3A_396 = vector.extract_strided_slice %ge3A_18 {offsets = [0, 2304], sizes = [1, 128], strides = [1, 1]} : vector<1x4096xi1> to vector<1x128xi1>
      %jit3A_397 = arith.constant -1.000000e+30 : f32
      %broadcast_in_dim3A_398 = vector.shape_cast %slice3A_396 : vector<1x128xi1> to vector<1x128xi1>
      %broadcast_in_dim3A_399 = vector.broadcast %broadcast_in_dim3A_398 : vector<1x128xi1> to vector<1024x128xi1>
      %broadcast_in_dim3A_400 = vector.broadcast %jit3A_397 : f32 to vector<1024x128xf32>
      %select_n3A_401 = arith.select %broadcast_in_dim3A_399, %broadcast_in_dim3A_400, %slice3A_378 : vector<1024x128xi1>, vector<1024x128xf32>
      %slice3A_402 = vector.extract_strided_slice %ge3A_18 {offsets = [0, 2432], sizes = [1, 128], strides = [1, 1]} : vector<1x4096xi1> to vector<1x128xi1>
      %jit3A_403 = arith.constant -1.000000e+30 : f32
      %broadcast_in_dim3A_404 = vector.shape_cast %slice3A_402 : vector<1x128xi1> to vector<1x128xi1>
      %broadcast_in_dim3A_405 = vector.broadcast %broadcast_in_dim3A_404 : vector<1x128xi1> to vector<1024x128xi1>
      %broadcast_in_dim3A_406 = vector.broadcast %jit3A_403 : f32 to vector<1024x128xf32>
      %select_n3A_407 = arith.select %broadcast_in_dim3A_405, %broadcast_in_dim3A_406, %slice3A_379 : vector<1024x128xi1>, vector<1024x128xf32>
      %slice3A_408 = vector.extract_strided_slice %ge3A_18 {offsets = [0, 2560], sizes = [1, 128], strides = [1, 1]} : vector<1x4096xi1> to vector<1x128xi1>
      %jit3A_409 = arith.constant -1.000000e+30 : f32
      %broadcast_in_dim3A_410 = vector.shape_cast %slice3A_408 : vector<1x128xi1> to vector<1x128xi1>
      %broadcast_in_dim3A_411 = vector.broadcast %broadcast_in_dim3A_410 : vector<1x128xi1> to vector<1024x128xi1>
      %broadcast_in_dim3A_412 = vector.broadcast %jit3A_409 : f32 to vector<1024x128xf32>
      %select_n3A_413 = arith.select %broadcast_in_dim3A_411, %broadcast_in_dim3A_412, %slice3A_380 : vector<1024x128xi1>, vector<1024x128xf32>
      %slice3A_414 = vector.extract_strided_slice %ge3A_18 {offsets = [0, 2688], sizes = [1, 128], strides = [1, 1]} : vector<1x4096xi1> to vector<1x128xi1>
      %jit3A_415 = arith.constant -1.000000e+30 : f32
      %broadcast_in_dim3A_416 = vector.shape_cast %slice3A_414 : vector<1x128xi1> to vector<1x128xi1>
      %broadcast_in_dim3A_417 = vector.broadcast %broadcast_in_dim3A_416 : vector<1x128xi1> to vector<1024x128xi1>
      %broadcast_in_dim3A_418 = vector.broadcast %jit3A_415 : f32 to vector<1024x128xf32>
      %select_n3A_419 = arith.select %broadcast_in_dim3A_417, %broadcast_in_dim3A_418, %slice3A_381 : vector<1024x128xi1>, vector<1024x128xf32>
      %slice3A_420 = vector.extract_strided_slice %ge3A_18 {offsets = [0, 2816], sizes = [1, 128], strides = [1, 1]} : vector<1x4096xi1> to vector<1x128xi1>
      %jit3A_421 = arith.constant -1.000000e+30 : f32
      %broadcast_in_dim3A_422 = vector.shape_cast %slice3A_420 : vector<1x128xi1> to vector<1x128xi1>
      %broadcast_in_dim3A_423 = vector.broadcast %broadcast_in_dim3A_422 : vector<1x128xi1> to vector<1024x128xi1>
      %broadcast_in_dim3A_424 = vector.broadcast %jit3A_421 : f32 to vector<1024x128xf32>
      %select_n3A_425 = arith.select %broadcast_in_dim3A_423, %broadcast_in_dim3A_424, %slice3A_382 : vector<1024x128xi1>, vector<1024x128xf32>
      %slice3A_426 = vector.extract_strided_slice %ge3A_18 {offsets = [0, 2944], sizes = [1, 128], strides = [1, 1]} : vector<1x4096xi1> to vector<1x128xi1>
      %jit3A_427 = arith.constant -1.000000e+30 : f32
      %broadcast_in_dim3A_428 = vector.shape_cast %slice3A_426 : vector<1x128xi1> to vector<1x128xi1>
      %broadcast_in_dim3A_429 = vector.broadcast %broadcast_in_dim3A_428 : vector<1x128xi1> to vector<1024x128xi1>
      %broadcast_in_dim3A_430 = vector.broadcast %jit3A_427 : f32 to vector<1024x128xf32>
      %select_n3A_431 = arith.select %broadcast_in_dim3A_429, %broadcast_in_dim3A_430, %slice3A_383 : vector<1024x128xi1>, vector<1024x128xf32>
      %max3A_432 = arith.maximumf %select_n3A_389, %select_n3A_395 : vector<1024x128xf32>
      %max3A_433 = arith.maximumf %select_n3A_401, %select_n3A_407 : vector<1024x128xf32>
      %max3A_434 = arith.maximumf %max3A_432, %max3A_433 : vector<1024x128xf32>
      %max3A_435 = arith.maximumf %select_n3A_413, %select_n3A_419 : vector<1024x128xf32>
      %max3A_436 = arith.maximumf %select_n3A_425, %select_n3A_431 : vector<1024x128xf32>
      %max3A_437 = arith.maximumf %max3A_435, %max3A_436 : vector<1024x128xf32>
      %max3A_438 = arith.maximumf %max3A_434, %max3A_437 : vector<1024x128xf32>
      %max3A_439 = arith.maximumf %max3A_276, %max3A_438 : vector<1024x128xf32>
      %min3A_440 = arith.minimumf %select_n3A_389, %select_n3A_395 : vector<1024x128xf32>
      %min3A_441 = arith.minimumf %select_n3A_401, %select_n3A_407 : vector<1024x128xf32>
      %max3A_442 = arith.maximumf %min3A_440, %min3A_441 : vector<1024x128xf32>
      %min3A_443 = arith.minimumf %max3A_432, %max3A_433 : vector<1024x128xf32>
      %max3A_444 = arith.maximumf %max3A_442, %min3A_443 : vector<1024x128xf32>
      %min3A_445 = arith.minimumf %select_n3A_413, %select_n3A_419 : vector<1024x128xf32>
      %min3A_446 = arith.minimumf %select_n3A_425, %select_n3A_431 : vector<1024x128xf32>
      %max3A_447 = arith.maximumf %min3A_445, %min3A_446 : vector<1024x128xf32>
      %min3A_448 = arith.minimumf %max3A_435, %max3A_436 : vector<1024x128xf32>
      %max3A_449 = arith.maximumf %max3A_447, %min3A_448 : vector<1024x128xf32>
      %max3A_450 = arith.maximumf %max3A_444, %max3A_449 : vector<1024x128xf32>
      %min3A_451 = arith.minimumf %max3A_442, %min3A_443 : vector<1024x128xf32>
      %min3A_452 = arith.minimumf %max3A_447, %min3A_448 : vector<1024x128xf32>
      %max3A_453 = arith.maximumf %min3A_451, %min3A_452 : vector<1024x128xf32>
      %min3A_454 = arith.minimumf %max3A_434, %max3A_437 : vector<1024x128xf32>
      %max3A_455 = arith.maximumf %max3A_453, %min3A_454 : vector<1024x128xf32>
      %max3A_456 = arith.maximumf %max3A_450, %max3A_455 : vector<1024x128xf32>
      %max3A_457 = arith.maximumf %max3A_308, %max3A_456 : vector<1024x128xf32>
      %min3A_458 = arith.minimumf %max3A_450, %max3A_455 : vector<1024x128xf32>
      %max3A_459 = arith.maximumf %min3A_309, %min3A_458 : vector<1024x128xf32>
      %min3A_460 = arith.minimumf %min3A_440, %min3A_441 : vector<1024x128xf32>
      %min3A_461 = arith.minimumf %min3A_445, %min3A_446 : vector<1024x128xf32>
      %max3A_462 = arith.maximumf %min3A_460, %min3A_461 : vector<1024x128xf32>
      %min3A_463 = arith.minimumf %max3A_444, %max3A_449 : vector<1024x128xf32>
      %max3A_464 = arith.maximumf %max3A_462, %min3A_463 : vector<1024x128xf32>
      %min3A_465 = arith.minimumf %max3A_453, %min3A_454 : vector<1024x128xf32>
      %min3A_466 = arith.minimumf %max3A_464, %min3A_465 : vector<1024x128xf32>
      %max3A_467 = arith.maximumf %min3A_321, %min3A_466 : vector<1024x128xf32>
      %min3A_468 = arith.minimumf %max3A_276, %max3A_438 : vector<1024x128xf32>
      %max3A_469 = arith.maximumf %max3A_467, %min3A_468 : vector<1024x128xf32>
      %max3A_470 = arith.maximumf %max3A_459, %max3A_469 : vector<1024x128xf32>
      %max3A_471 = arith.maximumf %max3A_457, %max3A_470 : vector<1024x128xf32>
      %min3A_472 = arith.minimumf %max3A_457, %max3A_470 : vector<1024x128xf32>
      %max3A_473 = arith.maximumf %max3A_464, %min3A_465 : vector<1024x128xf32>
      %max3A_474 = arith.maximumf %max3A_320, %max3A_473 : vector<1024x128xf32>
      %min3A_475 = arith.minimumf %max3A_462, %min3A_463 : vector<1024x128xf32>
      %min3A_476 = arith.minimumf %min3A_451, %min3A_452 : vector<1024x128xf32>
      %max3A_477 = arith.maximumf %min3A_475, %min3A_476 : vector<1024x128xf32>
      %max3A_478 = arith.maximumf %max3A_328, %max3A_477 : vector<1024x128xf32>
      %min3A_479 = arith.minimumf %max3A_308, %max3A_456 : vector<1024x128xf32>
      %max3A_480 = arith.maximumf %max3A_478, %min3A_479 : vector<1024x128xf32>
      %max3A_481 = arith.maximumf %max3A_474, %max3A_480 : vector<1024x128xf32>
      %min3A_482 = arith.minimumf %max3A_459, %max3A_469 : vector<1024x128xf32>
      %max3A_483 = arith.maximumf %max3A_481, %min3A_482 : vector<1024x128xf32>
      %min3A_484 = arith.minimumf %max3A_481, %min3A_482 : vector<1024x128xf32>
      %min3A_485 = arith.minimumf %max3A_474, %max3A_480 : vector<1024x128xf32>
      %min3A_486 = arith.minimumf %min3A_475, %min3A_476 : vector<1024x128xf32>
      %min3A_487 = arith.minimumf %min3A_309, %min3A_458 : vector<1024x128xf32>
      %max3A_488 = arith.maximumf %min3A_486, %min3A_487 : vector<1024x128xf32>
      %min3A_489 = arith.minimumf %max3A_467, %min3A_468 : vector<1024x128xf32>
      %max3A_490 = arith.maximumf %max3A_488, %min3A_489 : vector<1024x128xf32>
      %max3A_491 = arith.maximumf %min3A_485, %max3A_490 : vector<1024x128xf32>
      %reduce_max3A_492 = arith.constant dense<0xFF800000> : vector<1024xf32>
      %reduce_max3A_493 = vector.multi_reduction <maximumf>, %max3A_439, %reduce_max3A_492 [1] : vector<1024x128xf32> to vector<1024xf32>
      %broadcast_in_dim3A_494 = vector.shape_cast %reduce_max3A_493 : vector<1024xf32> to vector<1024x1xf32>
      %sub3A_495 = arith.subf %broadcast_in_dim3A_331, %broadcast_in_dim3A_494 : vector<1024x1xf32>
      %min3A_496 = arith.constant 0.000000e+00 : f32
      %min3A_497 = vector.broadcast %min3A_496 : f32 to vector<1024x1xf32>
      %min3A_498 = arith.minimumf %sub3A_495, %min3A_497 : vector<1024x1xf32>
      %exp23A_499 = math.exp2 %min3A_498 : vector<1024x1xf32>
      %sub3A_500 = vector.broadcast %broadcast_in_dim3A_494 : vector<1024x1xf32> to vector<1024x128xf32>
      %sub3A_501 = arith.subf %select_n3A_389, %sub3A_500 : vector<1024x128xf32>
      %exp23A_502 = math.exp2 %sub3A_501 : vector<1024x128xf32>
      %sub3A_503 = vector.broadcast %broadcast_in_dim3A_494 : vector<1024x1xf32> to vector<1024x128xf32>
      %sub3A_504 = arith.subf %select_n3A_395, %sub3A_503 : vector<1024x128xf32>
      %exp23A_505 = math.exp2 %sub3A_504 : vector<1024x128xf32>
      %add3A_506 = arith.addf %exp23A_502, %exp23A_505 : vector<1024x128xf32>
      %sub3A_507 = vector.broadcast %broadcast_in_dim3A_494 : vector<1024x1xf32> to vector<1024x128xf32>
      %sub3A_508 = arith.subf %select_n3A_401, %sub3A_507 : vector<1024x128xf32>
      %exp23A_509 = math.exp2 %sub3A_508 : vector<1024x128xf32>
      %add3A_510 = arith.addf %add3A_506, %exp23A_509 : vector<1024x128xf32>
      %sub3A_511 = vector.broadcast %broadcast_in_dim3A_494 : vector<1024x1xf32> to vector<1024x128xf32>
      %sub3A_512 = arith.subf %select_n3A_407, %sub3A_511 : vector<1024x128xf32>
      %exp23A_513 = math.exp2 %sub3A_512 : vector<1024x128xf32>
      %add3A_514 = arith.addf %add3A_510, %exp23A_513 : vector<1024x128xf32>
      %sub3A_515 = vector.broadcast %broadcast_in_dim3A_494 : vector<1024x1xf32> to vector<1024x128xf32>
      %sub3A_516 = arith.subf %select_n3A_413, %sub3A_515 : vector<1024x128xf32>
      %exp23A_517 = math.exp2 %sub3A_516 : vector<1024x128xf32>
      %add3A_518 = arith.addf %add3A_514, %exp23A_517 : vector<1024x128xf32>
      %sub3A_519 = vector.broadcast %broadcast_in_dim3A_494 : vector<1024x1xf32> to vector<1024x128xf32>
      %sub3A_520 = arith.subf %select_n3A_419, %sub3A_519 : vector<1024x128xf32>
      %exp23A_521 = math.exp2 %sub3A_520 : vector<1024x128xf32>
      %add3A_522 = arith.addf %add3A_518, %exp23A_521 : vector<1024x128xf32>
      %sub3A_523 = vector.broadcast %broadcast_in_dim3A_494 : vector<1024x1xf32> to vector<1024x128xf32>
      %sub3A_524 = arith.subf %select_n3A_425, %sub3A_523 : vector<1024x128xf32>
      %exp23A_525 = math.exp2 %sub3A_524 : vector<1024x128xf32>
      %add3A_526 = arith.addf %add3A_522, %exp23A_525 : vector<1024x128xf32>
      %sub3A_527 = vector.broadcast %broadcast_in_dim3A_494 : vector<1024x1xf32> to vector<1024x128xf32>
      %sub3A_528 = arith.subf %select_n3A_431, %sub3A_527 : vector<1024x128xf32>
      %exp23A_529 = math.exp2 %sub3A_528 : vector<1024x128xf32>
      %add3A_530 = arith.addf %add3A_526, %exp23A_529 : vector<1024x128xf32>
      %mul3A_531 = vector.broadcast %exp23A_499 : vector<1024x1xf32> to vector<1024x128xf32>
      %mul3A_532 = arith.mulf %add3A_370, %mul3A_531 : vector<1024x128xf32>
      %add3A_533 = arith.addf %mul3A_532, %add3A_530 : vector<1024x128xf32>
      %get3A_534 = arith.constant 3072 : index
      %get3A_535 = arith.constant 0 : index
      %get3A_536 = vector.load %arg3[%get3A_534, %get3A_535] : memref<4096x128xf32, #tpu.memory_space<vmem>>, vector<1024x128xf32>
      %dot_general3A_537 = arith.constant dense<0.000000e+00> : vector<1024x1024xf32>
      %dot_general3A_538 = tpu.matmul %get3A_4, %get3A_536, %dot_general3A_537 {dimension_numbers = #tpu.dot_dimension_numbers<[1], [1], [0], [0], [0, 0, 1, 0], [], []>, transpose_lhs_hint = false} : vector<1024x128xf32>, vector<1024x128xf32>, vector<1024x1024xf32> -> vector<1024x1024xf32>
      %slice3A_539 = vector.extract_strided_slice %dot_general3A_538 {offsets = [0, 0], sizes = [1024, 128], strides = [1, 1]} : vector<1024x1024xf32> to vector<1024x128xf32>
      %slice3A_540 = vector.extract_strided_slice %dot_general3A_538 {offsets = [0, 128], sizes = [1024, 128], strides = [1, 1]} : vector<1024x1024xf32> to vector<1024x128xf32>
      %slice3A_541 = vector.extract_strided_slice %dot_general3A_538 {offsets = [0, 256], sizes = [1024, 128], strides = [1, 1]} : vector<1024x1024xf32> to vector<1024x128xf32>
      %slice3A_542 = vector.extract_strided_slice %dot_general3A_538 {offsets = [0, 384], sizes = [1024, 128], strides = [1, 1]} : vector<1024x1024xf32> to vector<1024x128xf32>
      %slice3A_543 = vector.extract_strided_slice %dot_general3A_538 {offsets = [0, 512], sizes = [1024, 128], strides = [1, 1]} : vector<1024x1024xf32> to vector<1024x128xf32>
      %slice3A_544 = vector.extract_strided_slice %dot_general3A_538 {offsets = [0, 640], sizes = [1024, 128], strides = [1, 1]} : vector<1024x1024xf32> to vector<1024x128xf32>
      %slice3A_545 = vector.extract_strided_slice %dot_general3A_538 {offsets = [0, 768], sizes = [1024, 128], strides = [1, 1]} : vector<1024x1024xf32> to vector<1024x128xf32>
      %slice3A_546 = vector.extract_strided_slice %dot_general3A_538 {offsets = [0, 896], sizes = [1024, 128], strides = [1, 1]} : vector<1024x1024xf32> to vector<1024x128xf32>
      %slice3A_547 = vector.extract_strided_slice %ge3A_18 {offsets = [0, 3072], sizes = [1, 128], strides = [1, 1]} : vector<1x4096xi1> to vector<1x128xi1>
      %jit3A_548 = arith.constant -1.000000e+30 : f32
      %broadcast_in_dim3A_549 = vector.shape_cast %slice3A_547 : vector<1x128xi1> to vector<1x128xi1>
      %broadcast_in_dim3A_550 = vector.broadcast %broadcast_in_dim3A_549 : vector<1x128xi1> to vector<1024x128xi1>
      %broadcast_in_dim3A_551 = vector.broadcast %jit3A_548 : f32 to vector<1024x128xf32>
      %select_n3A_552 = arith.select %broadcast_in_dim3A_550, %broadcast_in_dim3A_551, %slice3A_539 : vector<1024x128xi1>, vector<1024x128xf32>
      %slice3A_553 = vector.extract_strided_slice %ge3A_18 {offsets = [0, 3200], sizes = [1, 128], strides = [1, 1]} : vector<1x4096xi1> to vector<1x128xi1>
      %jit3A_554 = arith.constant -1.000000e+30 : f32
      %broadcast_in_dim3A_555 = vector.shape_cast %slice3A_553 : vector<1x128xi1> to vector<1x128xi1>
      %broadcast_in_dim3A_556 = vector.broadcast %broadcast_in_dim3A_555 : vector<1x128xi1> to vector<1024x128xi1>
      %broadcast_in_dim3A_557 = vector.broadcast %jit3A_554 : f32 to vector<1024x128xf32>
      %select_n3A_558 = arith.select %broadcast_in_dim3A_556, %broadcast_in_dim3A_557, %slice3A_540 : vector<1024x128xi1>, vector<1024x128xf32>
      %slice3A_559 = vector.extract_strided_slice %ge3A_18 {offsets = [0, 3328], sizes = [1, 128], strides = [1, 1]} : vector<1x4096xi1> to vector<1x128xi1>
      %jit3A_560 = arith.constant -1.000000e+30 : f32
      %broadcast_in_dim3A_561 = vector.shape_cast %slice3A_559 : vector<1x128xi1> to vector<1x128xi1>
      %broadcast_in_dim3A_562 = vector.broadcast %broadcast_in_dim3A_561 : vector<1x128xi1> to vector<1024x128xi1>
      %broadcast_in_dim3A_563 = vector.broadcast %jit3A_560 : f32 to vector<1024x128xf32>
      %select_n3A_564 = arith.select %broadcast_in_dim3A_562, %broadcast_in_dim3A_563, %slice3A_541 : vector<1024x128xi1>, vector<1024x128xf32>
      %slice3A_565 = vector.extract_strided_slice %ge3A_18 {offsets = [0, 3456], sizes = [1, 128], strides = [1, 1]} : vector<1x4096xi1> to vector<1x128xi1>
      %jit3A_566 = arith.constant -1.000000e+30 : f32
      %broadcast_in_dim3A_567 = vector.shape_cast %slice3A_565 : vector<1x128xi1> to vector<1x128xi1>
      %broadcast_in_dim3A_568 = vector.broadcast %broadcast_in_dim3A_567 : vector<1x128xi1> to vector<1024x128xi1>
      %broadcast_in_dim3A_569 = vector.broadcast %jit3A_566 : f32 to vector<1024x128xf32>
      %select_n3A_570 = arith.select %broadcast_in_dim3A_568, %broadcast_in_dim3A_569, %slice3A_542 : vector<1024x128xi1>, vector<1024x128xf32>
      %slice3A_571 = vector.extract_strided_slice %ge3A_18 {offsets = [0, 3584], sizes = [1, 128], strides = [1, 1]} : vector<1x4096xi1> to vector<1x128xi1>
      %jit3A_572 = arith.constant -1.000000e+30 : f32
      %broadcast_in_dim3A_573 = vector.shape_cast %slice3A_571 : vector<1x128xi1> to vector<1x128xi1>
      %broadcast_in_dim3A_574 = vector.broadcast %broadcast_in_dim3A_573 : vector<1x128xi1> to vector<1024x128xi1>
      %broadcast_in_dim3A_575 = vector.broadcast %jit3A_572 : f32 to vector<1024x128xf32>
      %select_n3A_576 = arith.select %broadcast_in_dim3A_574, %broadcast_in_dim3A_575, %slice3A_543 : vector<1024x128xi1>, vector<1024x128xf32>
      %slice3A_577 = vector.extract_strided_slice %ge3A_18 {offsets = [0, 3712], sizes = [1, 128], strides = [1, 1]} : vector<1x4096xi1> to vector<1x128xi1>
      %jit3A_578 = arith.constant -1.000000e+30 : f32
      %broadcast_in_dim3A_579 = vector.shape_cast %slice3A_577 : vector<1x128xi1> to vector<1x128xi1>
      %broadcast_in_dim3A_580 = vector.broadcast %broadcast_in_dim3A_579 : vector<1x128xi1> to vector<1024x128xi1>
      %broadcast_in_dim3A_581 = vector.broadcast %jit3A_578 : f32 to vector<1024x128xf32>
      %select_n3A_582 = arith.select %broadcast_in_dim3A_580, %broadcast_in_dim3A_581, %slice3A_544 : vector<1024x128xi1>, vector<1024x128xf32>
      %slice3A_583 = vector.extract_strided_slice %ge3A_18 {offsets = [0, 3840], sizes = [1, 128], strides = [1, 1]} : vector<1x4096xi1> to vector<1x128xi1>
      %jit3A_584 = arith.constant -1.000000e+30 : f32
      %broadcast_in_dim3A_585 = vector.shape_cast %slice3A_583 : vector<1x128xi1> to vector<1x128xi1>
      %broadcast_in_dim3A_586 = vector.broadcast %broadcast_in_dim3A_585 : vector<1x128xi1> to vector<1024x128xi1>
      %broadcast_in_dim3A_587 = vector.broadcast %jit3A_584 : f32 to vector<1024x128xf32>
      %select_n3A_588 = arith.select %broadcast_in_dim3A_586, %broadcast_in_dim3A_587, %slice3A_545 : vector<1024x128xi1>, vector<1024x128xf32>
      %slice3A_589 = vector.extract_strided_slice %ge3A_18 {offsets = [0, 3968], sizes = [1, 128], strides = [1, 1]} : vector<1x4096xi1> to vector<1x128xi1>
      %jit3A_590 = arith.constant -1.000000e+30 : f32
      %broadcast_in_dim3A_591 = vector.shape_cast %slice3A_589 : vector<1x128xi1> to vector<1x128xi1>
      %broadcast_in_dim3A_592 = vector.broadcast %broadcast_in_dim3A_591 : vector<1x128xi1> to vector<1024x128xi1>
      %broadcast_in_dim3A_593 = vector.broadcast %jit3A_590 : f32 to vector<1024x128xf32>
      %select_n3A_594 = arith.select %broadcast_in_dim3A_592, %broadcast_in_dim3A_593, %slice3A_546 : vector<1024x128xi1>, vector<1024x128xf32>
      %max3A_595 = arith.maximumf %select_n3A_552, %select_n3A_558 : vector<1024x128xf32>
      %max3A_596 = arith.maximumf %select_n3A_564, %select_n3A_570 : vector<1024x128xf32>
      %max3A_597 = arith.maximumf %max3A_595, %max3A_596 : vector<1024x128xf32>
      %max3A_598 = arith.maximumf %select_n3A_576, %select_n3A_582 : vector<1024x128xf32>
      %max3A_599 = arith.maximumf %select_n3A_588, %select_n3A_594 : vector<1024x128xf32>
      %max3A_600 = arith.maximumf %max3A_598, %max3A_599 : vector<1024x128xf32>
      %max3A_601 = arith.maximumf %max3A_597, %max3A_600 : vector<1024x128xf32>
      %max3A_602 = arith.maximumf %max3A_439, %max3A_601 : vector<1024x128xf32>
      %min3A_603 = arith.minimumf %select_n3A_552, %select_n3A_558 : vector<1024x128xf32>
      %min3A_604 = arith.minimumf %select_n3A_564, %select_n3A_570 : vector<1024x128xf32>
      %max3A_605 = arith.maximumf %min3A_603, %min3A_604 : vector<1024x128xf32>
      %min3A_606 = arith.minimumf %max3A_595, %max3A_596 : vector<1024x128xf32>
      %max3A_607 = arith.maximumf %max3A_605, %min3A_606 : vector<1024x128xf32>
      %min3A_608 = arith.minimumf %select_n3A_576, %select_n3A_582 : vector<1024x128xf32>
      %min3A_609 = arith.minimumf %select_n3A_588, %select_n3A_594 : vector<1024x128xf32>
      %max3A_610 = arith.maximumf %min3A_608, %min3A_609 : vector<1024x128xf32>
      %min3A_611 = arith.minimumf %max3A_598, %max3A_599 : vector<1024x128xf32>
      %max3A_612 = arith.maximumf %max3A_610, %min3A_611 : vector<1024x128xf32>
      %max3A_613 = arith.maximumf %max3A_607, %max3A_612 : vector<1024x128xf32>
      %min3A_614 = arith.minimumf %max3A_605, %min3A_606 : vector<1024x128xf32>
      %min3A_615 = arith.minimumf %max3A_610, %min3A_611 : vector<1024x128xf32>
      %max3A_616 = arith.maximumf %min3A_614, %min3A_615 : vector<1024x128xf32>
      %min3A_617 = arith.minimumf %max3A_597, %max3A_600 : vector<1024x128xf32>
      %max3A_618 = arith.maximumf %max3A_616, %min3A_617 : vector<1024x128xf32>
      %max3A_619 = arith.maximumf %max3A_613, %max3A_618 : vector<1024x128xf32>
      %max3A_620 = arith.maximumf %max3A_471, %max3A_619 : vector<1024x128xf32>
      %min3A_621 = arith.minimumf %max3A_613, %max3A_618 : vector<1024x128xf32>
      %max3A_622 = arith.maximumf %min3A_472, %min3A_621 : vector<1024x128xf32>
      %min3A_623 = arith.minimumf %min3A_603, %min3A_604 : vector<1024x128xf32>
      %min3A_624 = arith.minimumf %min3A_608, %min3A_609 : vector<1024x128xf32>
      %max3A_625 = arith.maximumf %min3A_623, %min3A_624 : vector<1024x128xf32>
      %min3A_626 = arith.minimumf %max3A_607, %max3A_612 : vector<1024x128xf32>
      %max3A_627 = arith.maximumf %max3A_625, %min3A_626 : vector<1024x128xf32>
      %min3A_628 = arith.minimumf %max3A_616, %min3A_617 : vector<1024x128xf32>
      %min3A_629 = arith.minimumf %max3A_627, %min3A_628 : vector<1024x128xf32>
      %max3A_630 = arith.maximumf %min3A_484, %min3A_629 : vector<1024x128xf32>
      %min3A_631 = arith.minimumf %max3A_439, %max3A_601 : vector<1024x128xf32>
      %max3A_632 = arith.maximumf %max3A_630, %min3A_631 : vector<1024x128xf32>
      %max3A_633 = arith.maximumf %max3A_622, %max3A_632 : vector<1024x128xf32>
      %max3A_634 = arith.maximumf %max3A_620, %max3A_633 : vector<1024x128xf32>
      %min3A_635 = arith.minimumf %max3A_620, %max3A_633 : vector<1024x128xf32>
      %max3A_636 = arith.maximumf %max3A_627, %min3A_628 : vector<1024x128xf32>
      %max3A_637 = arith.maximumf %max3A_483, %max3A_636 : vector<1024x128xf32>
      %min3A_638 = arith.minimumf %max3A_625, %min3A_626 : vector<1024x128xf32>
      %min3A_639 = arith.minimumf %min3A_614, %min3A_615 : vector<1024x128xf32>
      %max3A_640 = arith.maximumf %min3A_638, %min3A_639 : vector<1024x128xf32>
      %max3A_641 = arith.maximumf %max3A_491, %max3A_640 : vector<1024x128xf32>
      %min3A_642 = arith.minimumf %max3A_471, %max3A_619 : vector<1024x128xf32>
      %max3A_643 = arith.maximumf %max3A_641, %min3A_642 : vector<1024x128xf32>
      %max3A_644 = arith.maximumf %max3A_637, %max3A_643 : vector<1024x128xf32>
      %min3A_645 = arith.minimumf %max3A_622, %max3A_632 : vector<1024x128xf32>
      %max3A_646 = arith.maximumf %max3A_644, %min3A_645 : vector<1024x128xf32>
      %min3A_647 = arith.minimumf %max3A_644, %min3A_645 : vector<1024x128xf32>
      %min3A_648 = arith.minimumf %max3A_637, %max3A_643 : vector<1024x128xf32>
      %min3A_649 = arith.minimumf %min3A_638, %min3A_639 : vector<1024x128xf32>
      %min3A_650 = arith.minimumf %min3A_472, %min3A_621 : vector<1024x128xf32>
      %max3A_651 = arith.maximumf %min3A_649, %min3A_650 : vector<1024x128xf32>
      %min3A_652 = arith.minimumf %max3A_630, %min3A_631 : vector<1024x128xf32>
      %max3A_653 = arith.maximumf %max3A_651, %min3A_652 : vector<1024x128xf32>
      %max3A_654 = arith.maximumf %min3A_648, %max3A_653 : vector<1024x128xf32>
      %reduce_max3A_655 = arith.constant dense<0xFF800000> : vector<1024xf32>
      %reduce_max3A_656 = vector.multi_reduction <maximumf>, %max3A_602, %reduce_max3A_655 [1] : vector<1024x128xf32> to vector<1024xf32>
      %broadcast_in_dim3A_657 = vector.shape_cast %reduce_max3A_656 : vector<1024xf32> to vector<1024x1xf32>
      %sub3A_658 = arith.subf %broadcast_in_dim3A_494, %broadcast_in_dim3A_657 : vector<1024x1xf32>
      %min3A_659 = arith.constant 0.000000e+00 : f32
      %min3A_660 = vector.broadcast %min3A_659 : f32 to vector<1024x1xf32>
      %min3A_661 = arith.minimumf %sub3A_658, %min3A_660 : vector<1024x1xf32>
      %exp23A_662 = math.exp2 %min3A_661 : vector<1024x1xf32>
      %sub3A_663 = vector.broadcast %broadcast_in_dim3A_657 : vector<1024x1xf32> to vector<1024x128xf32>
      %sub3A_664 = arith.subf %select_n3A_552, %sub3A_663 : vector<1024x128xf32>
      %exp23A_665 = math.exp2 %sub3A_664 : vector<1024x128xf32>
      %sub3A_666 = vector.broadcast %broadcast_in_dim3A_657 : vector<1024x1xf32> to vector<1024x128xf32>
      %sub3A_667 = arith.subf %select_n3A_558, %sub3A_666 : vector<1024x128xf32>
      %exp23A_668 = math.exp2 %sub3A_667 : vector<1024x128xf32>
      %add3A_669 = arith.addf %exp23A_665, %exp23A_668 : vector<1024x128xf32>
      %sub3A_670 = vector.broadcast %broadcast_in_dim3A_657 : vector<1024x1xf32> to vector<1024x128xf32>
      %sub3A_671 = arith.subf %select_n3A_564, %sub3A_670 : vector<1024x128xf32>
      %exp23A_672 = math.exp2 %sub3A_671 : vector<1024x128xf32>
      %add3A_673 = arith.addf %add3A_669, %exp23A_672 : vector<1024x128xf32>
      %sub3A_674 = vector.broadcast %broadcast_in_dim3A_657 : vector<1024x1xf32> to vector<1024x128xf32>
      %sub3A_675 = arith.subf %select_n3A_570, %sub3A_674 : vector<1024x128xf32>
      %exp23A_676 = math.exp2 %sub3A_675 : vector<1024x128xf32>
      %add3A_677 = arith.addf %add3A_673, %exp23A_676 : vector<1024x128xf32>
      %sub3A_678 = vector.broadcast %broadcast_in_dim3A_657 : vector<1024x1xf32> to vector<1024x128xf32>
      %sub3A_679 = arith.subf %select_n3A_576, %sub3A_678 : vector<1024x128xf32>
      %exp23A_680 = math.exp2 %sub3A_679 : vector<1024x128xf32>
      %add3A_681 = arith.addf %add3A_677, %exp23A_680 : vector<1024x128xf32>
      %sub3A_682 = vector.broadcast %broadcast_in_dim3A_657 : vector<1024x1xf32> to vector<1024x128xf32>
      %sub3A_683 = arith.subf %select_n3A_582, %sub3A_682 : vector<1024x128xf32>
      %exp23A_684 = math.exp2 %sub3A_683 : vector<1024x128xf32>
      %add3A_685 = arith.addf %add3A_681, %exp23A_684 : vector<1024x128xf32>
      %sub3A_686 = vector.broadcast %broadcast_in_dim3A_657 : vector<1024x1xf32> to vector<1024x128xf32>
      %sub3A_687 = arith.subf %select_n3A_588, %sub3A_686 : vector<1024x128xf32>
      %exp23A_688 = math.exp2 %sub3A_687 : vector<1024x128xf32>
      %add3A_689 = arith.addf %add3A_685, %exp23A_688 : vector<1024x128xf32>
      %sub3A_690 = vector.broadcast %broadcast_in_dim3A_657 : vector<1024x1xf32> to vector<1024x128xf32>
      %sub3A_691 = arith.subf %select_n3A_594, %sub3A_690 : vector<1024x128xf32>
      %exp23A_692 = math.exp2 %sub3A_691 : vector<1024x128xf32>
      %add3A_693 = arith.addf %add3A_689, %exp23A_692 : vector<1024x128xf32>
      %mul3A_694 = vector.broadcast %exp23A_662 : vector<1024x1xf32> to vector<1024x128xf32>
      %mul3A_695 = arith.mulf %add3A_533, %mul3A_694 : vector<1024x128xf32>
      %add3A_696 = arith.addf %mul3A_695, %add3A_693 : vector<1024x128xf32>
      %swap3A = arith.constant 0 : index
      %swap3A_697 = arith.index_cast %mul3A_0 : i32 to index
      %swap3A_698 = arith.constant 0 : index
      %swap3A_699 = vector.load %arg7[%swap3A, %swap3A_697, %swap3A_698] : memref<6x1024x128xf32, #tpu.memory_space<vmem>>, vector<1x1024x128xf32>
      %swap3A_700 = vector.shape_cast %swap3A_699 : vector<1x1024x128xf32> to vector<1024x128xf32>
      %swap3A_701 = vector.shape_cast %max3A_602 : vector<1024x128xf32> to vector<1x1024x128xf32>
      tpu.vector_store %arg7[%swap3A, %swap3A_697, %swap3A_698], %swap3A_701 {strides = array<i32>} : memref<6x1024x128xf32, #tpu.memory_space<vmem>>, vector<1x1024x128xf32>,
      %swap3A_702 = arith.constant 1 : index
      %swap3A_703 = arith.index_cast %mul3A_0 : i32 to index
      %swap3A_704 = arith.constant 0 : index
      %swap3A_705 = vector.load %arg7[%swap3A_702, %swap3A_703, %swap3A_704] : memref<6x1024x128xf32, #tpu.memory_space<vmem>>, vector<1x1024x128xf32>
      %swap3A_706 = vector.shape_cast %swap3A_705 : vector<1x1024x128xf32> to vector<1024x128xf32>
      %swap3A_707 = vector.shape_cast %max3A_634 : vector<1024x128xf32> to vector<1x1024x128xf32>
      tpu.vector_store %arg7[%swap3A_702, %swap3A_703, %swap3A_704], %swap3A_707 {strides = array<i32>} : memref<6x1024x128xf32, #tpu.memory_space<vmem>>, vector<1x1024x128xf32>,
      %swap3A_708 = arith.constant 2 : index
      %swap3A_709 = arith.index_cast %mul3A_0 : i32 to index
      %swap3A_710 = arith.constant 0 : index
      %swap3A_711 = vector.load %arg7[%swap3A_708, %swap3A_709, %swap3A_710] : memref<6x1024x128xf32, #tpu.memory_space<vmem>>, vector<1x1024x128xf32>
      %swap3A_712 = vector.shape_cast %swap3A_711 : vector<1x1024x128xf32> to vector<1024x128xf32>
      %swap3A_713 = vector.shape_cast %min3A_635 : vector<1024x128xf32> to vector<1x1024x128xf32>
      tpu.vector_store %arg7[%swap3A_708, %swap3A_709, %swap3A_710], %swap3A_713 {strides = array<i32>} : memref<6x1024x128xf32, #tpu.memory_space<vmem>>, vector<1x1024x128xf32>,
      %swap3A_714 = arith.constant 3 : index
      %swap3A_715 = arith.index_cast %mul3A_0 : i32 to index
      %swap3A_716 = arith.constant 0 : index
      %swap3A_717 = vector.load %arg7[%swap3A_714, %swap3A_715, %swap3A_716] : memref<6x1024x128xf32, #tpu.memory_space<vmem>>, vector<1x1024x128xf32>
      %swap3A_718 = vector.shape_cast %swap3A_717 : vector<1x1024x128xf32> to vector<1024x128xf32>
      %swap3A_719 = vector.shape_cast %max3A_646 : vector<1024x128xf32> to vector<1x1024x128xf32>
      tpu.vector_store %arg7[%swap3A_714, %swap3A_715, %swap3A_716], %swap3A_719 {strides = array<i32>} : memref<6x1024x128xf32, #tpu.memory_space<vmem>>, vector<1x1024x128xf32>,
      %swap3A_720 = arith.constant 4 : index
      %swap3A_721 = arith.index_cast %mul3A_0 : i32 to index
      %swap3A_722 = arith.constant 0 : index
      %swap3A_723 = vector.load %arg7[%swap3A_720, %swap3A_721, %swap3A_722] : memref<6x1024x128xf32, #tpu.memory_space<vmem>>, vector<1x1024x128xf32>
      %swap3A_724 = vector.shape_cast %swap3A_723 : vector<1x1024x128xf32> to vector<1024x128xf32>
      %swap3A_725 = vector.shape_cast %min3A_647 : vector<1024x128xf32> to vector<1x1024x128xf32>
      tpu.vector_store %arg7[%swap3A_720, %swap3A_721, %swap3A_722], %swap3A_725 {strides = array<i32>} : memref<6x1024x128xf32, #tpu.memory_space<vmem>>, vector<1x1024x128xf32>,
      %swap3A_726 = arith.constant 5 : index
      %swap3A_727 = arith.index_cast %mul3A_0 : i32 to index
      %swap3A_728 = arith.constant 0 : index
      %swap3A_729 = vector.load %arg7[%swap3A_726, %swap3A_727, %swap3A_728] : memref<6x1024x128xf32, #tpu.memory_space<vmem>>, vector<1x1024x128xf32>
      %swap3A_730 = vector.shape_cast %swap3A_729 : vector<1x1024x128xf32> to vector<1024x128xf32>
      %swap3A_731 = vector.shape_cast %max3A_654 : vector<1024x128xf32> to vector<1x1024x128xf32>
      tpu.vector_store %arg7[%swap3A_726, %swap3A_727, %swap3A_728], %swap3A_731 {strides = array<i32>} : memref<6x1024x128xf32, #tpu.memory_space<vmem>>, vector<1x1024x128xf32>,
      %swap3A_732 = arith.index_cast %mul3A_0 : i32 to index
      %swap3A_733 = arith.constant 0 : index
      %swap3A_734 = vector.load %arg6[%swap3A_732, %swap3A_733] : memref<1024x128xf32, #tpu.memory_space<vmem>>, vector<1024x128xf32>
      tpu.vector_store %arg6[%swap3A_732, %swap3A_733], %add3A_696 {strides = array<i32>} : memref<1024x128xf32, #tpu.memory_space<vmem>>, vector<1024x128xf32>,
      %reduce_sum3A = arith.constant dense<0.000000e+00> : vector<1024xf32>
      %reduce_sum3A_735 = vector.multi_reduction <add>, %add3A_696, %reduce_sum3A [1] : vector<1024x128xf32> to vector<1024xf32>
      %broadcast_in_dim3A_736 = vector.shape_cast %reduce_sum3A_735 : vector<1024xf32> to vector<1024x1xf32>
      %log3A = math.log %broadcast_in_dim3A_736 : vector<1024x1xf32>
      %mul3A_737 = arith.constant 0.693147182 : f32
      %mul3A_738 = vector.broadcast %mul3A_737 : f32 to vector<1024x1xf32>
      %mul3A_739 = arith.mulf %broadcast_in_dim3A_657, %mul3A_738 : vector<1024x1xf32>
      %add3A_740 = arith.addf %log3A, %mul3A_739 : vector<1024x1xf32>
      %concatenate3A = tpu.concatenate %max3A_602, %max3A_634, %min3A_635, %max3A_646, %min3A_647, %max3A_654 in 1 : vector<1024x128xf32>, vector<1024x128xf32>, vector<1024x128xf32>, vector<1024x128xf32>, vector<1024x128xf32>, vector<1024x128xf32> -> vector<1024x768xf32>
      %broadcast_in_dim3A_741 = arith.constant 0.000000e+00 : f32
      %broadcast_in_dim3A_742 = vector.broadcast %broadcast_in_dim3A_741 : f32 to vector<1024x1xf32>
      %reduce_max3A_743 = arith.constant dense<0xFF800000> : vector<1024xf32>
      %reduce_max3A_744 = vector.multi_reduction <maximumf>, %concatenate3A, %reduce_max3A_743 [1] : vector<1024x768xf32> to vector<1024xf32>
      %broadcast_in_dim3A_745 = vector.shape_cast %reduce_max3A_744 : vector<1024xf32> to vector<1024x1xf32>
      %add3A_746 = arith.addf %broadcast_in_dim3A_742, %broadcast_in_dim3A_745 : vector<1024x1xf32>
      %eq3A_747 = vector.broadcast %broadcast_in_dim3A_745 : vector<1024x1xf32> to vector<1024x768xf32>
      %eq3A_748 = arith.cmpf oeq, %concatenate3A, %eq3A_747 : vector<1024x768xf32>
      %jit3A_749 = arith.constant -1.000000e+30 : f32
      %broadcast_in_dim3A_750 = vector.broadcast %jit3A_749 : f32 to vector<1024x768xf32>
      %select_n3A_751 = arith.select %eq3A_748, %broadcast_in_dim3A_750, %concatenate3A : vector<1024x768xi1>, vector<1024x768xf32>
      %reduce_max3A_752 = arith.constant dense<0xFF800000> : vector<1024xf32>
      %reduce_max3A_753 = vector.multi_reduction <maximumf>, %select_n3A_751, %reduce_max3A_752 [1] : vector<1024x768xf32> to vector<1024xf32>
      %broadcast_in_dim3A_754 = vector.shape_cast %reduce_max3A_753 : vector<1024xf32> to vector<1024x1xf32>
      %add3A_755 = arith.addf %add3A_746, %broadcast_in_dim3A_754 : vector<1024x1xf32>
      %eq3A_756 = vector.broadcast %broadcast_in_dim3A_754 : vector<1024x1xf32> to vector<1024x768xf32>
      %eq3A_757 = arith.cmpf oeq, %select_n3A_751, %eq3A_756 : vector<1024x768xf32>
      %jit3A_758 = arith.constant -1.000000e+30 : f32
      %broadcast_in_dim3A_759 = vector.broadcast %jit3A_758 : f32 to vector<1024x768xf32>
      %select_n3A_760 = arith.select %eq3A_757, %broadcast_in_dim3A_759, %select_n3A_751 : vector<1024x768xi1>, vector<1024x768xf32>
      %reduce_max3A_761 = arith.constant dense<0xFF800000> : vector<1024xf32>
      %reduce_max3A_762 = vector.multi_reduction <maximumf>, %select_n3A_760, %reduce_max3A_761 [1] : vector<1024x768xf32> to vector<1024xf32>
      %broadcast_in_dim3A_763 = vector.shape_cast %reduce_max3A_762 : vector<1024xf32> to vector<1024x1xf32>
      %add3A_764 = arith.addf %add3A_755, %broadcast_in_dim3A_763 : vector<1024x1xf32>
      %eq3A_765 = vector.broadcast %broadcast_in_dim3A_763 : vector<1024x1xf32> to vector<1024x768xf32>
      %eq3A_766 = arith.cmpf oeq, %select_n3A_760, %eq3A_765 : vector<1024x768xf32>
      %jit3A_767 = arith.constant -1.000000e+30 : f32
      %broadcast_in_dim3A_768 = vector.broadcast %jit3A_767 : f32 to vector<1024x768xf32>
      %select_n3A_769 = arith.select %eq3A_766, %broadcast_in_dim3A_768, %select_n3A_760 : vector<1024x768xi1>, vector<1024x768xf32>
      %reduce_max3A_770 = arith.constant dense<0xFF800000> : vector<1024xf32>
      %reduce_max3A_771 = vector.multi_reduction <maximumf>, %select_n3A_769, %reduce_max3A_770 [1] : vector<1024x768xf32> to vector<1024xf32>
      %broadcast_in_dim3A_772 = vector.shape_cast %reduce_max3A_771 : vector<1024xf32> to vector<1024x1xf32>
      %add3A_773 = arith.addf %add3A_764, %broadcast_in_dim3A_772 : vector<1024x1xf32>
      %eq3A_774 = vector.broadcast %broadcast_in_dim3A_772 : vector<1024x1xf32> to vector<1024x768xf32>
      %eq3A_775 = arith.cmpf oeq, %select_n3A_769, %eq3A_774 : vector<1024x768xf32>
      %jit3A_776 = arith.constant -1.000000e+30 : f32
      %broadcast_in_dim3A_777 = vector.broadcast %jit3A_776 : f32 to vector<1024x768xf32>
      %select_n3A_778 = arith.select %eq3A_775, %broadcast_in_dim3A_777, %select_n3A_769 : vector<1024x768xi1>, vector<1024x768xf32>
      %reduce_max3A_779 = arith.constant dense<0xFF800000> : vector<1024xf32>
      %reduce_max3A_780 = vector.multi_reduction <maximumf>, %select_n3A_778, %reduce_max3A_779 [1] : vector<1024x768xf32> to vector<1024xf32>
      %broadcast_in_dim3A_781 = vector.shape_cast %reduce_max3A_780 : vector<1024xf32> to vector<1024x1xf32>
      %add3A_782 = arith.addf %add3A_773, %broadcast_in_dim3A_781 : vector<1024x1xf32>
      %eq3A_783 = vector.broadcast %broadcast_in_dim3A_781 : vector<1024x1xf32> to vector<1024x768xf32>
      %eq3A_784 = arith.cmpf oeq, %select_n3A_778, %eq3A_783 : vector<1024x768xf32>
      %jit3A_785 = arith.constant -1.000000e+30 : f32
      %broadcast_in_dim3A_786 = vector.broadcast %jit3A_785 : f32 to vector<1024x768xf32>
      %select_n3A_787 = arith.select %eq3A_784, %broadcast_in_dim3A_786, %select_n3A_778 : vector<1024x768xi1>, vector<1024x768xf32>
      %reduce_max3A_788 = arith.constant dense<0xFF800000> : vector<1024xf32>
      %reduce_max3A_789 = vector.multi_reduction <maximumf>, %select_n3A_787, %reduce_max3A_788 [1] : vector<1024x768xf32> to vector<1024xf32>
      %broadcast_in_dim3A_790 = vector.shape_cast %reduce_max3A_789 : vector<1024xf32> to vector<1024x1xf32>
      %add3A_791 = arith.addf %add3A_782, %broadcast_in_dim3A_790 : vector<1024x1xf32>
      %get3A_792 = arith.constant 0 : index
      %get3A_793 = arith.constant 0 : index
      %get3A_794 = vector.load %arg4[%get3A_792, %get3A_793] : memref<1024x16xf32, #tpu.memory_space<vmem>>, vector<1024x16xf32>
      %reduce_sum3A_795 = arith.constant dense<0.000000e+00> : vector<1024xf32>
      %reduce_sum3A_796 = vector.multi_reduction <add>, %get3A_794, %reduce_sum3A_795 [1] : vector<1024x16xf32> to vector<1024xf32>
      %broadcast_in_dim3A_797 = vector.shape_cast %reduce_sum3A_796 : vector<1024xf32> to vector<1024x1xf32>
      %ge3A_798 = arith.cmpf oge, %broadcast_in_dim3A_797, %broadcast_in_dim3A_790 : vector<1024x1xf32>
      %convert_element_type3A_799 = arith.extui %ge3A_798 : vector<1024x1xi1> to vector<1024x1xi32>
      %convert_element_type3A_800 = arith.sitofp %convert_element_type3A_799 : vector<1024x1xi32> to vector<1024x1xf32>
      %mul3A_801 = arith.constant 0.166666672 : f32
      %mul3A_802 = vector.broadcast %mul3A_801 : f32 to vector<1024x1xf32>
      %mul3A_803 = arith.mulf %convert_element_type3A_800, %mul3A_802 : vector<1024x1xf32>
      %sub3A_804 = arith.constant 2.000000e+00 : f32
      %sub3A_805 = vector.broadcast %sub3A_804 : f32 to vector<1024x1xf32>
      %sub3A_806 = arith.subf %sub3A_805, %mul3A_803 : vector<1024x1xf32>
      %mul3A_807 = arith.mulf %add3A_740, %sub3A_806 : vector<1024x1xf32>
      %mul3A_808 = arith.mulf %broadcast_in_dim3A_797, %convert_element_type3A_800 : vector<1024x1xf32>
      %sub3A_809 = arith.subf %add3A_791, %mul3A_808 : vector<1024x1xf32>
      %mul3A_810 = arith.constant 0.166666672 : f32
      %mul3A_811 = vector.broadcast %mul3A_810 : f32 to vector<1024x1xf32>
      %mul3A_812 = arith.mulf %sub3A_809, %mul3A_811 : vector<1024x1xf32>
      %add3A_813 = arith.addf %mul3A_812, %broadcast_in_dim3A_797 : vector<1024x1xf32>
      %mul3A_814 = arith.constant 0.693147182 : f32
      %mul3A_815 = vector.broadcast %mul3A_814 : f32 to vector<1024x1xf32>
      %mul3A_816 = arith.mulf %mul3A_815, %add3A_813 : vector<1024x1xf32>
      %sub3A_817 = arith.subf %mul3A_807, %mul3A_816 : vector<1024x1xf32>
      %reduce_sum3A_818 = arith.constant dense<0.000000e+00> : vector<1xf32>
      %reduce_sum3A_819 = vector.multi_reduction <add>, %sub3A_817, %reduce_sum3A_818 [0] : vector<1024x1xf32> to vector<1xf32>
      %broadcast_in_dim3A_820 = vector.shape_cast %reduce_sum3A_819 : vector<1xf32> to vector<1x1xf32>
      %mul3A_821 = arith.constant 9.765625E-4 : f32
      %mul3A_822 = vector.broadcast %mul3A_821 : f32 to vector<1x1xf32>
      %mul3A_823 = arith.mulf %broadcast_in_dim3A_820, %mul3A_822 : vector<1x1xf32>
      %eq3A_824 = arith.constant 0 : i32
      %eq3A_825 = arith.cmpi eq, %arg1, %eq3A_824 : i32
      %broadcast_in_dim3A_826 = arith.constant 0.000000e+00 : f32
      %broadcast_in_dim3A_827 = vector.broadcast %broadcast_in_dim3A_826 : f32 to vector<1x1xf32>
      %get3A_828 = arith.constant 0 : index
      %get3A_829 = arith.constant 0 : index
      %get3A_830 = vector.load %arg5[%get3A_828, %get3A_829] : memref<1x1xf32, #tpu.memory_space<vmem>>, vector<1x1xf32>
      %select_n3A_831 = arith.select %eq3A_825, %broadcast_in_dim3A_827, %get3A_830 : vector<1x1xf32>
      %add3A_832 = arith.addf %select_n3A_831, %mul3A_823 : vector<1x1xf32>
      %swap3A_833 = arith.constant 0 : index
      %swap3A_834 = arith.constant 0 : index
      %swap3A_835 = vector.load %arg5[%swap3A_833, %swap3A_834] : memref<1x1xf32, #tpu.memory_space<vmem>>, vector<1x1xf32>
      tpu.vector_store %arg5[%swap3A_833, %swap3A_834], %add3A_832 {strides = array<i32>} : memref<1x1xf32, #tpu.memory_space<vmem>>, vector<1x1xf32>,
    } else {
    }
    return
  }
  func.func @transform_0(%arg0: i32, %arg1: i32) -> (i32, i32) {
    %c0_i32 = arith.constant 0 : i32
    %c0_i32_0 = arith.constant 0 : i32
    %c0_i32_1 = arith.constant 0 : i32
    return %c0_i32, %c0_i32_0 : i32, i32
  }
  func.func @transform_1(%arg0: i32, %arg1: i32) -> (i32, i32) {
    %c0_i32 = arith.constant 0 : i32
    %c0_i32_0 = arith.constant 0 : i32
    return %arg0, %c0_i32 : i32, i32
  }
  func.func @transform_2(%arg0: i32, %arg1: i32) -> (i32, i32) {
    %c0_i32 = arith.constant 0 : i32
    %c0_i32_0 = arith.constant 0 : i32
    return %arg1, %c0_i32 : i32, i32
  }
  func.func @transform_3(%arg0: i32, %arg1: i32) -> (i32, i32) {
    %c0_i32 = arith.constant 0 : i32
    %c0_i32_0 = arith.constant 0 : i32
    %c0_i32_1 = arith.constant 0 : i32
    return %c0_i32, %c0_i32_0 : i32, i32
  }
}

</mosaic_0001>

<sc_bundles>
// kernel: kernel.4.cloned.1.call-start
scs
__scs_entry_jumppad:
0x0: {  	(pc) =	sbr.rel $0x88, $3  }
0x1: {  	(tag) =	ssettag $0x0;
	lr =	simm.s32 $0x1  }
0x2: {  	[smem:$0x3F9E] =	sst lr;
	_ =	strace $0xD0000000  }
0x3: {  	_ = 	snop  }
0x4: {  	_ = 	snop  }
0x5: {  	_ = 	snop  }
0x6: {  	_ = 	snop  }
0x7: {  	_ = 	snop  }
__scs_overlays_trampoline_lowered:
0x8: {  	[smem:$0x3FAD] =	sst s0  }
0x9: {  	[smem:$0x3FAE] =	sst s1  }
0xa: {  	[smem:$0x3FAF] =	sst s2  }
0xb: {  	[smem:$0x3FB0] =	sst s3  }
0xc: {  	[smem:$0x3FB1] =	sst s4  }
0xd: {  	[smem:$0x3FB2] =	sst s5  }
0xe: {  	[smem:$0x3FB3] =	sst s6  }
0xf: {  	[smem:$0x3FB4] =	sst s7  }
0x10: {  	[smem:$0x3FB5] =	sst s8  }
0x11: {  	[smem:$0x3FB6] =	sst s9;
	s0 =	simm.s32 @!p0 $0x0  }
0x12: {  	s1 =	sld [smem:$0x3F9C];
	s0 =	simm.s32 @p0 $0x1  }
0x13: {  	[smem:$0x3FB7] =	sst s0;
	s0 =	simm.s32 @!p1 $0x0  }
0x14: {  	s2 =	sld [smem:$0x3F9B];
	s0 =	simm.s32 @p1 $0x1  }
0x15: {  	[smem:$0x3FB8] =	sst s0;
	s0 =	simm.s32 @!p2 $0x0  }
0x16: {  	s3 =	sld [smem:$0x3FDB];
	s0 =	simm.s32 @p2 $0x1  }
0x17: {  	s4 =	simm.s32 $0x1BF5;
	[smem:$0x3FBA] =	sst s0  }
0x18: {  	s0 =	sld [smem:$0x3F9D];
	_ =	swait.ge [sflag:s4], $0x0  }
0x19: {  	s7 =	sld [smem:$0x3F9E]  }
0x1a: {  	s8 =	sadd.s32 $0xFFFFE003, lr  }
0x1b: {  	s9 =	sadd.s32 $0xFFFFFEF7, lr;
	s5 =	simm.s32 $0xFFFFFFFF;
	p2 =	slt.u32 s8, $0xFFFFF086  }
0x1c: {  	p1 =	slt.u32 s9, $0xF7A;
	s5 =	simm.s32 @!p2 $0x0  }
0x1d: {  	s5 =	simm.s32 @p1 $0x1;
	p0 =	seq.s32 s7, s2  }
0x1e: {  	s7 =	smul.u32 @!p0 $0xF7A, s2;
	p2 =	seq.s32 @!p0 s5, $0x0  }
0x1f: {  	s9 =	smul.u32 $0xF7A, s1;
	s8 =	simm.s32 @!p0 $0x1BF5;
	p2 =	por !p2, p0  }
0x20: {  	[sflag:s8] =	ssyncset.s32 @!p0 $0xFFFFF086;
	s6 =	sadd.s32 @!p0 s3, s7;
	s7 =	simm.s32 @!p0 $0x108  }
0x21: {  	s3 =	sadd.s32 s3, s9;
	s6 =	sadd.s32 @!p0 $0x88, s6;
	s7 =	simm.s32 @p2 $0x1082  }
0x22: {  	[simem:s7], [sflag:s8] =	dma.local @!p0 [hbm:s6], $0xF7A  }
0x23: {  	s9 =	sor.u32 $0xD0000000, s2;
	s6 =	simm.s32 $0x108;
	_ =	swait.ge @!p0 [sflag:s8], $0x0  }
0x24: {  	s3 =	sadd.s32 $0x88, s3;
	s6 =	simm.s32 @!p1 $0x1082;
	[sflag:s4] =	ssyncset.s32 $0xFFFFF086  }
0x25: {  	[simem:s6], [sflag:s4] =	dma.local [hbm:s3], $0xF7A  }
0x26: {  	[smem:$0x3F9E] =	sst s1;
	(tag) =	ssettag s2;
	_ =	strace s9  }
0x27: {  	s1 =	sld [smem:$0x3FAE]  }
0x28: {  	s2 =	sld [smem:$0x3FAF]  }
0x29: {  	s4 =	sld [smem:$0x3FB1]  }
0x2a: {  	p0 =	seq.s32 s5, $0x0;
	s5 =	sld [smem:$0x3FB2]  }
0x2b: {  	s6 =	sld [smem:$0x3FB3]  }
0x2c: {  	s7 =	sld [smem:$0x3FB4]  }
0x2d: {  	s3 =	simm.s32 $0x108;
	s8 =	sld [smem:$0x3FB5]  }
0x2e: {  	s3 =	simm.s32 @!p0 $0x1082;
	s9 =	sld [smem:$0x3FB6]  }
0x2f: {  	lr =	sadd.s32 s0, s3;
	s0 =	sld [smem:$0x3FAD]  }
0x30: {  	s3 =	sld [smem:$0x3FB0]  }
0x31: {  	[smem:$0x3FB9] =	sst s10  }
0x32: {  	s10 =	sld [smem:$0x3FB7];
	_ =	sdelay $0x3  }
0x33: {  	p0 =	seq.s32 s10, $0x1;
	s10 =	sld [smem:$0x3FB9];
	_ =	sdelay $0x3  }
0x34: {  	[smem:$0x3FB9] =	sst s10  }
0x35: {  	s10 =	sld [smem:$0x3FB8];
	_ =	sdelay $0x3  }
0x36: {  	p1 =	seq.s32 s10, $0x1;
	s10 =	sld [smem:$0x3FB9];
	_ =	sdelay $0x3  }
0x37: {  	[smem:$0x3FB9] =	sst s10  }
0x38: {  	s10 =	sld [smem:$0x3FBA]  }
0x39: {  	_ = 	snop;
	(pc) =	sbr.ind lr, $3  }
0x3a: {  	_ = 	snop  }
0x3b: {  	_ = 	snop  }
0x3c: {  	p2 =	seq.s32 s10, $0x1;
	s10 =	sld [smem:$0x3FB9]  }
0x3d: {  	_ =	shalt  }
0x3e: {  	_ =	shalt  }
0x3f: {  	_ =	shalt  }
0x40: {  	_ =	shalt  }
0x41: {  	_ =	shalt  }
0x42: {  	_ =	shalt  }
0x43: {  	_ =	shalt  }
0x44: {  	_ =	shalt  }
0x45: {  	_ =	shalt  }
0x46: {  	_ =	shalt  }
0x47: {  	_ =	shalt  }
0x48: {  	_ =	shalt  }
0x49: {  	_ =	shalt  }
0x4a: {  	_ =	shalt  }
0x4b: {  	_ =	shalt  }
0x4c: {  	_ =	shalt  }
0x4d: {  	_ =	shalt  }
0x4e: {  	_ =	shalt  }
0x4f: {  	_ =	shalt  }
0x50: {  	_ =	shalt  }
0x51: {  	_ =	shalt  }
0x52: {  	_ =	shalt  }
0x53: {  	_ =	shalt  }
0x54: {  	_ =	shalt  }
0x55: {  	_ =	shalt  }
0x56: {  	_ =	shalt  }
0x57: {  	_ =	shalt  }
0x58: {  	_ =	shalt  }
0x59: {  	_ =	shalt  }
0x5a: {  	_ =	shalt  }
0x5b: {  	_ =	shalt  }
0x5c: {  	_ =	shalt  }
0x5d: {  	_ =	shalt  }
0x5e: {  	_ =	shalt  }
0x5f: {  	_ =	shalt  }
0x60: {  	_ =	shalt  }
0x61: {  	_ =	shalt  }
0x62: {  	_ =	shalt  }
0x63: {  	_ =	shalt  }
0x64: {  	_ =	shalt  }
0x65: {  	_ =	shalt  }
0x66: {  	_ =	shalt  }
0x67: {  	_ =	shalt  }
0x68: {  	_ =	shalt  }
0x69: {  	_ =	shalt  }
0x6a: {  	_ =	shalt  }
0x6b: {  	_ =	shalt  }
0x6c: {  	_ =	shalt  }
0x6d: {  	_ =	shalt  }
0x6e: {  	_ =	shalt  }
0x6f: {  	_ =	shalt  }
0x70: {  	_ =	shalt  }
0x71: {  	_ =	shalt  }
0x72: {  	_ =	shalt  }
0x73: {  	_ =	shalt  }
0x74: {  	_ =	shalt  }
0x75: {  	_ =	shalt  }
0x76: {  	_ =	shalt  }
0x77: {  	_ =	shalt  }
0x78: {  	_ =	shalt  }
0x79: {  	_ =	shalt  }
0x7a: {  	_ =	shalt  }
0x7b: {  	_ =	shalt  }
0x7c: {  	_ =	shalt  }
0x7d: {  	_ =	shalt  }
0x7e: {  	_ =	shalt  }
0x7f: {  	_ =	shalt  }
0x80: {  	_ =	shalt  }
0x81: {  	_ =	shalt  }
0x82: {  	_ =	shalt  }
0x83: {  	_ =	shalt  }
0x84: {  	_ =	shalt  }
0x85: {  	_ =	shalt  }
0x86: {  	_ =	shalt  }
0x87: {  	_ =	shalt  }
.Lfunc_end0:
.L_simem_size_0:
called_computation_lowered:
.L_overlay_start_0:
0x88: {  	s2 =	sld [smem:$0x3FD9]  }
0x89: {  	s3 =	sld [smem:$0x3FFE];
	_ =	sdelay $0x1  }
0x8a: {  	s1 =	srdreg.scid  }
0x8b: {  	s0 =	sand.u32 $0x1, s1  }
0x8c: {  	s17 =	sshll.u32 s0, $0xA;
	s2 =	sadd.s32 s3, s2  }
0x8d: {  	s2 =	sadd.s32 s2, s17  }
0x8e: {  	[smem:$0x3FC5] =	sst s2  }
0x8f: {  	_ = 	snop  }
0x90: {  	s2 =	sld [smem:$0x3FC8]  }
0x91: {  	s18 =	sld [smem:$0x3FC7];
	(tm) =	ssettm $0x1  }
0x92: {  	s4 =	sld [smem:$0x3FFB];
	_ =	sdelay $0x3  }
0x93: {  	_ =	strace s4  }
0x94: {  	s4 =	sld [smem:$0x3FFC];
	_ =	sdelay $0x3  }
0x95: {  	_ =	strace s4  }
0x96: {  	s4 =	sld [smem:$0x3FFD];
	_ =	sdelay $0x3  }
0x97: {  	_ =	strace s4  }
0x98: {  	_ =	strace $0x8FFFFFFF  }
0x99: {  	s19 =	sld [smem:$0x3FDB];
	_ =	sdelay $0x1  }
0x9a: {  	s5 =	simm.s32 $_scs_section_size  }
0x9b: {  	s6 =	simm.s32 $_size__tile_overlayer_lowered;
	s7 =	simm.s32 $_tile_overlayer_lowered  }
0x9c: {  	s22 =	simm.s32 $0x1BFF;
	s21 =	sshll.u32 s7, $0x1;
	s4 =	sadd.s32 s5, s19  }
0x9d: {  	s8 =	simm.s32 $0x0;
	s20 =	sshll.u32 s6, $0x1;
	s6 =	sadd.s32 s21, s4  }
0x9e: {  	[timem:s8], [sflag:s22] =	dma.local [hbm:s6], s20  }
0x9f: {  	_ =	swait.ge [sflag:s22], s20  }
0xa0: {  	s5 =	ssub.s32 $0x0, s20;
	[sflag:s22] =	ssyncset.done $0x0  }
0xa1: {  	[sflag:s22] =	ssyncadd.s32 s5;
	_ =	sdelay $0x1  }
0xa2: {  	s23 =	simm.s32 $0x1B8B  }
0xa3: {  	_ =	swait.ge [sflag:s23], $0x1  }
0xa4: {  	[sflag:s23] =	ssyncset.done $0x0  }
0xa5: {  	s25 =	simm.s32 $0x1B8E;
	s24 =	sld [smem:$0x3FFE];
	[sflag:s23] =	ssyncadd.s32 $0xFFFFFFFF  }
0xa6: {  	s26 =	simm.s32 $execute0_lowered;
	[smem:$0x3FD2] =	sst s25  }
0xa7: {  	s6 =	sshll.u32 s26, $0x1;
	_ =	strace $0x80000046;
	[dreg:$0x1] =	wrdreg $0xFFFFFFFF  }
0xa8: {  	s28 =	simm.s32 $_size_execute0_lowered;
	s4 =	sadd.s32 s4, s6;
	[dreg:$0x0] =	wrdreg $0x0  }
0xa9: {  	s6 =	sshll.u32 s28, $0x1;
	[dreg:$0x2] =	wrdreg s4  }
0xaa: {  	[dreg:$0x3] =	wrdreg s6  }
0xab: {  	[dreg:$0x4] =	wrdreg $0xC0  }
0xac: {  	_ =	task [dreg:s8], $0x5FFFF  }
0xad: {  	[dreg:$0x1] =	wrdreg $0xFFFFFFFF  }
0xae: {  	[dreg:$0x0] =	wrdreg $0x60  }
0xaf: {  	[dreg:$0x2] =	wrdreg s24  }
0xb0: {  	[dreg:$0x3] =	wrdreg s2  }
0xb1: {  	[dreg:$0x4] =	wrdreg s18  }
0xb2: {  	[dreg:$0x5] =	wrdreg $0x9  }
0xb3: {  	_ =	task.clear_ibuf [dreg:s8], $0x6FFFF;
	_ =	strace $0x90000046  }
0xb4: {  	s29 =	simm.s32 $0x9;
	_ =	strace $0x80000048  }
0xb5: {  	_ =	swait.ge [sflag:s29], $0x1  }
0xb6: {  	[sflag:s29] =	ssyncadd.s32 $0xFFFFFFFF  }
0xb7: {  	_ =	strace $0x90000048  }
0xb8: {  	_ =	sfence  }
0xb9: {  	s30 =	sld [smem:$0x0];
	_ =	sdelay $0x2  }
0xba: {  	s31 =	sshll.u32 s1, $0xD;
	s1 =	sshrl.u32 s1, $0x2  }
0xbb: {  	s3 =	sand.u32 $0x4000, s31;
	s1 =	sadd.s32 s1, s30  }
0xbc: {  	s0 =	sor.u32 s3, s0;
	s1 =	sshll.u32 s1, $0x11  }
0xbd: {  	s0 =	sor.u32 s1, s0  }
0xbe: {  	s0 =	sadd.s32 $0x8F2B, s0  }
0xbf: {  	[sflag:s0] =	ssyncadd.remote.s32 $0x1  }
0xc0: {  	_ =	sfence.sel $0xFFFF  }
0xc1: {  	[dreg:$0x0] =	wrdreg $0xFFFFFFFF;
	(pc) =	sbr.abs _section_cstart, $3  }
0xc2: {  	[dreg:$0x1] =	wrdreg $0xFFFFFFFF  }
0xc3: {  	_ =	task.clear_ibuf [dreg:s8], $0x2FFFF;
	_ =	strace $0x9FFFFFFF  }
0xc4: {  	(tm) =	ssettm $0x7FFFFFFF  }
0xc5: {  	_ =	shalt  }
tec
execute0_lowered:
.L_overlay_start_1:
0x0: {  	(tag) =	ssettag $0x1  }
0x1: {  	s4 =	rddreg [dreg:$0x0]  }
0x2: {  	s5 =	rddreg [dreg:$0x1]  }
0x3: {  	s2 =	rddreg [dreg:$0x2]  }
0x4: {  	s0 =	rddreg [dreg:$0x3];
	s6 =	srdreg.scid  }
0x5: {  	s3 =	simm.s32 $0x0;
	s1 =	stileid.u32;
	s10 =	simm.s32 $0x80  }
0x6: {  	s11 =	simm.s32 $0x1;
	s12 =	simm.s32 $0x1080;
	s6 =	sand.u32 $0x1, s6  }
0x7: {  	s13 =	simm.s32 $0x2080;
	s7 =	sshll.u32 s1, $0x6;
	s8 =	sshll.u32 s6, $0x5  }
0x8: {  	[smem:$0x7FF] =	sst s3;
	s6 =	ssub.s32 $0x2, s6;
	s7 =	sor.u32 s8, s7  }
0x9: {  	_ =	strace $0x80000047;
	s9 =	sshrl.u32 s6, $0x1;
	s8 =	sshll.u32 s7, $0x4  }
0xa: {  	s7 =	sshrl.u32 s7, $0x3;
	s9 =	ssub.s32 s6, s9;
	s8 =	sadd.s32 s8, s4  }
0xb: {  	s4 =	sadd.s32 s5, s7;
	s7 =	smax.u32 s9, $0x1;
	s9 =	simm.s32 $0x20  }
0xc: {  	s5 =	sadd.s32 $0x800, s8;
	s6 =	sadd.s32 $0x4800, s8;
	s8 =	simm.s32 $0x2  }
.LBB2_1:
0xd: {  	[tilespmem:s3], [sflag:$0x2] =	stream.linear.gather [hbm4b:s4+s3], $0x20, $0x38;
	[tilespmem:$0x3080] =	vst v63  }
0xe: {  	_ =	swait.ge [sflag:s8], $0x20  }
0xf: {  	[sflag:s8] =	ssyncset.done $0x0  }
0x10: {  	[sflag:s8] =	ssyncadd.s32 $0xFFFFFFE0  }
0x11: {  	[tilespmem:s10], [sflag:$0x1] =	stream.indirect.gather [hbm4b:s2+s9], $0x80, s3, s9, $0xb8;
	[tilespmem:$0x3080] =	vst v63  }
0x12: {  	_ =	swait.ge [sflag:s11], $0x1000  }
0x13: {  	[sflag:s11] =	ssyncset.done $0x0  }
0x14: {  	[sflag:s11] =	ssyncadd.s32 $0xFFFFF000  }
0x15: {  	[tilespmem:s12], [sflag:$0x2] =	stream.linear.gather [hbm4b:s5+s3], $0x1000, $0x38;
	[tilespmem:$0x3080] =	vst v63  }
0x16: {  	_ =	swait.ge [sflag:s8], $0x1000  }
0x17: {  	[sflag:s8] =	ssyncset.done $0x0  }
0x18: {  	[sflag:s8] =	ssyncadd.s32 $0xFFFFF000  }
0x19: {  	v0 =	vld [tilespmem:$0x80]  }
0x1a: {  	v1 =	vld [tilespmem:$0x1080]  }
0x1b: {  	v2 =	vld [tilespmem:$0x90]  }
0x1c: {  	v3 =	vld [tilespmem:$0x1090]  }
0x1d: {  	v4 =	vld [tilespmem:$0xA0]  }
0x1e: {  	v5 =	vld [tilespmem:$0x10A0]  }
0x1f: {  	v6 =	vld [tilespmem:$0xB0]  }
0x20: {  	v7 =	vld [tilespmem:$0x10B0]  }
0x21: {  	v8 =	vld [tilespmem:$0xC0]  }
0x22: {  	v9 =	vld [tilespmem:$0x10C0]  }
0x23: {  	v10 =	vld [tilespmem:$0xD0]  }
0x24: {  	v11 =	vld [tilespmem:$0x10D0]  }
0x25: {  	v12 =	vld [tilespmem:$0xE0]  }
0x26: {  	v13 =	vld [tilespmem:$0x10E0]  }
0x27: {  	v14 =	vld [tilespmem:$0xF0]  }
0x28: {  	v15 =	vld [tilespmem:$0x10F0]  }
0x29: {  	v16 =	vld [tilespmem:$0x100]  }
0x2a: {  	v17 =	vld [tilespmem:$0x1100]  }
0x2b: {  	v18 =	vld [tilespmem:$0x110]  }
0x2c: {  	v60 =	vld [tilespmem:$0x370]  }
0x2d: {  	v19 =	vld [tilespmem:$0x1110]  }
0x2e: {  	v20 =	vld [tilespmem:$0x120]  }
0x2f: {  	v21 =	vld [tilespmem:$0x1120]  }
0x30: {  	v22 =	vld [tilespmem:$0x130]  }
0x31: {  	[tilespmem:$0x1EC60] =	vst v60;
	v60 =	vld [tilespmem:$0x1440]  }
0x32: {  	v23 =	vld [tilespmem:$0x1130]  }
0x33: {  	v24 =	vld [tilespmem:$0x140]  }
0x34: {  	v25 =	vld [tilespmem:$0x1140]  }
0x35: {  	v26 =	vld [tilespmem:$0x150]  }
0x36: {  	[tilespmem:$0x1EC90] =	vst v60;
	v60 =	vld [tilespmem:$0x4B0]  }
0x37: {  	v36 =	vld [tilespmem:$0x1150]  }
0x38: {  	v39 =	vld [tilespmem:$0x160]  }
0x39: {  	v41 =	vld [tilespmem:$0x1160]  }
0x3a: {  	v43 =	vld [tilespmem:$0x170]  }
0x3b: {  	[tilespmem:$0x1ECE0] =	vst v60;
	v60 =	vld [tilespmem:$0x14B0]  }
0x3c: {  	v58 =	vld [tilespmem:$0x1170]  }
0x3d: {  	v63 =	vld [tilespmem:$0x180]  }
0x3e: {  	v48 =	vld [tilespmem:$0x1190]  }
0x3f: {  	v54 =	vld [tilespmem:$0x1A0]  }
0x40: {  	[tilespmem:$0x1ECF0] =	vst v60;
	v60 =	vld [tilespmem:$0x4C0]  }
0x41: {  	v45 =	vld [tilespmem:$0x11A0]  }
0x42: {  	v46 =	vld [tilespmem:$0x1B0]  }
0x43: {  	v44 =	vld [tilespmem:$0x1C0]  }
0x44: {  	v33 =	vld [tilespmem:$0x11C0]  }
0x45: {  	[tilespmem:$0x1ED40] =	vst v60;
	v60 =	vld [tilespmem:$0x14C0]  }
0x46: {  	v47 =	vld [tilespmem:$0x1D0]  }
0x47: {  	v27 =	vld [tilespmem:$0x11E0]  }
0x48: {  	v28 =	vld [tilespmem:$0x1F0]  }
0x49: {  	v29 =	vld [tilespmem:$0x11F0]  }
0x4a: {  	[tilespmem:$0x1ED50] =	vst v60;
	v60 =	vld [tilespmem:$0x4D0]  }
0x4b: {  	v55 =	vld [tilespmem:$0x240]  }
0x4c: {  	v49 =	vld [tilespmem:$0x1240]  }
0x4d: {  	v56 =	vld [tilespmem:$0x250]  }
0x4e: {  	v50 =	vld [tilespmem:$0x1250]  }
0x4f: {  	[tilespmem:$0x1EDA0] =	vst v60;
	v60 =	vld [tilespmem:$0x14D0]  }
0x50: {  	v30 =	vld [tilespmem:$0x260]  }
0x51: {  	v31 =	vld [tilespmem:$0x1260]  }
0x52: {  	v32 =	vld [tilespmem:$0x270]  }
0x53: {  	v34 =	vld [tilespmem:$0x1270]  }
0x54: {  	[tilespmem:$0x1EDB0] =	vst v60;
	v60 =	vld [tilespmem:$0x4E0]  }
0x55: {  	v51 =	vld [tilespmem:$0x12F0]  }
0x56: {  	v52 =	vld [tilespmem:$0x350]  }
0x57: {  	v53 =	vld [tilespmem:$0x1350]  }
0x58: {  	v61 =	vld [tilespmem:$0x1370]  }
0x59: {  	[tilespmem:$0x1EE30] =	vst v60;
	v60 =	vld [tilespmem:$0x14E0]  }
0x5a: {  	v62 =	vmul.f32 v9, v8;
	v9 =	vld [tilespmem:$0x1180]  }
0x5b: {  	v38 =	vmul.f32 v19, v18;
	v19 =	vld [tilespmem:$0x190]  }
0x5c: {  	v35 =	vmul.f32 v3, v2;
	v2 =	vmul.f32 v36, v26;
	v36 =	vld [tilespmem:$0x11B0]  }
0x5d: {  	v59 =	vmul.f32 v23, v22;
	v22 =	vmul.f32 v41, v39;
	v41 =	vld [tilespmem:$0x11D0]  }
0x5e: {  	[tilespmem:$0x1EE40] =	vst v60;
	v60 =	vld [tilespmem:$0x4F0]  }
0x5f: {  	v26 =	vld [tilespmem:$0x1E0]  }
0x60: {  	v23 =	vmul.f32 v15, v14;
	v14 =	vld [tilespmem:$0x200]  }
0x61: {  	v42 =	vmul.f32 v21, v20;
	v21 =	vmul.f32 v13, v12;
	v12 =	vld [tilespmem:$0x1200]  }
0x62: {  	v13 =	vld [tilespmem:$0x210]  }
0x63: {  	[tilespmem:$0x1EF30] =	vst v60;
	v60 =	vld [tilespmem:$0x14F0]  }
0x64: {  	v20 =	vmul.f32 v11, v10;
	v10 =	vld [tilespmem:$0x1210]  }
0x65: {  	v37 =	vmul.f32 v17, v16;
	v16 =	vld [tilespmem:$0x1220]  }
0x66: {  	v39 =	vld [tilespmem:$0x230]  }
0x67: {  	[tilespmem:$0x1EB10] =	vst v29;
	v29 =	vld [tilespmem:$0x1230]  }
0x68: {  	[tilespmem:$0x1EF40] =	vst v60;
	v60 =	vld [tilespmem:$0x500]  }
0x69: {  	v40 =	vmul.f32 v5, v4;
	v4 =	vld [tilespmem:$0x280]  }
0x6a: {  	v0 =	vmul.f32 v1, v0;
	v1 =	vld [tilespmem:$0x1290]  }
0x6b: {  	v11 =	vld [tilespmem:$0x2A0]  }
0x6c: {  	v8 =	vld [tilespmem:$0x12A0]  }
0x6d: {  	[tilespmem:$0x1ED60] =	vst v60;
	v60 =	vld [tilespmem:$0x1500]  }
0x6e: {  	v18 =	vmul.f32 v25, v24;
	v24 =	vmul.f32 v58, v43;
	v43 =	vld [tilespmem:$0x2F0]  }
0x6f: {  	v57 =	vmul.f32 v7, v6;
	v6 =	vld [tilespmem:$0x1300]  }
0x70: {  	v7 =	vld [tilespmem:$0x310]  }
0x71: {  	v5 =	vld [tilespmem:$0x1310]  }
0x72: {  	[tilespmem:$0x1ED70] =	vst v60;
	v60 =	vld [tilespmem:$0x510]  }
0x73: {  	v17 =	vld [tilespmem:$0x320]  }
0x74: {  	v15 =	vld [tilespmem:$0x1320]  }
0x75: {  	[tilespmem:$0x1EB20] =	vst v30;
	v30 =	vld [tilespmem:$0x330]  }
0x76: {  	[tilespmem:$0x1EAF0] =	vst v27;
	v27 =	vld [tilespmem:$0x1330]  }
0x77: {  	[tilespmem:$0x1ED80] =	vst v60;
	v60 =	vld [tilespmem:$0x1510]  }
0x78: {  	[tilespmem:$0x1EBC0] =	vst v51;
	v51 =	vld [tilespmem:$0x1340]  }
0x79: {  	v58 =	vld [tilespmem:$0x360]  }
0x7a: {  	[tilespmem:$0x1EB30] =	vst v31;
	v31 =	vld [tilespmem:$0x1380]  }
0x7b: {  	[tilespmem:$0x1EB50] =	vst v32;
	v32 =	vld [tilespmem:$0x390]  }
0x7c: {  	[tilespmem:$0x1ED90] =	vst v60;
	v60 =	vld [tilespmem:$0x520]  }
0x7d: {  	[tilespmem:$0x1EB90] =	vst v52;
	v52 =	vld [tilespmem:$0x13A0]  }
0x7e: {  	[tilespmem:$0x1EB00] =	vst v28;
	v28 =	vld [tilespmem:$0x13D0]  }
0x7f: {  	[tilespmem:$0x1EB60] =	vst v34;
	v34 =	vld [tilespmem:$0x3E0]  }
0x80: {  	[tilespmem:$0x1EBA0] =	vst v53;
	v53 =	vld [tilespmem:$0x430]  }
0x81: {  	[tilespmem:$0x1EDE0] =	vst v60;
	v60 =	vld [tilespmem:$0x1520]  }
0x82: {  	[tilespmem:$0x1EC70] =	vst v61;
	v61 =	vld [tilespmem:$0x1430]  }
0x83: {  	v3 =	vadd.f32 v38, v37;
	v37 =	vld [tilespmem:$0x12C0]  }
0x84: {  	v0 =	vadd.f32 v35, v0;
	v35 =	vld [tilespmem:$0x2D0]  }
0x85: {  	v38 =	vld [tilespmem:$0x2E0]  }
0x86: {  	[tilespmem:$0x1EDF0] =	vst v60;
	v60 =	vld [tilespmem:$0x530]  }
0x87: {  	v3 =	vadd.f32 v42, v3;
	v42 =	vld [tilespmem:$0x2C0]  }
0x88: {  	v0 =	vadd.f32 v40, v0;
	v40 =	vld [tilespmem:$0x12E0]  }
0x89: {  	[tilespmem:$0x1EAD0] =	vst v19;
	v19 =	vld [tilespmem:$0x12B0]  }
0x8a: {  	[tilespmem:$0x1EAC0] =	vst v9;
	v9 =	vld [tilespmem:$0x300]  }
0x8b: {  	[tilespmem:$0x1EE50] =	vst v60;
	v60 =	vld [tilespmem:$0x1530]  }
0x8c: {  	[tilespmem:$0x1EBD0] =	vst v58;
	v58 =	vld [tilespmem:$0x3A0]  }
0x8d: {  	[tilespmem:$0x1EAE0] =	vst v26;
	v26 =	vld [tilespmem:$0x3D0]  }
0x8e: {  	[tilespmem:$0x1EBB0] =	vst v43;
	v43 =	vld [tilespmem:$0x13F0]  }
0x8f: {  	[tilespmem:$0x1EC40] =	vst v28;
	v28 =	vld [tilespmem:$0x1450]  }
0x90: {  	[tilespmem:$0x1EE60] =	vst v60;
	v60 =	vld [tilespmem:$0x540]  }
0x91: {  	[tilespmem:$0x1ECA0] =	vst v34;
	v34 =	vld [tilespmem:$0x460]  }
0x92: {  	[tilespmem:$0x1EC50] =	vst v53;
	v53 =	vld [tilespmem:$0x470]  }
0x93: {  	v0 =	vadd.f32 v57, v0;
	v57 =	vld [tilespmem:$0x340]  }
0x94: {  	v3 =	vadd.f32 v59, v3;
	v59 =	vld [tilespmem:$0x1360]  }
0x95: {  	[tilespmem:$0x1EE90] =	vst v60;
	v60 =	vld [tilespmem:$0x1540]  }
0x96: {  	[tilespmem:$0x1EB70] =	vst v38;
	v38 =	vld [tilespmem:$0x380]  }
0x97: {  	[tilespmem:$0x1EB40] =	vst v35;
	v35 =	vld [tilespmem:$0x13E0]  }
0x98: {  	v3 =	vadd.f32 v18, v3;
	v18 =	vld [tilespmem:$0x220]  }
0x99: {  	v0 =	vadd.f32 v62, v0;
	v62 =	vld [tilespmem:$0x12D0]  }
0x9a: {  	[tilespmem:$0x1EEA0] =	vst v60;
	v60 =	vld [tilespmem:$0x550]  }
0x9b: {  	[tilespmem:$0x1EB80] =	vst v40;
	v40 =	vld [tilespmem:$0x3F0]  }
0x9c: {  	v2 =	vadd.f32 v2, v3;
	v3 =	vld [tilespmem:$0x290]  }
0x9d: {  	v0 =	vadd.f32 v20, v0;
	v20 =	vld [tilespmem:$0x3B0]  }
0x9e: {  	[tilespmem:$0x1ED10] =	vst v43;
	v43 =	vld [tilespmem:$0x420]  }
0x9f: {  	[tilespmem:$0x1EEB0] =	vst v60;
	v60 =	vld [tilespmem:$0x1550]  }
0xa0: {  	[tilespmem:$0x1EC30] =	vst v26;
	v26 =	vld [tilespmem:$0x450]  }
0xa1: {  	[tilespmem:$0x1ED20] =	vst v34;
	v34 =	vld [tilespmem:$0x1480]  }
0xa2: {  	[tilespmem:$0x1ECD0] =	vst v28;
	v28 =	vld [tilespmem:$0x490]  }
0xa3: {  	[tilespmem:$0x1EDC0] =	vst v53;
	v53 =	vld [tilespmem:$0x14A0]  }
0xa4: {  	[tilespmem:$0x1EEC0] =	vst v60;
	v60 =	vld [tilespmem:$0x560]  }
0xa5: {  	[tilespmem:$0x1EBE0] =	vst v59;
	v59 =	vld [tilespmem:$0x440]  }
0xa6: {  	v0 =	vadd.f32 v21, v0;
	v21 =	vld [tilespmem:$0x2B0]  }
0xa7: {  	v2 =	vadd.f32 v22, v2;
	v22 =	vld [tilespmem:$0x13B0]  }
0xa8: {  	[tilespmem:$0x1ECB0] =	vst v35;
	v35 =	vld [tilespmem:$0x1460]  }
0xa9: {  	[tilespmem:$0x1EF90] =	vst v60;
	v60 =	vld [tilespmem:$0x1560]  }
0xaa: {  	v25 =	vadd.f32 v24, v2;
	v2 =	vld [tilespmem:$0x1280]  }
0xab: {  	v0 =	vadd.f32 v23, v0;
	v23 =	vld [tilespmem:$0x3C0];
	[tilespmem:$0x1ED00] =	vst v40  }
0xac: {  	v24 =	vld [tilespmem:$0x13C0];
	[tilespmem:$0x1EBF0] =	vst v20  }
0xad: {  	v40 =	vld [tilespmem:$0x1420];
	[tilespmem:$0x1ECC0] =	vst v26  }
0xae: {  	[tilespmem:$0x1EFA0] =	vst v60;
	v60 =	vld [tilespmem:$0x570]  }
0xaf: {  	v20 =	vld [tilespmem:$0x1410];
	[tilespmem:$0x2080] =	vst v0  }
0xb0: {  	v26 =	vld [tilespmem:$0x1490];
	[tilespmem:$0x2100] =	vst v25  }
0xb1: {  	v25 =	vld [tilespmem:$0x1390];
	[tilespmem:$0x1EC80] =	vst v59  }
0xb2: {  	v59 =	vld [tilespmem:$0x1470];
	[tilespmem:$0x1EC00] =	vst v22  }
0xb3: {  	[tilespmem:$0x1EFF0] =	vst v60;
	v60 =	vld [tilespmem:$0x1570]  }
0xb4: {  	v22 =	vld [tilespmem:$0x1400];
	[tilespmem:$0x1ED30] =	vst v35  }
0xb5: {  	v35 =	vld [tilespmem:$0x480];
	[tilespmem:$0x1EC10] =	vst v23  }
0xb6: {  	[tilespmem:$0x1EC20] =	vst v24;
	v24 =	vld [tilespmem:$0x400]  }
0xb7: {  	v23 =	vld [tilespmem:$0x410];
	[tilespmem:$0x1EDD0] =	vst v59  }
0xb8: {  	v59 =	vld [tilespmem:$0x4A0];
	[tilespmem:$0x1F000] =	vst v60  }
0xb9: {  	v0 =	vld [tilespmem:$0x580];
	_ =	sdelay $0x4  }
0xba: {  	[tilespmem:$0x1EE00] =	vst v0;
	v0 =	vld [tilespmem:$0x5A0];
	_ =	sdelay $0x4  }
0xbb: {  	[tilespmem:$0x1EE70] =	vst v0;
	v0 =	vld [tilespmem:$0x15A0];
	_ =	sdelay $0x4  }
0xbc: {  	[tilespmem:$0x1EE80] =	vst v0;
	v0 =	vld [tilespmem:$0x5B0];
	_ =	sdelay $0x4  }
0xbd: {  	[tilespmem:$0x1EED0] =	vst v0;
	v0 =	vld [tilespmem:$0x15B0];
	_ =	sdelay $0x4  }
0xbe: {  	[tilespmem:$0x1EEE0] =	vst v0;
	v0 =	vld [tilespmem:$0x5C0];
	_ =	sdelay $0x4  }
0xbf: {  	[tilespmem:$0x1EF50] =	vst v0;
	v0 =	vld [tilespmem:$0x15C0];
	_ =	sdelay $0x4  }
0xc0: {  	[tilespmem:$0x1EF60] =	vst v0;
	v0 =	vld [tilespmem:$0x5D0];
	_ =	sdelay $0x4  }
0xc1: {  	[tilespmem:$0x1EFB0] =	vst v0;
	v0 =	vld [tilespmem:$0x15D0];
	_ =	sdelay $0x4  }
0xc2: {  	[tilespmem:$0x1EFC0] =	vst v0;
	v0 =	vld [tilespmem:$0x5E0];
	_ =	sdelay $0x4  }
0xc3: {  	[tilespmem:$0x1F010] =	vst v0;
	v0 =	vld [tilespmem:$0x15E0];
	_ =	sdelay $0x4  }
0xc4: {  	[tilespmem:$0x1F020] =	vst v0;
	v0 =	vld [tilespmem:$0x5F0];
	_ =	sdelay $0x4  }
0xc5: {  	[tilespmem:$0x1F0B0] =	vst v0;
	v0 =	vld [tilespmem:$0x15F0];
	_ =	sdelay $0x4  }
0xc6: {  	[tilespmem:$0x1F0C0] =	vst v0;
	v0 =	vld [tilespmem:$0x600];
	_ =	sdelay $0x4  }
0xc7: {  	[tilespmem:$0x1EEF0] =	vst v0;
	v0 =	vld [tilespmem:$0x1600];
	_ =	sdelay $0x4  }
0xc8: {  	[tilespmem:$0x1EF00] =	vst v0;
	v0 =	vld [tilespmem:$0x610];
	_ =	sdelay $0x4  }
0xc9: {  	[tilespmem:$0x1EF10] =	vst v0;
	v0 =	vld [tilespmem:$0x1610];
	_ =	sdelay $0x4  }
0xca: {  	[tilespmem:$0x1EF20] =	vst v0;
	v0 =	vld [tilespmem:$0x620];
	_ =	sdelay $0x4  }
0xcb: {  	[tilespmem:$0x1EF70] =	vst v0;
	v0 =	vld [tilespmem:$0x1620];
	_ =	sdelay $0x4  }
0xcc: {  	[tilespmem:$0x1EF80] =	vst v0;
	v0 =	vld [tilespmem:$0x630];
	_ =	sdelay $0x4  }
0xcd: {  	[tilespmem:$0x1EFD0] =	vst v0;
	v0 =	vld [tilespmem:$0x1630];
	_ =	sdelay $0x4  }
0xce: {  	[tilespmem:$0x1EFE0] =	vst v0;
	v0 =	vld [tilespmem:$0x640];
	_ =	sdelay $0x4  }
0xcf: {  	[tilespmem:$0x1F030] =	vst v0;
	v0 =	vld [tilespmem:$0x1640];
	_ =	sdelay $0x4  }
0xd0: {  	[tilespmem:$0x1F040] =	vst v0;
	v0 =	vld [tilespmem:$0x650];
	_ =	sdelay $0x4  }
0xd1: {  	[tilespmem:$0x1F090] =	vst v0;
	v0 =	vld [tilespmem:$0x1650];
	_ =	sdelay $0x4  }
0xd2: {  	[tilespmem:$0x1F0A0] =	vst v0;
	v0 =	vld [tilespmem:$0x660];
	_ =	sdelay $0x4  }
0xd3: {  	[tilespmem:$0x1F130] =	vst v0;
	v0 =	vld [tilespmem:$0x1660];
	_ =	sdelay $0x4  }
0xd4: {  	[tilespmem:$0x1F140] =	vst v0;
	v0 =	vld [tilespmem:$0x670];
	_ =	sdelay $0x4  }
0xd5: {  	[tilespmem:$0x1F230] =	vst v0;
	v0 =	vld [tilespmem:$0x1670];
	_ =	sdelay $0x4  }
0xd6: {  	[tilespmem:$0x1F240] =	vst v0;
	v0 =	vld [tilespmem:$0x680];
	_ =	sdelay $0x4  }
0xd7: {  	[tilespmem:$0x1F050] =	vst v0;
	v0 =	vld [tilespmem:$0x1680];
	_ =	sdelay $0x4  }
0xd8: {  	[tilespmem:$0x1F060] =	vst v0;
	v0 =	vld [tilespmem:$0x690];
	_ =	sdelay $0x4  }
0xd9: {  	[tilespmem:$0x1F070] =	vst v0;
	v0 =	vld [tilespmem:$0x1690];
	_ =	sdelay $0x4  }
0xda: {  	[tilespmem:$0x1F080] =	vst v0;
	v0 =	vld [tilespmem:$0x6A0];
	_ =	sdelay $0x4  }
0xdb: {  	[tilespmem:$0x1F0D0] =	vst v0;
	v0 =	vld [tilespmem:$0x16A0];
	_ =	sdelay $0x4  }
0xdc: {  	[tilespmem:$0x1F0E0] =	vst v0;
	v0 =	vld [tilespmem:$0x6B0];
	_ =	sdelay $0x4  }
0xdd: {  	[tilespmem:$0x1F150] =	vst v0;
	v0 =	vld [tilespmem:$0x16B0];
	_ =	sdelay $0x4  }
0xde: {  	[tilespmem:$0x1F160] =	vst v0;
	v0 =	vld [tilespmem:$0x6C0];
	_ =	sdelay $0x4  }
0xdf: {  	[tilespmem:$0x1F190] =	vst v0;
	v0 =	vld [tilespmem:$0x16C0];
	_ =	sdelay $0x4  }
0xe0: {  	[tilespmem:$0x1F1A0] =	vst v0;
	v0 =	vld [tilespmem:$0x6D0];
	_ =	sdelay $0x4  }
0xe1: {  	[tilespmem:$0x1F1B0] =	vst v0;
	v0 =	vld [tilespmem:$0x16D0];
	_ =	sdelay $0x4  }
0xe2: {  	[tilespmem:$0x1F1C0] =	vst v0;
	v0 =	vld [tilespmem:$0x6E0];
	_ =	sdelay $0x4  }
0xe3: {  	[tilespmem:$0x1F290] =	vst v0;
	v0 =	vld [tilespmem:$0x16E0];
	_ =	sdelay $0x4  }
0xe4: {  	[tilespmem:$0x1F2A0] =	vst v0;
	v0 =	vld [tilespmem:$0x6F0];
	_ =	sdelay $0x4  }
0xe5: {  	[tilespmem:$0x1F2F0] =	vst v0;
	v0 =	vld [tilespmem:$0x16F0];
	_ =	sdelay $0x4  }
0xe6: {  	[tilespmem:$0x1F300] =	vst v0;
	v0 =	vld [tilespmem:$0x700];
	_ =	sdelay $0x4  }
0xe7: {  	[tilespmem:$0x1F0F0] =	vst v0;
	v0 =	vld [tilespmem:$0x1700];
	_ =	sdelay $0x4  }
0xe8: {  	[tilespmem:$0x1F100] =	vst v0;
	v0 =	vld [tilespmem:$0x710];
	_ =	sdelay $0x4  }
0xe9: {  	[tilespmem:$0x1F110] =	vst v0;
	v0 =	vld [tilespmem:$0x1710];
	_ =	sdelay $0x4  }
0xea: {  	[tilespmem:$0x1F120] =	vst v0;
	v0 =	vld [tilespmem:$0x720];
	_ =	sdelay $0x4  }
0xeb: {  	[tilespmem:$0x1F170] =	vst v0;
	v0 =	vld [tilespmem:$0x1720];
	_ =	sdelay $0x4  }
0xec: {  	[tilespmem:$0x1F180] =	vst v0;
	v0 =	vld [tilespmem:$0x730];
	_ =	sdelay $0x4  }
0xed: {  	[tilespmem:$0x1F1D0] =	vst v0;
	v0 =	vld [tilespmem:$0x1730];
	_ =	sdelay $0x4  }
0xee: {  	[tilespmem:$0x1F1E0] =	vst v0;
	v0 =	vld [tilespmem:$0x740];
	_ =	sdelay $0x4  }
0xef: {  	[tilespmem:$0x1F250] =	vst v0;
	v0 =	vld [tilespmem:$0x1740];
	_ =	sdelay $0x4  }
0xf0: {  	[tilespmem:$0x1F260] =	vst v0;
	v0 =	vld [tilespmem:$0x750];
	_ =	sdelay $0x4  }
0xf1: {  	[tilespmem:$0x1F2B0] =	vst v0;
	v0 =	vld [tilespmem:$0x1750];
	_ =	sdelay $0x4  }
0xf2: {  	[tilespmem:$0x1F2C0] =	vst v0;
	v0 =	vld [tilespmem:$0x760];
	_ =	sdelay $0x4  }
0xf3: {  	[tilespmem:$0x1F310] =	vst v0;
	v0 =	vld [tilespmem:$0x1760];
	_ =	sdelay $0x4  }
0xf4: {  	[tilespmem:$0x1F320] =	vst v0;
	v0 =	vld [tilespmem:$0x770];
	_ =	sdelay $0x4  }
0xf5: {  	[tilespmem:$0x1F3B0] =	vst v0;
	v0 =	vld [tilespmem:$0x1770];
	_ =	sdelay $0x4  }
0xf6: {  	[tilespmem:$0x1F3C0] =	vst v0;
	v0 =	vld [tilespmem:$0x780];
	_ =	sdelay $0x4  }
0xf7: {  	[tilespmem:$0x1F1F0] =	vst v0;
	v0 =	vld [tilespmem:$0x1780];
	_ =	sdelay $0x4  }
0xf8: {  	[tilespmem:$0x1F200] =	vst v0;
	v0 =	vld [tilespmem:$0x790];
	_ =	sdelay $0x4  }
0xf9: {  	[tilespmem:$0x1F210] =	vst v0;
	v0 =	vld [tilespmem:$0x1790];
	_ =	sdelay $0x4  }
0xfa: {  	[tilespmem:$0x1F220] =	vst v0;
	v0 =	vld [tilespmem:$0x7A0];
	_ =	sdelay $0x4  }
0xfb: {  	[tilespmem:$0x1F270] =	vst v0;
	v0 =	vld [tilespmem:$0x17A0];
	_ =	sdelay $0x4  }
0xfc: {  	[tilespmem:$0x1F280] =	vst v0;
	v0 =	vld [tilespmem:$0x7B0];
	_ =	sdelay $0x4  }
0xfd: {  	[tilespmem:$0x1F2D0] =	vst v0;
	v0 =	vld [tilespmem:$0x17B0];
	_ =	sdelay $0x4  }
0xfe: {  	[tilespmem:$0x1F2E0] =	vst v0;
	v0 =	vld [tilespmem:$0x7C0];
	_ =	sdelay $0x4  }
0xff: {  	[tilespmem:$0x1F330] =	vst v0;
	v0 =	vld [tilespmem:$0x17C0];
	_ =	sdelay $0x4  }
0x100: {  	[tilespmem:$0x1F340] =	vst v0;
	v0 =	vld [tilespmem:$0x7D0];
	_ =	sdelay $0x4  }
0x101: {  	[tilespmem:$0x1F390] =	vst v0;
	v0 =	vld [tilespmem:$0x17D0];
	_ =	sdelay $0x4  }
0x102: {  	[tilespmem:$0x1F3A0] =	vst v0;
	v0 =	vld [tilespmem:$0x7E0];
	_ =	sdelay $0x4  }
0x103: {  	[tilespmem:$0x1F430] =	vst v0;
	v0 =	vld [tilespmem:$0x17E0];
	_ =	sdelay $0x4  }
0x104: {  	[tilespmem:$0x1F440] =	vst v0;
	v0 =	vld [tilespmem:$0x7F0];
	_ =	sdelay $0x4  }
0x105: {  	[tilespmem:$0x1F530] =	vst v0;
	v0 =	vld [tilespmem:$0x17F0];
	_ =	sdelay $0x4  }
0x106: {  	[tilespmem:$0x1F540] =	vst v0;
	v0 =	vld [tilespmem:$0x800];
	_ =	sdelay $0x4  }
0x107: {  	[tilespmem:$0x1F350] =	vst v0;
	v0 =	vld [tilespmem:$0x1800];
	_ =	sdelay $0x4  }
0x108: {  	[tilespmem:$0x1F360] =	vst v0;
	v0 =	vld [tilespmem:$0x810];
	_ =	sdelay $0x4  }
0x109: {  	[tilespmem:$0x1F370] =	vst v0;
	v0 =	vld [tilespmem:$0x1810];
	_ =	sdelay $0x4  }
0x10a: {  	[tilespmem:$0x1F380] =	vst v0;
	v0 =	vld [tilespmem:$0x820];
	_ =	sdelay $0x4  }
0x10b: {  	[tilespmem:$0x1F3D0] =	vst v0;
	v0 =	vld [tilespmem:$0x1820];
	_ =	sdelay $0x4  }
0x10c: {  	[tilespmem:$0x1F3E0] =	vst v0;
	v0 =	vld [tilespmem:$0x830];
	_ =	sdelay $0x4  }
0x10d: {  	[tilespmem:$0x1F450] =	vst v0;
	v0 =	vld [tilespmem:$0x1830];
	_ =	sdelay $0x4  }
0x10e: {  	[tilespmem:$0x1F460] =	vst v0;
	v0 =	vld [tilespmem:$0x840];
	_ =	sdelay $0x4  }
0x10f: {  	[tilespmem:$0x1F490] =	vst v0;
	v0 =	vld [tilespmem:$0x1840];
	_ =	sdelay $0x4  }
0x110: {  	[tilespmem:$0x1F4A0] =	vst v0;
	v0 =	vld [tilespmem:$0x850];
	_ =	sdelay $0x4  }
0x111: {  	[tilespmem:$0x1F4B0] =	vst v0;
	v0 =	vld [tilespmem:$0x1850];
	_ =	sdelay $0x4  }
0x112: {  	[tilespmem:$0x1F4C0] =	vst v0;
	v0 =	vld [tilespmem:$0x860];
	_ =	sdelay $0x4  }
0x113: {  	[tilespmem:$0x1F590] =	vst v0;
	v0 =	vld [tilespmem:$0x1860];
	_ =	sdelay $0x4  }
0x114: {  	[tilespmem:$0x1F5A0] =	vst v0;
	v0 =	vld [tilespmem:$0x870];
	_ =	sdelay $0x4  }
0x115: {  	[tilespmem:$0x1F5F0] =	vst v0;
	v0 =	vld [tilespmem:$0x1870];
	_ =	sdelay $0x4  }
0x116: {  	[tilespmem:$0x1F600] =	vst v0;
	v0 =	vld [tilespmem:$0x880];
	_ =	sdelay $0x4  }
0x117: {  	[tilespmem:$0x1F3F0] =	vst v0;
	v0 =	vld [tilespmem:$0x1880];
	_ =	sdelay $0x4  }
0x118: {  	[tilespmem:$0x1F400] =	vst v0;
	v0 =	vld [tilespmem:$0x890];
	_ =	sdelay $0x4  }
0x119: {  	[tilespmem:$0x1F410] =	vst v0;
	v0 =	vld [tilespmem:$0x1890];
	_ =	sdelay $0x4  }
0x11a: {  	[tilespmem:$0x1F420] =	vst v0;
	v0 =	vld [tilespmem:$0x8A0];
	_ =	sdelay $0x4  }
0x11b: {  	[tilespmem:$0x1F470] =	vst v0;
	v0 =	vld [tilespmem:$0x18A0];
	_ =	sdelay $0x4  }
0x11c: {  	[tilespmem:$0x1F480] =	vst v0;
	v0 =	vld [tilespmem:$0x8B0];
	_ =	sdelay $0x4  }
0x11d: {  	[tilespmem:$0x1F4D0] =	vst v0;
	v0 =	vld [tilespmem:$0x18B0];
	_ =	sdelay $0x4  }
0x11e: {  	[tilespmem:$0x1F4E0] =	vst v0;
	v0 =	vld [tilespmem:$0x8C0];
	_ =	sdelay $0x4  }
0x11f: {  	[tilespmem:$0x1F550] =	vst v0;
	v0 =	vld [tilespmem:$0x18C0];
	_ =	sdelay $0x4  }
0x120: {  	[tilespmem:$0x1F560] =	vst v0;
	v0 =	vld [tilespmem:$0x8D0];
	_ =	sdelay $0x4  }
0x121: {  	[tilespmem:$0x1F5B0] =	vst v0;
	v0 =	vld [tilespmem:$0x18D0];
	_ =	sdelay $0x4  }
0x122: {  	[tilespmem:$0x1F5C0] =	vst v0;
	v0 =	vld [tilespmem:$0x8E0];
	_ =	sdelay $0x4  }
0x123: {  	[tilespmem:$0x1F610] =	vst v0;
	v0 =	vld [tilespmem:$0x18E0];
	_ =	sdelay $0x4  }
0x124: {  	[tilespmem:$0x1F620] =	vst v0;
	v0 =	vld [tilespmem:$0x8F0];
	_ =	sdelay $0x4  }
0x125: {  	[tilespmem:$0x1F6B0] =	vst v0;
	v0 =	vld [tilespmem:$0x18F0];
	_ =	sdelay $0x4  }
0x126: {  	[tilespmem:$0x1F6C0] =	vst v0;
	v0 =	vld [tilespmem:$0x900];
	_ =	sdelay $0x4  }
0x127: {  	[tilespmem:$0x1F4F0] =	vst v0;
	v0 =	vld [tilespmem:$0x1900];
	_ =	sdelay $0x4  }
0x128: {  	[tilespmem:$0x1F500] =	vst v0;
	v0 =	vld [tilespmem:$0x910];
	_ =	sdelay $0x4  }
0x129: {  	[tilespmem:$0x1F510] =	vst v0;
	v0 =	vld [tilespmem:$0x1910];
	_ =	sdelay $0x4  }
0x12a: {  	[tilespmem:$0x1F520] =	vst v0;
	v0 =	vld [tilespmem:$0x920];
	_ =	sdelay $0x4  }
0x12b: {  	[tilespmem:$0x1F570] =	vst v0;
	v0 =	vld [tilespmem:$0x1920];
	_ =	sdelay $0x4  }
0x12c: {  	[tilespmem:$0x1F580] =	vst v0;
	v0 =	vld [tilespmem:$0x930];
	_ =	sdelay $0x4  }
0x12d: {  	[tilespmem:$0x1F5D0] =	vst v0;
	v0 =	vld [tilespmem:$0x1930];
	_ =	sdelay $0x4  }
0x12e: {  	[tilespmem:$0x1F5E0] =	vst v0;
	v0 =	vld [tilespmem:$0x940];
	_ =	sdelay $0x4  }
0x12f: {  	[tilespmem:$0x1F630] =	vst v0;
	v0 =	vld [tilespmem:$0x1940];
	_ =	sdelay $0x4  }
0x130: {  	[tilespmem:$0x1F640] =	vst v0;
	v0 =	vld [tilespmem:$0x950];
	_ =	sdelay $0x4  }
0x131: {  	[tilespmem:$0x1F690] =	vst v0;
	v0 =	vld [tilespmem:$0x1950];
	_ =	sdelay $0x4  }
0x132: {  	[tilespmem:$0x1F6A0] =	vst v0;
	v0 =	vld [tilespmem:$0x960];
	_ =	sdelay $0x4  }
0x133: {  	[tilespmem:$0x1F730] =	vst v0;
	v0 =	vld [tilespmem:$0x1960];
	_ =	sdelay $0x4  }
0x134: {  	[tilespmem:$0x1F740] =	vst v0;
	v0 =	vld [tilespmem:$0x970];
	_ =	sdelay $0x4  }
0x135: {  	[tilespmem:$0x1F830] =	vst v0;
	v0 =	vld [tilespmem:$0x1970];
	_ =	sdelay $0x4  }
0x136: {  	[tilespmem:$0x1F840] =	vst v0;
	v0 =	vld [tilespmem:$0x980];
	_ =	sdelay $0x4  }
0x137: {  	[tilespmem:$0x1F650] =	vst v0;
	v0 =	vld [tilespmem:$0x1980];
	_ =	sdelay $0x4  }
0x138: {  	[tilespmem:$0x1F660] =	vst v0;
	v0 =	vld [tilespmem:$0x990];
	_ =	sdelay $0x4  }
0x139: {  	[tilespmem:$0x1F670] =	vst v0;
	v0 =	vld [tilespmem:$0x1990];
	_ =	sdelay $0x4  }
0x13a: {  	[tilespmem:$0x1F680] =	vst v0;
	v0 =	vld [tilespmem:$0x9A0];
	_ =	sdelay $0x4  }
0x13b: {  	[tilespmem:$0x1F6D0] =	vst v0;
	v0 =	vld [tilespmem:$0x19A0];
	_ =	sdelay $0x4  }
0x13c: {  	[tilespmem:$0x1F6E0] =	vst v0;
	v0 =	vld [tilespmem:$0x9B0];
	_ =	sdelay $0x4  }
0x13d: {  	[tilespmem:$0x1F750] =	vst v0;
	v0 =	vld [tilespmem:$0x19B0];
	_ =	sdelay $0x4  }
0x13e: {  	[tilespmem:$0x1F760] =	vst v0;
	v0 =	vld [tilespmem:$0x9C0];
	_ =	sdelay $0x4  }
0x13f: {  	[tilespmem:$0x1F790] =	vst v0;
	v0 =	vld [tilespmem:$0x19C0];
	_ =	sdelay $0x4  }
0x140: {  	[tilespmem:$0x1F7A0] =	vst v0;
	v0 =	vld [tilespmem:$0x9D0];
	_ =	sdelay $0x4  }
0x141: {  	[tilespmem:$0x1F7B0] =	vst v0;
	v0 =	vld [tilespmem:$0x19D0];
	_ =	sdelay $0x4  }
0x142: {  	[tilespmem:$0x1F7C0] =	vst v0;
	v0 =	vld [tilespmem:$0x9E0];
	_ =	sdelay $0x4  }
0x143: {  	[tilespmem:$0x1F890] =	vst v0;
	v0 =	vld [tilespmem:$0xB00];
	_ =	sdelay $0x4  }
0x144: {  	[tilespmem:$0x1F950] =	vst v0;
	v0 =	vld [tilespmem:$0x19E0];
	_ =	sdelay $0x4  }
0x145: {  	[tilespmem:$0x1F8A0] =	vst v0;
	v0 =	vld [tilespmem:$0x9F0];
	_ =	sdelay $0x4  }
0x146: {  	[tilespmem:$0x1F8F0] =	vst v0;
	v0 =	vld [tilespmem:$0x19F0];
	_ =	sdelay $0x4  }
0x147: {  	[tilespmem:$0x1F900] =	vst v0;
	v0 =	vld [tilespmem:$0xA00];
	_ =	sdelay $0x4  }
0x148: {  	[tilespmem:$0x1F6F0] =	vst v0;
	v0 =	vld [tilespmem:$0x1A00];
	_ =	sdelay $0x4  }
0x149: {  	[tilespmem:$0x1F700] =	vst v0;
	v0 =	vld [tilespmem:$0xA10];
	_ =	sdelay $0x4  }
0x14a: {  	[tilespmem:$0x1F710] =	vst v0;
	v0 =	vld [tilespmem:$0x1A10];
	_ =	sdelay $0x4  }
0x14b: {  	[tilespmem:$0x1F720] =	vst v0;
	v0 =	vld [tilespmem:$0xA20];
	_ =	sdelay $0x4  }
0x14c: {  	[tilespmem:$0x1F770] =	vst v0;
	v0 =	vld [tilespmem:$0x1A20];
	_ =	sdelay $0x4  }
0x14d: {  	[tilespmem:$0x1F780] =	vst v0;
	v0 =	vld [tilespmem:$0xA30];
	_ =	sdelay $0x4  }
0x14e: {  	[tilespmem:$0x1F7D0] =	vst v0;
	v0 =	vld [tilespmem:$0xA50];
	_ =	sdelay $0x4  }
0x14f: {  	[tilespmem:$0x1F8B0] =	vst v0;
	v0 =	vld [tilespmem:$0x1A30];
	_ =	sdelay $0x4  }
0x150: {  	[tilespmem:$0x1F7E0] =	vst v0;
	v0 =	vld [tilespmem:$0xA40];
	_ =	sdelay $0x4  }
0x151: {  	[tilespmem:$0x1F850] =	vst v0;
	v0 =	vld [tilespmem:$0x1A40];
	_ =	sdelay $0x4  }
0x152: {  	[tilespmem:$0x1F860] =	vst v0;
	v0 =	vld [tilespmem:$0x1A50];
	_ =	sdelay $0x4  }
0x153: {  	[tilespmem:$0x1F8C0] =	vst v0;
	v0 =	vld [tilespmem:$0xA60];
	_ =	sdelay $0x4  }
0x154: {  	[tilespmem:$0x1F910] =	vst v0;
	v0 =	vld [tilespmem:$0x1A60];
	_ =	sdelay $0x4  }
0x155: {  	[tilespmem:$0x1F920] =	vst v0;
	v0 =	vld [tilespmem:$0xA70];
	_ =	sdelay $0x4  }
0x156: {  	[tilespmem:$0x1F9B0] =	vst v0;
	v0 =	vld [tilespmem:$0x1CD0];
	_ =	sdelay $0x4  }
0x157: {  	[tilespmem:$0x1FCF0] =	vst v0;
	v0 =	vld [tilespmem:$0x1A70];
	_ =	sdelay $0x4  }
0x158: {  	[tilespmem:$0x1F9C0] =	vst v0;
	v0 =	vld [tilespmem:$0xBF0];
	_ =	sdelay $0x4  }
0x159: {  	[tilespmem:$0x1FC50] =	vst v0;
	v0 =	vld [tilespmem:$0xA80];
	_ =	sdelay $0x4  }
0x15a: {  	[tilespmem:$0x1F7F0] =	vst v0;
	v0 =	vld [tilespmem:$0x1A80];
	_ =	sdelay $0x4  }
0x15b: {  	[tilespmem:$0x1F800] =	vst v0;
	v0 =	vld [tilespmem:$0xA90];
	_ =	sdelay $0x4  }
0x15c: {  	[tilespmem:$0x1F810] =	vst v0;
	v0 =	vld [tilespmem:$0xCA0];
	_ =	sdelay $0x4  }
0x15d: {  	[tilespmem:$0x1FC00] =	vst v0;
	v0 =	vld [tilespmem:$0x1A90];
	_ =	sdelay $0x4  }
0x15e: {  	[tilespmem:$0x1F820] =	vst v0;
	v0 =	vld [tilespmem:$0xC50];
	_ =	sdelay $0x4  }
0x15f: {  	[tilespmem:$0x1FBC0] =	vst v0;
	v0 =	vld [tilespmem:$0xAA0];
	_ =	sdelay $0x4  }
0x160: {  	[tilespmem:$0x1F870] =	vst v0;
	v0 =	vld [tilespmem:$0xC80];
	_ =	sdelay $0x4  }
0x161: {  	[tilespmem:$0x1FB90] =	vst v0;
	v0 =	vld [tilespmem:$0xC90];
	_ =	sdelay $0x4  }
0x162: {  	[tilespmem:$0x1FBA0] =	vst v0;
	v0 =	vld [tilespmem:$0x1BE0];
	_ =	sdelay $0x4  }
0x163: {  	[tilespmem:$0x1FB70] =	vst v0;
	v0 =	vld [tilespmem:$0x1AA0];
	_ =	sdelay $0x4  }
0x164: {  	[tilespmem:$0x1F880] =	vst v0;
	v0 =	vld [tilespmem:$0xAB0];
	_ =	sdelay $0x4  }
0x165: {  	[tilespmem:$0x1F8D0] =	vst v0;
	v0 =	vld [tilespmem:$0x1AB0];
	_ =	sdelay $0x4  }
0x166: {  	[tilespmem:$0x1F8E0] =	vst v0;
	v0 =	vld [tilespmem:$0xAC0];
	_ =	sdelay $0x4  }
0x167: {  	[tilespmem:$0x1F930] =	vst v0;
	v0 =	vld [tilespmem:$0x1AC0];
	_ =	sdelay $0x4  }
0x168: {  	[tilespmem:$0x1F940] =	vst v0;
	v0 =	vld [tilespmem:$0xBD0];
	_ =	sdelay $0x4  }
0x169: {  	[tilespmem:$0x1FB20] =	vst v0;
	v0 =	vld [tilespmem:$0xC30];
	_ =	sdelay $0x4  }
0x16a: {  	[tilespmem:$0x1FB40] =	vst v0;
	v0 =	vld [tilespmem:$0xAD0];
	_ =	sdelay $0x4  }
0x16b: {  	[tilespmem:$0x1F990] =	vst v0;
	v0 =	vld [tilespmem:$0x1AD0];
	_ =	sdelay $0x4  }
0x16c: {  	[tilespmem:$0x1F9A0] =	vst v0;
	v0 =	vld [tilespmem:$0xBC0];
	_ =	sdelay $0x4  }
0x16d: {  	[tilespmem:$0x1FAE0] =	vst v0;
	v0 =	vld [tilespmem:$0xB60];
	_ =	sdelay $0x4  }
0x16e: {  	[tilespmem:$0x1FB00] =	vst v0;
	v0 =	vld [tilespmem:$0x1C00];
	_ =	sdelay $0x4  }
0x16f: {  	[tilespmem:$0x1FAB0] =	vst v0;
	v0 =	vld [tilespmem:$0xAE0];
	_ =	sdelay $0x4  }
0x170: {  	[tilespmem:$0x1FA10] =	vst v0;
	v0 =	vld [tilespmem:$0x1AE0];
	_ =	sdelay $0x4  }
0x171: {  	[tilespmem:$0x1FA20] =	vst v0;
	v0 =	vld [tilespmem:$0xAF0];
	_ =	sdelay $0x4  }
0x172: {  	[tilespmem:$0x1FAC0] =	vst v0;
	v0 =	vld [tilespmem:$0xC20];
	_ =	sdelay $0x4  }
0x173: {  	[tilespmem:$0x1FAF0] =	vst v0;
	v0 =	vld [tilespmem:$0x1AF0];
	_ =	sdelay $0x4  }
0x174: {  	[tilespmem:$0x1FAD0] =	vst v0;
	v0 =	vld [tilespmem:$0x1B30];
	_ =	sdelay $0x4  }
0x175: {  	[tilespmem:$0x1FA30] =	vst v0;
	v0 =	vld [tilespmem:$0x1B00];
	_ =	sdelay $0x4  }
0x176: {  	[tilespmem:$0x1F960] =	vst v0;
	v0 =	vld [tilespmem:$0x1BA0];
	_ =	sdelay $0x4  }
0x177: {  	[tilespmem:$0x1FA50] =	vst v0;
	v0 =	vld [tilespmem:$0xB10];
	_ =	sdelay $0x4  }
0x178: {  	[tilespmem:$0x1F970] =	vst v0;
	v0 =	vld [tilespmem:$0x1B10];
	_ =	sdelay $0x4  }
0x179: {  	[tilespmem:$0x1F980] =	vst v0;
	v0 =	vld [tilespmem:$0xB20];
	_ =	sdelay $0x4  }
0x17a: {  	[tilespmem:$0x1F9D0] =	vst v0;
	v0 =	vld [tilespmem:$0x1B80];
	_ =	sdelay $0x4  }
0x17b: {  	[tilespmem:$0x1F9F0] =	vst v0;
	v0 =	vld [tilespmem:$0x1B20];
	_ =	sdelay $0x4  }
0x17c: {  	[tilespmem:$0x1F9E0] =	vst v0;
	v0 =	vld [tilespmem:$0xB30];
	_ =	sdelay $0x4  }
0x17d: {  	[tilespmem:$0x1FA40] =	vst v0;
	v0 =	vld [tilespmem:$0xB40];
	_ =	sdelay $0x4  }
0x17e: {  	[tilespmem:$0x1FA70] =	vst v0;
	v0 =	vld [tilespmem:$0x1B40];
	_ =	sdelay $0x4  }
0x17f: {  	[tilespmem:$0x1FA80] =	vst v0;
	v0 =	vld [tilespmem:$0xB50]  }
0x180: {  	v60 =	vld [tilespmem:$0x1580]  }
0x181: {  	v45 =	vmul.f32 v45, v54;
	v54 =	vld [tilespmem:$0xB70]  }
0x182: {  	v36 =	vmul.f32 v36, v46;
	v46 =	vld [tilespmem:$0xB80]  }
0x183: {  	v33 =	vmul.f32 v33, v44;
	v44 =	vld [tilespmem:$0x1B90]  }
0x184: {  	[tilespmem:$0x1FA90] =	vst v0;
	v0 =	vld [tilespmem:$0x1EAC0]  }
0x185: {  	v12 =	vmul.f32 v12, v14;
	v10 =	vmul.f32 v10, v13;
	v14 =	vld [tilespmem:$0xBB0]  }
0x186: {  	v47 =	vmul.f32 v41, v47;
	v41 =	vmul.f32 v8, v11;
	v13 =	vld [tilespmem:$0x1BC0]  }
0x187: {  	v1 =	vmul.f32 v1, v3;
	v2 =	vmul.f32 v2, v4;
	v11 =	vld [tilespmem:$0xC00]  }
0x188: {  	v10 =	vadd.f32 v10, v12;
	v12 =	vld [tilespmem:$0x1C10]  }
0x189: {  	v1 =	vadd.f32 v1, v2;
	v0 =	vmul.f32 v0, v63;
	v63 =	vld [tilespmem:$0x1EAD0]  }
0x18a: {  	[tilespmem:$0x1EE10] =	vst v60;
	v60 =	vld [tilespmem:$0x590]  }
0x18b: {  	v1 =	vadd.f32 v41, v1;
	v41 =	vld [tilespmem:$0x1EB60]  }
0x18c: {  	v8 =	vld [tilespmem:$0x1ECE0]  }
0x18d: {  	[tilespmem:$0x1FB50] =	vst v54;
	v54 =	vld [tilespmem:$0x1EAE0]  }
0x18e: {  	v48 =	vmul.f32 v48, v63;
	v63 =	vld [tilespmem:$0x1B50]  }
0x18f: {  	[tilespmem:$0x1EE20] =	vst v60;
	v60 =	vld [tilespmem:$0x1590]  }
0x190: {  	v0 =	vadd.f32 v48, v0;
	v48 =	vmul.f32 v16, v18;
	v16 =	vld [tilespmem:$0x1BB0]  }
0x191: {  	v18 =	vld [tilespmem:$0x1EAF0]  }
0x192: {  	v0 =	vadd.f32 v45, v0;
	v45 =	vld [tilespmem:$0xBA0]  }
0x193: {  	[tilespmem:$0x1FAA0] =	vst v63;
	v63 =	vld [tilespmem:$0x1B60]  }
0x194: {  	v0 =	vadd.f32 v36, v0;
	v36 =	vmul.f32 v29, v39;
	v39 =	vld [tilespmem:$0x1BD0]  }
0x195: {  	v29 =	vld [tilespmem:$0xBE0]  }
0x196: {  	v3 =	vmul.f32 v18, v54;
	v54 =	vld [tilespmem:$0x1EB10]  }
0x197: {  	v18 =	vmul.f32 v52, v58;
	v52 =	vld [tilespmem:$0xCC0]  }
0x198: {  	v58 =	vld [tilespmem:$0x1ECC0]  }
0x199: {  	v0 =	vadd.f32 v33, v0;
	v33 =	vadd.f32 v48, v10;
	v10 =	vld [tilespmem:$0x1BF0]  }
0x19a: {  	v48 =	vmul.f32 v19, v21;
	v19 =	vld [tilespmem:$0x1EB20]  }
0x19b: {  	v21 =	vld [tilespmem:$0x1EB30]  }
0x19c: {  	[tilespmem:$0x1FA60] =	vst v45;
	v45 =	vmul.f32 v49, v55;
	v49 =	vmul.f32 v6, v9;
	v9 =	vld [tilespmem:$0xC10]  }
0x19d: {  	v55 =	vmul.f32 v37, v42;
	v37 =	vmul.f32 v27, v30;
	v27 =	vld [tilespmem:$0xC40]  }
0x19e: {  	v42 =	vld [tilespmem:$0x1C40]  }
0x19f: {  	v30 =	vld [tilespmem:$0x1EBF0]  }
0x1a0: {  	[tilespmem:$0x1FB10] =	vst v63;
	v63 =	vld [tilespmem:$0x1B70]  }
0x1a1: {  	v0 =	vadd.f32 v47, v0;
	v47 =	vmul.f32 v50, v56;
	v50 =	vld [tilespmem:$0x1EB00]  }
0x1a2: {  	v56 =	vmul.f32 v15, v17;
	v17 =	vld [tilespmem:$0x1C20]  }
0x1a3: {  	[tilespmem:$0x1FA00] =	vst v44;
	v44 =	vadd.f32 v36, v33;
	v33 =	vld [tilespmem:$0x1EB40]  }
0x1a4: {  	v15 =	vld [tilespmem:$0x1C30]  }
0x1a5: {  	v5 =	vmul.f32 v5, v7;
	v1 =	vadd.f32 v48, v1;
	v48 =	vld [tilespmem:$0x1C50]  }
0x1a6: {  	[tilespmem:$0x1FB30] =	vst v39;
	v39 =	vld [tilespmem:$0x1EB50]  }
0x1a7: {  	v4 =	vadd.f32 v5, v49;
	v49 =	vmul.f32 v31, v38;
	v31 =	vld [tilespmem:$0x1EC00]  }
0x1a8: {  	v38 =	vld [tilespmem:$0x1EC20]  }
0x1a9: {  	v0 =	vadd.f32 v3, v0;
	v3 =	vadd.f32 v45, v44;
	v44 =	vld [tilespmem:$0x1EB70]  }
0x1aa: {  	v45 =	vld [tilespmem:$0x1EB80]  }
0x1ab: {  	v1 =	vadd.f32 v55, v1;
	v55 =	vld [tilespmem:$0x1EBA0]  }
0x1ac: {  	v36 =	vadd.f32 v56, v4;
	v56 =	vld [tilespmem:$0x1C60]  }
0x1ad: {  	v7 =	vmul.f32 v21, v19;
	v19 =	vld [tilespmem:$0xC70]  }
0x1ae: {  	v21 =	vmul.f32 v22, v24;
	v22 =	vmul.f32 v20, v23;
	v23 =	vld [tilespmem:$0x1C70]  }
0x1af: {  	v24 =	vld [tilespmem:$0x1EBD0]  }
0x1b0: {  	v3 =	vadd.f32 v47, v3;
	v47 =	vmul.f32 v51, v57;
	v51 =	vld [tilespmem:$0xC60]  }
0x1b1: {  	v57 =	vld [tilespmem:$0x1EBB0]  }
0x1b2: {  	[tilespmem:$0x1FB80] =	vst v42;
	v42 =	vld [tilespmem:$0x1EC50]  }
0x1b3: {  	[tilespmem:$0x1FB60] =	vst v63;
	v63 =	vld [tilespmem:$0xB90]  }
0x1b4: {  	v6 =	vmul.f32 v54, v50;
	v54 =	vld [tilespmem:$0x1EB90]  }
0x1b5: {  	v2 =	vmul.f32 v62, v33;
	v62 =	vld [tilespmem:$0x1EBC0]  }
0x1b6: {  	v50 =	vmul.f32 v25, v32;
	v25 =	vld [tilespmem:$0x1EBE0]  }
0x1b7: {  	v33 =	vmul.f32 v40, v43;
	v40 =	vld [tilespmem:$0x1EC30]  }
0x1b8: {  	v43 =	vld [tilespmem:$0x1CA0]  }
0x1b9: {  	[tilespmem:$0x1FBD0] =	vst v48;
	v48 =	vld [tilespmem:$0x1EC60]  }
0x1ba: {  	[tilespmem:$0x1FCB0] =	vst v52;
	v5 =	vmul.f32 v41, v39;
	v39 =	vld [tilespmem:$0x1C90]  }
0x1bb: {  	v41 =	vld [tilespmem:$0x1EC40];
	[tilespmem:$0x1FBF0] =	vst v56  }
0x1bc: {  	v3 =	vadd.f32 v7, v3;
	v0 =	vadd.f32 v6, v0;
	[tilespmem:$0x1FC90] =	vst v19;
	v56 =	vld [tilespmem:$0x1ECA0]  }
0x1bd: {  	v1 =	vadd.f32 v2, v1;
	[tilespmem:$0x1FCA0] =	vst v23;
	v19 =	vld [tilespmem:$0xCE0]  }
0x1be: {  	v2 =	vmul.f32 v45, v44;
	v3 =	vadd.f32 v5, v3;
	[tilespmem:$0x1FE30] =	vst v0;
	v0 =	vadd.f32 v37, v36;
	v36 =	vld [tilespmem:$0x1CB0]  }
0x1bf: {  	[tilespmem:$0x1FBE0] =	vst v51;
	v37 =	vld [tilespmem:$0x1EC10]  }
0x1c0: {  	v1 =	vadd.f32 v2, v1;
	[tilespmem:$0x1FE80] =	vst v3;
	v4 =	vmul.f32 v62, v57;
	v3 =	vadd.f32 v50, v49;
	v49 =	vld [tilespmem:$0x1EC70]  }
0x1c1: {  	v2 =	vmul.f32 v55, v54;
	[tilespmem:$0x1FC10] =	vst v43;
	v55 =	vld [tilespmem:$0x1CC0];
	v0 =	vadd.f32 v47, v0  }
0x1c2: {  	[tilespmem:$0x1FBB0] =	vst v39;
	v47 =	vld [tilespmem:$0xCB0];
	v1 =	vadd.f32 v4, v1  }
0x1c3: {  	v7 =	vmul.f32 v25, v24;
	v0 =	vadd.f32 v2, v0;
	v2 =	vmul.f32 v61, v42;
	v61 =	vld [tilespmem:$0xCD0];
	[tilespmem:$0x1FD10] =	vst v19  }
0x1c4: {  	v5 =	vmul.f32 v31, v30;
	v51 =	vld [tilespmem:$0x1EC90];
	v3 =	vadd.f32 v18, v3;
	[tilespmem:$0x1FEB0] =	vst v1  }
0x1c5: {  	v25 =	vld [tilespmem:$0x1C80];
	[tilespmem:$0x1FC60] =	vst v36;
	v0 =	vadd.f32 v7, v0;
	v7 =	vmul.f32 v49, v48  }
0x1c6: {  	v50 =	vld [tilespmem:$0x1EC80];
	v3 =	vadd.f32 v5, v3;
	v4 =	vmul.f32 v38, v37;
	[tilespmem:$0x1FCC0] =	vst v55  }
0x1c7: {  	v57 =	vld [tilespmem:$0x1ECB0];
	[tilespmem:$0x1FC70] =	vst v47;
	v0 =	vadd.f32 v7, v0  }
0x1c8: {  	v54 =	vmul.f32 v53, v59;
	v59 =	vld [tilespmem:$0x1ECD0];
	v5 =	vmul.f32 v41, v40;
	v3 =	vadd.f32 v4, v3;
	[tilespmem:$0x1FD00] =	vst v61  }
0x1c9: {  	v18 =	vld [tilespmem:$0x1ECF0];
	[tilespmem:$0x1FEC0] =	vst v0  }
0x1ca: {  	v3 =	vadd.f32 v5, v3;
	v5 =	vld [tilespmem:$0x1ED00]  }
0x1cb: {  	v20 =	vld [tilespmem:$0x1ED10]  }
0x1cc: {  	v32 =	vadd.f32 v22, v21;
	v21 =	vld [tilespmem:$0x1CE0]  }
0x1cd: {  	v22 =	vld [tilespmem:$0x1ED20]  }
0x1ce: {  	v23 =	vld [tilespmem:$0x1ED30]  }
0x1cf: {  	v24 =	vld [tilespmem:$0x1ED40]  }
0x1d0: {  	v45 =	vmul.f32 v26, v28;
	v26 =	vld [tilespmem:$0x1ED50]  }
0x1d1: {  	v28 =	vld [tilespmem:$0xCF0]  }
0x1d2: {  	v30 =	vld [tilespmem:$0x1ED60]  }
0x1d3: {  	v31 =	vld [tilespmem:$0x1ED70]  }
0x1d4: {  	v1 =	vadd.f32 v33, v32;
	v32 =	vld [tilespmem:$0x1ED80]  }
0x1d5: {  	v33 =	vld [tilespmem:$0x1ED90]  }
0x1d6: {  	v44 =	vmul.f32 v34, v35;
	v34 =	vld [tilespmem:$0x1CF0]  }
0x1d7: {  	v35 =	vld [tilespmem:$0x1EDA0]  }
0x1d8: {  	v36 =	vld [tilespmem:$0x1EDB0]  }
0x1d9: {  	v37 =	vld [tilespmem:$0xD00]  }
0x1da: {  	v38 =	vld [tilespmem:$0x1EDC0]  }
0x1db: {  	v39 =	vld [tilespmem:$0x1EDD0]  }
0x1dc: {  	v40 =	vld [tilespmem:$0x1EDE0]  }
0x1dd: {  	v41 =	vld [tilespmem:$0x1EDF0]  }
0x1de: {  	v42 =	vld [tilespmem:$0x1D00]  }
0x1df: {  	v43 =	vld [tilespmem:$0x1EE00]  }
0x1e0: {  	v4 =	vadd.f32 v45, v44;
	v44 =	vld [tilespmem:$0x1EE10]  }
0x1e1: {  	v45 =	vld [tilespmem:$0x1EE20]  }
0x1e2: {  	v47 =	vld [tilespmem:$0xD10]  }
0x1e3: {  	v48 =	vld [tilespmem:$0x1EE30]  }
0x1e4: {  	v49 =	vld [tilespmem:$0x1EE40]  }
0x1e5: {  	v1 =	vadd.f32 v2, v1;
	v2 =	vmul.f32 v51, v50;
	v50 =	vld [tilespmem:$0x1EE50]  }
0x1e6: {  	v51 =	vld [tilespmem:$0x1EE60]  }
0x1e7: {  	v53 =	vld [tilespmem:$0x1EE70]  }
0x1e8: {  	v62 =	vadd.f32 v54, v4;
	v54 =	vld [tilespmem:$0x1EE80]  }
0x1e9: {  	v55 =	vld [tilespmem:$0xD20]  }
0x1ea: {  	v6 =	vmul.f32 v57, v56;
	v56 =	vld [tilespmem:$0x1EE90]  }
0x1eb: {  	v57 =	vld [tilespmem:$0x1EEA0]  }
0x1ec: {  	v1 =	vadd.f32 v2, v1;
	v2 =	vmul.f32 v59, v58;
	v58 =	vld [tilespmem:$0x1EEB0]  }
0x1ed: {  	v4 =	vmul.f32 v18, v8;
	v59 =	vld [tilespmem:$0x1EEC0]  }
0x1ee: {  	v61 =	vld [tilespmem:$0x1EEE0]  }
0x1ef: {  	v0 =	vadd.f32 v4, v62;
	v62 =	vld [tilespmem:$0xD30]  }
0x1f0: {  	v18 =	vld [tilespmem:$0x1EEF0]  }
0x1f1: {  	v19 =	vld [tilespmem:$0x1EF00]  }
0x1f2: {  	v8 =	vld [tilespmem:$0x1F770]  }
0x1f3: {  	[tilespmem:$0x1FC20] =	vst v37;
	v37 =	vld [tilespmem:$0x1D20]  }
0x1f4: {  	v3 =	vadd.f32 v6, v3;
	v6 =	vmul.f32 v60, v45;
	v60 =	vld [tilespmem:$0x1EED0]  }
0x1f5: {  	v5 =	vmul.f32 v20, v5;
	v20 =	vld [tilespmem:$0x1EF10]  }
0x1f6: {  	[tilespmem:$0x1FD20] =	vst v21;
	v21 =	vld [tilespmem:$0x1EF20]  }
0x1f7: {  	v1 =	vadd.f32 v2, v1;
	v2 =	vmul.f32 v23, v22;
	v22 =	vld [tilespmem:$0x1D30]  }
0x1f8: {  	v23 =	vld [tilespmem:$0x1EF30]  }
0x1f9: {  	v4 =	vmul.f32 v26, v24;
	v24 =	vld [tilespmem:$0x1EF40]  }
0x1fa: {  	v26 =	vld [tilespmem:$0x1EF50]  }
0x1fb: {  	[tilespmem:$0x1FD50] =	vst v28;
	v28 =	vld [tilespmem:$0x1EF60]  }
0x1fc: {  	[tilespmem:$0x1FD60] =	vst v34;
	v34 =	vld [tilespmem:$0x1EF90]  }
0x1fd: {  	[tilespmem:$0x1FC30] =	vst v42;
	v42 =	vld [tilespmem:$0x1EFD0]  }
0x1fe: {  	v45 =	vld [tilespmem:$0x1EFF0]  }
0x1ff: {  	[tilespmem:$0x1FC40] =	vst v47;
	v47 =	vld [tilespmem:$0x1F000]  }
0x200: {  	v7 =	vmul.f32 v49, v48;
	v48 =	vld [tilespmem:$0xD60]  }
0x201: {  	v49 =	vld [tilespmem:$0x1F010]  }
0x202: {  	[tilespmem:$0x1FC80] =	vst v55;
	v55 =	vld [tilespmem:$0x1F060]  }
0x203: {  	[tilespmem:$0x1FCD0] =	vst v62;
	v62 =	vld [tilespmem:$0x1F0B0]  }
0x204: {  	v1 =	vadd.f32 v2, v1;
	v2 =	vmul.f32 v36, v35;
	v36 =	vld [tilespmem:$0x1D10]  }
0x205: {  	v3 =	vadd.f32 v5, v3;
	v5 =	vmul.f32 v33, v32;
	v32 =	vld [tilespmem:$0x1EF80]  }
0x206: {  	v33 =	vld [tilespmem:$0x1D40]  }
0x207: {  	v35 =	vld [tilespmem:$0x1EFA0]  }
0x208: {  	v0 =	vadd.f32 v4, v0;
	v4 =	vmul.f32 v39, v38;
	v38 =	vld [tilespmem:$0x1EFB0]  }
0x209: {  	v39 =	vld [tilespmem:$0x1EFC0]  }
0x20a: {  	[tilespmem:$0x1FED0] =	vst v3;
	v3 =	vmul.f32 v31, v30;
	v30 =	vld [tilespmem:$0xD40]  }
0x20b: {  	v31 =	vld [tilespmem:$0x1EF70]  }
0x20c: {  	v0 =	vadd.f32 v2, v0;
	v2 =	vmul.f32 v44, v43;
	v43 =	vld [tilespmem:$0x1EFE0]  }
0x20d: {  	v44 =	vld [tilespmem:$0x1D50]  }
0x20e: {  	v1 =	vadd.f32 v4, v1;
	v4 =	vmul.f32 v57, v56;
	v56 =	vld [tilespmem:$0x1F070]  }
0x20f: {  	v57 =	vld [tilespmem:$0x1F080]  }
0x210: {  	[tilespmem:$0x1FCE0] =	vst v22;
	v22 =	vld [tilespmem:$0x1F0F0]  }
0x211: {  	[tilespmem:$0x1FDF0] =	vst v48;
	v48 =	vld [tilespmem:$0x1F1E0]  }
0x212: {  	v3 =	vadd.f32 v5, v3;
	v5 =	vmul.f32 v41, v40;
	v40 =	vld [tilespmem:$0xD50]  }
0x213: {  	v52 =	vadd.f32 v6, v2;
	v2 =	vmul.f32 v54, v53;
	v53 =	vld [tilespmem:$0x1D60]  }
0x214: {  	v54 =	vld [tilespmem:$0x1F050]  }
0x215: {  	v6 =	vmul.f32 v21, v20;
	v20 =	vld [tilespmem:$0x1F0E0]  }
0x216: {  	v21 =	vld [tilespmem:$0xD80]  }
0x217: {  	v0 =	vadd.f32 v7, v0;
	v7 =	vmul.f32 v24, v23;
	v23 =	vld [tilespmem:$0x1F100]  }
0x218: {  	v24 =	vld [tilespmem:$0x1F110]  }
0x219: {  	[tilespmem:$0x1FD40] =	vst v33;
	v33 =	vld [tilespmem:$0x1F160]  }
0x21a: {  	v3 =	vadd.f32 v5, v3;
	v5 =	vmul.f32 v51, v50;
	v50 =	vld [tilespmem:$0x1F020]  }
0x21b: {  	v51 =	vld [tilespmem:$0x1F030]  }
0x21c: {  	[tilespmem:$0x1FEE0] =	vst v1;
	v1 =	vadd.f32 v2, v52;
	v52 =	vld [tilespmem:$0x1F040]  }
0x21d: {  	v2 =	vmul.f32 v61, v60;
	v60 =	vld [tilespmem:$0x1F0A0]  }
0x21e: {  	v61 =	vld [tilespmem:$0x1D70]  }
0x21f: {  	[tilespmem:$0x1FD30] =	vst v30;
	v30 =	vld [tilespmem:$0x1F130]  }
0x220: {  	[tilespmem:$0x1FD80] =	vst v44;
	v44 =	vld [tilespmem:$0x1F1B0]  }
0x221: {  	v3 =	vadd.f32 v5, v3;
	v5 =	vmul.f32 v59, v58;
	v58 =	vld [tilespmem:$0xD70]  }
0x222: {  	v59 =	vld [tilespmem:$0x1F090]  }
0x223: {  	v1 =	vadd.f32 v2, v1;
	v2 =	vmul.f32 v28, v26;
	v26 =	vld [tilespmem:$0x1F120]  }
0x224: {  	v28 =	vld [tilespmem:$0x1D80]  }
0x225: {  	[tilespmem:$0x1FD70] =	vst v40;
	v40 =	vld [tilespmem:$0x1D90]  }
0x226: {  	[tilespmem:$0x1FE00] =	vst v53;
	v53 =	vld [tilespmem:$0x1F220]  }
0x227: {  	[tilespmem:$0x1FD90] =	vst v21;
	v21 =	vld [tilespmem:$0x1F2C0]  }
0x228: {  	v3 =	vadd.f32 v4, v3;
	v4 =	vmul.f32 v19, v18;
	v18 =	vld [tilespmem:$0x1F0C0]  }
0x229: {  	v19 =	vld [tilespmem:$0x1F0D0]  }
0x22a: {  	v1 =	vadd.f32 v2, v1;
	v2 =	vmul.f32 v39, v38;
	v38 =	vld [tilespmem:$0x1F170]  }
0x22b: {  	v39 =	vld [tilespmem:$0x1F180]  }
0x22c: {  	[tilespmem:$0x1FE50] =	vst v61;
	v61 =	vld [tilespmem:$0x1F280]  }
0x22d: {  	v3 =	vadd.f32 v5, v3;
	v5 =	vmul.f32 v32, v31;
	v31 =	vld [tilespmem:$0x1F140]  }
0x22e: {  	v32 =	vld [tilespmem:$0x1F150]  }
0x22f: {  	v4 =	vadd.f32 v6, v4;
	v6 =	vmul.f32 v35, v34;
	v34 =	vld [tilespmem:$0xD90]  }
0x230: {  	v1 =	vadd.f32 v2, v1;
	v2 =	vmul.f32 v50, v49;
	v49 =	vld [tilespmem:$0x1DA0]  }
0x231: {  	v50 =	vld [tilespmem:$0x1F1F0]  }
0x232: {  	[tilespmem:$0x1FE40] =	vst v58;
	v58 =	vld [tilespmem:$0x1F260]  }
0x233: {  	[tilespmem:$0x1FDA0] =	vst v28;
	v28 =	vld [tilespmem:$0xDD0]  }
0x234: {  	v41 =	vadd.f32 v5, v4;
	v4 =	vmul.f32 v43, v42;
	v42 =	vld [tilespmem:$0x1F1A0]  }
0x235: {  	v43 =	vld [tilespmem:$0xDA0]  }
0x236: {  	v5 =	vmul.f32 v47, v45;
	v45 =	vld [tilespmem:$0x1F1C0]  }
0x237: {  	v47 =	vld [tilespmem:$0x1F1D0]  }
0x238: {  	v1 =	vadd.f32 v2, v1;
	v2 =	vmul.f32 v60, v59;
	v59 =	vld [tilespmem:$0x1DB0]  }
0x239: {  	v60 =	vld [tilespmem:$0x1F270]  }
0x23a: {  	v3 =	vadd.f32 v6, v3;
	v6 =	vmul.f32 v26, v24;
	v24 =	vld [tilespmem:$0x1F2D0]  }
0x23b: {  	v0 =	vadd.f32 v7, v0;
	v26 =	vld [tilespmem:$0x1F2E0]  }
0x23c: {  	[tilespmem:$0x1FDC0] =	vst v40;
	v40 =	vld [tilespmem:$0x1F350]  }
0x23d: {  	[tilespmem:$0x1FF30] =	vst v0;
	v0 =	vadd.f32 v4, v41;
	v41 =	vld [tilespmem:$0x1F190]  }
0x23e: {  	v4 =	vmul.f32 v52, v51;
	v51 =	vld [tilespmem:$0x1F200]  }
0x23f: {  	v52 =	vld [tilespmem:$0x1F210]  }
0x240: {  	v3 =	vadd.f32 v5, v3;
	v5 =	vmul.f32 v57, v56;
	v56 =	vld [tilespmem:$0x1F240]  }
0x241: {  	v57 =	vld [tilespmem:$0x1F250]  }
0x242: {  	v7 =	vmul.f32 v31, v30;
	v30 =	vld [tilespmem:$0x1F2F0]  }
0x243: {  	v31 =	vld [tilespmem:$0x1F300]  }
0x244: {  	[tilespmem:$0x1FDB0] =	vst v34;
	v34 =	vld [tilespmem:$0x1F320]  }
0x245: {  	[tilespmem:$0x1FDE0] =	vst v49;
	v49 =	vld [tilespmem:$0x1F3B0]  }
0x246: {  	[tilespmem:$0x1FF50] =	vst v3;
	v3 =	vmul.f32 v55, v54;
	v54 =	vld [tilespmem:$0xDB0]  }
0x247: {  	v55 =	vld [tilespmem:$0x1F230]  }
0x248: {  	v0 =	vadd.f32 v4, v0;
	v4 =	vmul.f32 v18, v62;
	v62 =	vld [tilespmem:$0xDC0]  }
0x249: {  	v18 =	vld [tilespmem:$0x1F290]  }
0x24a: {  	[tilespmem:$0x1FE90] =	vst v28;
	v28 =	vld [tilespmem:$0x1F4E0]  }
0x24b: {  	[tilespmem:$0x1FDD0] =	vst v43;
	v43 =	vld [tilespmem:$0x1F380]  }
0x24c: {  	[tilespmem:$0x1FE20] =	vst v59;
	v59 =	vld [tilespmem:$0x1F440]  }
0x24d: {  	v3 =	vadd.f32 v5, v3;
	v5 =	vmul.f32 v20, v19;
	v19 =	vld [tilespmem:$0x1F2A0]  }
0x24e: {  	v20 =	vld [tilespmem:$0x1F2B0]  }
0x24f: {  	v0 =	vadd.f32 v2, v0;
	v2 =	vmul.f32 v23, v22;
	v22 =	vld [tilespmem:$0x1DC0]  }
0x250: {  	v1 =	vadd.f32 v4, v1;
	v4 =	vmul.f32 v42, v41;
	v41 =	vld [tilespmem:$0x1F360]  }
0x251: {  	v42 =	vld [tilespmem:$0x1F370]  }
0x252: {  	v3 =	vadd.f32 v5, v3;
	v5 =	vmul.f32 v33, v32;
	v32 =	vld [tilespmem:$0x1DD0]  }
0x253: {  	v33 =	vld [tilespmem:$0x1F310]  }
0x254: {  	v35 =	vadd.f32 v6, v2;
	v2 =	vmul.f32 v39, v38;
	v38 =	vld [tilespmem:$0x1F340]  }
0x255: {  	v39 =	vld [tilespmem:$0xDE0]  }
0x256: {  	v6 =	vmul.f32 v53, v52;
	v52 =	vld [tilespmem:$0x1F3E0]  }
0x257: {  	v53 =	vld [tilespmem:$0x1DF0]  }
0x258: {  	[tilespmem:$0x1FE10] =	vst v54;
	v54 =	vld [tilespmem:$0x1F3F0]  }
0x259: {  	v0 =	vadd.f32 v7, v0;
	v7 =	vmul.f32 v56, v55;
	v55 =	vld [tilespmem:$0x1F400]  }
0x25a: {  	v56 =	vld [tilespmem:$0x1F410]  }
0x25b: {  	[tilespmem:$0x1FE60] =	vst v62;
	v62 =	vld [tilespmem:$0x1F460]  }
0x25c: {  	[tilespmem:$0x1FF60] =	vst v1;
	v1 =	vadd.f32 v2, v35;
	v35 =	vld [tilespmem:$0x1F330]  }
0x25d: {  	v3 =	vadd.f32 v5, v3;
	v5 =	vmul.f32 v45, v44;
	v44 =	vld [tilespmem:$0x1DE0]  }
0x25e: {  	v45 =	vld [tilespmem:$0x1F390]  }
0x25f: {  	v2 =	vmul.f32 v48, v47;
	v47 =	vld [tilespmem:$0x1F3A0]  }
0x260: {  	v48 =	vld [tilespmem:$0xDF0]  }
0x261: {  	[tilespmem:$0x1FE70] =	vst v22;
	v22 =	vld [tilespmem:$0x1F4A0]  }
0x262: {  	v3 =	vadd.f32 v4, v3;
	v4 =	vmul.f32 v51, v50;
	v50 =	vld [tilespmem:$0x1F3C0]  }
0x263: {  	v51 =	vld [tilespmem:$0x1F3D0]  }
0x264: {  	v1 =	vadd.f32 v2, v1;
	v2 =	vmul.f32 v58, v57;
	v57 =	vld [tilespmem:$0x1F420]  }
0x265: {  	v58 =	vld [tilespmem:$0x1F430]  }
0x266: {  	[tilespmem:$0x1FEA0] =	vst v32;
	v32 =	vld [tilespmem:$0x1F510]  }
0x267: {  	[tilespmem:$0x1FEF0] =	vst v39;
	v39 =	vld [tilespmem:$0x1F560]  }
0x268: {  	[tilespmem:$0x1FF20] =	vst v53;
	v53 =	vld [tilespmem:$0x1E50]  }
0x269: {  	v3 =	vadd.f32 v5, v3;
	v5 =	vmul.f32 v61, v60;
	v61 =	vld [tilespmem:$0xE00]  }
0x26a: {  	v60 =	vld [tilespmem:$0x1F450]  }
0x26b: {  	v4 =	vadd.f32 v6, v4;
	v6 =	vmul.f32 v19, v18;
	v19 =	vld [tilespmem:$0x1F470]  }
0x26c: {  	v1 =	vadd.f32 v2, v1;
	v2 =	vmul.f32 v21, v20;
	v20 =	vld [tilespmem:$0x1F480]  }
0x26d: {  	v21 =	vld [tilespmem:$0x1F490]  }
0x26e: {  	[tilespmem:$0x1FF10] =	vst v48;
	v48 =	vld [tilespmem:$0x1E20]  }
0x26f: {  	[tilespmem:$0x1FF00] =	vst v44;
	v44 =	vld [tilespmem:$0x1F5B0]  }
0x270: {  	v23 =	vadd.f32 v5, v4;
	v4 =	vmul.f32 v26, v24;
	v24 =	vld [tilespmem:$0x1F4C0]  }
0x271: {  	v26 =	vld [tilespmem:$0x1F4D0]  }
0x272: {  	v5 =	vmul.f32 v31, v30;
	v30 =	vld [tilespmem:$0x1F4F0]  }
0x273: {  	v31 =	vld [tilespmem:$0x1F500]  }
0x274: {  	v1 =	vadd.f32 v2, v1;
	v2 =	vmul.f32 v34, v33;
	v33 =	vld [tilespmem:$0x1F520]  }
0x275: {  	v34 =	vld [tilespmem:$0x1F530]  }
0x276: {  	v0 =	vadd.f32 v7, v0;
	v7 =	vmul.f32 v59, v58;
	v58 =	vld [tilespmem:$0x1E00]  }
0x277: {  	v3 =	vadd.f32 v6, v3;
	v6 =	vmul.f32 v57, v56;
	v57 =	vld [tilespmem:$0xE40]  }
0x278: {  	v56 =	vld [tilespmem:$0x1F5D0]  }
0x279: {  	v59 =	vld [tilespmem:$0x1F5E0]  }
0x27a: {  	[tilespmem:$0x1FF70] =	vst v0;
	v0 =	vadd.f32 v4, v23;
	v23 =	vld [tilespmem:$0x1F4B0]  }
0x27b: {  	v4 =	vmul.f32 v38, v35;
	v35 =	vld [tilespmem:$0x1F540]  }
0x27c: {  	v38 =	vld [tilespmem:$0x1F550]  }
0x27d: {  	v3 =	vadd.f32 v5, v3;
	v5 =	vmul.f32 v43, v42;
	v42 =	vld [tilespmem:$0x1F590]  }
0x27e: {  	v43 =	vld [tilespmem:$0x1F5A0]  }
0x27f: {  	v1 =	vadd.f32 v2, v1;
	v2 =	vmul.f32 v47, v45;
	v45 =	vld [tilespmem:$0x1F5C0]  }
0x280: {  	v0 =	vadd.f32 v4, v0;
	v4 =	vmul.f32 v50, v49;
	v50 =	vld [tilespmem:$0x1E10]  }
0x281: {  	[tilespmem:$0x1FFA0] =	vst v3;
	v3 =	vmul.f32 v41, v40;
	v40 =	vld [tilespmem:$0x1F570]  }
0x282: {  	v41 =	vld [tilespmem:$0x1F580]  }
0x283: {  	v49 =	vld [tilespmem:$0x1E30]  }
0x284: {  	v0 =	vadd.f32 v2, v0;
	v2 =	vmul.f32 v55, v54;
	v54 =	vld [tilespmem:$0xE10]  }
0x285: {  	v55 =	vld [tilespmem:$0xE20]  }
0x286: {  	v3 =	vadd.f32 v5, v3;
	v5 =	vmul.f32 v52, v51;
	v52 =	vld [tilespmem:$0xE30]  }
0x287: {  	v51 =	vld [tilespmem:$0x1E40]  }
0x288: {  	v1 =	vadd.f32 v4, v1;
	v4 =	vmul.f32 v22, v21;
	v21 =	vld [tilespmem:$0x1F640]  }
0x289: {  	v22 =	vld [tilespmem:$0x1F650]  }
0x28a: {  	v3 =	vadd.f32 v5, v3;
	v5 =	vmul.f32 v62, v60;
	v60 =	vld [tilespmem:$0x1F5F0]  }
0x28b: {  	v62 =	vld [tilespmem:$0x1F600]  }
0x28c: {  	v18 =	vadd.f32 v6, v2;
	v2 =	vmul.f32 v20, v19;
	v19 =	vld [tilespmem:$0x1F620]  }
0x28d: {  	v20 =	vld [tilespmem:$0x1F630]  }
0x28e: {  	v6 =	vmul.f32 v33, v32;
	v32 =	vld [tilespmem:$0x1F6B0]  }
0x28f: {  	v33 =	vld [tilespmem:$0x1F6C0]  }
0x290: {  	v0 =	vadd.f32 v7, v0;
	v7 =	vmul.f32 v35, v34;
	v34 =	vld [tilespmem:$0x1F6D0]  }
0x291: {  	v35 =	vld [tilespmem:$0x1F6E0]  }
0x292: {  	[tilespmem:$0x1FFB0] =	vst v1;
	v1 =	vadd.f32 v2, v18;
	v18 =	vld [tilespmem:$0x1F610]  }
0x293: {  	v3 =	vadd.f32 v5, v3;
	v5 =	vmul.f32 v24, v23;
	v23 =	vld [tilespmem:$0x1F660]  }
0x294: {  	v24 =	vld [tilespmem:$0x1F670]  }
0x295: {  	v2 =	vmul.f32 v28, v26;
	v26 =	vld [tilespmem:$0x1F680]  }
0x296: {  	v28 =	vld [tilespmem:$0xE60]  }
0x297: {  	v50 =	vmul.f32 v50, v54;
	v54 =	vld [tilespmem:$0xFB0]  }
0x298: {  	v48 =	vmul.f32 v48, v55;
	v55 =	vld [tilespmem:$0x1FE20]  }
0x299: {  	v3 =	vadd.f32 v4, v3;
	v4 =	vmul.f32 v31, v30;
	v30 =	vld [tilespmem:$0x1F690]  }
0x29a: {  	v31 =	vld [tilespmem:$0x1F6A0]  }
0x29b: {  	v1 =	vadd.f32 v2, v1;
	v2 =	vmul.f32 v39, v38;
	v38 =	vld [tilespmem:$0xE70]  }
0x29c: {  	v39 =	vld [tilespmem:$0x1F6F0]  }
0x29d: {  	v3 =	vadd.f32 v5, v3;
	v5 =	vmul.f32 v41, v40;
	v40 =	vld [tilespmem:$0x1F700]  }
0x29e: {  	v41 =	vld [tilespmem:$0x1F710]  }
0x29f: {  	v4 =	vadd.f32 v6, v4;
	v6 =	vmul.f32 v43, v42;
	v42 =	vld [tilespmem:$0x1F720]  }
0x2a0: {  	v43 =	vld [tilespmem:$0x1E70]  }
0x2a1: {  	v1 =	vadd.f32 v2, v1;
	v2 =	vmul.f32 v45, v44;
	v44 =	vld [tilespmem:$0x1F730]  }
0x2a2: {  	v45 =	vld [tilespmem:$0x1F740]  }
0x2a3: {  	[tilespmem:$0x1FF40] =	vst v28;
	v28 =	vld [tilespmem:$0x1F800]  }
0x2a4: {  	v47 =	vadd.f32 v5, v4;
	v4 =	vmul.f32 v59, v56;
	v59 =	vld [tilespmem:$0xE50]  }
0x2a5: {  	v5 =	vmul.f32 v62, v60;
	v60 =	vld [tilespmem:$0x1E60]  }
0x2a6: {  	v56 =	vld [tilespmem:$0x1F760]  }
0x2a7: {  	v1 =	vadd.f32 v2, v1;
	v2 =	vmul.f32 v19, v18;
	v18 =	vld [tilespmem:$0x1F780]  }
0x2a8: {  	v0 =	vadd.f32 v7, v0;
	v19 =	vld [tilespmem:$0x1F790]  }
0x2a9: {  	[tilespmem:$0x1FF80] =	vst v38;
	v38 =	vld [tilespmem:$0xEA0]  }
0x2aa: {  	[tilespmem:$0x1FFC0] =	vst v0;
	v0 =	vadd.f32 v4, v47;
	v47 =	vld [tilespmem:$0x1F750]  }
0x2ab: {  	v3 =	vadd.f32 v6, v3;
	v4 =	vmul.f32 v21, v20;
	v20 =	vld [tilespmem:$0x1F7A0]  }
0x2ac: {  	v21 =	vld [tilespmem:$0x1F7B0]  }
0x2ad: {  	v3 =	vadd.f32 v5, v3;
	v5 =	vmul.f32 v26, v24;
	v24 =	vld [tilespmem:$0x1F7E0]  }
0x2ae: {  	v26 =	vld [tilespmem:$0x1F7F0]  }
0x2af: {  	v1 =	vadd.f32 v2, v1;
	v2 =	vmul.f32 v31, v30;
	v30 =	vld [tilespmem:$0x1F810]  }
0x2b0: {  	v6 =	vmul.f32 v42, v41;
	v41 =	vld [tilespmem:$0x1F860]  }
0x2b1: {  	v42 =	vld [tilespmem:$0x1F870]  }
0x2b2: {  	v7 =	vmul.f32 v45, v44;
	v44 =	vld [tilespmem:$0x1F880]  }
0x2b3: {  	v45 =	vld [tilespmem:$0x1F890]  }
0x2b4: {  	[tilespmem:$0x1FFD0] =	vst v3;
	v3 =	vmul.f32 v23, v22;
	v22 =	vld [tilespmem:$0x1F7C0]  }
0x2b5: {  	v23 =	vld [tilespmem:$0x1F7D0]  }
0x2b6: {  	v0 =	vadd.f32 v4, v0;
	v4 =	vmul.f32 v33, v32;
	v32 =	vld [tilespmem:$0x1F820]  }
0x2b7: {  	v33 =	vld [tilespmem:$0x1F830]  }
0x2b8: {  	v3 =	vadd.f32 v5, v3;
	v5 =	vmul.f32 v35, v34;
	v35 =	vld [tilespmem:$0x1F840]  }
0x2b9: {  	v0 =	vadd.f32 v2, v0;
	v2 =	vmul.f32 v40, v39;
	v40 =	vld [tilespmem:$0x1F850]  }
0x2ba: {  	v1 =	vadd.f32 v4, v1;
	v4 =	vmul.f32 v20, v19;
	v19 =	vld [tilespmem:$0x1F8D0]  }
0x2bb: {  	v20 =	vld [tilespmem:$0x1F8E0]  }
0x2bc: {  	v3 =	vadd.f32 v5, v3;
	v5 =	vmul.f32 v56, v47;
	v47 =	vld [tilespmem:$0x1F8A0]  }
0x2bd: {  	v62 =	vadd.f32 v6, v2;
	v2 =	vmul.f32 v18, v8;
	v56 =	vld [tilespmem:$0x1F8B0]  }
0x2be: {  	v6 =	vmul.f32 v32, v30;
	v30 =	vld [tilespmem:$0x1F950]  }
0x2bf: {  	[tilespmem:$0x1FFE0] =	vst v1;
	v1 =	vadd.f32 v2, v62;
	v62 =	vld [tilespmem:$0x1F8C0]  }
0x2c0: {  	v3 =	vadd.f32 v5, v3;
	v5 =	vmul.f32 v22, v21;
	v21 =	vld [tilespmem:$0x1F8F0]  }
0x2c1: {  	v22 =	vld [tilespmem:$0x1F900]  }
0x2c2: {  	v2 =	vmul.f32 v24, v23;
	v23 =	vld [tilespmem:$0x1F910]  }
0x2c3: {  	v24 =	vld [tilespmem:$0x1F920]  }
0x2c4: {  	v3 =	vadd.f32 v4, v3;
	v4 =	vmul.f32 v28, v26;
	v26 =	vld [tilespmem:$0x1F930]  }
0x2c5: {  	v28 =	vld [tilespmem:$0x1F940]  }
0x2c6: {  	v1 =	vadd.f32 v2, v1;
	v2 =	vmul.f32 v41, v40;
	v41 =	vld [tilespmem:$0x1F960];
	v3 =	vadd.f32 v5, v3  }
0x2c7: {  	v4 =	vadd.f32 v6, v4;
	v5 =	vmul.f32 v44, v42;
	v6 =	vmul.f32 v47, v45;
	v45 =	vld [tilespmem:$0x1F970]  }
0x2c8: {  	v47 =	vld [tilespmem:$0x1F980]  }
0x2c9: {  	v18 =	vadd.f32 v5, v4;
	v4 =	vmul.f32 v20, v19;
	v19 =	vld [tilespmem:$0x1F9A0]  }
0x2ca: {  	v20 =	vld [tilespmem:$0x1F9B0]  }
0x2cb: {  	v1 =	vadd.f32 v2, v1;
	v2 =	vmul.f32 v62, v56;
	v5 =	vmul.f32 v22, v21;
	v21 =	vld [tilespmem:$0x1F9C0]  }
0x2cc: {  	v0 =	vadd.f32 v7, v0;
	v22 =	vld [tilespmem:$0x1F9D0]  }
0x2cd: {  	v7 =	vmul.f32 v35, v33;
	v1 =	vadd.f32 v2, v1;
	v2 =	vmul.f32 v24, v23;
	v23 =	vld [tilespmem:$0x1F9E0]  }
0x2ce: {  	v24 =	vld [tilespmem:$0x1F9F0]  }
0x2cf: {  	v62 =	vadd.f32 v7, v0;
	v0 =	vadd.f32 v4, v18;
	v18 =	vld [tilespmem:$0x1F990]  }
0x2d0: {  	v3 =	vadd.f32 v6, v3;
	v4 =	vmul.f32 v28, v26;
	v26 =	vld [tilespmem:$0x1FA00]  }
0x2d1: {  	v28 =	vld [tilespmem:$0xEF0]  }
0x2d2: {  	v56 =	vadd.f32 v5, v3;
	v3 =	vmul.f32 v41, v30;
	v30 =	vld [tilespmem:$0x1FA10];
	v5 =	vmul.f32 v47, v45  }
0x2d3: {  	v0 =	vadd.f32 v4, v0;
	v4 =	vmul.f32 v21, v20;
	v21 =	vld [tilespmem:$0x1FA70]  }
0x2d4: {  	v3 =	vadd.f32 v5, v3;
	v5 =	vmul.f32 v23, v22;
	v22 =	vld [tilespmem:$0x1FA80]  }
0x2d5: {  	v6 =	vmul.f32 v26, v63;
	v63 =	vld [tilespmem:$0x1FA30]  }
0x2d6: {  	v1 =	vadd.f32 v2, v1;
	v2 =	vmul.f32 v19, v18;
	v18 =	vld [tilespmem:$0x1FA40]  }
0x2d7: {  	v26 =	vld [tilespmem:$0x1FA50]  }
0x2d8: {  	v0 =	vadd.f32 v2, v0;
	v2 =	vmul.f32 v24, v46;
	v46 =	vld [tilespmem:$0x1FA20]  }
0x2d9: {  	[tilespmem:$0x1FFF0] =	vst v28;
	v28 =	vld [tilespmem:$0x1FA60]  }
0x2da: {  	v31 =	vld [tilespmem:$0x1E90]  }
0x2db: {  	[tilespmem:$0x1FF90] =	vst v43;
	v43 =	vld [tilespmem:$0xE80];
	v3 =	vadd.f32 v5, v3;
	v5 =	vmul.f32 v63, v18  }
0x2dc: {  	v39 =	vld [tilespmem:$0x1E80]  }
0x2dd: {  	v24 =	vld [tilespmem:$0x1FA90];
	v7 =	vmul.f32 v46, v30;
	v30 =	vadd.f32 v5, v3;
	v3 =	vmul.f32 v22, v21  }
0x2de: {  	v19 =	vadd.f32 v6, v2;
	v2 =	vmul.f32 v26, v28;
	v26 =	vld [tilespmem:$0x1FAA0]  }
0x2df: {  	v3 =	vadd.f32 v3, v30;
	v30 =	vld [tilespmem:$0x1FAB0]  }
0x2e0: {  	v34 =	vld [tilespmem:$0xE90]  }
0x2e1: {  	v32 =	vld [tilespmem:$0x1EA0]  }
0x2e2: {  	v33 =	vld [tilespmem:$0x1EB0]  }
0x2e3: {  	v6 =	vmul.f32 v26, v24;
	v24 =	vld [tilespmem:$0x1FAC0]  }
0x2e4: {  	v5 =	vmul.f32 v30, v11;
	v30 =	vld [tilespmem:$0x1FAE0]  }
0x2e5: {  	v26 =	vld [tilespmem:$0x1FAD0]  }
0x2e6: {  	v35 =	vld [tilespmem:$0x1EC0]  }
0x2e7: {  	v28 =	vmul.f32 v16, v14;
	v46 =	vadd.f32 v4, v1;
	v1 =	vadd.f32 v2, v19;
	v4 =	vld [tilespmem:$0x1FAF0]  }
0x2e8: {  	v22 =	vld [tilespmem:$0x1FB00]  }
0x2e9: {  	v28 =	vadd.f32 v28, v1;
	v14 =	vadd.f32 v6, v3;
	v6 =	vld [tilespmem:$0x1FB20];
	v13 =	vmul.f32 v13, v30  }
0x2ea: {  	v11 =	vmul.f32 v26, v24;
	v24 =	vld [tilespmem:$0x1FB10]  }
0x2eb: {  	v9 =	vmul.f32 v12, v9;
	v12 =	vadd.f32 v13, v28;
	v13 =	vld [tilespmem:$0x1FB30]  }
0x2ec: {  	v31 =	vmul.f32 v31, v34;
	v34 =	vld [tilespmem:$0x1FE0]  }
0x2ed: {  	v19 =	vld [tilespmem:$0x1FB40]  }
0x2ee: {  	v40 =	vld [tilespmem:$0xEB0];
	v7 =	vadd.f32 v7, v0  }
0x2ef: {  	v3 =	vadd.f32 v9, v5;
	v5 =	vmul.f32 v17, v4;
	v4 =	vld [tilespmem:$0x1FB70];
	v26 =	vmul.f32 v24, v22  }
0x2f0: {  	v24 =	vld [tilespmem:$0x1FB50];
	v13 =	vmul.f32 v13, v6  }
0x2f1: {  	v30 =	vadd.f32 v11, v7;
	v9 =	vadd.f32 v26, v14;
	v26 =	vld [tilespmem:$0x1FB60]  }
0x2f2: {  	v8 =	vmul.f32 v15, v19;
	v7 =	vadd.f32 v5, v3;
	v12 =	vadd.f32 v13, v12;
	v13 =	vld [tilespmem:$0x1FB80]  }
0x2f3: {  	v11 =	vld [tilespmem:$0x1FBD0]  }
0x2f4: {  	v8 =	vadd.f32 v8, v7;
	v7 =	vld [tilespmem:$0x1FBC0]  }
0x2f5: {  	v14 =	vld [tilespmem:$0x1FB90]  }
0x2f6: {  	v28 =	vmul.f32 v26, v24;
	v26 =	vld [tilespmem:$0x1FBA0]  }
0x2f7: {  	v0 =	vmul.f32 v13, v27;
	v27 =	vld [tilespmem:$0x1FBB0]  }
0x2f8: {  	v42 =	vld [tilespmem:$0xEC0];
	v5 =	vmul.f32 v4, v29  }
0x2f9: {  	v44 =	vld [tilespmem:$0xED0]  }
0x2fa: {  	v15 =	vadd.f32 v5, v12;
	v12 =	vld [tilespmem:$0x1FBE0]  }
0x2fb: {  	v28 =	vadd.f32 v28, v9;
	v9 =	vmul.f32 v25, v14;
	v5 =	vld [tilespmem:$0x1FC10]  }
0x2fc: {  	v8 =	vadd.f32 v0, v8;
	v0 =	vmul.f32 v11, v7;
	v11 =	vld [tilespmem:$0x1FC40];
	v29 =	vmul.f32 v27, v26  }
0x2fd: {  	v27 =	vld [tilespmem:$0x1FBF0]  }
0x2fe: {  	v9 =	vadd.f32 v29, v9;
	v29 =	vld [tilespmem:$0x1FC00]  }
0x2ff: {  	v41 =	vld [tilespmem:$0x1ED0]  }
0x300: {  	v6 =	vld [tilespmem:$0x1FC20]  }
0x301: {  	v7 =	vld [tilespmem:$0x1FC30]  }
0x302: {  	v8 =	vadd.f32 v0, v8;
	v0 =	vmul.f32 v36, v11;
	v11 =	vld [tilespmem:$0x1FCA0]  }
0x303: {  	v4 =	vmul.f32 v27, v12;
	v12 =	vld [tilespmem:$0x1FC50];
	v14 =	vmul.f32 v5, v29  }
0x304: {  	v29 =	vld [tilespmem:$0x1FC70]  }
0x305: {  	v9 =	vadd.f32 v14, v9;
	v14 =	vld [tilespmem:$0x1FC60]  }
0x306: {  	v2 =	vmul.f32 v7, v6;
	v6 =	vld [tilespmem:$0x1FCD0]  }
0x307: {  	v4 =	vadd.f32 v4, v8;
	v8 =	vld [tilespmem:$0x1FC80]  }
0x308: {  	v3 =	vmul.f32 v10, v12;
	v10 =	vld [tilespmem:$0x1FC90]  }
0x309: {  	v12 =	vld [tilespmem:$0x1FCB0]  }
0x30a: {  	v1 =	vmul.f32 v14, v29;
	v14 =	vld [tilespmem:$0x1FCC0]  }
0x30b: {  	v7 =	vld [tilespmem:$0x1FCE0]  }
0x30c: {  	v47 =	vld [tilespmem:$0xEE0]  }
0x30d: {  	v45 =	vld [tilespmem:$0x1EE0];
	v0 =	vadd.f32 v0, v2;
	v2 =	vmul.f32 v37, v8;
	v8 =	vmul.f32 v11, v10  }
0x30e: {  	v20 =	vld [tilespmem:$0xF20]  }
0x30f: {  	v9 =	vadd.f32 v1, v9;
	v1 =	vmul.f32 v14, v12;
	v14 =	vadd.f32 v8, v4;
	v8 =	vld [tilespmem:$0x1FCF0]  }
0x310: {  	v12 =	vadd.f32 v3, v15;
	v15 =	vmul.f32 v7, v6;
	v6 =	vld [tilespmem:$0x1FD10]  }
0x311: {  	v7 =	vld [tilespmem:$0x1FD20]  }
0x312: {  	v1 =	vadd.f32 v1, v9;
	v9 =	vld [tilespmem:$0x1FD00]  }
0x313: {  	v23 =	vld [tilespmem:$0xF00]  }
0x314: {  	v18 =	vld [tilespmem:$0xF10];
	v2 =	vadd.f32 v2, v0  }
0x315: {  	v16 =	vld [tilespmem:$0x1F10]  }
0x316: {  	v2 =	vadd.f32 v15, v2;
	v15 =	vld [tilespmem:$0x1FD30]  }
0x317: {  	v4 =	vmul.f32 v7, v6;
	v6 =	vld [tilespmem:$0x1FD40];
	v8 =	vmul.f32 v8, v9  }
0x318: {  	v7 =	vld [tilespmem:$0x1FD50]  }
0x319: {  	v1 =	vadd.f32 v8, v1;
	v8 =	vld [tilespmem:$0x1FD60]  }
0x31a: {  	v63 =	vld [tilespmem:$0x1EF0]  }
0x31b: {  	v21 =	vld [tilespmem:$0x1F00]  }
0x31c: {  	v16 =	vmul.f32 v16, v18;
	v18 =	vld [tilespmem:$0x1010]  }
0x31d: {  	v15 =	vmul.f32 v6, v15;
	v6 =	vld [tilespmem:$0x1FD70]  }
0x31e: {  	v8 =	vmul.f32 v8, v7;
	v7 =	vld [tilespmem:$0x1FD80]  }
0x31f: {  	v1 =	vadd.f32 v4, v1;
	v4 =	vmul.f32 v58, v61;
	v61 =	vld [tilespmem:$0x1FDD0]  }
0x320: {  	v58 =	vld [tilespmem:$0x1FDE0]  }
0x321: {  	v0 =	vld [tilespmem:$0x1FD90]  }
0x322: {  	v2 =	vadd.f32 v15, v2;
	v15 =	vld [tilespmem:$0x1FDA0]  }
0x323: {  	v19 =	vld [tilespmem:$0x1F30];
	v3 =	vmul.f32 v7, v6  }
0x324: {  	v17 =	vld [tilespmem:$0x1F20]  }
0x325: {  	v2 =	vadd.f32 v3, v2;
	v3 =	vmul.f32 v58, v61;
	v58 =	vld [tilespmem:$0x1FDF0]  }
0x326: {  	v61 =	vld [tilespmem:$0x1FE00]  }
0x327: {  	v15 =	vmul.f32 v15, v0;
	v0 =	vld [tilespmem:$0x1FDB0]  }
0x328: {  	v6 =	vld [tilespmem:$0x1FDC0]  }
0x329: {  	v22 =	vld [tilespmem:$0xF30]  }
0x32a: {  	v17 =	vmul.f32 v17, v20;
	v20 =	vld [tilespmem:$0x1020]  }
0x32b: {  	v24 =	vld [tilespmem:$0xF40];
	v58 =	vmul.f32 v61, v58  }
0x32c: {  	v61 =	vld [tilespmem:$0x1FE10]  }
0x32d: {  	v0 =	vmul.f32 v6, v0;
	v2 =	vadd.f32 v58, v2;
	v58 =	vld [tilespmem:$0x1FE30]  }
0x32e: {  	v25 =	vld [tilespmem:$0x1F50]  }
0x32f: {  	v13 =	vld [tilespmem:$0x1F40];
	v0 =	vadd.f32 v0, v15  }
0x330: {  	v26 =	vld [tilespmem:$0xF50]  }
0x331: {  	v0 =	vadd.f32 v3, v0;
	v3 =	vmul.f32 v55, v61;
	v61 =	vld [tilespmem:$0x1FE40]  }
0x332: {  	[tilespmem:$0x2180] =	vst v58;
	v58 =	vld [tilespmem:$0x1FE50]  }
0x333: {  	v36 =	vld [tilespmem:$0x1F60]  }
0x334: {  	v27 =	vld [tilespmem:$0xF60]  }
0x335: {  	v5 =	vld [tilespmem:$0x1F90];
	v4 =	vadd.f32 v50, v4  }
0x336: {  	v37 =	vld [tilespmem:$0x1F70]  }
0x337: {  	v4 =	vadd.f32 v48, v4;
	v48 =	vmul.f32 v49, v52;
	v52 =	vmul.f32 v58, v61;
	v61 =	vld [tilespmem:$0x1FE60]  }
0x338: {  	v58 =	vld [tilespmem:$0x1FE70]  }
0x339: {  	v29 =	vld [tilespmem:$0xF70]  }
0x33a: {  	v11 =	vld [tilespmem:$0xF80]  }
0x33b: {  	v10 =	vld [tilespmem:$0x1F80]  }
0x33c: {  	v9 =	vld [tilespmem:$0xF90]  }
0x33d: {  	v0 =	vadd.f32 v3, v0;
	v3 =	vmul.f32 v58, v61;
	v61 =	vld [tilespmem:$0x1FE80]  }
0x33e: {  	v50 =	vld [tilespmem:$0xFC0]  }
0x33f: {  	v49 =	vld [tilespmem:$0xFD0]  }
0x340: {  	v4 =	vadd.f32 v48, v4;
	v48 =	vmul.f32 v51, v57;
	v57 =	vld [tilespmem:$0x1FEE0]  }
0x341: {  	v58 =	vld [tilespmem:$0x1FE90]  }
0x342: {  	[tilespmem:$0x2200] =	vst v61;
	v61 =	vld [tilespmem:$0x1FEA0]  }
0x343: {  	v1 =	vadd.f32 v8, v1;
	v8 =	vld [tilespmem:$0x1FC0]  }
0x344: {  	v51 =	vld [tilespmem:$0xFE0]  }
0x345: {  	v7 =	vld [tilespmem:$0xFA0]  }
0x346: {  	[tilespmem:$0x2400] =	vst v57;
	v57 =	vld [tilespmem:$0x1FF20]  }
0x347: {  	v58 =	vmul.f32 v61, v58;
	v61 =	vld [tilespmem:$0x1FEB0]  }
0x348: {  	v6 =	vld [tilespmem:$0x1FA0]  }
0x349: {  	v15 =	vld [tilespmem:$0x1FB0];
	v0 =	vadd.f32 v3, v0  }
0x34a: {  	v55 =	vld [tilespmem:$0x1FD0]  }
0x34b: {  	v0 =	vadd.f32 v58, v0;
	v58 =	vld [tilespmem:$0x1FEF0]  }
0x34c: {  	[tilespmem:$0x2280] =	vst v61;
	v61 =	vmul.f32 v39, v43;
	v43 =	vld [tilespmem:$0x1FEC0]  }
0x34d: {  	v39 =	vmul.f32 v53, v59;
	v53 =	vld [tilespmem:$0x1FED0]  }
0x34e: {  	v59 =	vld [tilespmem:$0x1FF00]  }
0x34f: {  	v4 =	vadd.f32 v48, v4;
	v3 =	vadd.f32 v31, v61;
	v31 =	vmul.f32 v32, v38;
	v32 =	vld [tilespmem:$0x1FF0]  }
0x350: {  	v61 =	vld [tilespmem:$0x1FF10]  }
0x351: {  	v4 =	vadd.f32 v39, v4;
	v39 =	vld [tilespmem:$0x1000]  }
0x352: {  	v3 =	vadd.f32 v31, v3;
	v31 =	vld [tilespmem:$0x2010]  }
0x353: {  	[tilespmem:$0x2300] =	vst v43;
	v43 =	vld [tilespmem:$0xFF0]  }
0x354: {  	v38 =	vmul.f32 v59, v58;
	v58 =	vld [tilespmem:$0x1FF30]  }
0x355: {  	v59 =	vld [tilespmem:$0x1FF40]  }
0x356: {  	v48 =	vmul.f32 v57, v61;
	v61 =	vld [tilespmem:$0x1FF50]  }
0x357: {  	v0 =	vadd.f32 v38, v0;
	v57 =	vld [tilespmem:$0x1FF70]  }
0x358: {  	v38 =	vld [tilespmem:$0x1050]  }
0x359: {  	v0 =	vadd.f32 v48, v0;
	v48 =	vld [tilespmem:$0x1FFC0]  }
0x35a: {  	v2 =	vadd.f32 v52, v2;
	v52 =	vmul.f32 v60, v59;
	v60 =	vmul.f32 v33, v40;
	v33 =	vld [tilespmem:$0x2000]  }
0x35b: {  	v40 =	vld [tilespmem:$0x1FF60]  }
0x35c: {  	v21 =	vmul.f32 v21, v23;
	[tilespmem:$0x2480] =	vst v58;
	v58 =	vld [tilespmem:$0x1FF80]  }
0x35d: {  	v59 =	vld [tilespmem:$0x1FF90]  }
0x35e: {  	[tilespmem:$0x2900] =	vst v62;
	v16 =	vadd.f32 v16, v21;
	v3 =	vadd.f32 v60, v3;
	v60 =	vld [tilespmem:$0x1FFA0]  }
0x35f: {  	[tilespmem:$0x2500] =	vst v61;
	v61 =	vmul.f32 v41, v44;
	v41 =	vld [tilespmem:$0x1FFB0]  }
0x360: {  	[tilespmem:$0x2980] =	vst v56;
	v16 =	vadd.f32 v17, v16;
	v44 =	vld [tilespmem:$0x1030]  }
0x361: {  	[tilespmem:$0x2380] =	vst v53;
	v53 =	vmul.f32 v35, v42;
	v42 =	vmul.f32 v19, v22;
	v4 =	vadd.f32 v52, v4;
	v52 =	vld [tilespmem:$0x2030]  }
0x362: {  	v13 =	vmul.f32 v13, v24;
	[tilespmem:$0x2580] =	vst v40;
	v40 =	vld [tilespmem:$0x2020]  }
0x363: {  	v56 =	vmul.f32 v37, v29;
	v10 =	vmul.f32 v10, v11;
	[tilespmem:$0x2600] =	vst v57;
	v57 =	vadd.f32 v42, v16;
	v42 =	vld [tilespmem:$0x1060]  }
0x364: {  	[tilespmem:$0x2A00] =	vst v46;
	v5 =	vmul.f32 v5, v9;
	v3 =	vadd.f32 v53, v3;
	v53 =	vld [tilespmem:$0x1FFD0];
	v35 =	vmul.f32 v59, v58  }
0x365: {  	[tilespmem:$0x2A80] =	vst v30;
	v58 =	vmul.f32 v33, v39;
	v59 =	vmul.f32 v31, v18;
	v31 =	vld [tilespmem:$0x2040]  }
0x366: {  	v5 =	vadd.f32 v5, v10;
	v6 =	vmul.f32 v6, v7;
	v33 =	vmul.f32 v45, v47;
	[tilespmem:$0x2680] =	vst v60;
	v60 =	vld [tilespmem:$0x1040]  }
0x367: {  	[tilespmem:$0x2B00] =	vst v28;
	v45 =	vld [tilespmem:$0x2060];
	v4 =	vadd.f32 v35, v4;
	v16 =	vadd.f32 v59, v58;
	v35 =	vmul.f32 v40, v20  }
0x368: {  	[tilespmem:$0x2B80] =	vst v12;
	v5 =	vadd.f32 v6, v5;
	v49 =	vmul.f32 v55, v49;
	v39 =	vmul.f32 v15, v54;
	v40 =	vld [tilespmem:$0x2050]  }
0x369: {  	[tilespmem:$0x2C00] =	vst v14;
	v11 =	vadd.f32 v13, v57;
	v47 =	vld [tilespmem:$0x1070];
	v9 =	vmul.f32 v52, v44;
	v16 =	vadd.f32 v35, v16  }
0x36a: {  	[tilespmem:$0x2700] =	vst v41;
	v41 =	vmul.f32 v25, v26;
	v5 =	vadd.f32 v39, v5;
	v44 =	vmul.f32 v8, v50;
	v52 =	vld [tilespmem:$0x1FFF0]  }
0x36b: {  	[tilespmem:$0x2C80] =	vst v1;
	v3 =	vadd.f32 v61, v3;
	v61 =	vld [tilespmem:$0x1FFE0];
	v7 =	vmul.f32 v31, v60;
	v9 =	vadd.f32 v9, v16  }
0x36c: {  	[tilespmem:$0x2780] =	vst v48;
	v48 =	vmul.f32 v36, v27;
	v50 =	vld [tilespmem:$0x2070];
	v46 =	vadd.f32 v41, v11;
	v5 =	vadd.f32 v44, v5  }
0x36d: {  	v3 =	vadd.f32 v33, v3;
	[tilespmem:$0x2800] =	vst v53;
	v53 =	vmul.f32 v40, v38;
	v7 =	vadd.f32 v7, v9  }
0x36e: {  	v55 =	vmul.f32 v34, v51;
	[tilespmem:$0x2D00] =	vst v2;
	v54 =	vadd.f32 v48, v46;
	v5 =	vadd.f32 v49, v5  }
0x36f: {  	[tilespmem:$0x2D80] =	vst v0;
	v8 =	vmul.f32 v45, v42;
	v14 =	vmul.f32 v63, v52;
	v7 =	vadd.f32 v53, v7  }
0x370: {  	v59 =	vmul.f32 v32, v43;
	[tilespmem:$0x2E00] =	vst v4;
	v58 =	vadd.f32 v55, v5;
	v1 =	vadd.f32 v56, v54  }
0x371: {  	[tilespmem:$0x2880] =	vst v61;
	v61 =	vmul.f32 v50, v47;
	v57 =	vadd.f32 v14, v3;
	v60 =	vadd.f32 v8, v7  }
0x372: {  	v62 =	vadd.f32 v59, v58;
	[tilespmem:$0x2F00] =	vst v1  }
0x373: {  	[tilespmem:$0x2E80] =	vst v57;
	v63 =	vadd.f32 v61, v60  }
0x374: {  	p0 =	sne.s32 s7, $0x1;
	[tilespmem:$0x2F80] =	vst v62  }
.Ltmp0:
0x375: {  	[tilespmem:$0x3000] =	vst v63;
	(pc) =	sbr.rel @p0 .LBB2_1-.Ltmp0, $4  }
0x376: {  	[hbm4b:s6+s3] =	stream.linear.scatter [tilespmem:s13], [sflag:$0x2], $0x1000, $0x38;
	[tilespmem:$0x3080] =	vst v63  }
0x377: {  	_ =	swait.ge [sflag:s8], $0x1000  }
0x378: {  	[sflag:s8] =	ssyncset.done $0x0  }
0x379: {  	s7 =	sadd.s32 $0xFFFFFFFF, s7;
	[sflag:s8] =	ssyncadd.s32 $0xFFFFF000  }
0x37a: {  	_ =	sfence.sel $0x180000  }
0x37b: {  	[bflag:$0x0] =	sbarrier.arrive $0xFFFF  }
0x37c: {  	p0 =	sne.s32 s1, $0x0;
	_ =	strace $0x90000047  }
0x37d: {  	s0 =	sadd.s32 @!p0 $0x100000, s0;
	[bflag:$0x2] =	sbarrier.arrive $0xFFFF  }
0x37e: {  	[sflag:s0] =	ssyncadd.tile.s32 @!p0 $0x1;
	_ =	shalt  }
.Lfunc_end2:
_tile_overlayer_lowered:
.L_overlay_start_2:
0x37f: {  	(tag) =	ssettag $0x2  }
0x380: {  	s0 =	rddreg [dreg:$0x0];
	s2 =	stileid.u32  }
0x381: {  	s1 =	rddreg [dreg:$0x1];
	p0 =	sne.s32 s2, $0x0  }
0x382: {  	s3 =	rddreg [dreg:$0x2];
	[bflag:$0x3] =	sbarrier.arrive $0xFFFF;
	s2 =	simm.s32 @!p0 $0x1C02  }
0x383: {  	[timem:s3], [sflag:s2] =	dma.local @!p0 [hbm:s0], s1  }
0x384: {  	s0 =	simm.s32 @!p0 $0x2  }
0x385: {  	_ =	swait.ge @!p0 [sflag:s0], s1  }
0x386: {  	s1 =	ssub.s32 @!p0 $0x0, s1;
	[sflag:s0] =	ssyncset.done @!p0 $0x0  }
0x387: {  	[sflag:s0] =	ssyncadd.s32 @!p0 s1  }
0x388: {  	[bflag:$0x3] =	sbarrier.arrive $0xFFFF  }
0x389: {  	_ =	shalt  }

</sc_bundles>
